<compile_context>
chip_gen: v7x
topology: tpu7x:2x2x1
jax: 0.10.2.dev20260603
libtpu: 0.0.44.dev20260713+nightly
codegen_flags: <defaults>
</compile_context>

<pallas_src>
import jax
import jax.numpy as jnp
from jax import lax
from jax.experimental import pallas as pl
from jax.experimental.pallas import tpu as pltpu
from jax.experimental.pallas import tpu_sc as plsc

B, C, H, W = 16, 3, 512, 512
BINS = 32
LANES = 16
PIX = C * H * W
ROWS_PER_SLAB = 64
SLAB = ROWS_PER_SLAB * W
NSLAB = PIX // SLAB
HSLAB = NSLAB // 2
LSTRIDE = 4 * BINS
TAB = LANES * LSTRIDE
OUT_FLAT = 3 * BINS * 16


def _sc_hist(x_hbm, out_hbm, buf0, buf1, hist, hist2, obuf, shared,
             sem0, sem1):
    sems = (sem0, sem1)
    bufs = (buf0, buf1)
    c = lax.axis_index("c")
    s = lax.axis_index("s")
    k = c * 8 + (s >> 1)
    h = s & 1

    iota = lax.iota(jnp.int32, LANES)
    ones = jnp.ones((LANES,), jnp.float32)
    zeros = jnp.zeros((LANES,), jnp.float32)
    iotal = iota * LSTRIDE

    def zero_body(z, carry):
        hist[pl.ds(z * LANES, LANES)] = zeros
        return carry

    lax.fori_loop(0, TAB // LANES, zero_body, 0)

    s0 = h * HSLAB

    def slab_src(slab):
        ch = slab >> 3
        r0 = (slab & 7) * ROWS_PER_SLAB
        return x_hbm.at[k, ch, pl.ds(r0, ROWS_PER_SLAB), :]

    pltpu.async_copy(slab_src(s0), buf0, sem0)
    pltpu.async_copy(slab_src(s0 + 1), buf1, sem1)

    def process(par, slab):
        i = (slab >> 2) & 1
        bp = bufs[par]
        base0 = iota + (i << 1) * (BINS * LANES)
        base1 = base0 + BINS * LANES

        @plsc.parallel_loop(0, ROWS_PER_SLAB)
        def row_body(r):
            for jj in range(2):
                bv = base0 if jj == 0 else base1
                for t in range(W // 2 // LANES):
                    xv = bp[r, pl.ds(jj * (W // 2) + t * LANES, LANES)]
                    bidx = (xv * 31.999998092651367).astype(jnp.int32)
                    plsc.addupdate_scatter(hist, [(bidx << 4) + bv], ones)

    def outer(it, carry):
        for par in range(2):
            slab = s0 + it * 2 + par
            pltpu.make_async_copy(
                slab_src(s0), bufs[par], sems[par]
            ).wait()
            process(par, slab)

            @pl.when(it * 2 + par + 2 < HSLAB)
            def _():
                pltpu.async_copy(slab_src(slab + 2), bufs[par], sems[par])
        return carry

    lax.fori_loop(0, HSLAB // 2, outer, 0)

    pltpu.sync_copy(hist, shared.at[s])
    plsc.subcore_barrier()

    @pl.when(h == 0)
    def _():
        pltpu.sync_copy(shared.at[s + 1], hist2)

        inv0 = 1.0 / float(H * W)
        inv1 = 4.0 / float(H * W)
        mi = ((iota >> 3) & 1).astype(jnp.float32)
        mj = ((iota >> 1) & 1).astype(jnp.float32)
        m00 = (1.0 - mi) * (1.0 - mj)
        m01 = (1.0 - mi) * mj
        m10 = mi * (1.0 - mj)
        m11 = mi * mj

        def bin_body(bidx, carry):
            def cnt(q):
                d = pl.ds(q * BINS * LANES + bidx * LANES, LANES)
                return jnp.sum(hist[d] + hist2[d])

            c00, c01, c10, c11 = cnt(0), cnt(1), cnt(2), cnt(3)
            sc0 = (c00 + c01 + c10 + c11) * inv0
            obuf[pl.ds(bidx * LANES, LANES)] = ones * sc0
            sc1 = (m00 * c00 + m01 * c01 + m10 * c10 + m11 * c11) * inv1
            obuf[pl.ds(BINS * LANES + bidx * LANES, LANES)] = sc1
            obuf[pl.ds(2 * BINS * LANES + bidx * LANES, LANES)] = zeros
            return carry

        lax.fori_loop(0, BINS, bin_body, 0)
        pltpu.sync_copy(obuf, out_hbm.at[k])


@jax.jit
def kernel(imgs_in):
    mesh = plsc.VectorSubcoreMesh(core_axis_name="c", subcore_axis_name="s")
    f = pl.kernel(
        _sc_hist,
        mesh=mesh,
        compiler_params=pltpu.CompilerParams(needs_layout_passes=False),
        out_type=jax.ShapeDtypeStruct((B, OUT_FLAT), jnp.float32),
        scratch_types=[
            pltpu.VMEM((ROWS_PER_SLAB, W), jnp.float32),
            pltpu.VMEM((ROWS_PER_SLAB, W), jnp.float32),
            pltpu.VMEM((TAB,), jnp.float32),
            pltpu.VMEM((TAB,), jnp.float32),
            pltpu.VMEM((OUT_FLAT,), jnp.float32),
            pltpu.VMEM_SHARED((16, TAB), jnp.float32),
            pltpu.SemaphoreType.DMA,
            pltpu.SemaphoreType.DMA,
        ],
    )
    out = f(imgs_in)
    return out.reshape(B, 3 * BINS, 4, 4)

# --- scband reference (transcript-rebuilt; emitter-appended) ---
"""Pipeline reference for scband-feature-extractor-50165218017745 (READ-ONLY COPY).

The authoritative reference and input builder live on the scoring server;
editing this copy changes nothing except your own understanding.
"""

import jax, jax.numpy as jnp
import numpy as np

BINS = 32
NUM_SCALES = 2
DOWNSCALE = 2

def _histc(x, bins, vmin, vmax):
    # faithful to torch.histc: values < vmin or > vmax ignored; value == vmax goes to last bin
    x = x.reshape(-1).astype(jnp.float32)
    scaled = (x - vmin) / (vmax - vmin) * bins
    idx = jnp.clip(jnp.floor(scaled), 0, bins - 1).astype(jnp.int32)
    valid = ((x >= vmin) & (x <= vmax)).astype(jnp.float32)
    return jnp.zeros((bins,), jnp.float32).at[idx].add(valid)

def _forward(imgs_in):
    b, c, h, w = imgs_in.shape
    new_h, new_w = h // 2 * 2, w // 2 * 2
    # F.interpolate(..., mode='area') to (h//2*2, w//2*2) is the identity when h, w are even
    assert new_h == h and new_w == w
    tgt_imgs = imgs_in
    hist_vec = jnp.zeros((b, BINS * 3, 4, 4), jnp.float32)
    idx = 1
    for s in range(NUM_SCALES):
        if s != 0:
            h = int(h / DOWNSCALE)
            w = int(w / DOWNSCALE)
            idx *= 2
        interval = int(4 / idx)
        for i in range(idx):
            for j in range(idx):
                for k in range(b):
                    block = tgt_imgs[k, :, i * h:(i + 1) * h, j * w:(j + 1) * w]
                    hists = _histc(block, BINS, 0.0, 1.0) / (h * w)
                    tile = jnp.broadcast_to(hists.reshape(BINS, 1, 1), (BINS, interval, interval))
                    hist_vec = hist_vec.at[k, BINS * s:BINS * (s + 1), i * interval:(i + 1) * interval, j * interval:(j + 1) * interval].set(tile)
    return hist_vec

def setup_inputs(seed: int = 0) -> dict:
    key = jax.random.key(seed)
    imgs_in = jax.random.uniform(key, (16, 3, 512, 512), dtype=jnp.float32)
    return {"imgs_in": imgs_in}

def reference(imgs_in):
    return _forward(imgs_in)

if __name__ == "__main__":
    import jax
    _d = setup_inputs()
    print(jax.jit(kernel)(*tuple(_d.values())))

</pallas_src>

<mosaic_0001>
#map = affine_map<(d0, d1) -> (0, 0, 0, 0)>
#map1 = affine_map<(d0, d1) -> (0, 0)>
module attributes {stable_mosaic.version = 14 : i64} {
  func.func @_sc_hist(%arg0: i32, %arg1: i32, %arg2: memref<16x3x512x512xf32, #tpu.memory_space<hbm>>, %arg3: memref<16x1536xf32, #tpu.memory_space<hbm>>, %arg4: memref<64x512xf32, #tpu.memory_space<vmem>>, %arg5: memref<64x512xf32, #tpu.memory_space<vmem>>, %arg6: memref<2048xf32, #tpu.memory_space<vmem>>, %arg7: memref<2048xf32, #tpu.memory_space<vmem>>, %arg8: memref<1536xf32, #tpu.memory_space<vmem>>, %arg9: memref<16x2048xf32, #tpu.memory_space<vmem_shared>>, %arg10: memref<!tpu.dma_semaphore, #tpu.memory_space<semaphore_mem>>, %arg11: memref<!tpu.dma_semaphore, #tpu.memory_space<semaphore_mem>>) attributes {dimension_semantics = [#tpu.dimension_semantics<core_parallel>, #tpu.dimension_semantics<subcore_parallel>], iteration_bounds = array<i64: 2, 16>, scalar_prefetch = 0 : i64, scratch_operands = 8 : i64, tpu.core_type = #tpu.core_type<sc_vector_subcore>, window_params = [{transform_indices = #map}, {transform_indices = #map1}]} {
    %mul3A = arith.constant 8 : i32
    %mul3A_0 = arith.muli %arg0, %mul3A : i32
    %shift_right_arithmetic3A = arith.constant 1 : i32
    %shift_right_arithmetic3A_1 = arith.shrsi %arg1, %shift_right_arithmetic3A : i32
    %add3A = arith.addi %mul3A_0, %shift_right_arithmetic3A_1 : i32
    %and3A = arith.constant 1 : i32
    %and3A_2 = arith.andi %arg1, %and3A : i32
    %iota3A = tpu.iota {dimensions = array<i32: 0>} : vector<16xi32>
    %broadcast_in_dim3A = arith.constant 1.000000e+00 : f32
    %broadcast_in_dim3A_3 = vector.broadcast %broadcast_in_dim3A : f32 to vector<16xf32>
    %broadcast_in_dim3A_4 = arith.constant 0.000000e+00 : f32
    %broadcast_in_dim3A_5 = vector.broadcast %broadcast_in_dim3A_4 : f32 to vector<16xf32>
    %mul3A_6 = arith.constant 128 : i32
    %mul3A_7 = vector.broadcast %mul3A_6 : i32 to vector<16xi32>
    %mul3A_8 = arith.muli %iota3A, %mul3A_7 : vector<16xi32>
    %scan3A = arith.constant 0 : i32
    %scan3A_9 = arith.constant 0 : i32
    %scan3A_10 = arith.constant 128 : i32
    %scan3A_11 = arith.addi %scan3A_9, %scan3A_10 : i32
    %scan3A_12 = arith.constant 1 : i32
    scf.for %scan3A_49 = %scan3A_9 to %scan3A_11 step %scan3A_12  : i32 {
      %mul3A_50 = arith.constant 16 : i32
      %mul3A_51 = arith.muli %scan3A_49, %mul3A_50 : i32
      %swap3A = arith.index_cast %mul3A_51 : i32 to index
      %swap3A_52 = tpu.vector_load %arg6[%swap3A] {strides = array<i32>} : memref<2048xf32, #tpu.memory_space<vmem>>, vector<16xf32>,
      tpu.vector_store %arg6[%swap3A], %broadcast_in_dim3A_5 {strides = array<i32>} : memref<2048xf32, #tpu.memory_space<vmem>>, vector<16xf32>,
    }
    %scan3A_13 = arith.constant 128 : i32
    %mul3A_14 = arith.constant 12 : i32
    %mul3A_15 = arith.muli %and3A_2, %mul3A_14 : i32
    %shift_right_arithmetic3A_16 = arith.constant 3 : i32
    %shift_right_arithmetic3A_17 = arith.shrsi %mul3A_15, %shift_right_arithmetic3A_16 : i32
    %and3A_18 = arith.constant 7 : i32
    %and3A_19 = arith.andi %mul3A_15, %and3A_18 : i32
    %mul3A_20 = arith.constant 64 : i32
    %mul3A_21 = arith.muli %and3A_19, %mul3A_20 : i32
    %dma_start3A = arith.constant 0 : i32
    %dma_start3A_22 = tpu.memref_slice %arg2[%add3A, %shift_right_arithmetic3A_17, %mul3A_21, %dma_start3A] : memref<16x3x512x512xf32, #tpu.memory_space<hbm>> -> memref<1x1x64x512xf32, #tpu.memory_space<hbm>>
    %dma_start3A_23 = tpu.memref_squeeze %dma_start3A_22 : memref<1x1x64x512xf32, #tpu.memory_space<hbm>> -> memref<64x512xf32, #tpu.memory_space<hbm>>
    %dma_start3A_24 = arith.constant 0 : i32
    %dma_start3A_25 = tpu.memref_slice %arg2[%add3A, %shift_right_arithmetic3A_17, %mul3A_21, %dma_start3A_24] : memref<16x3x512x512xf32, #tpu.memory_space<hbm>> -> memref<1x1x64x512xf32, #tpu.memory_space<hbm>>
    %dma_start3A_26 = tpu.memref_squeeze %dma_start3A_25 : memref<1x1x64x512xf32, #tpu.memory_space<hbm>> -> memref<64x512xf32, #tpu.memory_space<hbm>>
    tpu.enqueue_dma source(%dma_start3A_26 : memref<64x512xf32, #tpu.memory_space<hbm>>) target(%arg4 : memref<64x512xf32, #tpu.memory_space<vmem>>) target_semaphore(%arg10 : memref<!tpu.dma_semaphore, #tpu.memory_space<semaphore_mem>>)
    %add3A_27 = arith.constant 1 : i32
    %add3A_28 = arith.addi %mul3A_15, %add3A_27 : i32
    %shift_right_arithmetic3A_29 = arith.constant 3 : i32
    %shift_right_arithmetic3A_30 = arith.shrsi %add3A_28, %shift_right_arithmetic3A_29 : i32
    %and3A_31 = arith.constant 7 : i32
    %and3A_32 = arith.andi %add3A_28, %and3A_31 : i32
    %mul3A_33 = arith.constant 64 : i32
    %mul3A_34 = arith.muli %and3A_32, %mul3A_33 : i32
    %dma_start3A_35 = arith.constant 0 : i32
    %dma_start3A_36 = tpu.memref_slice %arg2[%add3A, %shift_right_arithmetic3A_30, %mul3A_34, %dma_start3A_35] : memref<16x3x512x512xf32, #tpu.memory_space<hbm>> -> memref<1x1x64x512xf32, #tpu.memory_space<hbm>>
    %dma_start3A_37 = tpu.memref_squeeze %dma_start3A_36 : memref<1x1x64x512xf32, #tpu.memory_space<hbm>> -> memref<64x512xf32, #tpu.memory_space<hbm>>
    %dma_start3A_38 = arith.constant 0 : i32
    %dma_start3A_39 = tpu.memref_slice %arg2[%add3A, %shift_right_arithmetic3A_30, %mul3A_34, %dma_start3A_38] : memref<16x3x512x512xf32, #tpu.memory_space<hbm>> -> memref<1x1x64x512xf32, #tpu.memory_space<hbm>>
    %dma_start3A_40 = tpu.memref_squeeze %dma_start3A_39 : memref<1x1x64x512xf32, #tpu.memory_space<hbm>> -> memref<64x512xf32, #tpu.memory_space<hbm>>
    tpu.enqueue_dma source(%dma_start3A_40 : memref<64x512xf32, #tpu.memory_space<hbm>>) target(%arg5 : memref<64x512xf32, #tpu.memory_space<vmem>>) target_semaphore(%arg11 : memref<!tpu.dma_semaphore, #tpu.memory_space<semaphore_mem>>)
    %scan3A_41 = arith.constant 0 : i32
    %scan3A_42 = arith.constant 0 : i32
    %scan3A_43 = arith.constant 6 : i32
    %scan3A_44 = arith.addi %scan3A_42, %scan3A_43 : i32
    %scan3A_45 = arith.constant 1 : i32
    scf.for %scan3A_49 = %scan3A_42 to %scan3A_44 step %scan3A_45  : i32 {
      %mul3A_50 = arith.constant 2 : i32
      %mul3A_51 = arith.muli %scan3A_49, %mul3A_50 : i32
      %add3A_52 = arith.addi %mul3A_15, %mul3A_51 : i32
      %add3A_53 = arith.constant 0 : i32
      %add3A_54 = arith.addi %add3A_52, %add3A_53 : i32
      %shift_right_arithmetic3A_55 = arith.constant 3 : i32
      %shift_right_arithmetic3A_56 = arith.shrsi %mul3A_15, %shift_right_arithmetic3A_55 : i32
      %and3A_57 = arith.constant 7 : i32
      %and3A_58 = arith.andi %mul3A_15, %and3A_57 : i32
      %mul3A_59 = arith.constant 64 : i32
      %mul3A_60 = arith.muli %and3A_58, %mul3A_59 : i32
      %dma_wait3A = arith.constant 0 : i32
      %dma_wait3A_61 = tpu.memref_slice %arg2[%add3A, %shift_right_arithmetic3A_56, %mul3A_60, %dma_wait3A] : memref<16x3x512x512xf32, #tpu.memory_space<hbm>> -> memref<1x1x64x512xf32, #tpu.memory_space<hbm>>
      %dma_wait3A_62 = tpu.memref_squeeze %dma_wait3A_61 : memref<1x1x64x512xf32, #tpu.memory_space<hbm>> -> memref<64x512xf32, #tpu.memory_space<hbm>>
      %dma_wait3A_63 = arith.constant 0 : i32
      %dma_wait3A_64 = tpu.memref_slice %arg2[%add3A, %shift_right_arithmetic3A_56, %mul3A_60, %dma_wait3A_63] : memref<16x3x512x512xf32, #tpu.memory_space<hbm>> -> memref<1x1x64x512xf32, #tpu.memory_space<hbm>>
      %dma_wait3A_65 = tpu.memref_squeeze %dma_wait3A_64 : memref<1x1x64x512xf32, #tpu.memory_space<hbm>> -> memref<64x512xf32, #tpu.memory_space<hbm>>
      tpu.wait_dma2 semaphore(%arg10 : memref<!tpu.dma_semaphore, #tpu.memory_space<semaphore_mem>>) src(%dma_wait3A_65 : memref<64x512xf32, #tpu.memory_space<hbm>>) dst(%arg4 : memref<64x512xf32, #tpu.memory_space<vmem>>)
      %shift_right_arithmetic3A_66 = arith.constant 2 : i32
      %shift_right_arithmetic3A_67 = arith.shrsi %add3A_54, %shift_right_arithmetic3A_66 : i32
      %and3A_68 = arith.constant 1 : i32
      %and3A_69 = arith.andi %shift_right_arithmetic3A_67, %and3A_68 : i32
      %shift_left3A = arith.constant 1 : i32
      %shift_left3A_70 = arith.shli %and3A_69, %shift_left3A : i32
      %mul3A_71 = arith.constant 512 : i32
      %mul3A_72 = arith.muli %shift_left3A_70, %mul3A_71 : i32
      %add3A_73 = vector.broadcast %mul3A_72 : i32 to vector<16xi32>
      %add3A_74 = arith.addi %iota3A, %add3A_73 : vector<16xi32>
      %add3A_75 = arith.constant 512 : i32
      %add3A_76 = vector.broadcast %add3A_75 : i32 to vector<16xi32>
      %add3A_77 = arith.addi %add3A_74, %add3A_76 : vector<16xi32>
      %parallel_loop3A = arith.constant 0 : i32
      %parallel_loop3A_78 = arith.constant 64 : i32
      %parallel_loop3A_79 = arith.constant 1 : i32
      scf.for %parallel_loop3A_134 = %parallel_loop3A to %parallel_loop3A_78 step %parallel_loop3A_79  : i32 {
        %parallel_loop3A_135 = arith.index_cast %parallel_loop3A_134 : i32 to index
        %parallel_loop3A_136 = arith.constant 0 : index
        %parallel_loop3A_137 = tpu.vector_load %arg4[%parallel_loop3A_135, %parallel_loop3A_136] {strides = array<i32>} : memref<64x512xf32, #tpu.memory_space<vmem>>, vector<16xf32>,
        %parallel_loop3A_138 = arith.constant 31.9999981 : f32
        %parallel_loop3A_139 = vector.broadcast %parallel_loop3A_138 : f32 to vector<16xf32>
        %parallel_loop3A_140 = arith.mulf %parallel_loop3A_137, %parallel_loop3A_139 : vector<16xf32>
        %parallel_loop3A_141 = arith.fptosi %parallel_loop3A_140 : vector<16xf32> to vector<16xi32>
        %parallel_loop3A_142 = arith.constant 4 : i32
        %parallel_loop3A_143 = vector.broadcast %parallel_loop3A_142 : i32 to vector<16xi32>
        %parallel_loop3A_144 = arith.shli %parallel_loop3A_141, %parallel_loop3A_143 : vector<16xi32>
        %parallel_loop3A_145 = arith.addi %parallel_loop3A_144, %add3A_74 : vector<16xi32>
        tpu.vector_store_idx %arg6[%parallel_loop3A_145], %broadcast_in_dim3A_3 {add = true} : memref<2048xf32, #tpu.memory_space<vmem>>[vector<16xi32>], vector<16xf32>,
        %parallel_loop3A_146 = arith.index_cast %parallel_loop3A_134 : i32 to index
        %parallel_loop3A_147 = arith.constant 16 : index
        %parallel_loop3A_148 = tpu.vector_load %arg4[%parallel_loop3A_146, %parallel_loop3A_147] {strides = array<i32>} : memref<64x512xf32, #tpu.memory_space<vmem>>, vector<16xf32>,
        %parallel_loop3A_149 = arith.constant 31.9999981 : f32
        %parallel_loop3A_150 = vector.broadcast %parallel_loop3A_149 : f32 to vector<16xf32>
        %parallel_loop3A_151 = arith.mulf %parallel_loop3A_148, %parallel_loop3A_150 : vector<16xf32>
        %parallel_loop3A_152 = arith.fptosi %parallel_loop3A_151 : vector<16xf32> to vector<16xi32>
        %parallel_loop3A_153 = arith.constant 4 : i32
        %parallel_loop3A_154 = vector.broadcast %parallel_loop3A_153 : i32 to vector<16xi32>
        %parallel_loop3A_155 = arith.shli %parallel_loop3A_152, %parallel_loop3A_154 : vector<16xi32>
        %parallel_loop3A_156 = arith.addi %parallel_loop3A_155, %add3A_74 : vector<16xi32>
        tpu.vector_store_idx %arg6[%parallel_loop3A_156], %broadcast_in_dim3A_3 {add = true} : memref<2048xf32, #tpu.memory_space<vmem>>[vector<16xi32>], vector<16xf32>,
        %parallel_loop3A_157 = arith.index_cast %parallel_loop3A_134 : i32 to index
        %parallel_loop3A_158 = arith.constant 32 : index
        %parallel_loop3A_159 = tpu.vector_load %arg4[%parallel_loop3A_157, %parallel_loop3A_158] {strides = array<i32>} : memref<64x512xf32, #tpu.memory_space<vmem>>, vector<16xf32>,
        %parallel_loop3A_160 = arith.constant 31.9999981 : f32
        %parallel_loop3A_161 = vector.broadcast %parallel_loop3A_160 : f32 to vector<16xf32>
        %parallel_loop3A_162 = arith.mulf %parallel_loop3A_159, %parallel_loop3A_161 : vector<16xf32>
        %parallel_loop3A_163 = arith.fptosi %parallel_loop3A_162 : vector<16xf32> to vector<16xi32>
        %parallel_loop3A_164 = arith.constant 4 : i32
        %parallel_loop3A_165 = vector.broadcast %parallel_loop3A_164 : i32 to vector<16xi32>
        %parallel_loop3A_166 = arith.shli %parallel_loop3A_163, %parallel_loop3A_165 : vector<16xi32>
        %parallel_loop3A_167 = arith.addi %parallel_loop3A_166, %add3A_74 : vector<16xi32>
        tpu.vector_store_idx %arg6[%parallel_loop3A_167], %broadcast_in_dim3A_3 {add = true} : memref<2048xf32, #tpu.memory_space<vmem>>[vector<16xi32>], vector<16xf32>,
        %parallel_loop3A_168 = arith.index_cast %parallel_loop3A_134 : i32 to index
        %parallel_loop3A_169 = arith.constant 48 : index
        %parallel_loop3A_170 = tpu.vector_load %arg4[%parallel_loop3A_168, %parallel_loop3A_169] {strides = array<i32>} : memref<64x512xf32, #tpu.memory_space<vmem>>, vector<16xf32>,
        %parallel_loop3A_171 = arith.constant 31.9999981 : f32
        %parallel_loop3A_172 = vector.broadcast %parallel_loop3A_171 : f32 to vector<16xf32>
        %parallel_loop3A_173 = arith.mulf %parallel_loop3A_170, %parallel_loop3A_172 : vector<16xf32>
        %parallel_loop3A_174 = arith.fptosi %parallel_loop3A_173 : vector<16xf32> to vector<16xi32>
        %parallel_loop3A_175 = arith.constant 4 : i32
        %parallel_loop3A_176 = vector.broadcast %parallel_loop3A_175 : i32 to vector<16xi32>
        %parallel_loop3A_177 = arith.shli %parallel_loop3A_174, %parallel_loop3A_176 : vector<16xi32>
        %parallel_loop3A_178 = arith.addi %parallel_loop3A_177, %add3A_74 : vector<16xi32>
        tpu.vector_store_idx %arg6[%parallel_loop3A_178], %broadcast_in_dim3A_3 {add = true} : memref<2048xf32, #tpu.memory_space<vmem>>[vector<16xi32>], vector<16xf32>,
        %parallel_loop3A_179 = arith.index_cast %parallel_loop3A_134 : i32 to index
        %parallel_loop3A_180 = arith.constant 64 : index
        %parallel_loop3A_181 = tpu.vector_load %arg4[%parallel_loop3A_179, %parallel_loop3A_180] {strides = array<i32>} : memref<64x512xf32, #tpu.memory_space<vmem>>, vector<16xf32>,
        %parallel_loop3A_182 = arith.constant 31.9999981 : f32
        %parallel_loop3A_183 = vector.broadcast %parallel_loop3A_182 : f32 to vector<16xf32>
        %parallel_loop3A_184 = arith.mulf %parallel_loop3A_181, %parallel_loop3A_183 : vector<16xf32>
        %parallel_loop3A_185 = arith.fptosi %parallel_loop3A_184 : vector<16xf32> to vector<16xi32>
        %parallel_loop3A_186 = arith.constant 4 : i32
        %parallel_loop3A_187 = vector.broadcast %parallel_loop3A_186 : i32 to vector<16xi32>
        %parallel_loop3A_188 = arith.shli %parallel_loop3A_185, %parallel_loop3A_187 : vector<16xi32>
        %parallel_loop3A_189 = arith.addi %parallel_loop3A_188, %add3A_74 : vector<16xi32>
        tpu.vector_store_idx %arg6[%parallel_loop3A_189], %broadcast_in_dim3A_3 {add = true} : memref<2048xf32, #tpu.memory_space<vmem>>[vector<16xi32>], vector<16xf32>,
        %parallel_loop3A_190 = arith.index_cast %parallel_loop3A_134 : i32 to index
        %parallel_loop3A_191 = arith.constant 80 : index
        %parallel_loop3A_192 = tpu.vector_load %arg4[%parallel_loop3A_190, %parallel_loop3A_191] {strides = array<i32>} : memref<64x512xf32, #tpu.memory_space<vmem>>, vector<16xf32>,
        %parallel_loop3A_193 = arith.constant 31.9999981 : f32
        %parallel_loop3A_194 = vector.broadcast %parallel_loop3A_193 : f32 to vector<16xf32>
        %parallel_loop3A_195 = arith.mulf %parallel_loop3A_192, %parallel_loop3A_194 : vector<16xf32>
        %parallel_loop3A_196 = arith.fptosi %parallel_loop3A_195 : vector<16xf32> to vector<16xi32>
        %parallel_loop3A_197 = arith.constant 4 : i32
        %parallel_loop3A_198 = vector.broadcast %parallel_loop3A_197 : i32 to vector<16xi32>
        %parallel_loop3A_199 = arith.shli %parallel_loop3A_196, %parallel_loop3A_198 : vector<16xi32>
        %parallel_loop3A_200 = arith.addi %parallel_loop3A_199, %add3A_74 : vector<16xi32>
        tpu.vector_store_idx %arg6[%parallel_loop3A_200], %broadcast_in_dim3A_3 {add = true} : memref<2048xf32, #tpu.memory_space<vmem>>[vector<16xi32>], vector<16xf32>,
        %parallel_loop3A_201 = arith.index_cast %parallel_loop3A_134 : i32 to index
        %parallel_loop3A_202 = arith.constant 96 : index
        %parallel_loop3A_203 = tpu.vector_load %arg4[%parallel_loop3A_201, %parallel_loop3A_202] {strides = array<i32>} : memref<64x512xf32, #tpu.memory_space<vmem>>, vector<16xf32>,
        %parallel_loop3A_204 = arith.constant 31.9999981 : f32
        %parallel_loop3A_205 = vector.broadcast %parallel_loop3A_204 : f32 to vector<16xf32>
        %parallel_loop3A_206 = arith.mulf %parallel_loop3A_203, %parallel_loop3A_205 : vector<16xf32>
        %parallel_loop3A_207 = arith.fptosi %parallel_loop3A_206 : vector<16xf32> to vector<16xi32>
        %parallel_loop3A_208 = arith.constant 4 : i32
        %parallel_loop3A_209 = vector.broadcast %parallel_loop3A_208 : i32 to vector<16xi32>
        %parallel_loop3A_210 = arith.shli %parallel_loop3A_207, %parallel_loop3A_209 : vector<16xi32>
        %parallel_loop3A_211 = arith.addi %parallel_loop3A_210, %add3A_74 : vector<16xi32>
        tpu.vector_store_idx %arg6[%parallel_loop3A_211], %broadcast_in_dim3A_3 {add = true} : memref<2048xf32, #tpu.memory_space<vmem>>[vector<16xi32>], vector<16xf32>,
        %parallel_loop3A_212 = arith.index_cast %parallel_loop3A_134 : i32 to index
        %parallel_loop3A_213 = arith.constant 112 : index
        %parallel_loop3A_214 = tpu.vector_load %arg4[%parallel_loop3A_212, %parallel_loop3A_213] {strides = array<i32>} : memref<64x512xf32, #tpu.memory_space<vmem>>, vector<16xf32>,
        %parallel_loop3A_215 = arith.constant 31.9999981 : f32
        %parallel_loop3A_216 = vector.broadcast %parallel_loop3A_215 : f32 to vector<16xf32>
        %parallel_loop3A_217 = arith.mulf %parallel_loop3A_214, %parallel_loop3A_216 : vector<16xf32>
        %parallel_loop3A_218 = arith.fptosi %parallel_loop3A_217 : vector<16xf32> to vector<16xi32>
        %parallel_loop3A_219 = arith.constant 4 : i32
        %parallel_loop3A_220 = vector.broadcast %parallel_loop3A_219 : i32 to vector<16xi32>
        %parallel_loop3A_221 = arith.shli %parallel_loop3A_218, %parallel_loop3A_220 : vector<16xi32>
        %parallel_loop3A_222 = arith.addi %parallel_loop3A_221, %add3A_74 : vector<16xi32>
        tpu.vector_store_idx %arg6[%parallel_loop3A_222], %broadcast_in_dim3A_3 {add = true} : memref<2048xf32, #tpu.memory_space<vmem>>[vector<16xi32>], vector<16xf32>,
        %parallel_loop3A_223 = arith.index_cast %parallel_loop3A_134 : i32 to index
        %parallel_loop3A_224 = arith.constant 128 : index
        %parallel_loop3A_225 = tpu.vector_load %arg4[%parallel_loop3A_223, %parallel_loop3A_224] {strides = array<i32>} : memref<64x512xf32, #tpu.memory_space<vmem>>, vector<16xf32>,
        %parallel_loop3A_226 = arith.constant 31.9999981 : f32
        %parallel_loop3A_227 = vector.broadcast %parallel_loop3A_226 : f32 to vector<16xf32>
        %parallel_loop3A_228 = arith.mulf %parallel_loop3A_225, %parallel_loop3A_227 : vector<16xf32>
        %parallel_loop3A_229 = arith.fptosi %parallel_loop3A_228 : vector<16xf32> to vector<16xi32>
        %parallel_loop3A_230 = arith.constant 4 : i32
        %parallel_loop3A_231 = vector.broadcast %parallel_loop3A_230 : i32 to vector<16xi32>
        %parallel_loop3A_232 = arith.shli %parallel_loop3A_229, %parallel_loop3A_231 : vector<16xi32>
        %parallel_loop3A_233 = arith.addi %parallel_loop3A_232, %add3A_74 : vector<16xi32>
        tpu.vector_store_idx %arg6[%parallel_loop3A_233], %broadcast_in_dim3A_3 {add = true} : memref<2048xf32, #tpu.memory_space<vmem>>[vector<16xi32>], vector<16xf32>,
        %parallel_loop3A_234 = arith.index_cast %parallel_loop3A_134 : i32 to index
        %parallel_loop3A_235 = arith.constant 144 : index
        %parallel_loop3A_236 = tpu.vector_load %arg4[%parallel_loop3A_234, %parallel_loop3A_235] {strides = array<i32>} : memref<64x512xf32, #tpu.memory_space<vmem>>, vector<16xf32>,
        %parallel_loop3A_237 = arith.constant 31.9999981 : f32
        %parallel_loop3A_238 = vector.broadcast %parallel_loop3A_237 : f32 to vector<16xf32>
        %parallel_loop3A_239 = arith.mulf %parallel_loop3A_236, %parallel_loop3A_238 : vector<16xf32>
        %parallel_loop3A_240 = arith.fptosi %parallel_loop3A_239 : vector<16xf32> to vector<16xi32>
        %parallel_loop3A_241 = arith.constant 4 : i32
        %parallel_loop3A_242 = vector.broadcast %parallel_loop3A_241 : i32 to vector<16xi32>
        %parallel_loop3A_243 = arith.shli %parallel_loop3A_240, %parallel_loop3A_242 : vector<16xi32>
        %parallel_loop3A_244 = arith.addi %parallel_loop3A_243, %add3A_74 : vector<16xi32>
        tpu.vector_store_idx %arg6[%parallel_loop3A_244], %broadcast_in_dim3A_3 {add = true} : memref<2048xf32, #tpu.memory_space<vmem>>[vector<16xi32>], vector<16xf32>,
        %parallel_loop3A_245 = arith.index_cast %parallel_loop3A_134 : i32 to index
        %parallel_loop3A_246 = arith.constant 160 : index
        %parallel_loop3A_247 = tpu.vector_load %arg4[%parallel_loop3A_245, %parallel_loop3A_246] {strides = array<i32>} : memref<64x512xf32, #tpu.memory_space<vmem>>, vector<16xf32>,
        %parallel_loop3A_248 = arith.constant 31.9999981 : f32
        %parallel_loop3A_249 = vector.broadcast %parallel_loop3A_248 : f32 to vector<16xf32>
        %parallel_loop3A_250 = arith.mulf %parallel_loop3A_247, %parallel_loop3A_249 : vector<16xf32>
        %parallel_loop3A_251 = arith.fptosi %parallel_loop3A_250 : vector<16xf32> to vector<16xi32>
        %parallel_loop3A_252 = arith.constant 4 : i32
        %parallel_loop3A_253 = vector.broadcast %parallel_loop3A_252 : i32 to vector<16xi32>
        %parallel_loop3A_254 = arith.shli %parallel_loop3A_251, %parallel_loop3A_253 : vector<16xi32>
        %parallel_loop3A_255 = arith.addi %parallel_loop3A_254, %add3A_74 : vector<16xi32>
        tpu.vector_store_idx %arg6[%parallel_loop3A_255], %broadcast_in_dim3A_3 {add = true} : memref<2048xf32, #tpu.memory_space<vmem>>[vector<16xi32>], vector<16xf32>,
        %parallel_loop3A_256 = arith.index_cast %parallel_loop3A_134 : i32 to index
        %parallel_loop3A_257 = arith.constant 176 : index
        %parallel_loop3A_258 = tpu.vector_load %arg4[%parallel_loop3A_256, %parallel_loop3A_257] {strides = array<i32>} : memref<64x512xf32, #tpu.memory_space<vmem>>, vector<16xf32>,
        %parallel_loop3A_259 = arith.constant 31.9999981 : f32
        %parallel_loop3A_260 = vector.broadcast %parallel_loop3A_259 : f32 to vector<16xf32>
        %parallel_loop3A_261 = arith.mulf %parallel_loop3A_258, %parallel_loop3A_260 : vector<16xf32>
        %parallel_loop3A_262 = arith.fptosi %parallel_loop3A_261 : vector<16xf32> to vector<16xi32>
        %parallel_loop3A_263 = arith.constant 4 : i32
        %parallel_loop3A_264 = vector.broadcast %parallel_loop3A_263 : i32 to vector<16xi32>
        %parallel_loop3A_265 = arith.shli %parallel_loop3A_262, %parallel_loop3A_264 : vector<16xi32>
        %parallel_loop3A_266 = arith.addi %parallel_loop3A_265, %add3A_74 : vector<16xi32>
        tpu.vector_store_idx %arg6[%parallel_loop3A_266], %broadcast_in_dim3A_3 {add = true} : memref<2048xf32, #tpu.memory_space<vmem>>[vector<16xi32>], vector<16xf32>,
        %parallel_loop3A_267 = arith.index_cast %parallel_loop3A_134 : i32 to index
        %parallel_loop3A_268 = arith.constant 192 : index
        %parallel_loop3A_269 = tpu.vector_load %arg4[%parallel_loop3A_267, %parallel_loop3A_268] {strides = array<i32>} : memref<64x512xf32, #tpu.memory_space<vmem>>, vector<16xf32>,
        %parallel_loop3A_270 = arith.constant 31.9999981 : f32
        %parallel_loop3A_271 = vector.broadcast %parallel_loop3A_270 : f32 to vector<16xf32>
        %parallel_loop3A_272 = arith.mulf %parallel_loop3A_269, %parallel_loop3A_271 : vector<16xf32>
        %parallel_loop3A_273 = arith.fptosi %parallel_loop3A_272 : vector<16xf32> to vector<16xi32>
        %parallel_loop3A_274 = arith.constant 4 : i32
        %parallel_loop3A_275 = vector.broadcast %parallel_loop3A_274 : i32 to vector<16xi32>
        %parallel_loop3A_276 = arith.shli %parallel_loop3A_273, %parallel_loop3A_275 : vector<16xi32>
        %parallel_loop3A_277 = arith.addi %parallel_loop3A_276, %add3A_74 : vector<16xi32>
        tpu.vector_store_idx %arg6[%parallel_loop3A_277], %broadcast_in_dim3A_3 {add = true} : memref<2048xf32, #tpu.memory_space<vmem>>[vector<16xi32>], vector<16xf32>,
        %parallel_loop3A_278 = arith.index_cast %parallel_loop3A_134 : i32 to index
        %parallel_loop3A_279 = arith.constant 208 : index
        %parallel_loop3A_280 = tpu.vector_load %arg4[%parallel_loop3A_278, %parallel_loop3A_279] {strides = array<i32>} : memref<64x512xf32, #tpu.memory_space<vmem>>, vector<16xf32>,
        %parallel_loop3A_281 = arith.constant 31.9999981 : f32
        %parallel_loop3A_282 = vector.broadcast %parallel_loop3A_281 : f32 to vector<16xf32>
        %parallel_loop3A_283 = arith.mulf %parallel_loop3A_280, %parallel_loop3A_282 : vector<16xf32>
        %parallel_loop3A_284 = arith.fptosi %parallel_loop3A_283 : vector<16xf32> to vector<16xi32>
        %parallel_loop3A_285 = arith.constant 4 : i32
        %parallel_loop3A_286 = vector.broadcast %parallel_loop3A_285 : i32 to vector<16xi32>
        %parallel_loop3A_287 = arith.shli %parallel_loop3A_284, %parallel_loop3A_286 : vector<16xi32>
        %parallel_loop3A_288 = arith.addi %parallel_loop3A_287, %add3A_74 : vector<16xi32>
        tpu.vector_store_idx %arg6[%parallel_loop3A_288], %broadcast_in_dim3A_3 {add = true} : memref<2048xf32, #tpu.memory_space<vmem>>[vector<16xi32>], vector<16xf32>,
        %parallel_loop3A_289 = arith.index_cast %parallel_loop3A_134 : i32 to index
        %parallel_loop3A_290 = arith.constant 224 : index
        %parallel_loop3A_291 = tpu.vector_load %arg4[%parallel_loop3A_289, %parallel_loop3A_290] {strides = array<i32>} : memref<64x512xf32, #tpu.memory_space<vmem>>, vector<16xf32>,
        %parallel_loop3A_292 = arith.constant 31.9999981 : f32
        %parallel_loop3A_293 = vector.broadcast %parallel_loop3A_292 : f32 to vector<16xf32>
        %parallel_loop3A_294 = arith.mulf %parallel_loop3A_291, %parallel_loop3A_293 : vector<16xf32>
        %parallel_loop3A_295 = arith.fptosi %parallel_loop3A_294 : vector<16xf32> to vector<16xi32>
        %parallel_loop3A_296 = arith.constant 4 : i32
        %parallel_loop3A_297 = vector.broadcast %parallel_loop3A_296 : i32 to vector<16xi32>
        %parallel_loop3A_298 = arith.shli %parallel_loop3A_295, %parallel_loop3A_297 : vector<16xi32>
        %parallel_loop3A_299 = arith.addi %parallel_loop3A_298, %add3A_74 : vector<16xi32>
        tpu.vector_store_idx %arg6[%parallel_loop3A_299], %broadcast_in_dim3A_3 {add = true} : memref<2048xf32, #tpu.memory_space<vmem>>[vector<16xi32>], vector<16xf32>,
        %parallel_loop3A_300 = arith.index_cast %parallel_loop3A_134 : i32 to index
        %parallel_loop3A_301 = arith.constant 240 : index
        %parallel_loop3A_302 = tpu.vector_load %arg4[%parallel_loop3A_300, %parallel_loop3A_301] {strides = array<i32>} : memref<64x512xf32, #tpu.memory_space<vmem>>, vector<16xf32>,
        %parallel_loop3A_303 = arith.constant 31.9999981 : f32
        %parallel_loop3A_304 = vector.broadcast %parallel_loop3A_303 : f32 to vector<16xf32>
        %parallel_loop3A_305 = arith.mulf %parallel_loop3A_302, %parallel_loop3A_304 : vector<16xf32>
        %parallel_loop3A_306 = arith.fptosi %parallel_loop3A_305 : vector<16xf32> to vector<16xi32>
        %parallel_loop3A_307 = arith.constant 4 : i32
        %parallel_loop3A_308 = vector.broadcast %parallel_loop3A_307 : i32 to vector<16xi32>
        %parallel_loop3A_309 = arith.shli %parallel_loop3A_306, %parallel_loop3A_308 : vector<16xi32>
        %parallel_loop3A_310 = arith.addi %parallel_loop3A_309, %add3A_74 : vector<16xi32>
        tpu.vector_store_idx %arg6[%parallel_loop3A_310], %broadcast_in_dim3A_3 {add = true} : memref<2048xf32, #tpu.memory_space<vmem>>[vector<16xi32>], vector<16xf32>,
        %parallel_loop3A_311 = arith.index_cast %parallel_loop3A_134 : i32 to index
        %parallel_loop3A_312 = arith.constant 256 : index
        %parallel_loop3A_313 = tpu.vector_load %arg4[%parallel_loop3A_311, %parallel_loop3A_312] {strides = array<i32>} : memref<64x512xf32, #tpu.memory_space<vmem>>, vector<16xf32>,
        %parallel_loop3A_314 = arith.constant 31.9999981 : f32
        %parallel_loop3A_315 = vector.broadcast %parallel_loop3A_314 : f32 to vector<16xf32>
        %parallel_loop3A_316 = arith.mulf %parallel_loop3A_313, %parallel_loop3A_315 : vector<16xf32>
        %parallel_loop3A_317 = arith.fptosi %parallel_loop3A_316 : vector<16xf32> to vector<16xi32>
        %parallel_loop3A_318 = arith.constant 4 : i32
        %parallel_loop3A_319 = vector.broadcast %parallel_loop3A_318 : i32 to vector<16xi32>
        %parallel_loop3A_320 = arith.shli %parallel_loop3A_317, %parallel_loop3A_319 : vector<16xi32>
        %parallel_loop3A_321 = arith.addi %parallel_loop3A_320, %add3A_77 : vector<16xi32>
        tpu.vector_store_idx %arg6[%parallel_loop3A_321], %broadcast_in_dim3A_3 {add = true} : memref<2048xf32, #tpu.memory_space<vmem>>[vector<16xi32>], vector<16xf32>,
        %parallel_loop3A_322 = arith.index_cast %parallel_loop3A_134 : i32 to index
        %parallel_loop3A_323 = arith.constant 272 : index
        %parallel_loop3A_324 = tpu.vector_load %arg4[%parallel_loop3A_322, %parallel_loop3A_323] {strides = array<i32>} : memref<64x512xf32, #tpu.memory_space<vmem>>, vector<16xf32>,
        %parallel_loop3A_325 = arith.constant 31.9999981 : f32
        %parallel_loop3A_326 = vector.broadcast %parallel_loop3A_325 : f32 to vector<16xf32>
        %parallel_loop3A_327 = arith.mulf %parallel_loop3A_324, %parallel_loop3A_326 : vector<16xf32>
        %parallel_loop3A_328 = arith.fptosi %parallel_loop3A_327 : vector<16xf32> to vector<16xi32>
        %parallel_loop3A_329 = arith.constant 4 : i32
        %parallel_loop3A_330 = vector.broadcast %parallel_loop3A_329 : i32 to vector<16xi32>
        %parallel_loop3A_331 = arith.shli %parallel_loop3A_328, %parallel_loop3A_330 : vector<16xi32>
        %parallel_loop3A_332 = arith.addi %parallel_loop3A_331, %add3A_77 : vector<16xi32>
        tpu.vector_store_idx %arg6[%parallel_loop3A_332], %broadcast_in_dim3A_3 {add = true} : memref<2048xf32, #tpu.memory_space<vmem>>[vector<16xi32>], vector<16xf32>,
        %parallel_loop3A_333 = arith.index_cast %parallel_loop3A_134 : i32 to index
        %parallel_loop3A_334 = arith.constant 288 : index
        %parallel_loop3A_335 = tpu.vector_load %arg4[%parallel_loop3A_333, %parallel_loop3A_334] {strides = array<i32>} : memref<64x512xf32, #tpu.memory_space<vmem>>, vector<16xf32>,
        %parallel_loop3A_336 = arith.constant 31.9999981 : f32
        %parallel_loop3A_337 = vector.broadcast %parallel_loop3A_336 : f32 to vector<16xf32>
        %parallel_loop3A_338 = arith.mulf %parallel_loop3A_335, %parallel_loop3A_337 : vector<16xf32>
        %parallel_loop3A_339 = arith.fptosi %parallel_loop3A_338 : vector<16xf32> to vector<16xi32>
        %parallel_loop3A_340 = arith.constant 4 : i32
        %parallel_loop3A_341 = vector.broadcast %parallel_loop3A_340 : i32 to vector<16xi32>
        %parallel_loop3A_342 = arith.shli %parallel_loop3A_339, %parallel_loop3A_341 : vector<16xi32>
        %parallel_loop3A_343 = arith.addi %parallel_loop3A_342, %add3A_77 : vector<16xi32>
        tpu.vector_store_idx %arg6[%parallel_loop3A_343], %broadcast_in_dim3A_3 {add = true} : memref<2048xf32, #tpu.memory_space<vmem>>[vector<16xi32>], vector<16xf32>,
        %parallel_loop3A_344 = arith.index_cast %parallel_loop3A_134 : i32 to index
        %parallel_loop3A_345 = arith.constant 304 : index
        %parallel_loop3A_346 = tpu.vector_load %arg4[%parallel_loop3A_344, %parallel_loop3A_345] {strides = array<i32>} : memref<64x512xf32, #tpu.memory_space<vmem>>, vector<16xf32>,
        %parallel_loop3A_347 = arith.constant 31.9999981 : f32
        %parallel_loop3A_348 = vector.broadcast %parallel_loop3A_347 : f32 to vector<16xf32>
        %parallel_loop3A_349 = arith.mulf %parallel_loop3A_346, %parallel_loop3A_348 : vector<16xf32>
        %parallel_loop3A_350 = arith.fptosi %parallel_loop3A_349 : vector<16xf32> to vector<16xi32>
        %parallel_loop3A_351 = arith.constant 4 : i32
        %parallel_loop3A_352 = vector.broadcast %parallel_loop3A_351 : i32 to vector<16xi32>
        %parallel_loop3A_353 = arith.shli %parallel_loop3A_350, %parallel_loop3A_352 : vector<16xi32>
        %parallel_loop3A_354 = arith.addi %parallel_loop3A_353, %add3A_77 : vector<16xi32>
        tpu.vector_store_idx %arg6[%parallel_loop3A_354], %broadcast_in_dim3A_3 {add = true} : memref<2048xf32, #tpu.memory_space<vmem>>[vector<16xi32>], vector<16xf32>,
        %parallel_loop3A_355 = arith.index_cast %parallel_loop3A_134 : i32 to index
        %parallel_loop3A_356 = arith.constant 320 : index
        %parallel_loop3A_357 = tpu.vector_load %arg4[%parallel_loop3A_355, %parallel_loop3A_356] {strides = array<i32>} : memref<64x512xf32, #tpu.memory_space<vmem>>, vector<16xf32>,
        %parallel_loop3A_358 = arith.constant 31.9999981 : f32
        %parallel_loop3A_359 = vector.broadcast %parallel_loop3A_358 : f32 to vector<16xf32>
        %parallel_loop3A_360 = arith.mulf %parallel_loop3A_357, %parallel_loop3A_359 : vector<16xf32>
        %parallel_loop3A_361 = arith.fptosi %parallel_loop3A_360 : vector<16xf32> to vector<16xi32>
        %parallel_loop3A_362 = arith.constant 4 : i32
        %parallel_loop3A_363 = vector.broadcast %parallel_loop3A_362 : i32 to vector<16xi32>
        %parallel_loop3A_364 = arith.shli %parallel_loop3A_361, %parallel_loop3A_363 : vector<16xi32>
        %parallel_loop3A_365 = arith.addi %parallel_loop3A_364, %add3A_77 : vector<16xi32>
        tpu.vector_store_idx %arg6[%parallel_loop3A_365], %broadcast_in_dim3A_3 {add = true} : memref<2048xf32, #tpu.memory_space<vmem>>[vector<16xi32>], vector<16xf32>,
        %parallel_loop3A_366 = arith.index_cast %parallel_loop3A_134 : i32 to index
        %parallel_loop3A_367 = arith.constant 336 : index
        %parallel_loop3A_368 = tpu.vector_load %arg4[%parallel_loop3A_366, %parallel_loop3A_367] {strides = array<i32>} : memref<64x512xf32, #tpu.memory_space<vmem>>, vector<16xf32>,
        %parallel_loop3A_369 = arith.constant 31.9999981 : f32
        %parallel_loop3A_370 = vector.broadcast %parallel_loop3A_369 : f32 to vector<16xf32>
        %parallel_loop3A_371 = arith.mulf %parallel_loop3A_368, %parallel_loop3A_370 : vector<16xf32>
        %parallel_loop3A_372 = arith.fptosi %parallel_loop3A_371 : vector<16xf32> to vector<16xi32>
        %parallel_loop3A_373 = arith.constant 4 : i32
        %parallel_loop3A_374 = vector.broadcast %parallel_loop3A_373 : i32 to vector<16xi32>
        %parallel_loop3A_375 = arith.shli %parallel_loop3A_372, %parallel_loop3A_374 : vector<16xi32>
        %parallel_loop3A_376 = arith.addi %parallel_loop3A_375, %add3A_77 : vector<16xi32>
        tpu.vector_store_idx %arg6[%parallel_loop3A_376], %broadcast_in_dim3A_3 {add = true} : memref<2048xf32, #tpu.memory_space<vmem>>[vector<16xi32>], vector<16xf32>,
        %parallel_loop3A_377 = arith.index_cast %parallel_loop3A_134 : i32 to index
        %parallel_loop3A_378 = arith.constant 352 : index
        %parallel_loop3A_379 = tpu.vector_load %arg4[%parallel_loop3A_377, %parallel_loop3A_378] {strides = array<i32>} : memref<64x512xf32, #tpu.memory_space<vmem>>, vector<16xf32>,
        %parallel_loop3A_380 = arith.constant 31.9999981 : f32
        %parallel_loop3A_381 = vector.broadcast %parallel_loop3A_380 : f32 to vector<16xf32>
        %parallel_loop3A_382 = arith.mulf %parallel_loop3A_379, %parallel_loop3A_381 : vector<16xf32>
        %parallel_loop3A_383 = arith.fptosi %parallel_loop3A_382 : vector<16xf32> to vector<16xi32>
        %parallel_loop3A_384 = arith.constant 4 : i32
        %parallel_loop3A_385 = vector.broadcast %parallel_loop3A_384 : i32 to vector<16xi32>
        %parallel_loop3A_386 = arith.shli %parallel_loop3A_383, %parallel_loop3A_385 : vector<16xi32>
        %parallel_loop3A_387 = arith.addi %parallel_loop3A_386, %add3A_77 : vector<16xi32>
        tpu.vector_store_idx %arg6[%parallel_loop3A_387], %broadcast_in_dim3A_3 {add = true} : memref<2048xf32, #tpu.memory_space<vmem>>[vector<16xi32>], vector<16xf32>,
        %parallel_loop3A_388 = arith.index_cast %parallel_loop3A_134 : i32 to index
        %parallel_loop3A_389 = arith.constant 368 : index
        %parallel_loop3A_390 = tpu.vector_load %arg4[%parallel_loop3A_388, %parallel_loop3A_389] {strides = array<i32>} : memref<64x512xf32, #tpu.memory_space<vmem>>, vector<16xf32>,
        %parallel_loop3A_391 = arith.constant 31.9999981 : f32
        %parallel_loop3A_392 = vector.broadcast %parallel_loop3A_391 : f32 to vector<16xf32>
        %parallel_loop3A_393 = arith.mulf %parallel_loop3A_390, %parallel_loop3A_392 : vector<16xf32>
        %parallel_loop3A_394 = arith.fptosi %parallel_loop3A_393 : vector<16xf32> to vector<16xi32>
        %parallel_loop3A_395 = arith.constant 4 : i32
        %parallel_loop3A_396 = vector.broadcast %parallel_loop3A_395 : i32 to vector<16xi32>
        %parallel_loop3A_397 = arith.shli %parallel_loop3A_394, %parallel_loop3A_396 : vector<16xi32>
        %parallel_loop3A_398 = arith.addi %parallel_loop3A_397, %add3A_77 : vector<16xi32>
        tpu.vector_store_idx %arg6[%parallel_loop3A_398], %broadcast_in_dim3A_3 {add = true} : memref<2048xf32, #tpu.memory_space<vmem>>[vector<16xi32>], vector<16xf32>,
        %parallel_loop3A_399 = arith.index_cast %parallel_loop3A_134 : i32 to index
        %parallel_loop3A_400 = arith.constant 384 : index
        %parallel_loop3A_401 = tpu.vector_load %arg4[%parallel_loop3A_399, %parallel_loop3A_400] {strides = array<i32>} : memref<64x512xf32, #tpu.memory_space<vmem>>, vector<16xf32>,
        %parallel_loop3A_402 = arith.constant 31.9999981 : f32
        %parallel_loop3A_403 = vector.broadcast %parallel_loop3A_402 : f32 to vector<16xf32>
        %parallel_loop3A_404 = arith.mulf %parallel_loop3A_401, %parallel_loop3A_403 : vector<16xf32>
        %parallel_loop3A_405 = arith.fptosi %parallel_loop3A_404 : vector<16xf32> to vector<16xi32>
        %parallel_loop3A_406 = arith.constant 4 : i32
        %parallel_loop3A_407 = vector.broadcast %parallel_loop3A_406 : i32 to vector<16xi32>
        %parallel_loop3A_408 = arith.shli %parallel_loop3A_405, %parallel_loop3A_407 : vector<16xi32>
        %parallel_loop3A_409 = arith.addi %parallel_loop3A_408, %add3A_77 : vector<16xi32>
        tpu.vector_store_idx %arg6[%parallel_loop3A_409], %broadcast_in_dim3A_3 {add = true} : memref<2048xf32, #tpu.memory_space<vmem>>[vector<16xi32>], vector<16xf32>,
        %parallel_loop3A_410 = arith.index_cast %parallel_loop3A_134 : i32 to index
        %parallel_loop3A_411 = arith.constant 400 : index
        %parallel_loop3A_412 = tpu.vector_load %arg4[%parallel_loop3A_410, %parallel_loop3A_411] {strides = array<i32>} : memref<64x512xf32, #tpu.memory_space<vmem>>, vector<16xf32>,
        %parallel_loop3A_413 = arith.constant 31.9999981 : f32
        %parallel_loop3A_414 = vector.broadcast %parallel_loop3A_413 : f32 to vector<16xf32>
        %parallel_loop3A_415 = arith.mulf %parallel_loop3A_412, %parallel_loop3A_414 : vector<16xf32>
        %parallel_loop3A_416 = arith.fptosi %parallel_loop3A_415 : vector<16xf32> to vector<16xi32>
        %parallel_loop3A_417 = arith.constant 4 : i32
        %parallel_loop3A_418 = vector.broadcast %parallel_loop3A_417 : i32 to vector<16xi32>
        %parallel_loop3A_419 = arith.shli %parallel_loop3A_416, %parallel_loop3A_418 : vector<16xi32>
        %parallel_loop3A_420 = arith.addi %parallel_loop3A_419, %add3A_77 : vector<16xi32>
        tpu.vector_store_idx %arg6[%parallel_loop3A_420], %broadcast_in_dim3A_3 {add = true} : memref<2048xf32, #tpu.memory_space<vmem>>[vector<16xi32>], vector<16xf32>,
        %parallel_loop3A_421 = arith.index_cast %parallel_loop3A_134 : i32 to index
        %parallel_loop3A_422 = arith.constant 416 : index
        %parallel_loop3A_423 = tpu.vector_load %arg4[%parallel_loop3A_421, %parallel_loop3A_422] {strides = array<i32>} : memref<64x512xf32, #tpu.memory_space<vmem>>, vector<16xf32>,
        %parallel_loop3A_424 = arith.constant 31.9999981 : f32
        %parallel_loop3A_425 = vector.broadcast %parallel_loop3A_424 : f32 to vector<16xf32>
        %parallel_loop3A_426 = arith.mulf %parallel_loop3A_423, %parallel_loop3A_425 : vector<16xf32>
        %parallel_loop3A_427 = arith.fptosi %parallel_loop3A_426 : vector<16xf32> to vector<16xi32>
        %parallel_loop3A_428 = arith.constant 4 : i32
        %parallel_loop3A_429 = vector.broadcast %parallel_loop3A_428 : i32 to vector<16xi32>
        %parallel_loop3A_430 = arith.shli %parallel_loop3A_427, %parallel_loop3A_429 : vector<16xi32>
        %parallel_loop3A_431 = arith.addi %parallel_loop3A_430, %add3A_77 : vector<16xi32>
        tpu.vector_store_idx %arg6[%parallel_loop3A_431], %broadcast_in_dim3A_3 {add = true} : memref<2048xf32, #tpu.memory_space<vmem>>[vector<16xi32>], vector<16xf32>,
        %parallel_loop3A_432 = arith.index_cast %parallel_loop3A_134 : i32 to index
        %parallel_loop3A_433 = arith.constant 432 : index
        %parallel_loop3A_434 = tpu.vector_load %arg4[%parallel_loop3A_432, %parallel_loop3A_433] {strides = array<i32>} : memref<64x512xf32, #tpu.memory_space<vmem>>, vector<16xf32>,
        %parallel_loop3A_435 = arith.constant 31.9999981 : f32
        %parallel_loop3A_436 = vector.broadcast %parallel_loop3A_435 : f32 to vector<16xf32>
        %parallel_loop3A_437 = arith.mulf %parallel_loop3A_434, %parallel_loop3A_436 : vector<16xf32>
        %parallel_loop3A_438 = arith.fptosi %parallel_loop3A_437 : vector<16xf32> to vector<16xi32>
        %parallel_loop3A_439 = arith.constant 4 : i32
        %parallel_loop3A_440 = vector.broadcast %parallel_loop3A_439 : i32 to vector<16xi32>
        %parallel_loop3A_441 = arith.shli %parallel_loop3A_438, %parallel_loop3A_440 : vector<16xi32>
        %parallel_loop3A_442 = arith.addi %parallel_loop3A_441, %add3A_77 : vector<16xi32>
        tpu.vector_store_idx %arg6[%parallel_loop3A_442], %broadcast_in_dim3A_3 {add = true} : memref<2048xf32, #tpu.memory_space<vmem>>[vector<16xi32>], vector<16xf32>,
        %parallel_loop3A_443 = arith.index_cast %parallel_loop3A_134 : i32 to index
        %parallel_loop3A_444 = arith.constant 448 : index
        %parallel_loop3A_445 = tpu.vector_load %arg4[%parallel_loop3A_443, %parallel_loop3A_444] {strides = array<i32>} : memref<64x512xf32, #tpu.memory_space<vmem>>, vector<16xf32>,
        %parallel_loop3A_446 = arith.constant 31.9999981 : f32
        %parallel_loop3A_447 = vector.broadcast %parallel_loop3A_446 : f32 to vector<16xf32>
        %parallel_loop3A_448 = arith.mulf %parallel_loop3A_445, %parallel_loop3A_447 : vector<16xf32>
        %parallel_loop3A_449 = arith.fptosi %parallel_loop3A_448 : vector<16xf32> to vector<16xi32>
        %parallel_loop3A_450 = arith.constant 4 : i32
        %parallel_loop3A_451 = vector.broadcast %parallel_loop3A_450 : i32 to vector<16xi32>
        %parallel_loop3A_452 = arith.shli %parallel_loop3A_449, %parallel_loop3A_451 : vector<16xi32>
        %parallel_loop3A_453 = arith.addi %parallel_loop3A_452, %add3A_77 : vector<16xi32>
        tpu.vector_store_idx %arg6[%parallel_loop3A_453], %broadcast_in_dim3A_3 {add = true} : memref<2048xf32, #tpu.memory_space<vmem>>[vector<16xi32>], vector<16xf32>,
        %parallel_loop3A_454 = arith.index_cast %parallel_loop3A_134 : i32 to index
        %parallel_loop3A_455 = arith.constant 464 : index
        %parallel_loop3A_456 = tpu.vector_load %arg4[%parallel_loop3A_454, %parallel_loop3A_455] {strides = array<i32>} : memref<64x512xf32, #tpu.memory_space<vmem>>, vector<16xf32>,
        %parallel_loop3A_457 = arith.constant 31.9999981 : f32
        %parallel_loop3A_458 = vector.broadcast %parallel_loop3A_457 : f32 to vector<16xf32>
        %parallel_loop3A_459 = arith.mulf %parallel_loop3A_456, %parallel_loop3A_458 : vector<16xf32>
        %parallel_loop3A_460 = arith.fptosi %parallel_loop3A_459 : vector<16xf32> to vector<16xi32>
        %parallel_loop3A_461 = arith.constant 4 : i32
        %parallel_loop3A_462 = vector.broadcast %parallel_loop3A_461 : i32 to vector<16xi32>
        %parallel_loop3A_463 = arith.shli %parallel_loop3A_460, %parallel_loop3A_462 : vector<16xi32>
        %parallel_loop3A_464 = arith.addi %parallel_loop3A_463, %add3A_77 : vector<16xi32>
        tpu.vector_store_idx %arg6[%parallel_loop3A_464], %broadcast_in_dim3A_3 {add = true} : memref<2048xf32, #tpu.memory_space<vmem>>[vector<16xi32>], vector<16xf32>,
        %parallel_loop3A_465 = arith.index_cast %parallel_loop3A_134 : i32 to index
        %parallel_loop3A_466 = arith.constant 480 : index
        %parallel_loop3A_467 = tpu.vector_load %arg4[%parallel_loop3A_465, %parallel_loop3A_466] {strides = array<i32>} : memref<64x512xf32, #tpu.memory_space<vmem>>, vector<16xf32>,
        %parallel_loop3A_468 = arith.constant 31.9999981 : f32
        %parallel_loop3A_469 = vector.broadcast %parallel_loop3A_468 : f32 to vector<16xf32>
        %parallel_loop3A_470 = arith.mulf %parallel_loop3A_467, %parallel_loop3A_469 : vector<16xf32>
        %parallel_loop3A_471 = arith.fptosi %parallel_loop3A_470 : vector<16xf32> to vector<16xi32>
        %parallel_loop3A_472 = arith.constant 4 : i32
        %parallel_loop3A_473 = vector.broadcast %parallel_loop3A_472 : i32 to vector<16xi32>
        %parallel_loop3A_474 = arith.shli %parallel_loop3A_471, %parallel_loop3A_473 : vector<16xi32>
        %parallel_loop3A_475 = arith.addi %parallel_loop3A_474, %add3A_77 : vector<16xi32>
        tpu.vector_store_idx %arg6[%parallel_loop3A_475], %broadcast_in_dim3A_3 {add = true} : memref<2048xf32, #tpu.memory_space<vmem>>[vector<16xi32>], vector<16xf32>,
        %parallel_loop3A_476 = arith.index_cast %parallel_loop3A_134 : i32 to index
        %parallel_loop3A_477 = arith.constant 496 : index
        %parallel_loop3A_478 = tpu.vector_load %arg4[%parallel_loop3A_476, %parallel_loop3A_477] {strides = array<i32>} : memref<64x512xf32, #tpu.memory_space<vmem>>, vector<16xf32>,
        %parallel_loop3A_479 = arith.constant 31.9999981 : f32
        %parallel_loop3A_480 = vector.broadcast %parallel_loop3A_479 : f32 to vector<16xf32>
        %parallel_loop3A_481 = arith.mulf %parallel_loop3A_478, %parallel_loop3A_480 : vector<16xf32>
        %parallel_loop3A_482 = arith.fptosi %parallel_loop3A_481 : vector<16xf32> to vector<16xi32>
        %parallel_loop3A_483 = arith.constant 4 : i32
        %parallel_loop3A_484 = vector.broadcast %parallel_loop3A_483 : i32 to vector<16xi32>
        %parallel_loop3A_485 = arith.shli %parallel_loop3A_482, %parallel_loop3A_484 : vector<16xi32>
        %parallel_loop3A_486 = arith.addi %parallel_loop3A_485, %add3A_77 : vector<16xi32>
        tpu.vector_store_idx %arg6[%parallel_loop3A_486], %broadcast_in_dim3A_3 {add = true} : memref<2048xf32, #tpu.memory_space<vmem>>[vector<16xi32>], vector<16xf32>,
      } {sc.loop_unroll_factor = 1 : i64, sc.parallel_access}
      %mul3A_80 = arith.constant 2 : i32
      %mul3A_81 = arith.muli %scan3A_49, %mul3A_80 : i32
      %add3A_82 = arith.constant 0 : i32
      %add3A_83 = arith.addi %mul3A_81, %add3A_82 : i32
      %add3A_84 = arith.constant 2 : i32
      %add3A_85 = arith.addi %add3A_83, %add3A_84 : i32
      %lt3A = arith.constant 12 : i32
      %lt3A_86 = arith.cmpi slt, %add3A_85, %lt3A : i32
      %convert_element_type3A_87 = arith.extui %lt3A_86 : i1 to i32
      %cond3A_88 = arith.constant 0 : i32
      %cond3A_89 = arith.cmpi ne, %convert_element_type3A_87, %cond3A_88 : i32
      scf.if %cond3A_89 {
        %add3A_134 = arith.constant 2 : i32
        %add3A_135 = arith.addi %add3A_54, %add3A_134 : i32
        %shift_right_arithmetic3A_136 = arith.constant 3 : i32
        %shift_right_arithmetic3A_137 = arith.shrsi %add3A_135, %shift_right_arithmetic3A_136 : i32
        %and3A_138 = arith.constant 7 : i32
        %and3A_139 = arith.andi %add3A_135, %and3A_138 : i32
        %mul3A_140 = arith.constant 64 : i32
        %mul3A_141 = arith.muli %and3A_139, %mul3A_140 : i32
        %dma_start3A_142 = arith.constant 0 : i32
        %dma_start3A_143 = tpu.memref_slice %arg2[%add3A, %shift_right_arithmetic3A_137, %mul3A_141, %dma_start3A_142] : memref<16x3x512x512xf32, #tpu.memory_space<hbm>> -> memref<1x1x64x512xf32, #tpu.memory_space<hbm>>
        %dma_start3A_144 = tpu.memref_squeeze %dma_start3A_143 : memref<1x1x64x512xf32, #tpu.memory_space<hbm>> -> memref<64x512xf32, #tpu.memory_space<hbm>>
        %dma_start3A_145 = arith.constant 0 : i32
        %dma_start3A_146 = tpu.memref_slice %arg2[%add3A, %shift_right_arithmetic3A_137, %mul3A_141, %dma_start3A_145] : memref<16x3x512x512xf32, #tpu.memory_space<hbm>> -> memref<1x1x64x512xf32, #tpu.memory_space<hbm>>
        %dma_start3A_147 = tpu.memref_squeeze %dma_start3A_146 : memref<1x1x64x512xf32, #tpu.memory_space<hbm>> -> memref<64x512xf32, #tpu.memory_space<hbm>>
        tpu.enqueue_dma source(%dma_start3A_147 : memref<64x512xf32, #tpu.memory_space<hbm>>) target(%arg4 : memref<64x512xf32, #tpu.memory_space<vmem>>) target_semaphore(%arg10 : memref<!tpu.dma_semaphore, #tpu.memory_space<semaphore_mem>>)
      } else {
      }
      %mul3A_90 = arith.constant 2 : i32
      %mul3A_91 = arith.muli %scan3A_49, %mul3A_90 : i32
      %add3A_92 = arith.addi %mul3A_15, %mul3A_91 : i32
      %add3A_93 = arith.constant 1 : i32
      %add3A_94 = arith.addi %add3A_92, %add3A_93 : i32
      %shift_right_arithmetic3A_95 = arith.constant 3 : i32
      %shift_right_arithmetic3A_96 = arith.shrsi %mul3A_15, %shift_right_arithmetic3A_95 : i32
      %and3A_97 = arith.constant 7 : i32
      %and3A_98 = arith.andi %mul3A_15, %and3A_97 : i32
      %mul3A_99 = arith.constant 64 : i32
      %mul3A_100 = arith.muli %and3A_98, %mul3A_99 : i32
      %dma_wait3A_101 = arith.constant 0 : i32
      %dma_wait3A_102 = tpu.memref_slice %arg2[%add3A, %shift_right_arithmetic3A_96, %mul3A_100, %dma_wait3A_101] : memref<16x3x512x512xf32, #tpu.memory_space<hbm>> -> memref<1x1x64x512xf32, #tpu.memory_space<hbm>>
      %dma_wait3A_103 = tpu.memref_squeeze %dma_wait3A_102 : memref<1x1x64x512xf32, #tpu.memory_space<hbm>> -> memref<64x512xf32, #tpu.memory_space<hbm>>
      %dma_wait3A_104 = arith.constant 0 : i32
      %dma_wait3A_105 = tpu.memref_slice %arg2[%add3A, %shift_right_arithmetic3A_96, %mul3A_100, %dma_wait3A_104] : memref<16x3x512x512xf32, #tpu.memory_space<hbm>> -> memref<1x1x64x512xf32, #tpu.memory_space<hbm>>
      %dma_wait3A_106 = tpu.memref_squeeze %dma_wait3A_105 : memref<1x1x64x512xf32, #tpu.memory_space<hbm>> -> memref<64x512xf32, #tpu.memory_space<hbm>>
      tpu.wait_dma2 semaphore(%arg11 : memref<!tpu.dma_semaphore, #tpu.memory_space<semaphore_mem>>) src(%dma_wait3A_106 : memref<64x512xf32, #tpu.memory_space<hbm>>) dst(%arg5 : memref<64x512xf32, #tpu.memory_space<vmem>>)
      %shift_right_arithmetic3A_107 = arith.constant 2 : i32
      %shift_right_arithmetic3A_108 = arith.shrsi %add3A_94, %shift_right_arithmetic3A_107 : i32
      %and3A_109 = arith.constant 1 : i32
      %and3A_110 = arith.andi %shift_right_arithmetic3A_108, %and3A_109 : i32
      %shift_left3A_111 = arith.constant 1 : i32
      %shift_left3A_112 = arith.shli %and3A_110, %shift_left3A_111 : i32
      %mul3A_113 = arith.constant 512 : i32
      %mul3A_114 = arith.muli %shift_left3A_112, %mul3A_113 : i32
      %add3A_115 = vector.broadcast %mul3A_114 : i32 to vector<16xi32>
      %add3A_116 = arith.addi %iota3A, %add3A_115 : vector<16xi32>
      %add3A_117 = arith.constant 512 : i32
      %add3A_118 = vector.broadcast %add3A_117 : i32 to vector<16xi32>
      %add3A_119 = arith.addi %add3A_116, %add3A_118 : vector<16xi32>
      %parallel_loop3A_120 = arith.constant 0 : i32
      %parallel_loop3A_121 = arith.constant 64 : i32
      %parallel_loop3A_122 = arith.constant 1 : i32
      scf.for %parallel_loop3A_134 = %parallel_loop3A_120 to %parallel_loop3A_121 step %parallel_loop3A_122  : i32 {
        %parallel_loop3A_135 = arith.index_cast %parallel_loop3A_134 : i32 to index
        %parallel_loop3A_136 = arith.constant 0 : index
        %parallel_loop3A_137 = tpu.vector_load %arg5[%parallel_loop3A_135, %parallel_loop3A_136] {strides = array<i32>} : memref<64x512xf32, #tpu.memory_space<vmem>>, vector<16xf32>,
        %parallel_loop3A_138 = arith.constant 31.9999981 : f32
        %parallel_loop3A_139 = vector.broadcast %parallel_loop3A_138 : f32 to vector<16xf32>
        %parallel_loop3A_140 = arith.mulf %parallel_loop3A_137, %parallel_loop3A_139 : vector<16xf32>
        %parallel_loop3A_141 = arith.fptosi %parallel_loop3A_140 : vector<16xf32> to vector<16xi32>
        %parallel_loop3A_142 = arith.constant 4 : i32
        %parallel_loop3A_143 = vector.broadcast %parallel_loop3A_142 : i32 to vector<16xi32>
        %parallel_loop3A_144 = arith.shli %parallel_loop3A_141, %parallel_loop3A_143 : vector<16xi32>
        %parallel_loop3A_145 = arith.addi %parallel_loop3A_144, %add3A_116 : vector<16xi32>
        tpu.vector_store_idx %arg6[%parallel_loop3A_145], %broadcast_in_dim3A_3 {add = true} : memref<2048xf32, #tpu.memory_space<vmem>>[vector<16xi32>], vector<16xf32>,
        %parallel_loop3A_146 = arith.index_cast %parallel_loop3A_134 : i32 to index
        %parallel_loop3A_147 = arith.constant 16 : index
        %parallel_loop3A_148 = tpu.vector_load %arg5[%parallel_loop3A_146, %parallel_loop3A_147] {strides = array<i32>} : memref<64x512xf32, #tpu.memory_space<vmem>>, vector<16xf32>,
        %parallel_loop3A_149 = arith.constant 31.9999981 : f32
        %parallel_loop3A_150 = vector.broadcast %parallel_loop3A_149 : f32 to vector<16xf32>
        %parallel_loop3A_151 = arith.mulf %parallel_loop3A_148, %parallel_loop3A_150 : vector<16xf32>
        %parallel_loop3A_152 = arith.fptosi %parallel_loop3A_151 : vector<16xf32> to vector<16xi32>
        %parallel_loop3A_153 = arith.constant 4 : i32
        %parallel_loop3A_154 = vector.broadcast %parallel_loop3A_153 : i32 to vector<16xi32>
        %parallel_loop3A_155 = arith.shli %parallel_loop3A_152, %parallel_loop3A_154 : vector<16xi32>
        %parallel_loop3A_156 = arith.addi %parallel_loop3A_155, %add3A_116 : vector<16xi32>
        tpu.vector_store_idx %arg6[%parallel_loop3A_156], %broadcast_in_dim3A_3 {add = true} : memref<2048xf32, #tpu.memory_space<vmem>>[vector<16xi32>], vector<16xf32>,
        %parallel_loop3A_157 = arith.index_cast %parallel_loop3A_134 : i32 to index
        %parallel_loop3A_158 = arith.constant 32 : index
        %parallel_loop3A_159 = tpu.vector_load %arg5[%parallel_loop3A_157, %parallel_loop3A_158] {strides = array<i32>} : memref<64x512xf32, #tpu.memory_space<vmem>>, vector<16xf32>,
        %parallel_loop3A_160 = arith.constant 31.9999981 : f32
        %parallel_loop3A_161 = vector.broadcast %parallel_loop3A_160 : f32 to vector<16xf32>
        %parallel_loop3A_162 = arith.mulf %parallel_loop3A_159, %parallel_loop3A_161 : vector<16xf32>
        %parallel_loop3A_163 = arith.fptosi %parallel_loop3A_162 : vector<16xf32> to vector<16xi32>
        %parallel_loop3A_164 = arith.constant 4 : i32
        %parallel_loop3A_165 = vector.broadcast %parallel_loop3A_164 : i32 to vector<16xi32>
        %parallel_loop3A_166 = arith.shli %parallel_loop3A_163, %parallel_loop3A_165 : vector<16xi32>
        %parallel_loop3A_167 = arith.addi %parallel_loop3A_166, %add3A_116 : vector<16xi32>
        tpu.vector_store_idx %arg6[%parallel_loop3A_167], %broadcast_in_dim3A_3 {add = true} : memref<2048xf32, #tpu.memory_space<vmem>>[vector<16xi32>], vector<16xf32>,
        %parallel_loop3A_168 = arith.index_cast %parallel_loop3A_134 : i32 to index
        %parallel_loop3A_169 = arith.constant 48 : index
        %parallel_loop3A_170 = tpu.vector_load %arg5[%parallel_loop3A_168, %parallel_loop3A_169] {strides = array<i32>} : memref<64x512xf32, #tpu.memory_space<vmem>>, vector<16xf32>,
        %parallel_loop3A_171 = arith.constant 31.9999981 : f32
        %parallel_loop3A_172 = vector.broadcast %parallel_loop3A_171 : f32 to vector<16xf32>
        %parallel_loop3A_173 = arith.mulf %parallel_loop3A_170, %parallel_loop3A_172 : vector<16xf32>
        %parallel_loop3A_174 = arith.fptosi %parallel_loop3A_173 : vector<16xf32> to vector<16xi32>
        %parallel_loop3A_175 = arith.constant 4 : i32
        %parallel_loop3A_176 = vector.broadcast %parallel_loop3A_175 : i32 to vector<16xi32>
        %parallel_loop3A_177 = arith.shli %parallel_loop3A_174, %parallel_loop3A_176 : vector<16xi32>
        %parallel_loop3A_178 = arith.addi %parallel_loop3A_177, %add3A_116 : vector<16xi32>
        tpu.vector_store_idx %arg6[%parallel_loop3A_178], %broadcast_in_dim3A_3 {add = true} : memref<2048xf32, #tpu.memory_space<vmem>>[vector<16xi32>], vector<16xf32>,
        %parallel_loop3A_179 = arith.index_cast %parallel_loop3A_134 : i32 to index
        %parallel_loop3A_180 = arith.constant 64 : index
        %parallel_loop3A_181 = tpu.vector_load %arg5[%parallel_loop3A_179, %parallel_loop3A_180] {strides = array<i32>} : memref<64x512xf32, #tpu.memory_space<vmem>>, vector<16xf32>,
        %parallel_loop3A_182 = arith.constant 31.9999981 : f32
        %parallel_loop3A_183 = vector.broadcast %parallel_loop3A_182 : f32 to vector<16xf32>
        %parallel_loop3A_184 = arith.mulf %parallel_loop3A_181, %parallel_loop3A_183 : vector<16xf32>
        %parallel_loop3A_185 = arith.fptosi %parallel_loop3A_184 : vector<16xf32> to vector<16xi32>
        %parallel_loop3A_186 = arith.constant 4 : i32
        %parallel_loop3A_187 = vector.broadcast %parallel_loop3A_186 : i32 to vector<16xi32>
        %parallel_loop3A_188 = arith.shli %parallel_loop3A_185, %parallel_loop3A_187 : vector<16xi32>
        %parallel_loop3A_189 = arith.addi %parallel_loop3A_188, %add3A_116 : vector<16xi32>
        tpu.vector_store_idx %arg6[%parallel_loop3A_189], %broadcast_in_dim3A_3 {add = true} : memref<2048xf32, #tpu.memory_space<vmem>>[vector<16xi32>], vector<16xf32>,
        %parallel_loop3A_190 = arith.index_cast %parallel_loop3A_134 : i32 to index
        %parallel_loop3A_191 = arith.constant 80 : index
        %parallel_loop3A_192 = tpu.vector_load %arg5[%parallel_loop3A_190, %parallel_loop3A_191] {strides = array<i32>} : memref<64x512xf32, #tpu.memory_space<vmem>>, vector<16xf32>,
        %parallel_loop3A_193 = arith.constant 31.9999981 : f32
        %parallel_loop3A_194 = vector.broadcast %parallel_loop3A_193 : f32 to vector<16xf32>
        %parallel_loop3A_195 = arith.mulf %parallel_loop3A_192, %parallel_loop3A_194 : vector<16xf32>
        %parallel_loop3A_196 = arith.fptosi %parallel_loop3A_195 : vector<16xf32> to vector<16xi32>
        %parallel_loop3A_197 = arith.constant 4 : i32
        %parallel_loop3A_198 = vector.broadcast %parallel_loop3A_197 : i32 to vector<16xi32>
        %parallel_loop3A_199 = arith.shli %parallel_loop3A_196, %parallel_loop3A_198 : vector<16xi32>
        %parallel_loop3A_200 = arith.addi %parallel_loop3A_199, %add3A_116 : vector<16xi32>
        tpu.vector_store_idx %arg6[%parallel_loop3A_200], %broadcast_in_dim3A_3 {add = true} : memref<2048xf32, #tpu.memory_space<vmem>>[vector<16xi32>], vector<16xf32>,
        %parallel_loop3A_201 = arith.index_cast %parallel_loop3A_134 : i32 to index
        %parallel_loop3A_202 = arith.constant 96 : index
        %parallel_loop3A_203 = tpu.vector_load %arg5[%parallel_loop3A_201, %parallel_loop3A_202] {strides = array<i32>} : memref<64x512xf32, #tpu.memory_space<vmem>>, vector<16xf32>,
        %parallel_loop3A_204 = arith.constant 31.9999981 : f32
        %parallel_loop3A_205 = vector.broadcast %parallel_loop3A_204 : f32 to vector<16xf32>
        %parallel_loop3A_206 = arith.mulf %parallel_loop3A_203, %parallel_loop3A_205 : vector<16xf32>
        %parallel_loop3A_207 = arith.fptosi %parallel_loop3A_206 : vector<16xf32> to vector<16xi32>
        %parallel_loop3A_208 = arith.constant 4 : i32
        %parallel_loop3A_209 = vector.broadcast %parallel_loop3A_208 : i32 to vector<16xi32>
        %parallel_loop3A_210 = arith.shli %parallel_loop3A_207, %parallel_loop3A_209 : vector<16xi32>
        %parallel_loop3A_211 = arith.addi %parallel_loop3A_210, %add3A_116 : vector<16xi32>
        tpu.vector_store_idx %arg6[%parallel_loop3A_211], %broadcast_in_dim3A_3 {add = true} : memref<2048xf32, #tpu.memory_space<vmem>>[vector<16xi32>], vector<16xf32>,
        %parallel_loop3A_212 = arith.index_cast %parallel_loop3A_134 : i32 to index
        %parallel_loop3A_213 = arith.constant 112 : index
        %parallel_loop3A_214 = tpu.vector_load %arg5[%parallel_loop3A_212, %parallel_loop3A_213] {strides = array<i32>} : memref<64x512xf32, #tpu.memory_space<vmem>>, vector<16xf32>,
        %parallel_loop3A_215 = arith.constant 31.9999981 : f32
        %parallel_loop3A_216 = vector.broadcast %parallel_loop3A_215 : f32 to vector<16xf32>
        %parallel_loop3A_217 = arith.mulf %parallel_loop3A_214, %parallel_loop3A_216 : vector<16xf32>
        %parallel_loop3A_218 = arith.fptosi %parallel_loop3A_217 : vector<16xf32> to vector<16xi32>
        %parallel_loop3A_219 = arith.constant 4 : i32
        %parallel_loop3A_220 = vector.broadcast %parallel_loop3A_219 : i32 to vector<16xi32>
        %parallel_loop3A_221 = arith.shli %parallel_loop3A_218, %parallel_loop3A_220 : vector<16xi32>
        %parallel_loop3A_222 = arith.addi %parallel_loop3A_221, %add3A_116 : vector<16xi32>
        tpu.vector_store_idx %arg6[%parallel_loop3A_222], %broadcast_in_dim3A_3 {add = true} : memref<2048xf32, #tpu.memory_space<vmem>>[vector<16xi32>], vector<16xf32>,
        %parallel_loop3A_223 = arith.index_cast %parallel_loop3A_134 : i32 to index
        %parallel_loop3A_224 = arith.constant 128 : index
        %parallel_loop3A_225 = tpu.vector_load %arg5[%parallel_loop3A_223, %parallel_loop3A_224] {strides = array<i32>} : memref<64x512xf32, #tpu.memory_space<vmem>>, vector<16xf32>,
        %parallel_loop3A_226 = arith.constant 31.9999981 : f32
        %parallel_loop3A_227 = vector.broadcast %parallel_loop3A_226 : f32 to vector<16xf32>
        %parallel_loop3A_228 = arith.mulf %parallel_loop3A_225, %parallel_loop3A_227 : vector<16xf32>
        %parallel_loop3A_229 = arith.fptosi %parallel_loop3A_228 : vector<16xf32> to vector<16xi32>
        %parallel_loop3A_230 = arith.constant 4 : i32
        %parallel_loop3A_231 = vector.broadcast %parallel_loop3A_230 : i32 to vector<16xi32>
        %parallel_loop3A_232 = arith.shli %parallel_loop3A_229, %parallel_loop3A_231 : vector<16xi32>
        %parallel_loop3A_233 = arith.addi %parallel_loop3A_232, %add3A_116 : vector<16xi32>
        tpu.vector_store_idx %arg6[%parallel_loop3A_233], %broadcast_in_dim3A_3 {add = true} : memref<2048xf32, #tpu.memory_space<vmem>>[vector<16xi32>], vector<16xf32>,
        %parallel_loop3A_234 = arith.index_cast %parallel_loop3A_134 : i32 to index
        %parallel_loop3A_235 = arith.constant 144 : index
        %parallel_loop3A_236 = tpu.vector_load %arg5[%parallel_loop3A_234, %parallel_loop3A_235] {strides = array<i32>} : memref<64x512xf32, #tpu.memory_space<vmem>>, vector<16xf32>,
        %parallel_loop3A_237 = arith.constant 31.9999981 : f32
        %parallel_loop3A_238 = vector.broadcast %parallel_loop3A_237 : f32 to vector<16xf32>
        %parallel_loop3A_239 = arith.mulf %parallel_loop3A_236, %parallel_loop3A_238 : vector<16xf32>
        %parallel_loop3A_240 = arith.fptosi %parallel_loop3A_239 : vector<16xf32> to vector<16xi32>
        %parallel_loop3A_241 = arith.constant 4 : i32
        %parallel_loop3A_242 = vector.broadcast %parallel_loop3A_241 : i32 to vector<16xi32>
        %parallel_loop3A_243 = arith.shli %parallel_loop3A_240, %parallel_loop3A_242 : vector<16xi32>
        %parallel_loop3A_244 = arith.addi %parallel_loop3A_243, %add3A_116 : vector<16xi32>
        tpu.vector_store_idx %arg6[%parallel_loop3A_244], %broadcast_in_dim3A_3 {add = true} : memref<2048xf32, #tpu.memory_space<vmem>>[vector<16xi32>], vector<16xf32>,
        %parallel_loop3A_245 = arith.index_cast %parallel_loop3A_134 : i32 to index
        %parallel_loop3A_246 = arith.constant 160 : index
        %parallel_loop3A_247 = tpu.vector_load %arg5[%parallel_loop3A_245, %parallel_loop3A_246] {strides = array<i32>} : memref<64x512xf32, #tpu.memory_space<vmem>>, vector<16xf32>,
        %parallel_loop3A_248 = arith.constant 31.9999981 : f32
        %parallel_loop3A_249 = vector.broadcast %parallel_loop3A_248 : f32 to vector<16xf32>
        %parallel_loop3A_250 = arith.mulf %parallel_loop3A_247, %parallel_loop3A_249 : vector<16xf32>
        %parallel_loop3A_251 = arith.fptosi %parallel_loop3A_250 : vector<16xf32> to vector<16xi32>
        %parallel_loop3A_252 = arith.constant 4 : i32
        %parallel_loop3A_253 = vector.broadcast %parallel_loop3A_252 : i32 to vector<16xi32>
        %parallel_loop3A_254 = arith.shli %parallel_loop3A_251, %parallel_loop3A_253 : vector<16xi32>
        %parallel_loop3A_255 = arith.addi %parallel_loop3A_254, %add3A_116 : vector<16xi32>
        tpu.vector_store_idx %arg6[%parallel_loop3A_255], %broadcast_in_dim3A_3 {add = true} : memref<2048xf32, #tpu.memory_space<vmem>>[vector<16xi32>], vector<16xf32>,
        %parallel_loop3A_256 = arith.index_cast %parallel_loop3A_134 : i32 to index
        %parallel_loop3A_257 = arith.constant 176 : index
        %parallel_loop3A_258 = tpu.vector_load %arg5[%parallel_loop3A_256, %parallel_loop3A_257] {strides = array<i32>} : memref<64x512xf32, #tpu.memory_space<vmem>>, vector<16xf32>,
        %parallel_loop3A_259 = arith.constant 31.9999981 : f32
        %parallel_loop3A_260 = vector.broadcast %parallel_loop3A_259 : f32 to vector<16xf32>
        %parallel_loop3A_261 = arith.mulf %parallel_loop3A_258, %parallel_loop3A_260 : vector<16xf32>
        %parallel_loop3A_262 = arith.fptosi %parallel_loop3A_261 : vector<16xf32> to vector<16xi32>
        %parallel_loop3A_263 = arith.constant 4 : i32
        %parallel_loop3A_264 = vector.broadcast %parallel_loop3A_263 : i32 to vector<16xi32>
        %parallel_loop3A_265 = arith.shli %parallel_loop3A_262, %parallel_loop3A_264 : vector<16xi32>
        %parallel_loop3A_266 = arith.addi %parallel_loop3A_265, %add3A_116 : vector<16xi32>
        tpu.vector_store_idx %arg6[%parallel_loop3A_266], %broadcast_in_dim3A_3 {add = true} : memref<2048xf32, #tpu.memory_space<vmem>>[vector<16xi32>], vector<16xf32>,
        %parallel_loop3A_267 = arith.index_cast %parallel_loop3A_134 : i32 to index
        %parallel_loop3A_268 = arith.constant 192 : index
        %parallel_loop3A_269 = tpu.vector_load %arg5[%parallel_loop3A_267, %parallel_loop3A_268] {strides = array<i32>} : memref<64x512xf32, #tpu.memory_space<vmem>>, vector<16xf32>,
        %parallel_loop3A_270 = arith.constant 31.9999981 : f32
        %parallel_loop3A_271 = vector.broadcast %parallel_loop3A_270 : f32 to vector<16xf32>
        %parallel_loop3A_272 = arith.mulf %parallel_loop3A_269, %parallel_loop3A_271 : vector<16xf32>
        %parallel_loop3A_273 = arith.fptosi %parallel_loop3A_272 : vector<16xf32> to vector<16xi32>
        %parallel_loop3A_274 = arith.constant 4 : i32
        %parallel_loop3A_275 = vector.broadcast %parallel_loop3A_274 : i32 to vector<16xi32>
        %parallel_loop3A_276 = arith.shli %parallel_loop3A_273, %parallel_loop3A_275 : vector<16xi32>
        %parallel_loop3A_277 = arith.addi %parallel_loop3A_276, %add3A_116 : vector<16xi32>
        tpu.vector_store_idx %arg6[%parallel_loop3A_277], %broadcast_in_dim3A_3 {add = true} : memref<2048xf32, #tpu.memory_space<vmem>>[vector<16xi32>], vector<16xf32>,
        %parallel_loop3A_278 = arith.index_cast %parallel_loop3A_134 : i32 to index
        %parallel_loop3A_279 = arith.constant 208 : index
        %parallel_loop3A_280 = tpu.vector_load %arg5[%parallel_loop3A_278, %parallel_loop3A_279] {strides = array<i32>} : memref<64x512xf32, #tpu.memory_space<vmem>>, vector<16xf32>,
        %parallel_loop3A_281 = arith.constant 31.9999981 : f32
        %parallel_loop3A_282 = vector.broadcast %parallel_loop3A_281 : f32 to vector<16xf32>
        %parallel_loop3A_283 = arith.mulf %parallel_loop3A_280, %parallel_loop3A_282 : vector<16xf32>
        %parallel_loop3A_284 = arith.fptosi %parallel_loop3A_283 : vector<16xf32> to vector<16xi32>
        %parallel_loop3A_285 = arith.constant 4 : i32
        %parallel_loop3A_286 = vector.broadcast %parallel_loop3A_285 : i32 to vector<16xi32>
        %parallel_loop3A_287 = arith.shli %parallel_loop3A_284, %parallel_loop3A_286 : vector<16xi32>
        %parallel_loop3A_288 = arith.addi %parallel_loop3A_287, %add3A_116 : vector<16xi32>
        tpu.vector_store_idx %arg6[%parallel_loop3A_288], %broadcast_in_dim3A_3 {add = true} : memref<2048xf32, #tpu.memory_space<vmem>>[vector<16xi32>], vector<16xf32>,
        %parallel_loop3A_289 = arith.index_cast %parallel_loop3A_134 : i32 to index
        %parallel_loop3A_290 = arith.constant 224 : index
        %parallel_loop3A_291 = tpu.vector_load %arg5[%parallel_loop3A_289, %parallel_loop3A_290] {strides = array<i32>} : memref<64x512xf32, #tpu.memory_space<vmem>>, vector<16xf32>,
        %parallel_loop3A_292 = arith.constant 31.9999981 : f32
        %parallel_loop3A_293 = vector.broadcast %parallel_loop3A_292 : f32 to vector<16xf32>
        %parallel_loop3A_294 = arith.mulf %parallel_loop3A_291, %parallel_loop3A_293 : vector<16xf32>
        %parallel_loop3A_295 = arith.fptosi %parallel_loop3A_294 : vector<16xf32> to vector<16xi32>
        %parallel_loop3A_296 = arith.constant 4 : i32
        %parallel_loop3A_297 = vector.broadcast %parallel_loop3A_296 : i32 to vector<16xi32>
        %parallel_loop3A_298 = arith.shli %parallel_loop3A_295, %parallel_loop3A_297 : vector<16xi32>
        %parallel_loop3A_299 = arith.addi %parallel_loop3A_298, %add3A_116 : vector<16xi32>
        tpu.vector_store_idx %arg6[%parallel_loop3A_299], %broadcast_in_dim3A_3 {add = true} : memref<2048xf32, #tpu.memory_space<vmem>>[vector<16xi32>], vector<16xf32>,
        %parallel_loop3A_300 = arith.index_cast %parallel_loop3A_134 : i32 to index
        %parallel_loop3A_301 = arith.constant 240 : index
        %parallel_loop3A_302 = tpu.vector_load %arg5[%parallel_loop3A_300, %parallel_loop3A_301] {strides = array<i32>} : memref<64x512xf32, #tpu.memory_space<vmem>>, vector<16xf32>,
        %parallel_loop3A_303 = arith.constant 31.9999981 : f32
        %parallel_loop3A_304 = vector.broadcast %parallel_loop3A_303 : f32 to vector<16xf32>
        %parallel_loop3A_305 = arith.mulf %parallel_loop3A_302, %parallel_loop3A_304 : vector<16xf32>
        %parallel_loop3A_306 = arith.fptosi %parallel_loop3A_305 : vector<16xf32> to vector<16xi32>
        %parallel_loop3A_307 = arith.constant 4 : i32
        %parallel_loop3A_308 = vector.broadcast %parallel_loop3A_307 : i32 to vector<16xi32>
        %parallel_loop3A_309 = arith.shli %parallel_loop3A_306, %parallel_loop3A_308 : vector<16xi32>
        %parallel_loop3A_310 = arith.addi %parallel_loop3A_309, %add3A_116 : vector<16xi32>
        tpu.vector_store_idx %arg6[%parallel_loop3A_310], %broadcast_in_dim3A_3 {add = true} : memref<2048xf32, #tpu.memory_space<vmem>>[vector<16xi32>], vector<16xf32>,
        %parallel_loop3A_311 = arith.index_cast %parallel_loop3A_134 : i32 to index
        %parallel_loop3A_312 = arith.constant 256 : index
        %parallel_loop3A_313 = tpu.vector_load %arg5[%parallel_loop3A_311, %parallel_loop3A_312] {strides = array<i32>} : memref<64x512xf32, #tpu.memory_space<vmem>>, vector<16xf32>,
        %parallel_loop3A_314 = arith.constant 31.9999981 : f32
        %parallel_loop3A_315 = vector.broadcast %parallel_loop3A_314 : f32 to vector<16xf32>
        %parallel_loop3A_316 = arith.mulf %parallel_loop3A_313, %parallel_loop3A_315 : vector<16xf32>
        %parallel_loop3A_317 = arith.fptosi %parallel_loop3A_316 : vector<16xf32> to vector<16xi32>
        %parallel_loop3A_318 = arith.constant 4 : i32
        %parallel_loop3A_319 = vector.broadcast %parallel_loop3A_318 : i32 to vector<16xi32>
        %parallel_loop3A_320 = arith.shli %parallel_loop3A_317, %parallel_loop3A_319 : vector<16xi32>
        %parallel_loop3A_321 = arith.addi %parallel_loop3A_320, %add3A_119 : vector<16xi32>
        tpu.vector_store_idx %arg6[%parallel_loop3A_321], %broadcast_in_dim3A_3 {add = true} : memref<2048xf32, #tpu.memory_space<vmem>>[vector<16xi32>], vector<16xf32>,
        %parallel_loop3A_322 = arith.index_cast %parallel_loop3A_134 : i32 to index
        %parallel_loop3A_323 = arith.constant 272 : index
        %parallel_loop3A_324 = tpu.vector_load %arg5[%parallel_loop3A_322, %parallel_loop3A_323] {strides = array<i32>} : memref<64x512xf32, #tpu.memory_space<vmem>>, vector<16xf32>,
        %parallel_loop3A_325 = arith.constant 31.9999981 : f32
        %parallel_loop3A_326 = vector.broadcast %parallel_loop3A_325 : f32 to vector<16xf32>
        %parallel_loop3A_327 = arith.mulf %parallel_loop3A_324, %parallel_loop3A_326 : vector<16xf32>
        %parallel_loop3A_328 = arith.fptosi %parallel_loop3A_327 : vector<16xf32> to vector<16xi32>
        %parallel_loop3A_329 = arith.constant 4 : i32
        %parallel_loop3A_330 = vector.broadcast %parallel_loop3A_329 : i32 to vector<16xi32>
        %parallel_loop3A_331 = arith.shli %parallel_loop3A_328, %parallel_loop3A_330 : vector<16xi32>
        %parallel_loop3A_332 = arith.addi %parallel_loop3A_331, %add3A_119 : vector<16xi32>
        tpu.vector_store_idx %arg6[%parallel_loop3A_332], %broadcast_in_dim3A_3 {add = true} : memref<2048xf32, #tpu.memory_space<vmem>>[vector<16xi32>], vector<16xf32>,
        %parallel_loop3A_333 = arith.index_cast %parallel_loop3A_134 : i32 to index
        %parallel_loop3A_334 = arith.constant 288 : index
        %parallel_loop3A_335 = tpu.vector_load %arg5[%parallel_loop3A_333, %parallel_loop3A_334] {strides = array<i32>} : memref<64x512xf32, #tpu.memory_space<vmem>>, vector<16xf32>,
        %parallel_loop3A_336 = arith.constant 31.9999981 : f32
        %parallel_loop3A_337 = vector.broadcast %parallel_loop3A_336 : f32 to vector<16xf32>
        %parallel_loop3A_338 = arith.mulf %parallel_loop3A_335, %parallel_loop3A_337 : vector<16xf32>
        %parallel_loop3A_339 = arith.fptosi %parallel_loop3A_338 : vector<16xf32> to vector<16xi32>
        %parallel_loop3A_340 = arith.constant 4 : i32
        %parallel_loop3A_341 = vector.broadcast %parallel_loop3A_340 : i32 to vector<16xi32>
        %parallel_loop3A_342 = arith.shli %parallel_loop3A_339, %parallel_loop3A_341 : vector<16xi32>
        %parallel_loop3A_343 = arith.addi %parallel_loop3A_342, %add3A_119 : vector<16xi32>
        tpu.vector_store_idx %arg6[%parallel_loop3A_343], %broadcast_in_dim3A_3 {add = true} : memref<2048xf32, #tpu.memory_space<vmem>>[vector<16xi32>], vector<16xf32>,
        %parallel_loop3A_344 = arith.index_cast %parallel_loop3A_134 : i32 to index
        %parallel_loop3A_345 = arith.constant 304 : index
        %parallel_loop3A_346 = tpu.vector_load %arg5[%parallel_loop3A_344, %parallel_loop3A_345] {strides = array<i32>} : memref<64x512xf32, #tpu.memory_space<vmem>>, vector<16xf32>,
        %parallel_loop3A_347 = arith.constant 31.9999981 : f32
        %parallel_loop3A_348 = vector.broadcast %parallel_loop3A_347 : f32 to vector<16xf32>
        %parallel_loop3A_349 = arith.mulf %parallel_loop3A_346, %parallel_loop3A_348 : vector<16xf32>
        %parallel_loop3A_350 = arith.fptosi %parallel_loop3A_349 : vector<16xf32> to vector<16xi32>
        %parallel_loop3A_351 = arith.constant 4 : i32
        %parallel_loop3A_352 = vector.broadcast %parallel_loop3A_351 : i32 to vector<16xi32>
        %parallel_loop3A_353 = arith.shli %parallel_loop3A_350, %parallel_loop3A_352 : vector<16xi32>
        %parallel_loop3A_354 = arith.addi %parallel_loop3A_353, %add3A_119 : vector<16xi32>
        tpu.vector_store_idx %arg6[%parallel_loop3A_354], %broadcast_in_dim3A_3 {add = true} : memref<2048xf32, #tpu.memory_space<vmem>>[vector<16xi32>], vector<16xf32>,
        %parallel_loop3A_355 = arith.index_cast %parallel_loop3A_134 : i32 to index
        %parallel_loop3A_356 = arith.constant 320 : index
        %parallel_loop3A_357 = tpu.vector_load %arg5[%parallel_loop3A_355, %parallel_loop3A_356] {strides = array<i32>} : memref<64x512xf32, #tpu.memory_space<vmem>>, vector<16xf32>,
        %parallel_loop3A_358 = arith.constant 31.9999981 : f32
        %parallel_loop3A_359 = vector.broadcast %parallel_loop3A_358 : f32 to vector<16xf32>
        %parallel_loop3A_360 = arith.mulf %parallel_loop3A_357, %parallel_loop3A_359 : vector<16xf32>
        %parallel_loop3A_361 = arith.fptosi %parallel_loop3A_360 : vector<16xf32> to vector<16xi32>
        %parallel_loop3A_362 = arith.constant 4 : i32
        %parallel_loop3A_363 = vector.broadcast %parallel_loop3A_362 : i32 to vector<16xi32>
        %parallel_loop3A_364 = arith.shli %parallel_loop3A_361, %parallel_loop3A_363 : vector<16xi32>
        %parallel_loop3A_365 = arith.addi %parallel_loop3A_364, %add3A_119 : vector<16xi32>
        tpu.vector_store_idx %arg6[%parallel_loop3A_365], %broadcast_in_dim3A_3 {add = true} : memref<2048xf32, #tpu.memory_space<vmem>>[vector<16xi32>], vector<16xf32>,
        %parallel_loop3A_366 = arith.index_cast %parallel_loop3A_134 : i32 to index
        %parallel_loop3A_367 = arith.constant 336 : index
        %parallel_loop3A_368 = tpu.vector_load %arg5[%parallel_loop3A_366, %parallel_loop3A_367] {strides = array<i32>} : memref<64x512xf32, #tpu.memory_space<vmem>>, vector<16xf32>,
        %parallel_loop3A_369 = arith.constant 31.9999981 : f32
        %parallel_loop3A_370 = vector.broadcast %parallel_loop3A_369 : f32 to vector<16xf32>
        %parallel_loop3A_371 = arith.mulf %parallel_loop3A_368, %parallel_loop3A_370 : vector<16xf32>
        %parallel_loop3A_372 = arith.fptosi %parallel_loop3A_371 : vector<16xf32> to vector<16xi32>
        %parallel_loop3A_373 = arith.constant 4 : i32
        %parallel_loop3A_374 = vector.broadcast %parallel_loop3A_373 : i32 to vector<16xi32>
        %parallel_loop3A_375 = arith.shli %parallel_loop3A_372, %parallel_loop3A_374 : vector<16xi32>
        %parallel_loop3A_376 = arith.addi %parallel_loop3A_375, %add3A_119 : vector<16xi32>
        tpu.vector_store_idx %arg6[%parallel_loop3A_376], %broadcast_in_dim3A_3 {add = true} : memref<2048xf32, #tpu.memory_space<vmem>>[vector<16xi32>], vector<16xf32>,
        %parallel_loop3A_377 = arith.index_cast %parallel_loop3A_134 : i32 to index
        %parallel_loop3A_378 = arith.constant 352 : index
        %parallel_loop3A_379 = tpu.vector_load %arg5[%parallel_loop3A_377, %parallel_loop3A_378] {strides = array<i32>} : memref<64x512xf32, #tpu.memory_space<vmem>>, vector<16xf32>,
        %parallel_loop3A_380 = arith.constant 31.9999981 : f32
        %parallel_loop3A_381 = vector.broadcast %parallel_loop3A_380 : f32 to vector<16xf32>
        %parallel_loop3A_382 = arith.mulf %parallel_loop3A_379, %parallel_loop3A_381 : vector<16xf32>
        %parallel_loop3A_383 = arith.fptosi %parallel_loop3A_382 : vector<16xf32> to vector<16xi32>
        %parallel_loop3A_384 = arith.constant 4 : i32
        %parallel_loop3A_385 = vector.broadcast %parallel_loop3A_384 : i32 to vector<16xi32>
        %parallel_loop3A_386 = arith.shli %parallel_loop3A_383, %parallel_loop3A_385 : vector<16xi32>
        %parallel_loop3A_387 = arith.addi %parallel_loop3A_386, %add3A_119 : vector<16xi32>
        tpu.vector_store_idx %arg6[%parallel_loop3A_387], %broadcast_in_dim3A_3 {add = true} : memref<2048xf32, #tpu.memory_space<vmem>>[vector<16xi32>], vector<16xf32>,
        %parallel_loop3A_388 = arith.index_cast %parallel_loop3A_134 : i32 to index
        %parallel_loop3A_389 = arith.constant 368 : index
        %parallel_loop3A_390 = tpu.vector_load %arg5[%parallel_loop3A_388, %parallel_loop3A_389] {strides = array<i32>} : memref<64x512xf32, #tpu.memory_space<vmem>>, vector<16xf32>,
        %parallel_loop3A_391 = arith.constant 31.9999981 : f32
        %parallel_loop3A_392 = vector.broadcast %parallel_loop3A_391 : f32 to vector<16xf32>
        %parallel_loop3A_393 = arith.mulf %parallel_loop3A_390, %parallel_loop3A_392 : vector<16xf32>
        %parallel_loop3A_394 = arith.fptosi %parallel_loop3A_393 : vector<16xf32> to vector<16xi32>
        %parallel_loop3A_395 = arith.constant 4 : i32
        %parallel_loop3A_396 = vector.broadcast %parallel_loop3A_395 : i32 to vector<16xi32>
        %parallel_loop3A_397 = arith.shli %parallel_loop3A_394, %parallel_loop3A_396 : vector<16xi32>
        %parallel_loop3A_398 = arith.addi %parallel_loop3A_397, %add3A_119 : vector<16xi32>
        tpu.vector_store_idx %arg6[%parallel_loop3A_398], %broadcast_in_dim3A_3 {add = true} : memref<2048xf32, #tpu.memory_space<vmem>>[vector<16xi32>], vector<16xf32>,
        %parallel_loop3A_399 = arith.index_cast %parallel_loop3A_134 : i32 to index
        %parallel_loop3A_400 = arith.constant 384 : index
        %parallel_loop3A_401 = tpu.vector_load %arg5[%parallel_loop3A_399, %parallel_loop3A_400] {strides = array<i32>} : memref<64x512xf32, #tpu.memory_space<vmem>>, vector<16xf32>,
        %parallel_loop3A_402 = arith.constant 31.9999981 : f32
        %parallel_loop3A_403 = vector.broadcast %parallel_loop3A_402 : f32 to vector<16xf32>
        %parallel_loop3A_404 = arith.mulf %parallel_loop3A_401, %parallel_loop3A_403 : vector<16xf32>
        %parallel_loop3A_405 = arith.fptosi %parallel_loop3A_404 : vector<16xf32> to vector<16xi32>
        %parallel_loop3A_406 = arith.constant 4 : i32
        %parallel_loop3A_407 = vector.broadcast %parallel_loop3A_406 : i32 to vector<16xi32>
        %parallel_loop3A_408 = arith.shli %parallel_loop3A_405, %parallel_loop3A_407 : vector<16xi32>
        %parallel_loop3A_409 = arith.addi %parallel_loop3A_408, %add3A_119 : vector<16xi32>
        tpu.vector_store_idx %arg6[%parallel_loop3A_409], %broadcast_in_dim3A_3 {add = true} : memref<2048xf32, #tpu.memory_space<vmem>>[vector<16xi32>], vector<16xf32>,
        %parallel_loop3A_410 = arith.index_cast %parallel_loop3A_134 : i32 to index
        %parallel_loop3A_411 = arith.constant 400 : index
        %parallel_loop3A_412 = tpu.vector_load %arg5[%parallel_loop3A_410, %parallel_loop3A_411] {strides = array<i32>} : memref<64x512xf32, #tpu.memory_space<vmem>>, vector<16xf32>,
        %parallel_loop3A_413 = arith.constant 31.9999981 : f32
        %parallel_loop3A_414 = vector.broadcast %parallel_loop3A_413 : f32 to vector<16xf32>
        %parallel_loop3A_415 = arith.mulf %parallel_loop3A_412, %parallel_loop3A_414 : vector<16xf32>
        %parallel_loop3A_416 = arith.fptosi %parallel_loop3A_415 : vector<16xf32> to vector<16xi32>
        %parallel_loop3A_417 = arith.constant 4 : i32
        %parallel_loop3A_418 = vector.broadcast %parallel_loop3A_417 : i32 to vector<16xi32>
        %parallel_loop3A_419 = arith.shli %parallel_loop3A_416, %parallel_loop3A_418 : vector<16xi32>
        %parallel_loop3A_420 = arith.addi %parallel_loop3A_419, %add3A_119 : vector<16xi32>
        tpu.vector_store_idx %arg6[%parallel_loop3A_420], %broadcast_in_dim3A_3 {add = true} : memref<2048xf32, #tpu.memory_space<vmem>>[vector<16xi32>], vector<16xf32>,
        %parallel_loop3A_421 = arith.index_cast %parallel_loop3A_134 : i32 to index
        %parallel_loop3A_422 = arith.constant 416 : index
        %parallel_loop3A_423 = tpu.vector_load %arg5[%parallel_loop3A_421, %parallel_loop3A_422] {strides = array<i32>} : memref<64x512xf32, #tpu.memory_space<vmem>>, vector<16xf32>,
        %parallel_loop3A_424 = arith.constant 31.9999981 : f32
        %parallel_loop3A_425 = vector.broadcast %parallel_loop3A_424 : f32 to vector<16xf32>
        %parallel_loop3A_426 = arith.mulf %parallel_loop3A_423, %parallel_loop3A_425 : vector<16xf32>
        %parallel_loop3A_427 = arith.fptosi %parallel_loop3A_426 : vector<16xf32> to vector<16xi32>
        %parallel_loop3A_428 = arith.constant 4 : i32
        %parallel_loop3A_429 = vector.broadcast %parallel_loop3A_428 : i32 to vector<16xi32>
        %parallel_loop3A_430 = arith.shli %parallel_loop3A_427, %parallel_loop3A_429 : vector<16xi32>
        %parallel_loop3A_431 = arith.addi %parallel_loop3A_430, %add3A_119 : vector<16xi32>
        tpu.vector_store_idx %arg6[%parallel_loop3A_431], %broadcast_in_dim3A_3 {add = true} : memref<2048xf32, #tpu.memory_space<vmem>>[vector<16xi32>], vector<16xf32>,
        %parallel_loop3A_432 = arith.index_cast %parallel_loop3A_134 : i32 to index
        %parallel_loop3A_433 = arith.constant 432 : index
        %parallel_loop3A_434 = tpu.vector_load %arg5[%parallel_loop3A_432, %parallel_loop3A_433] {strides = array<i32>} : memref<64x512xf32, #tpu.memory_space<vmem>>, vector<16xf32>,
        %parallel_loop3A_435 = arith.constant 31.9999981 : f32
        %parallel_loop3A_436 = vector.broadcast %parallel_loop3A_435 : f32 to vector<16xf32>
        %parallel_loop3A_437 = arith.mulf %parallel_loop3A_434, %parallel_loop3A_436 : vector<16xf32>
        %parallel_loop3A_438 = arith.fptosi %parallel_loop3A_437 : vector<16xf32> to vector<16xi32>
        %parallel_loop3A_439 = arith.constant 4 : i32
        %parallel_loop3A_440 = vector.broadcast %parallel_loop3A_439 : i32 to vector<16xi32>
        %parallel_loop3A_441 = arith.shli %parallel_loop3A_438, %parallel_loop3A_440 : vector<16xi32>
        %parallel_loop3A_442 = arith.addi %parallel_loop3A_441, %add3A_119 : vector<16xi32>
        tpu.vector_store_idx %arg6[%parallel_loop3A_442], %broadcast_in_dim3A_3 {add = true} : memref<2048xf32, #tpu.memory_space<vmem>>[vector<16xi32>], vector<16xf32>,
        %parallel_loop3A_443 = arith.index_cast %parallel_loop3A_134 : i32 to index
        %parallel_loop3A_444 = arith.constant 448 : index
        %parallel_loop3A_445 = tpu.vector_load %arg5[%parallel_loop3A_443, %parallel_loop3A_444] {strides = array<i32>} : memref<64x512xf32, #tpu.memory_space<vmem>>, vector<16xf32>,
        %parallel_loop3A_446 = arith.constant 31.9999981 : f32
        %parallel_loop3A_447 = vector.broadcast %parallel_loop3A_446 : f32 to vector<16xf32>
        %parallel_loop3A_448 = arith.mulf %parallel_loop3A_445, %parallel_loop3A_447 : vector<16xf32>
        %parallel_loop3A_449 = arith.fptosi %parallel_loop3A_448 : vector<16xf32> to vector<16xi32>
        %parallel_loop3A_450 = arith.constant 4 : i32
        %parallel_loop3A_451 = vector.broadcast %parallel_loop3A_450 : i32 to vector<16xi32>
        %parallel_loop3A_452 = arith.shli %parallel_loop3A_449, %parallel_loop3A_451 : vector<16xi32>
        %parallel_loop3A_453 = arith.addi %parallel_loop3A_452, %add3A_119 : vector<16xi32>
        tpu.vector_store_idx %arg6[%parallel_loop3A_453], %broadcast_in_dim3A_3 {add = true} : memref<2048xf32, #tpu.memory_space<vmem>>[vector<16xi32>], vector<16xf32>,
        %parallel_loop3A_454 = arith.index_cast %parallel_loop3A_134 : i32 to index
        %parallel_loop3A_455 = arith.constant 464 : index
        %parallel_loop3A_456 = tpu.vector_load %arg5[%parallel_loop3A_454, %parallel_loop3A_455] {strides = array<i32>} : memref<64x512xf32, #tpu.memory_space<vmem>>, vector<16xf32>,
        %parallel_loop3A_457 = arith.constant 31.9999981 : f32
        %parallel_loop3A_458 = vector.broadcast %parallel_loop3A_457 : f32 to vector<16xf32>
        %parallel_loop3A_459 = arith.mulf %parallel_loop3A_456, %parallel_loop3A_458 : vector<16xf32>
        %parallel_loop3A_460 = arith.fptosi %parallel_loop3A_459 : vector<16xf32> to vector<16xi32>
        %parallel_loop3A_461 = arith.constant 4 : i32
        %parallel_loop3A_462 = vector.broadcast %parallel_loop3A_461 : i32 to vector<16xi32>
        %parallel_loop3A_463 = arith.shli %parallel_loop3A_460, %parallel_loop3A_462 : vector<16xi32>
        %parallel_loop3A_464 = arith.addi %parallel_loop3A_463, %add3A_119 : vector<16xi32>
        tpu.vector_store_idx %arg6[%parallel_loop3A_464], %broadcast_in_dim3A_3 {add = true} : memref<2048xf32, #tpu.memory_space<vmem>>[vector<16xi32>], vector<16xf32>,
        %parallel_loop3A_465 = arith.index_cast %parallel_loop3A_134 : i32 to index
        %parallel_loop3A_466 = arith.constant 480 : index
        %parallel_loop3A_467 = tpu.vector_load %arg5[%parallel_loop3A_465, %parallel_loop3A_466] {strides = array<i32>} : memref<64x512xf32, #tpu.memory_space<vmem>>, vector<16xf32>,
        %parallel_loop3A_468 = arith.constant 31.9999981 : f32
        %parallel_loop3A_469 = vector.broadcast %parallel_loop3A_468 : f32 to vector<16xf32>
        %parallel_loop3A_470 = arith.mulf %parallel_loop3A_467, %parallel_loop3A_469 : vector<16xf32>
        %parallel_loop3A_471 = arith.fptosi %parallel_loop3A_470 : vector<16xf32> to vector<16xi32>
        %parallel_loop3A_472 = arith.constant 4 : i32
        %parallel_loop3A_473 = vector.broadcast %parallel_loop3A_472 : i32 to vector<16xi32>
        %parallel_loop3A_474 = arith.shli %parallel_loop3A_471, %parallel_loop3A_473 : vector<16xi32>
        %parallel_loop3A_475 = arith.addi %parallel_loop3A_474, %add3A_119 : vector<16xi32>
        tpu.vector_store_idx %arg6[%parallel_loop3A_475], %broadcast_in_dim3A_3 {add = true} : memref<2048xf32, #tpu.memory_space<vmem>>[vector<16xi32>], vector<16xf32>,
        %parallel_loop3A_476 = arith.index_cast %parallel_loop3A_134 : i32 to index
        %parallel_loop3A_477 = arith.constant 496 : index
        %parallel_loop3A_478 = tpu.vector_load %arg5[%parallel_loop3A_476, %parallel_loop3A_477] {strides = array<i32>} : memref<64x512xf32, #tpu.memory_space<vmem>>, vector<16xf32>,
        %parallel_loop3A_479 = arith.constant 31.9999981 : f32
        %parallel_loop3A_480 = vector.broadcast %parallel_loop3A_479 : f32 to vector<16xf32>
        %parallel_loop3A_481 = arith.mulf %parallel_loop3A_478, %parallel_loop3A_480 : vector<16xf32>
        %parallel_loop3A_482 = arith.fptosi %parallel_loop3A_481 : vector<16xf32> to vector<16xi32>
        %parallel_loop3A_483 = arith.constant 4 : i32
        %parallel_loop3A_484 = vector.broadcast %parallel_loop3A_483 : i32 to vector<16xi32>
        %parallel_loop3A_485 = arith.shli %parallel_loop3A_482, %parallel_loop3A_484 : vector<16xi32>
        %parallel_loop3A_486 = arith.addi %parallel_loop3A_485, %add3A_119 : vector<16xi32>
        tpu.vector_store_idx %arg6[%parallel_loop3A_486], %broadcast_in_dim3A_3 {add = true} : memref<2048xf32, #tpu.memory_space<vmem>>[vector<16xi32>], vector<16xf32>,
      } {sc.loop_unroll_factor = 1 : i64, sc.parallel_access}
      %mul3A_123 = arith.constant 2 : i32
      %mul3A_124 = arith.muli %scan3A_49, %mul3A_123 : i32
      %add3A_125 = arith.constant 1 : i32
      %add3A_126 = arith.addi %mul3A_124, %add3A_125 : i32
      %add3A_127 = arith.constant 2 : i32
      %add3A_128 = arith.addi %add3A_126, %add3A_127 : i32
      %lt3A_129 = arith.constant 12 : i32
      %lt3A_130 = arith.cmpi slt, %add3A_128, %lt3A_129 : i32
      %convert_element_type3A_131 = arith.extui %lt3A_130 : i1 to i32
      %cond3A_132 = arith.constant 0 : i32
      %cond3A_133 = arith.cmpi ne, %convert_element_type3A_131, %cond3A_132 : i32
      scf.if %cond3A_133 {
        %add3A_134 = arith.constant 2 : i32
        %add3A_135 = arith.addi %add3A_94, %add3A_134 : i32
        %shift_right_arithmetic3A_136 = arith.constant 3 : i32
        %shift_right_arithmetic3A_137 = arith.shrsi %add3A_135, %shift_right_arithmetic3A_136 : i32
        %and3A_138 = arith.constant 7 : i32
        %and3A_139 = arith.andi %add3A_135, %and3A_138 : i32
        %mul3A_140 = arith.constant 64 : i32
        %mul3A_141 = arith.muli %and3A_139, %mul3A_140 : i32
        %dma_start3A_142 = arith.constant 0 : i32
        %dma_start3A_143 = tpu.memref_slice %arg2[%add3A, %shift_right_arithmetic3A_137, %mul3A_141, %dma_start3A_142] : memref<16x3x512x512xf32, #tpu.memory_space<hbm>> -> memref<1x1x64x512xf32, #tpu.memory_space<hbm>>
        %dma_start3A_144 = tpu.memref_squeeze %dma_start3A_143 : memref<1x1x64x512xf32, #tpu.memory_space<hbm>> -> memref<64x512xf32, #tpu.memory_space<hbm>>
        %dma_start3A_145 = arith.constant 0 : i32
        %dma_start3A_146 = tpu.memref_slice %arg2[%add3A, %shift_right_arithmetic3A_137, %mul3A_141, %dma_start3A_145] : memref<16x3x512x512xf32, #tpu.memory_space<hbm>> -> memref<1x1x64x512xf32, #tpu.memory_space<hbm>>
        %dma_start3A_147 = tpu.memref_squeeze %dma_start3A_146 : memref<1x1x64x512xf32, #tpu.memory_space<hbm>> -> memref<64x512xf32, #tpu.memory_space<hbm>>
        tpu.enqueue_dma source(%dma_start3A_147 : memref<64x512xf32, #tpu.memory_space<hbm>>) target(%arg5 : memref<64x512xf32, #tpu.memory_space<vmem>>) target_semaphore(%arg11 : memref<!tpu.dma_semaphore, #tpu.memory_space<semaphore_mem>>)
      } else {
      }
    }
    %scan3A_46 = arith.constant 6 : i32
    "tpu.region"() ({
      %run_scoped3A = tpu.sem_alloc : memref<!tpu.dma_semaphore, #tpu.memory_space<semaphore_mem>>
      %dma_start3A_49 = arith.constant 0 : i32
      %dma_start3A_50 = tpu.memref_slice %arg9[%arg1, %dma_start3A_49] : memref<16x2048xf32, #tpu.memory_space<vmem_shared>> -> memref<1x2048xf32, #tpu.memory_space<vmem_shared>>
      %dma_start3A_51 = tpu.memref_squeeze %dma_start3A_50 : memref<1x2048xf32, #tpu.memory_space<vmem_shared>> -> memref<2048xf32, #tpu.memory_space<vmem_shared>>
      %dma_start3A_52 = arith.constant 0 : i32
      %dma_start3A_53 = tpu.memref_slice %arg9[%arg1, %dma_start3A_52] : memref<16x2048xf32, #tpu.memory_space<vmem_shared>> -> memref<1x2048xf32, #tpu.memory_space<vmem_shared>>
      %dma_start3A_54 = tpu.memref_squeeze %dma_start3A_53 : memref<1x2048xf32, #tpu.memory_space<vmem_shared>> -> memref<2048xf32, #tpu.memory_space<vmem_shared>>
      tpu.enqueue_dma source(%arg6 : memref<2048xf32, #tpu.memory_space<vmem>>) target(%dma_start3A_54 : memref<2048xf32, #tpu.memory_space<vmem_shared>>) target_semaphore(%run_scoped3A : memref<!tpu.dma_semaphore, #tpu.memory_space<semaphore_mem>>)
      %dma_wait3A = arith.constant 0 : i32
      %dma_wait3A_55 = tpu.memref_slice %arg9[%arg1, %dma_wait3A] : memref<16x2048xf32, #tpu.memory_space<vmem_shared>> -> memref<1x2048xf32, #tpu.memory_space<vmem_shared>>
      %dma_wait3A_56 = tpu.memref_squeeze %dma_wait3A_55 : memref<1x2048xf32, #tpu.memory_space<vmem_shared>> -> memref<2048xf32, #tpu.memory_space<vmem_shared>>
      %dma_wait3A_57 = arith.constant 0 : i32
      %dma_wait3A_58 = tpu.memref_slice %arg9[%arg1, %dma_wait3A_57] : memref<16x2048xf32, #tpu.memory_space<vmem_shared>> -> memref<1x2048xf32, #tpu.memory_space<vmem_shared>>
      %dma_wait3A_59 = tpu.memref_squeeze %dma_wait3A_58 : memref<1x2048xf32, #tpu.memory_space<vmem_shared>> -> memref<2048xf32, #tpu.memory_space<vmem_shared>>
      tpu.wait_dma2 semaphore(%run_scoped3A : memref<!tpu.dma_semaphore, #tpu.memory_space<semaphore_mem>>) src(%arg6 : memref<2048xf32, #tpu.memory_space<vmem>>) dst(%dma_wait3A_59 : memref<2048xf32, #tpu.memory_space<vmem_shared>>)
      tpu.yield
    }) : () -> ()
    %barrier3A = arith.constant 0 : index
    tpu.barrier barrier_id(%barrier3A)
    %eq3A = arith.constant 0 : i32
    %eq3A_47 = arith.cmpi eq, %and3A_2, %eq3A : i32
    %convert_element_type3A = arith.extui %eq3A_47 : i1 to i32
    %cond3A = arith.constant 0 : i32
    %cond3A_48 = arith.cmpi ne, %convert_element_type3A, %cond3A : i32
    scf.if %cond3A_48 {
      %add3A_49 = arith.constant 1 : i32
      %add3A_50 = arith.addi %arg1, %add3A_49 : i32
      "tpu.region"() ({
        %run_scoped3A = tpu.sem_alloc : memref<!tpu.dma_semaphore, #tpu.memory_space<semaphore_mem>>
        %dma_start3A_86 = arith.constant 0 : i32
        %dma_start3A_87 = tpu.memref_slice %arg9[%add3A_50, %dma_start3A_86] : memref<16x2048xf32, #tpu.memory_space<vmem_shared>> -> memref<1x2048xf32, #tpu.memory_space<vmem_shared>>
        %dma_start3A_88 = tpu.memref_squeeze %dma_start3A_87 : memref<1x2048xf32, #tpu.memory_space<vmem_shared>> -> memref<2048xf32, #tpu.memory_space<vmem_shared>>
        %dma_start3A_89 = arith.constant 0 : i32
        %dma_start3A_90 = tpu.memref_slice %arg9[%add3A_50, %dma_start3A_89] : memref<16x2048xf32, #tpu.memory_space<vmem_shared>> -> memref<1x2048xf32, #tpu.memory_space<vmem_shared>>
        %dma_start3A_91 = tpu.memref_squeeze %dma_start3A_90 : memref<1x2048xf32, #tpu.memory_space<vmem_shared>> -> memref<2048xf32, #tpu.memory_space<vmem_shared>>
        tpu.enqueue_dma source(%dma_start3A_91 : memref<2048xf32, #tpu.memory_space<vmem_shared>>) target(%arg7 : memref<2048xf32, #tpu.memory_space<vmem>>) target_semaphore(%run_scoped3A : memref<!tpu.dma_semaphore, #tpu.memory_space<semaphore_mem>>)
        %dma_wait3A = arith.constant 0 : i32
        %dma_wait3A_92 = tpu.memref_slice %arg9[%add3A_50, %dma_wait3A] : memref<16x2048xf32, #tpu.memory_space<vmem_shared>> -> memref<1x2048xf32, #tpu.memory_space<vmem_shared>>
        %dma_wait3A_93 = tpu.memref_squeeze %dma_wait3A_92 : memref<1x2048xf32, #tpu.memory_space<vmem_shared>> -> memref<2048xf32, #tpu.memory_space<vmem_shared>>
        %dma_wait3A_94 = arith.constant 0 : i32
        %dma_wait3A_95 = tpu.memref_slice %arg9[%add3A_50, %dma_wait3A_94] : memref<16x2048xf32, #tpu.memory_space<vmem_shared>> -> memref<1x2048xf32, #tpu.memory_space<vmem_shared>>
        %dma_wait3A_96 = tpu.memref_squeeze %dma_wait3A_95 : memref<1x2048xf32, #tpu.memory_space<vmem_shared>> -> memref<2048xf32, #tpu.memory_space<vmem_shared>>
        tpu.wait_dma2 semaphore(%run_scoped3A : memref<!tpu.dma_semaphore, #tpu.memory_space<semaphore_mem>>) src(%dma_wait3A_96 : memref<2048xf32, #tpu.memory_space<vmem_shared>>) dst(%arg7 : memref<2048xf32, #tpu.memory_space<vmem>>)
        tpu.yield
      }) : () -> ()
      %shift_right_arithmetic3A_51 = arith.constant 3 : i32
      %shift_right_arithmetic3A_52 = vector.broadcast %shift_right_arithmetic3A_51 : i32 to vector<16xi32>
      %shift_right_arithmetic3A_53 = arith.shrsi %iota3A, %shift_right_arithmetic3A_52 : vector<16xi32>
      %and3A_54 = arith.constant 1 : i32
      %and3A_55 = vector.broadcast %and3A_54 : i32 to vector<16xi32>
      %and3A_56 = arith.andi %shift_right_arithmetic3A_53, %and3A_55 : vector<16xi32>
      %convert_element_type3A_57 = arith.sitofp %and3A_56 : vector<16xi32> to vector<16xf32>
      %shift_right_arithmetic3A_58 = arith.constant 1 : i32
      %shift_right_arithmetic3A_59 = vector.broadcast %shift_right_arithmetic3A_58 : i32 to vector<16xi32>
      %shift_right_arithmetic3A_60 = arith.shrsi %iota3A, %shift_right_arithmetic3A_59 : vector<16xi32>
      %and3A_61 = arith.constant 1 : i32
      %and3A_62 = vector.broadcast %and3A_61 : i32 to vector<16xi32>
      %and3A_63 = arith.andi %shift_right_arithmetic3A_60, %and3A_62 : vector<16xi32>
      %convert_element_type3A_64 = arith.sitofp %and3A_63 : vector<16xi32> to vector<16xf32>
      %sub3A = arith.constant 1.000000e+00 : f32
      %sub3A_65 = vector.broadcast %sub3A : f32 to vector<16xf32>
      %sub3A_66 = arith.subf %sub3A_65, %convert_element_type3A_57 : vector<16xf32>
      %sub3A_67 = arith.constant 1.000000e+00 : f32
      %sub3A_68 = vector.broadcast %sub3A_67 : f32 to vector<16xf32>
      %sub3A_69 = arith.subf %sub3A_68, %convert_element_type3A_64 : vector<16xf32>
      %mul3A_70 = arith.mulf %sub3A_66, %sub3A_69 : vector<16xf32>
      %sub3A_71 = arith.constant 1.000000e+00 : f32
      %sub3A_72 = vector.broadcast %sub3A_71 : f32 to vector<16xf32>
      %sub3A_73 = arith.subf %sub3A_72, %convert_element_type3A_57 : vector<16xf32>
      %mul3A_74 = arith.mulf %sub3A_73, %convert_element_type3A_64 : vector<16xf32>
      %sub3A_75 = arith.constant 1.000000e+00 : f32
      %sub3A_76 = vector.broadcast %sub3A_75 : f32 to vector<16xf32>
      %sub3A_77 = arith.subf %sub3A_76, %convert_element_type3A_64 : vector<16xf32>
      %mul3A_78 = arith.mulf %convert_element_type3A_57, %sub3A_77 : vector<16xf32>
      %mul3A_79 = arith.mulf %convert_element_type3A_57, %convert_element_type3A_64 : vector<16xf32>
      %scan3A_80 = arith.constant 0 : i32
      %scan3A_81 = arith.constant 0 : i32
      %scan3A_82 = arith.constant 32 : i32
      %scan3A_83 = arith.addi %scan3A_81, %scan3A_82 : i32
      %scan3A_84 = arith.constant 1 : i32
      scf.for %scan3A_86 = %scan3A_81 to %scan3A_83 step %scan3A_84  : i32 {
        %mul3A_87 = arith.constant 16 : i32
        %mul3A_88 = arith.muli %scan3A_86, %mul3A_87 : i32
        %add3A_89 = arith.constant 0 : i32
        %add3A_90 = arith.addi %add3A_89, %mul3A_88 : i32
        %get3A = arith.index_cast %add3A_90 : i32 to index
        %get3A_91 = tpu.vector_load %arg6[%get3A] {strides = array<i32>} : memref<2048xf32, #tpu.memory_space<vmem>>, vector<16xf32>,
        %get3A_92 = arith.index_cast %add3A_90 : i32 to index
        %get3A_93 = tpu.vector_load %arg7[%get3A_92] {strides = array<i32>} : memref<2048xf32, #tpu.memory_space<vmem>>, vector<16xf32>,
        %add3A_94 = arith.addf %get3A_91, %get3A_93 : vector<16xf32>
        %reduce_sum3A = arith.constant true
        %reduce_sum3A_95 = vector.broadcast %reduce_sum3A : i1 to vector<16xi1>
        %reduce_sum3A_96 = tpu.scan <sum>, %add3A_94 masked %reduce_sum3A_95 : vector<16xf32>, vector<16xi1> -> vector<16xf32>
        %reduce_sum3A_97 = vector.extract %reduce_sum3A_96[15] : f32 from vector<16xf32>
        %mul3A_98 = arith.constant 16 : i32
        %mul3A_99 = arith.muli %scan3A_86, %mul3A_98 : i32
        %add3A_100 = arith.constant 512 : i32
        %add3A_101 = arith.addi %add3A_100, %mul3A_99 : i32
        %get3A_102 = arith.index_cast %add3A_101 : i32 to index
        %get3A_103 = tpu.vector_load %arg6[%get3A_102] {strides = array<i32>} : memref<2048xf32, #tpu.memory_space<vmem>>, vector<16xf32>,
        %get3A_104 = arith.index_cast %add3A_101 : i32 to index
        %get3A_105 = tpu.vector_load %arg7[%get3A_104] {strides = array<i32>} : memref<2048xf32, #tpu.memory_space<vmem>>, vector<16xf32>,
        %add3A_106 = arith.addf %get3A_103, %get3A_105 : vector<16xf32>
        %reduce_sum3A_107 = arith.constant true
        %reduce_sum3A_108 = vector.broadcast %reduce_sum3A_107 : i1 to vector<16xi1>
        %reduce_sum3A_109 = tpu.scan <sum>, %add3A_106 masked %reduce_sum3A_108 : vector<16xf32>, vector<16xi1> -> vector<16xf32>
        %reduce_sum3A_110 = vector.extract %reduce_sum3A_109[15] : f32 from vector<16xf32>
        %mul3A_111 = arith.constant 16 : i32
        %mul3A_112 = arith.muli %scan3A_86, %mul3A_111 : i32
        %add3A_113 = arith.constant 1024 : i32
        %add3A_114 = arith.addi %add3A_113, %mul3A_112 : i32
        %get3A_115 = arith.index_cast %add3A_114 : i32 to index
        %get3A_116 = tpu.vector_load %arg6[%get3A_115] {strides = array<i32>} : memref<2048xf32, #tpu.memory_space<vmem>>, vector<16xf32>,
        %get3A_117 = arith.index_cast %add3A_114 : i32 to index
        %get3A_118 = tpu.vector_load %arg7[%get3A_117] {strides = array<i32>} : memref<2048xf32, #tpu.memory_space<vmem>>, vector<16xf32>,
        %add3A_119 = arith.addf %get3A_116, %get3A_118 : vector<16xf32>
        %reduce_sum3A_120 = arith.constant true
        %reduce_sum3A_121 = vector.broadcast %reduce_sum3A_120 : i1 to vector<16xi1>
        %reduce_sum3A_122 = tpu.scan <sum>, %add3A_119 masked %reduce_sum3A_121 : vector<16xf32>, vector<16xi1> -> vector<16xf32>
        %reduce_sum3A_123 = vector.extract %reduce_sum3A_122[15] : f32 from vector<16xf32>
        %mul3A_124 = arith.constant 16 : i32
        %mul3A_125 = arith.muli %scan3A_86, %mul3A_124 : i32
        %add3A_126 = arith.constant 1536 : i32
        %add3A_127 = arith.addi %add3A_126, %mul3A_125 : i32
        %get3A_128 = arith.index_cast %add3A_127 : i32 to index
        %get3A_129 = tpu.vector_load %arg6[%get3A_128] {strides = array<i32>} : memref<2048xf32, #tpu.memory_space<vmem>>, vector<16xf32>,
        %get3A_130 = arith.index_cast %add3A_127 : i32 to index
        %get3A_131 = tpu.vector_load %arg7[%get3A_130] {strides = array<i32>} : memref<2048xf32, #tpu.memory_space<vmem>>, vector<16xf32>,
        %add3A_132 = arith.addf %get3A_129, %get3A_131 : vector<16xf32>
        %reduce_sum3A_133 = arith.constant true
        %reduce_sum3A_134 = vector.broadcast %reduce_sum3A_133 : i1 to vector<16xi1>
        %reduce_sum3A_135 = tpu.scan <sum>, %add3A_132 masked %reduce_sum3A_134 : vector<16xf32>, vector<16xi1> -> vector<16xf32>
        %reduce_sum3A_136 = vector.extract %reduce_sum3A_135[15] : f32 from vector<16xf32>
        %add3A_137 = arith.addf %reduce_sum3A_97, %reduce_sum3A_110 : f32
        %add3A_138 = arith.addf %add3A_137, %reduce_sum3A_123 : f32
        %add3A_139 = arith.addf %add3A_138, %reduce_sum3A_136 : f32
        %mul3A_140 = arith.constant 3.81469727E-6 : f32
        %mul3A_141 = arith.mulf %add3A_139, %mul3A_140 : f32
        %mul3A_142 = vector.broadcast %mul3A_141 : f32 to vector<16xf32>
        %mul3A_143 = arith.mulf %broadcast_in_dim3A_3, %mul3A_142 : vector<16xf32>
        %mul3A_144 = arith.constant 16 : i32
        %mul3A_145 = arith.muli %scan3A_86, %mul3A_144 : i32
        %swap3A = arith.index_cast %mul3A_145 : i32 to index
        %swap3A_146 = tpu.vector_load %arg8[%swap3A] {strides = array<i32>} : memref<1536xf32, #tpu.memory_space<vmem>>, vector<16xf32>,
        tpu.vector_store %arg8[%swap3A], %mul3A_143 {strides = array<i32>} : memref<1536xf32, #tpu.memory_space<vmem>>, vector<16xf32>,
        %mul3A_147 = vector.broadcast %reduce_sum3A_97 : f32 to vector<16xf32>
        %mul3A_148 = arith.mulf %mul3A_70, %mul3A_147 : vector<16xf32>
        %mul3A_149 = vector.broadcast %reduce_sum3A_110 : f32 to vector<16xf32>
        %mul3A_150 = arith.mulf %mul3A_74, %mul3A_149 : vector<16xf32>
        %add3A_151 = arith.addf %mul3A_148, %mul3A_150 : vector<16xf32>
        %mul3A_152 = vector.broadcast %reduce_sum3A_123 : f32 to vector<16xf32>
        %mul3A_153 = arith.mulf %mul3A_78, %mul3A_152 : vector<16xf32>
        %add3A_154 = arith.addf %add3A_151, %mul3A_153 : vector<16xf32>
        %mul3A_155 = vector.broadcast %reduce_sum3A_136 : f32 to vector<16xf32>
        %mul3A_156 = arith.mulf %mul3A_79, %mul3A_155 : vector<16xf32>
        %add3A_157 = arith.addf %add3A_154, %mul3A_156 : vector<16xf32>
        %mul3A_158 = arith.constant 1.52587891E-5 : f32
        %mul3A_159 = vector.broadcast %mul3A_158 : f32 to vector<16xf32>
        %mul3A_160 = arith.mulf %add3A_157, %mul3A_159 : vector<16xf32>
        %mul3A_161 = arith.constant 16 : i32
        %mul3A_162 = arith.muli %scan3A_86, %mul3A_161 : i32
        %add3A_163 = arith.constant 512 : i32
        %add3A_164 = arith.addi %add3A_163, %mul3A_162 : i32
        %swap3A_165 = arith.index_cast %add3A_164 : i32 to index
        %swap3A_166 = tpu.vector_load %arg8[%swap3A_165] {strides = array<i32>} : memref<1536xf32, #tpu.memory_space<vmem>>, vector<16xf32>,
        tpu.vector_store %arg8[%swap3A_165], %mul3A_160 {strides = array<i32>} : memref<1536xf32, #tpu.memory_space<vmem>>, vector<16xf32>,
        %mul3A_167 = arith.constant 16 : i32
        %mul3A_168 = arith.muli %scan3A_86, %mul3A_167 : i32
        %add3A_169 = arith.constant 1024 : i32
        %add3A_170 = arith.addi %add3A_169, %mul3A_168 : i32
        %swap3A_171 = arith.index_cast %add3A_170 : i32 to index
        %swap3A_172 = tpu.vector_load %arg8[%swap3A_171] {strides = array<i32>} : memref<1536xf32, #tpu.memory_space<vmem>>, vector<16xf32>,
        tpu.vector_store %arg8[%swap3A_171], %broadcast_in_dim3A_5 {strides = array<i32>} : memref<1536xf32, #tpu.memory_space<vmem>>, vector<16xf32>,
      }
      %scan3A_85 = arith.constant 32 : i32
      "tpu.region"() ({
        %run_scoped3A = tpu.sem_alloc : memref<!tpu.dma_semaphore, #tpu.memory_space<semaphore_mem>>
        %dma_start3A_86 = arith.constant 0 : i32
        %dma_start3A_87 = tpu.memref_slice %arg3[%add3A, %dma_start3A_86] : memref<16x1536xf32, #tpu.memory_space<hbm>> -> memref<1x1536xf32, #tpu.memory_space<hbm>>
        %dma_start3A_88 = tpu.memref_squeeze %dma_start3A_87 : memref<1x1536xf32, #tpu.memory_space<hbm>> -> memref<1536xf32, #tpu.memory_space<hbm>>
        %dma_start3A_89 = arith.constant 0 : i32
        %dma_start3A_90 = tpu.memref_slice %arg3[%add3A, %dma_start3A_89] : memref<16x1536xf32, #tpu.memory_space<hbm>> -> memref<1x1536xf32, #tpu.memory_space<hbm>>
        %dma_start3A_91 = tpu.memref_squeeze %dma_start3A_90 : memref<1x1536xf32, #tpu.memory_space<hbm>> -> memref<1536xf32, #tpu.memory_space<hbm>>
        tpu.enqueue_dma source(%arg8 : memref<1536xf32, #tpu.memory_space<vmem>>) target(%dma_start3A_91 : memref<1536xf32, #tpu.memory_space<hbm>>) target_semaphore(%run_scoped3A : memref<!tpu.dma_semaphore, #tpu.memory_space<semaphore_mem>>)
        %dma_wait3A = arith.constant 0 : i32
        %dma_wait3A_92 = tpu.memref_slice %arg3[%add3A, %dma_wait3A] : memref<16x1536xf32, #tpu.memory_space<hbm>> -> memref<1x1536xf32, #tpu.memory_space<hbm>>
        %dma_wait3A_93 = tpu.memref_squeeze %dma_wait3A_92 : memref<1x1536xf32, #tpu.memory_space<hbm>> -> memref<1536xf32, #tpu.memory_space<hbm>>
        %dma_wait3A_94 = arith.constant 0 : i32
        %dma_wait3A_95 = tpu.memref_slice %arg3[%add3A, %dma_wait3A_94] : memref<16x1536xf32, #tpu.memory_space<hbm>> -> memref<1x1536xf32, #tpu.memory_space<hbm>>
        %dma_wait3A_96 = tpu.memref_squeeze %dma_wait3A_95 : memref<1x1536xf32, #tpu.memory_space<hbm>> -> memref<1536xf32, #tpu.memory_space<hbm>>
        tpu.wait_dma2 semaphore(%run_scoped3A : memref<!tpu.dma_semaphore, #tpu.memory_space<semaphore_mem>>) src(%arg8 : memref<1536xf32, #tpu.memory_space<vmem>>) dst(%dma_wait3A_96 : memref<1536xf32, #tpu.memory_space<hbm>>)
        tpu.yield
      }) : () -> ()
    } else {
    }
    return
  }
}

</mosaic_0001>

<sc_bundles>
// kernel: kernel.3.cloned.1.call-start
scs
__scs_entry_jumppad:
0x0: {  	(pc) =	sbr.rel $0x88, $3  }
0x1: {  	(tag) =	ssettag $0x0;
	lr =	simm.s32 $0x1  }
0x2: {  	[smem:$0x3FA0] =	sst lr;
	_ =	strace $0xD0000000  }
0x3: {  	_ = 	snop  }
0x4: {  	_ = 	snop  }
0x5: {  	_ = 	snop  }
0x6: {  	_ = 	snop  }
0x7: {  	_ = 	snop  }
__scs_overlays_trampoline_lowered:
0x8: {  	[smem:$0x3FAF] =	sst s0  }
0x9: {  	[smem:$0x3FB0] =	sst s1  }
0xa: {  	[smem:$0x3FB1] =	sst s2  }
0xb: {  	[smem:$0x3FB2] =	sst s3  }
0xc: {  	[smem:$0x3FB3] =	sst s4  }
0xd: {  	[smem:$0x3FB4] =	sst s5  }
0xe: {  	[smem:$0x3FB5] =	sst s6  }
0xf: {  	[smem:$0x3FB6] =	sst s7  }
0x10: {  	[smem:$0x3FB7] =	sst s8  }
0x11: {  	[smem:$0x3FB8] =	sst s9;
	s0 =	simm.s32 @!p0 $0x0  }
0x12: {  	s1 =	sld [smem:$0x3F9E];
	s0 =	simm.s32 @p0 $0x1  }
0x13: {  	[smem:$0x3FB9] =	sst s0;
	s0 =	simm.s32 @!p1 $0x0  }
0x14: {  	s2 =	sld [smem:$0x3F9D];
	s0 =	simm.s32 @p1 $0x1  }
0x15: {  	[smem:$0x3FBA] =	sst s0;
	s0 =	simm.s32 @!p2 $0x0  }
0x16: {  	s3 =	sld [smem:$0x3FDB];
	s0 =	simm.s32 @p2 $0x1  }
0x17: {  	s4 =	simm.s32 $0x1BF5;
	[smem:$0x3FBC] =	sst s0  }
0x18: {  	s0 =	sld [smem:$0x3F9F];
	_ =	swait.ge [sflag:s4], $0x0  }
0x19: {  	s7 =	sld [smem:$0x3FA0]  }
0x1a: {  	s8 =	sadd.s32 $0xFFFFE003, lr  }
0x1b: {  	s9 =	sadd.s32 $0xFFFFFEF7, lr;
	s5 =	simm.s32 $0xFFFFFFFF;
	p2 =	slt.u32 s8, $0xFFFFF086  }
0x1c: {  	p1 =	slt.u32 s9, $0xF7A;
	s5 =	simm.s32 @!p2 $0x0  }
0x1d: {  	s5 =	simm.s32 @p1 $0x1;
	p0 =	seq.s32 s7, s2  }
0x1e: {  	s7 =	smul.u32 @!p0 $0xF7A, s2;
	p2 =	seq.s32 @!p0 s5, $0x0  }
0x1f: {  	s9 =	smul.u32 $0xF7A, s1;
	s8 =	simm.s32 @!p0 $0x1BF5;
	p2 =	por !p2, p0  }
0x20: {  	[sflag:s8] =	ssyncset.s32 @!p0 $0xFFFFF086;
	s6 =	sadd.s32 @!p0 s3, s7;
	s7 =	simm.s32 @!p0 $0x108  }
0x21: {  	s3 =	sadd.s32 s3, s9;
	s6 =	sadd.s32 @!p0 $0x88, s6;
	s7 =	simm.s32 @p2 $0x1082  }
0x22: {  	[simem:s7], [sflag:s8] =	dma.local @!p0 [hbm:s6], $0xF7A  }
0x23: {  	s9 =	sor.u32 $0xD0000000, s2;
	s6 =	simm.s32 $0x108;
	_ =	swait.ge @!p0 [sflag:s8], $0x0  }
0x24: {  	s3 =	sadd.s32 $0x88, s3;
	s6 =	simm.s32 @!p1 $0x1082;
	[sflag:s4] =	ssyncset.s32 $0xFFFFF086  }
0x25: {  	[simem:s6], [sflag:s4] =	dma.local [hbm:s3], $0xF7A  }
0x26: {  	[smem:$0x3FA0] =	sst s1;
	(tag) =	ssettag s2;
	_ =	strace s9  }
0x27: {  	s1 =	sld [smem:$0x3FB0]  }
0x28: {  	s2 =	sld [smem:$0x3FB1]  }
0x29: {  	s4 =	sld [smem:$0x3FB3]  }
0x2a: {  	p0 =	seq.s32 s5, $0x0;
	s5 =	sld [smem:$0x3FB4]  }
0x2b: {  	s6 =	sld [smem:$0x3FB5]  }
0x2c: {  	s7 =	sld [smem:$0x3FB6]  }
0x2d: {  	s3 =	simm.s32 $0x108;
	s8 =	sld [smem:$0x3FB7]  }
0x2e: {  	s3 =	simm.s32 @!p0 $0x1082;
	s9 =	sld [smem:$0x3FB8]  }
0x2f: {  	lr =	sadd.s32 s0, s3;
	s0 =	sld [smem:$0x3FAF]  }
0x30: {  	s3 =	sld [smem:$0x3FB2]  }
0x31: {  	[smem:$0x3FBB] =	sst s10  }
0x32: {  	s10 =	sld [smem:$0x3FB9];
	_ =	sdelay $0x3  }
0x33: {  	p0 =	seq.s32 s10, $0x1;
	s10 =	sld [smem:$0x3FBB];
	_ =	sdelay $0x3  }
0x34: {  	[smem:$0x3FBB] =	sst s10  }
0x35: {  	s10 =	sld [smem:$0x3FBA];
	_ =	sdelay $0x3  }
0x36: {  	p1 =	seq.s32 s10, $0x1;
	s10 =	sld [smem:$0x3FBB];
	_ =	sdelay $0x3  }
0x37: {  	[smem:$0x3FBB] =	sst s10  }
0x38: {  	s10 =	sld [smem:$0x3FBC]  }
0x39: {  	_ = 	snop;
	(pc) =	sbr.ind lr, $3  }
0x3a: {  	_ = 	snop  }
0x3b: {  	_ = 	snop  }
0x3c: {  	p2 =	seq.s32 s10, $0x1;
	s10 =	sld [smem:$0x3FBB]  }
0x3d: {  	_ =	shalt  }
0x3e: {  	_ =	shalt  }
0x3f: {  	_ =	shalt  }
0x40: {  	_ =	shalt  }
0x41: {  	_ =	shalt  }
0x42: {  	_ =	shalt  }
0x43: {  	_ =	shalt  }
0x44: {  	_ =	shalt  }
0x45: {  	_ =	shalt  }
0x46: {  	_ =	shalt  }
0x47: {  	_ =	shalt  }
0x48: {  	_ =	shalt  }
0x49: {  	_ =	shalt  }
0x4a: {  	_ =	shalt  }
0x4b: {  	_ =	shalt  }
0x4c: {  	_ =	shalt  }
0x4d: {  	_ =	shalt  }
0x4e: {  	_ =	shalt  }
0x4f: {  	_ =	shalt  }
0x50: {  	_ =	shalt  }
0x51: {  	_ =	shalt  }
0x52: {  	_ =	shalt  }
0x53: {  	_ =	shalt  }
0x54: {  	_ =	shalt  }
0x55: {  	_ =	shalt  }
0x56: {  	_ =	shalt  }
0x57: {  	_ =	shalt  }
0x58: {  	_ =	shalt  }
0x59: {  	_ =	shalt  }
0x5a: {  	_ =	shalt  }
0x5b: {  	_ =	shalt  }
0x5c: {  	_ =	shalt  }
0x5d: {  	_ =	shalt  }
0x5e: {  	_ =	shalt  }
0x5f: {  	_ =	shalt  }
0x60: {  	_ =	shalt  }
0x61: {  	_ =	shalt  }
0x62: {  	_ =	shalt  }
0x63: {  	_ =	shalt  }
0x64: {  	_ =	shalt  }
0x65: {  	_ =	shalt  }
0x66: {  	_ =	shalt  }
0x67: {  	_ =	shalt  }
0x68: {  	_ =	shalt  }
0x69: {  	_ =	shalt  }
0x6a: {  	_ =	shalt  }
0x6b: {  	_ =	shalt  }
0x6c: {  	_ =	shalt  }
0x6d: {  	_ =	shalt  }
0x6e: {  	_ =	shalt  }
0x6f: {  	_ =	shalt  }
0x70: {  	_ =	shalt  }
0x71: {  	_ =	shalt  }
0x72: {  	_ =	shalt  }
0x73: {  	_ =	shalt  }
0x74: {  	_ =	shalt  }
0x75: {  	_ =	shalt  }
0x76: {  	_ =	shalt  }
0x77: {  	_ =	shalt  }
0x78: {  	_ =	shalt  }
0x79: {  	_ =	shalt  }
0x7a: {  	_ =	shalt  }
0x7b: {  	_ =	shalt  }
0x7c: {  	_ =	shalt  }
0x7d: {  	_ =	shalt  }
0x7e: {  	_ =	shalt  }
0x7f: {  	_ =	shalt  }
0x80: {  	_ =	shalt  }
0x81: {  	_ =	shalt  }
0x82: {  	_ =	shalt  }
0x83: {  	_ =	shalt  }
0x84: {  	_ =	shalt  }
0x85: {  	_ =	shalt  }
0x86: {  	_ =	shalt  }
0x87: {  	_ =	shalt  }
.Lfunc_end0:
.L_simem_size_0:
called_computation_lowered:
.L_overlay_start_0:
0x88: {  	s2 =	sld [smem:$0x3FD9]  }
0x89: {  	s3 =	sld [smem:$0x3FFE];
	_ =	sdelay $0x1  }
0x8a: {  	s1 =	srdreg.scid  }
0x8b: {  	s0 =	sand.u32 $0x1, s1  }
0x8c: {  	s18 =	sshll.u32 s0, $0xA;
	s2 =	sadd.s32 s3, s2  }
0x8d: {  	s2 =	sadd.s32 s2, s18  }
0x8e: {  	[smem:$0x3FC7] =	sst s2  }
0x8f: {  	_ = 	snop  }
0x90: {  	s2 =	sld [smem:$0x3FC9]  }
0x91: {  	s19 =	sld [smem:$0x3FD0];
	(tm) =	ssettm $0x1  }
0x92: {  	s4 =	sld [smem:$0x3FFB];
	_ =	sdelay $0x3  }
0x93: {  	_ =	strace s4  }
0x94: {  	s4 =	sld [smem:$0x3FFC];
	_ =	sdelay $0x3  }
0x95: {  	_ =	strace s4  }
0x96: {  	s4 =	sld [smem:$0x3FFD];
	_ =	sdelay $0x3  }
0x97: {  	_ =	strace s4  }
0x98: {  	_ =	strace $0x8FFFFFFF  }
0x99: {  	s20 =	sld [smem:$0x3FDB];
	_ =	sdelay $0x1  }
0x9a: {  	s5 =	simm.s32 $_scs_section_size  }
0x9b: {  	s6 =	simm.s32 $_size__tile_overlayer_lowered;
	s7 =	simm.s32 $_tile_overlayer_lowered  }
0x9c: {  	s23 =	simm.s32 $0x1BFF;
	s22 =	sshll.u32 s7, $0x1;
	s4 =	sadd.s32 s5, s20  }
0x9d: {  	s8 =	simm.s32 $0x0;
	s21 =	sshll.u32 s6, $0x1;
	s6 =	sadd.s32 s22, s4  }
0x9e: {  	[timem:s8], [sflag:s23] =	dma.local [hbm:s6], s21  }
0x9f: {  	_ =	swait.ge [sflag:s23], s21  }
0xa0: {  	s5 =	ssub.s32 $0x0, s21;
	[sflag:s23] =	ssyncset.done $0x0  }
0xa1: {  	[sflag:s23] =	ssyncadd.s32 s5;
	_ =	sdelay $0x1  }
0xa2: {  	s24 =	simm.s32 $0x1B8B  }
0xa3: {  	_ =	swait.ge [sflag:s24], $0x1  }
0xa4: {  	[sflag:s24] =	ssyncset.done $0x0  }
0xa5: {  	s25 =	simm.s32 $0x1B8E;
	[sflag:s24] =	ssyncadd.s32 $0xFFFFFFFF  }
0xa6: {  	s26 =	simm.s32 $execute0_lowered;
	[smem:$0x3FD2] =	sst s25  }
0xa7: {  	s5 =	sshll.u32 s26, $0x1;
	_ =	strace $0x80000046;
	[dreg:$0x1] =	wrdreg $0xFFFFFFFF  }
0xa8: {  	s28 =	simm.s32 $_size_execute0_lowered;
	s4 =	sadd.s32 s4, s5;
	[dreg:$0x0] =	wrdreg $0x0  }
0xa9: {  	s5 =	sshll.u32 s28, $0x1;
	[dreg:$0x2] =	wrdreg s4  }
0xaa: {  	[dreg:$0x3] =	wrdreg s5  }
0xab: {  	[dreg:$0x4] =	wrdreg $0xC0  }
0xac: {  	_ =	task [dreg:s8], $0x5FFFF  }
0xad: {  	[dreg:$0x1] =	wrdreg $0xFFFFFFFF  }
0xae: {  	[dreg:$0x0] =	wrdreg $0x60  }
0xaf: {  	[dreg:$0x2] =	wrdreg s2  }
0xb0: {  	[dreg:$0x3] =	wrdreg s19  }
0xb1: {  	[dreg:$0x4] =	wrdreg $0x116000  }
0xb2: {  	[dreg:$0x5] =	wrdreg $0x9  }
0xb3: {  	_ =	task.clear_ibuf [dreg:s8], $0x6FFFF;
	_ =	strace $0x90000046  }
0xb4: {  	s29 =	simm.s32 $0x9;
	_ =	strace $0x80000048  }
0xb5: {  	_ =	swait.ge [sflag:s29], $0x1  }
0xb6: {  	[sflag:s29] =	ssyncadd.s32 $0xFFFFFFFF  }
0xb7: {  	_ =	strace $0x90000048  }
0xb8: {  	_ =	sfence  }
0xb9: {  	s30 =	sld [smem:$0x0];
	_ =	sdelay $0x2  }
0xba: {  	s31 =	sshll.u32 s1, $0xD;
	s1 =	sshrl.u32 s1, $0x2  }
0xbb: {  	s3 =	sand.u32 $0x4000, s31;
	s1 =	sadd.s32 s1, s30  }
0xbc: {  	s0 =	sor.u32 s3, s0;
	s1 =	sshll.u32 s1, $0x11  }
0xbd: {  	s0 =	sor.u32 s1, s0  }
0xbe: {  	s0 =	sadd.s32 $0x8F2B, s0  }
0xbf: {  	[sflag:s0] =	ssyncadd.remote.s32 $0x1  }
0xc0: {  	_ =	sfence.sel $0xFFFF  }
0xc1: {  	[dreg:$0x0] =	wrdreg $0xFFFFFFFF;
	(pc) =	sbr.abs _section_cstart, $3  }
0xc2: {  	[dreg:$0x1] =	wrdreg $0xFFFFFFFF  }
0xc3: {  	_ =	task.clear_ibuf [dreg:s8], $0x2FFFF;
	_ =	strace $0x9FFFFFFF  }
0xc4: {  	(tm) =	ssettm $0x7FFFFFFF  }
0xc5: {  	_ =	shalt  }
tec
execute0_lowered:
.L_overlay_start_1:
0x0: {  	(tag) =	ssettag $0x1  }
0x1: {  	s1 =	rddreg [dreg:$0x0]  }
0x2: {  	s0 =	srdreg.scid;
	s10 =	rddreg [dreg:$0x1]  }
0x3: {  	s13 =	stileid.u32;
	s11 =	rddreg [dreg:$0x2]  }
0x4: {  	s14 =	simm.s32 $0x10000;
	s15 =	simm.s32 $0x2;
	s16 =	simm.s32 $0x80  }
0x5: {  	s17 =	simm.s32 $0x400;
	s18 =	simm.s32 $0x3;
	s21 =	simm.s32 $0x0  }
0x6: {  	s0 =	sand.u32 $0x1, s0;
	s8 =	sshrl.u32 s13, $0x1;
	s9 =	sand.u32 $0x1, s13  }
0x7: {  	s28 =	sshll.u32 s13, $0xB;
	s13 =	sshll.u32 s13, $0x7;
	s2 =	sshll.u32 s0, $0x3  }
0x8: {  	s4 =	smul.u32 $0x60000, s9;
	s5 =	sshll.u32 s9, $0x11;
	s6 =	ssub.s32 $0x2, s0  }
0x9: {  	s0 =	smul.u32 $0x3000, s0;
	s29 =	sand.u32 $0x300, s13;
	s2 =	sor.u32 s8, s2  }
0xa: {  	s30 =	sand.u32 $0x380, s13;
	s13 =	simm.s32 $0x1;
	s3 =	smul.u32 $0xC0000, s2  }
0xb: {  	p0 =	sne.s32 s9, $0x0;
	s26 =	sshrl.u32 s6, $0x1;
	s25 =	sand.u32 $0x40000, s4  }
0xc: {  	s8 =	sshll.u32 s8, $0x7;
	s4 =	simm.s32 $0x0;
	s2 =	sadd.s32 s25, s3  }
0xd: {  	v0 =	vimm.f32 $0.0e+00;
	s12 =	ssub.s32 s6, s26;
	s0 =	sor.u32 s0, s8;
	s2 =	sor.u32 s5, s2  }
0xe: {  	v1 =	vlaneseq.u32;
	v2 =	vimm.f32 $1.000000000e+00;
	vm0 =	vcmask $0x700;
	[smem:$0x7FF] =	sst s4;
	s0 =	sshrl.u32 s0, $0x3;
	s2 =	sshrl.u32 s2, $0x3  }
.Ltmp0:
0xf: {  	vm11 =	vcmask $0x1710;
	vm1 =	vcmask $0xF08;
	vm12 =	vcmask $0x1F18;
	s6 =	sadd.s32 s1, s2;
	s2 =	sand.u32 $0x4000, s28;
	(pc) =	sbr.rel .LBB2_1-.Ltmp0, $4  }
0x10: {  	vm13 =	vcmask $0x2720;
	vm14 =	vcmask $0x2700;
	vm15 =	vcmask $0x3730;
	_ =	strace $0x80000047;
	s0 =	sadd.s32 s10, s0;
	s2 =	sadd.s32 s2, s11  }
0x11: {  	v3 =	vsel vm0, $0x3F800000, v0;
	v4 =	vsel vm1, $0x3F800000, v0;
	v6 =	vsel vm13, $0x3F800000, v0;
	s5 =	smul.u32 $0xC, s9;
	[dreg:$0x5] =	wrdreg s0;
	s11 =	sadd.s32 s29, s2  }
0x12: {  	v7 =	vsel vm14, $0x0, v2;
	v5 =	vor.u32 $0x200, v1;
	v3 =	vsel vm11, $0x3F800000, v3;
	s7 =	sadd.s32 $0x1000, s6;
	s8 =	sadd.s32 s30, s2;
	s31 =	sadd.s32 $0x80, s11  }
0x13: {  	v4 =	vsel vm12, $0x3F800000, v4;
	v6 =	vsel vm15, $0x3F800000, v6;
	v7 =	vsel vm15, $0x0, v7;
	s11 =	smax.u32 s12, $0x1;
	s12 =	simm.s32 $0x8000;
	[dreg:$0x4] =	wrdreg s31  }
.LBB2_14:
0x14: {  	s21 =	sadd.s32 $0x1, s21  }
0x15: {  	p1 =	sne.s32 s21, s11  }
.Ltmp1:
0x16: {  	_ = 	snop;
	(pc) =	sbr.rel @!p1 .LBB2_15-.Ltmp1, $1  }
0x17: {  	_ =	sdelay $0x3  }
.LBB2_1:
0x18: {  	s0 =	simm.s32 $0x40;
	s2 =	simm.s32 $0x0  }
.LBB2_2:
0x19: {  	p1 =	sne.s32 s0, $0x1FC0;
	[tilespmem:s2+$0x10000] =	vst v0;
	s2 =	smov.u32 s0;
	s0 =	sadd.s32 $0x40, s0  }
.Ltmp2:
0x1a: {  	(pc) =	sbr.rel @p1 .LBB2_2-.Ltmp2, $2  }
0x1b: {  	_ =	sdelay $0x2  }
0x1c: {  	s2 =	sshra.s32 s2, $0x2  }
0x1d: {  	[tilespmem:s2+$0x10000] =	vst v0;
	s22 =	simm.s32 $0x0  }
0x1e: {  	[tilespmem:s22], [sflag:$0x1] =	stream.linear.gather [hbm4b:s6+s22], $0x8000, $0x38;
	[tilespmem:$0x11E00] =	vst v63  }
0x1f: {  	s23 =	simm.s32 $0x0  }
0x20: {  	[tilespmem:s12], [sflag:$0x2] =	stream.linear.gather [hbm4b:s7+s22], $0x8000, $0x38;
	[tilespmem:$0x11E00] =	vst v63  }
.LBB2_4:
0x21: {  	_ =	swait.ge [sflag:s13], $0x8000  }
0x22: {  	s0 =	sand.u32 $0x7000, s22;
	s2 =	sand.u32 $0x380, s22;
	[sflag:s13] =	ssyncset.done $0x0  }
0x23: {  	s31 =	sor.u32 s2, s0;
	[sflag:s13] =	ssyncadd.s32 $0xFFFF8000  }
0x24: {  	v8 =	vld [tilespmem:s31+$0x0];
	_ =	sdelay $0x4  }
0x25: {  	v8 =	vmul.f32 $3.199999810e+01, v8  }
0x26: {  	s19 =	sshll.u32 s23, $0x1  }
0x27: {  	s24 =	sadd.s32 s5, s19;
	v8 =	vtrunc.f32 v8  }
0x28: {  	s0 =	sshll.u32 s24, $0x8;
	v8 =	vcvt.f32.s32 v8  }
0x29: {  	s2 =	sand.u32 $0x400, s0  }
0x2a: {  	v9 =	vor.u32 s2, v1;
	v8 =	vshll.u32 v8, $0x4  }
0x2b: {  	v8 =	vadd.s32 v9, v8;
	_ =	sdelay $0x4  }
0x2c: {  	[tilespmem:v8+s14+$0x0] =	vst.idx.add.f32.msk $0xffff, v2  }
0x2d: {  	v8 =	vld [tilespmem:s31+$0x10];
	_ =	sdelay $0x4  }
0x2e: {  	v8 =	vmul.f32 $3.199999810e+01, v8;
	_ =	sdelay $0x1  }
0x2f: {  	v8 =	vtrunc.f32 v8  }
0x30: {  	v8 =	vcvt.f32.s32 v8;
	_ =	sdelay $0x1  }
0x31: {  	v8 =	vshll.u32 v8, $0x4  }
0x32: {  	v8 =	vadd.s32 v9, v8;
	_ =	sdelay $0x4  }
0x33: {  	[tilespmem:v8+s14+$0x0] =	vst.idx.add.f32.msk $0xffff, v2  }
0x34: {  	v8 =	vld [tilespmem:s31+$0x20];
	_ =	sdelay $0x4  }
0x35: {  	v8 =	vmul.f32 $3.199999810e+01, v8;
	_ =	sdelay $0x1  }
0x36: {  	v8 =	vtrunc.f32 v8  }
0x37: {  	v8 =	vcvt.f32.s32 v8;
	_ =	sdelay $0x1  }
0x38: {  	v8 =	vshll.u32 v8, $0x4  }
0x39: {  	v8 =	vadd.s32 v9, v8;
	_ =	sdelay $0x4  }
0x3a: {  	[tilespmem:v8+s14+$0x0] =	vst.idx.add.f32.msk $0xffff, v2  }
0x3b: {  	v8 =	vld [tilespmem:s31+$0x30];
	_ =	sdelay $0x4  }
0x3c: {  	v8 =	vmul.f32 $3.199999810e+01, v8;
	_ =	sdelay $0x1  }
0x3d: {  	v8 =	vtrunc.f32 v8  }
0x3e: {  	v8 =	vcvt.f32.s32 v8;
	_ =	sdelay $0x1  }
0x3f: {  	v8 =	vshll.u32 v8, $0x4  }
0x40: {  	v8 =	vadd.s32 v9, v8  }
0x41: {  	s20 =	simm.s32 $0x200;
	s9 =	simm.s32 $0x80  }
0x42: {  	s9 =	sand.u32 $0x380, s9;
	s0 =	sand.u32 $0x7000, s20  }
0x43: {  	s0 =	sor.u32 s9, s0  }
0x44: {  	v10 =	vld [tilespmem:s0+$0x0]  }
0x45: {  	[tilespmem:v8+s14+$0x0] =	vst.idx.add.f32.msk $0xffff, v2  }
0x46: {  	v8 =	vld [tilespmem:s31+$0x40];
	_ =	sdelay $0x2  }
0x47: {  	v10 =	vmul.f32 $3.199999810e+01, v10;
	_ =	sdelay $0x1  }
0x48: {  	v10 =	vtrunc.f32 v10;
	v8 =	vmul.f32 $3.199999810e+01, v8  }
0x49: {  	v10 =	vcvt.f32.s32 v10  }
0x4a: {  	v8 =	vtrunc.f32 v8  }
0x4b: {  	v10 =	vshll.u32 v10, $0x4;
	v8 =	vcvt.f32.s32 v8  }
0x4c: {  	v10 =	vadd.s32 v9, v10  }
0x4d: {  	v8 =	vshll.u32 v8, $0x4  }
0x4e: {  	v8 =	vadd.s32 v9, v8;
	_ =	sdelay $0x2  }
0x4f: {  	[tilespmem:v10+s14+$0x0] =	vst.idx.add.f32.msk $0xffff, v2  }
0x50: {  	v10 =	vld [tilespmem:s0+$0x10]  }
0x51: {  	[tilespmem:v8+s14+$0x0] =	vst.idx.add.f32.msk $0xffff, v2  }
0x52: {  	v8 =	vld [tilespmem:s31+$0x50];
	_ =	sdelay $0x2  }
0x53: {  	v10 =	vmul.f32 $3.199999810e+01, v10;
	_ =	sdelay $0x1  }
0x54: {  	v10 =	vtrunc.f32 v10;
	v8 =	vmul.f32 $3.199999810e+01, v8  }
0x55: {  	v10 =	vcvt.f32.s32 v10  }
0x56: {  	v8 =	vtrunc.f32 v8  }
0x57: {  	v10 =	vshll.u32 v10, $0x4;
	v8 =	vcvt.f32.s32 v8  }
0x58: {  	v10 =	vadd.s32 v9, v10  }
0x59: {  	v8 =	vshll.u32 v8, $0x4  }
0x5a: {  	v8 =	vadd.s32 v9, v8;
	_ =	sdelay $0x2  }
0x5b: {  	[tilespmem:v10+s14+$0x0] =	vst.idx.add.f32.msk $0xffff, v2  }
0x5c: {  	v10 =	vld [tilespmem:s0+$0x20]  }
0x5d: {  	[tilespmem:v8+s14+$0x0] =	vst.idx.add.f32.msk $0xffff, v2  }
0x5e: {  	v8 =	vld [tilespmem:s31+$0x60];
	_ =	sdelay $0x2  }
0x5f: {  	v10 =	vmul.f32 $3.199999810e+01, v10;
	_ =	sdelay $0x1  }
0x60: {  	v10 =	vtrunc.f32 v10;
	v8 =	vmul.f32 $3.199999810e+01, v8  }
0x61: {  	v10 =	vcvt.f32.s32 v10  }
0x62: {  	v8 =	vtrunc.f32 v8  }
0x63: {  	v10 =	vshll.u32 v10, $0x4;
	v8 =	vcvt.f32.s32 v8  }
0x64: {  	v10 =	vadd.s32 v9, v10  }
0x65: {  	v8 =	vshll.u32 v8, $0x4  }
0x66: {  	v8 =	vadd.s32 v9, v8;
	_ =	sdelay $0x2  }
0x67: {  	[tilespmem:v10+s14+$0x0] =	vst.idx.add.f32.msk $0xffff, v2  }
0x68: {  	v10 =	vld [tilespmem:s0+$0x30]  }
0x69: {  	[tilespmem:v8+s14+$0x0] =	vst.idx.add.f32.msk $0xffff, v2  }
0x6a: {  	v8 =	vld [tilespmem:s31+$0x70];
	_ =	sdelay $0x2  }
0x6b: {  	v10 =	vmul.f32 $3.199999810e+01, v10;
	_ =	sdelay $0x1  }
0x6c: {  	v10 =	vtrunc.f32 v10;
	v8 =	vmul.f32 $3.199999810e+01, v8  }
0x6d: {  	v10 =	vcvt.f32.s32 v10  }
0x6e: {  	v8 =	vtrunc.f32 v8  }
0x6f: {  	v10 =	vshll.u32 v10, $0x4;
	v8 =	vcvt.f32.s32 v8  }
0x70: {  	v10 =	vadd.s32 v9, v10  }
0x71: {  	s25 =	simm.s32 $0x400;
	s19 =	simm.s32 $0x100;
	v8 =	vshll.u32 v8, $0x4  }
0x72: {  	s19 =	sand.u32 $0x380, s19;
	s9 =	sand.u32 $0x7000, s25;
	v8 =	vadd.s32 v9, v8  }
0x73: {  	s25 =	sor.u32 s19, s9  }
0x74: {  	v11 =	vld [tilespmem:s25+$0x0]  }
0x75: {  	[tilespmem:v10+s14+$0x0] =	vst.idx.add.f32.msk $0xffff, v2  }
0x76: {  	v10 =	vld [tilespmem:s0+$0x40]  }
0x77: {  	[tilespmem:v8+s14+$0x0] =	vst.idx.add.f32.msk $0xffff, v2  }
0x78: {  	v8 =	vld [tilespmem:s31+$0x400]  }
0x79: {  	v11 =	vmul.f32 $3.199999810e+01, v11;
	_ =	sdelay $0x1  }
0x7a: {  	v11 =	vtrunc.f32 v11;
	v10 =	vmul.f32 $3.199999810e+01, v10  }
0x7b: {  	v11 =	vcvt.f32.s32 v11  }
0x7c: {  	v10 =	vtrunc.f32 v10;
	v8 =	vmul.f32 $3.199999810e+01, v8  }
0x7d: {  	v11 =	vshll.u32 v11, $0x4;
	v10 =	vcvt.f32.s32 v10  }
0x7e: {  	v11 =	vadd.s32 v9, v11;
	v8 =	vtrunc.f32 v8  }
0x7f: {  	v10 =	vshll.u32 v10, $0x4;
	v8 =	vcvt.f32.s32 v8  }
0x80: {  	v10 =	vadd.s32 v9, v10  }
0x81: {  	v8 =	vshll.u32 v8, $0x4  }
0x82: {  	v8 =	vadd.s32 v9, v8  }
0x83: {  	[tilespmem:v11+s14+$0x0] =	vst.idx.add.f32.msk $0xffff, v2  }
0x84: {  	v11 =	vld [tilespmem:s25+$0x10]  }
0x85: {  	[tilespmem:v10+s14+$0x0] =	vst.idx.add.f32.msk $0xffff, v2  }
0x86: {  	v10 =	vld [tilespmem:s0+$0x50]  }
0x87: {  	[tilespmem:v8+s14+$0x0] =	vst.idx.add.f32.msk $0xffff, v2  }
0x88: {  	v8 =	vld [tilespmem:s31+$0x410]  }
0x89: {  	v11 =	vmul.f32 $3.199999810e+01, v11;
	_ =	sdelay $0x1  }
0x8a: {  	v11 =	vtrunc.f32 v11;
	v10 =	vmul.f32 $3.199999810e+01, v10  }
0x8b: {  	v11 =	vcvt.f32.s32 v11  }
0x8c: {  	v10 =	vtrunc.f32 v10;
	v8 =	vmul.f32 $3.199999810e+01, v8  }
0x8d: {  	v11 =	vshll.u32 v11, $0x4;
	v10 =	vcvt.f32.s32 v10  }
0x8e: {  	v11 =	vadd.s32 v9, v11;
	v8 =	vtrunc.f32 v8  }
0x8f: {  	v10 =	vshll.u32 v10, $0x4;
	v8 =	vcvt.f32.s32 v8  }
0x90: {  	v10 =	vadd.s32 v9, v10  }
0x91: {  	v8 =	vshll.u32 v8, $0x4  }
0x92: {  	v8 =	vadd.s32 v9, v8  }
0x93: {  	[tilespmem:v11+s14+$0x0] =	vst.idx.add.f32.msk $0xffff, v2  }
0x94: {  	v11 =	vld [tilespmem:s25+$0x20]  }
0x95: {  	[tilespmem:v10+s14+$0x0] =	vst.idx.add.f32.msk $0xffff, v2  }
0x96: {  	v10 =	vld [tilespmem:s0+$0x60]  }
0x97: {  	[tilespmem:v8+s14+$0x0] =	vst.idx.add.f32.msk $0xffff, v2  }
0x98: {  	v8 =	vld [tilespmem:s31+$0x420]  }
0x99: {  	v11 =	vmul.f32 $3.199999810e+01, v11;
	_ =	sdelay $0x1  }
0x9a: {  	v11 =	vtrunc.f32 v11;
	v10 =	vmul.f32 $3.199999810e+01, v10  }
0x9b: {  	v11 =	vcvt.f32.s32 v11  }
0x9c: {  	v10 =	vtrunc.f32 v10;
	v8 =	vmul.f32 $3.199999810e+01, v8  }
0x9d: {  	v11 =	vshll.u32 v11, $0x4;
	v10 =	vcvt.f32.s32 v10  }
0x9e: {  	v11 =	vadd.s32 v9, v11;
	v8 =	vtrunc.f32 v8  }
0x9f: {  	v10 =	vshll.u32 v10, $0x4;
	v8 =	vcvt.f32.s32 v8  }
0xa0: {  	v10 =	vadd.s32 v9, v10  }
0xa1: {  	v8 =	vshll.u32 v8, $0x4  }
0xa2: {  	v8 =	vadd.s32 v9, v8  }
0xa3: {  	[tilespmem:v11+s14+$0x0] =	vst.idx.add.f32.msk $0xffff, v2  }
0xa4: {  	v11 =	vld [tilespmem:s25+$0x30]  }
0xa5: {  	[tilespmem:v10+s14+$0x0] =	vst.idx.add.f32.msk $0xffff, v2  }
0xa6: {  	v10 =	vld [tilespmem:s0+$0x70]  }
0xa7: {  	[tilespmem:v8+s14+$0x0] =	vst.idx.add.f32.msk $0xffff, v2  }
0xa8: {  	v8 =	vld [tilespmem:s31+$0x430]  }
0xa9: {  	v11 =	vmul.f32 $3.199999810e+01, v11;
	_ =	sdelay $0x1  }
0xaa: {  	v11 =	vtrunc.f32 v11;
	v10 =	vmul.f32 $3.199999810e+01, v10  }
0xab: {  	v11 =	vcvt.f32.s32 v11  }
0xac: {  	v10 =	vtrunc.f32 v10;
	v8 =	vmul.f32 $3.199999810e+01, v8  }
0xad: {  	v11 =	vshll.u32 v11, $0x4;
	v10 =	vcvt.f32.s32 v10  }
0xae: {  	v11 =	vadd.s32 v9, v11;
	v8 =	vtrunc.f32 v8  }
0xaf: {  	s26 =	simm.s32 $0x600;
	s10 =	simm.s32 $0x180;
	v10 =	vshll.u32 v10, $0x4;
	v8 =	vcvt.f32.s32 v8  }
0xb0: {  	s9 =	sand.u32 $0x7000, s26;
	s19 =	sand.u32 $0x380, s10;
	v10 =	vadd.s32 v9, v10  }
0xb1: {  	s26 =	sor.u32 s19, s9;
	v8 =	vshll.u32 v8, $0x4  }
0xb2: {  	v12 =	vld [tilespmem:s26+$0x0];
	v8 =	vadd.s32 v9, v8  }
0xb3: {  	[tilespmem:v11+s14+$0x0] =	vst.idx.add.f32.msk $0xffff, v2  }
0xb4: {  	v11 =	vld [tilespmem:s25+$0x40]  }
0xb5: {  	[tilespmem:v10+s14+$0x0] =	vst.idx.add.f32.msk $0xffff, v2  }
0xb6: {  	v10 =	vld [tilespmem:s0+$0x400]  }
0xb7: {  	v12 =	vmul.f32 $3.199999810e+01, v12;
	[tilespmem:v8+s14+$0x0] =	vst.idx.add.f32.msk $0xffff, v2  }
0xb8: {  	v8 =	vld [tilespmem:s31+$0x440]  }
0xb9: {  	v12 =	vtrunc.f32 v12;
	v11 =	vmul.f32 $3.199999810e+01, v11  }
0xba: {  	v12 =	vcvt.f32.s32 v12  }
0xbb: {  	v11 =	vtrunc.f32 v11;
	v10 =	vmul.f32 $3.199999810e+01, v10  }
0xbc: {  	v12 =	vshll.u32 v12, $0x4;
	v11 =	vcvt.f32.s32 v11  }
0xbd: {  	v12 =	vadd.s32 v9, v12;
	v10 =	vtrunc.f32 v10;
	v8 =	vmul.f32 $3.199999810e+01, v8  }
0xbe: {  	v11 =	vshll.u32 v11, $0x4;
	v10 =	vcvt.f32.s32 v10  }
0xbf: {  	v11 =	vadd.s32 v9, v11;
	v8 =	vtrunc.f32 v8  }
0xc0: {  	v10 =	vshll.u32 v10, $0x4;
	v8 =	vcvt.f32.s32 v8  }
0xc1: {  	v10 =	vadd.s32 v9, v10  }
0xc2: {  	[tilespmem:v12+s14+$0x0] =	vst.idx.add.f32.msk $0xffff, v2;
	v8 =	vshll.u32 v8, $0x4  }
0xc3: {  	v12 =	vld [tilespmem:s26+$0x10];
	v8 =	vadd.s32 v9, v8  }
0xc4: {  	[tilespmem:v11+s14+$0x0] =	vst.idx.add.f32.msk $0xffff, v2  }
0xc5: {  	v11 =	vld [tilespmem:s25+$0x50]  }
0xc6: {  	[tilespmem:v10+s14+$0x0] =	vst.idx.add.f32.msk $0xffff, v2  }
0xc7: {  	v10 =	vld [tilespmem:s0+$0x410]  }
0xc8: {  	v12 =	vmul.f32 $3.199999810e+01, v12;
	[tilespmem:v8+s14+$0x0] =	vst.idx.add.f32.msk $0xffff, v2  }
0xc9: {  	v8 =	vld [tilespmem:s31+$0x450]  }
0xca: {  	v12 =	vtrunc.f32 v12;
	v11 =	vmul.f32 $3.199999810e+01, v11  }
0xcb: {  	v12 =	vcvt.f32.s32 v12  }
0xcc: {  	v11 =	vtrunc.f32 v11;
	v10 =	vmul.f32 $3.199999810e+01, v10  }
0xcd: {  	v12 =	vshll.u32 v12, $0x4;
	v11 =	vcvt.f32.s32 v11  }
0xce: {  	v12 =	vadd.s32 v9, v12;
	v10 =	vtrunc.f32 v10;
	v8 =	vmul.f32 $3.199999810e+01, v8  }
0xcf: {  	v11 =	vshll.u32 v11, $0x4;
	v10 =	vcvt.f32.s32 v10  }
0xd0: {  	v11 =	vadd.s32 v9, v11;
	v8 =	vtrunc.f32 v8  }
0xd1: {  	v10 =	vshll.u32 v10, $0x4;
	v8 =	vcvt.f32.s32 v8  }
0xd2: {  	v10 =	vadd.s32 v9, v10  }
0xd3: {  	[tilespmem:v12+s14+$0x0] =	vst.idx.add.f32.msk $0xffff, v2;
	v8 =	vshll.u32 v8, $0x4  }
0xd4: {  	v12 =	vld [tilespmem:s26+$0x20];
	v8 =	vadd.s32 v9, v8  }
0xd5: {  	[tilespmem:v11+s14+$0x0] =	vst.idx.add.f32.msk $0xffff, v2  }
0xd6: {  	v11 =	vld [tilespmem:s25+$0x60]  }
0xd7: {  	[tilespmem:v10+s14+$0x0] =	vst.idx.add.f32.msk $0xffff, v2  }
0xd8: {  	v10 =	vld [tilespmem:s0+$0x420]  }
0xd9: {  	v12 =	vmul.f32 $3.199999810e+01, v12;
	[tilespmem:v8+s14+$0x0] =	vst.idx.add.f32.msk $0xffff, v2  }
0xda: {  	v8 =	vld [tilespmem:s31+$0x460]  }
0xdb: {  	v12 =	vtrunc.f32 v12;
	v11 =	vmul.f32 $3.199999810e+01, v11  }
0xdc: {  	v12 =	vcvt.f32.s32 v12  }
0xdd: {  	v11 =	vtrunc.f32 v11;
	v10 =	vmul.f32 $3.199999810e+01, v10  }
0xde: {  	v12 =	vshll.u32 v12, $0x4;
	v11 =	vcvt.f32.s32 v11  }
0xdf: {  	v12 =	vadd.s32 v9, v12;
	v10 =	vtrunc.f32 v10;
	v8 =	vmul.f32 $3.199999810e+01, v8  }
0xe0: {  	v11 =	vshll.u32 v11, $0x4;
	v10 =	vcvt.f32.s32 v10  }
0xe1: {  	v11 =	vadd.s32 v9, v11;
	v8 =	vtrunc.f32 v8  }
0xe2: {  	v10 =	vshll.u32 v10, $0x4;
	v8 =	vcvt.f32.s32 v8  }
0xe3: {  	v10 =	vadd.s32 v9, v10  }
0xe4: {  	[tilespmem:v12+s14+$0x0] =	vst.idx.add.f32.msk $0xffff, v2;
	v8 =	vshll.u32 v8, $0x4  }
0xe5: {  	v12 =	vld [tilespmem:s26+$0x30];
	v8 =	vadd.s32 v9, v8  }
0xe6: {  	[tilespmem:v11+s14+$0x0] =	vst.idx.add.f32.msk $0xffff, v2  }
0xe7: {  	v11 =	vld [tilespmem:s25+$0x70]  }
0xe8: {  	[tilespmem:v10+s14+$0x0] =	vst.idx.add.f32.msk $0xffff, v2  }
0xe9: {  	v10 =	vld [tilespmem:s0+$0x430]  }
0xea: {  	v12 =	vmul.f32 $3.199999810e+01, v12;
	[tilespmem:v8+s14+$0x0] =	vst.idx.add.f32.msk $0xffff, v2  }
0xeb: {  	v8 =	vld [tilespmem:s31+$0x470]  }
0xec: {  	v12 =	vtrunc.f32 v12;
	v11 =	vmul.f32 $3.199999810e+01, v11  }
0xed: {  	v12 =	vcvt.f32.s32 v12  }
0xee: {  	v11 =	vtrunc.f32 v11;
	v10 =	vmul.f32 $3.199999810e+01, v10  }
0xef: {  	v12 =	vshll.u32 v12, $0x4;
	v11 =	vcvt.f32.s32 v11  }
0xf0: {  	v12 =	vadd.s32 v9, v12;
	v10 =	vtrunc.f32 v10;
	v8 =	vmul.f32 $3.199999810e+01, v8  }
0xf1: {  	s20 =	simm.s32 $0x200;
	s19 =	simm.s32 $0x800;
	v11 =	vshll.u32 v11, $0x4;
	v10 =	vcvt.f32.s32 v10  }
0xf2: {  	s9 =	sand.u32 $0x7000, s19;
	s19 =	sand.u32 $0x380, s20;
	v11 =	vadd.s32 v9, v11;
	v8 =	vtrunc.f32 v8  }
0xf3: {  	s28 =	sor.u32 s19, s9;
	v10 =	vshll.u32 v10, $0x4;
	v8 =	vcvt.f32.s32 v8  }
0xf4: {  	v13 =	vld [tilespmem:s28+$0x0];
	v10 =	vadd.s32 v9, v10  }
0xf5: {  	[tilespmem:v12+s14+$0x0] =	vst.idx.add.f32.msk $0xffff, v2;
	v8 =	vshll.u32 v8, $0x4  }
0xf6: {  	v12 =	vld [tilespmem:s26+$0x40];
	v8 =	vadd.s32 v9, v8  }
0xf7: {  	[tilespmem:v11+s14+$0x0] =	vst.idx.add.f32.msk $0xffff, v2  }
0xf8: {  	v11 =	vld [tilespmem:s25+$0x400]  }
0xf9: {  	v13 =	vmul.f32 $3.199999810e+01, v13;
	[tilespmem:v10+s14+$0x0] =	vst.idx.add.f32.msk $0xffff, v2  }
0xfa: {  	v10 =	vld [tilespmem:s0+$0x440]  }
0xfb: {  	v13 =	vtrunc.f32 v13;
	v12 =	vmul.f32 $3.199999810e+01, v12;
	[tilespmem:v8+s14+$0x0] =	vst.idx.add.f32.msk $0xffff, v2  }
0xfc: {  	v8 =	vcvt.f32.s32 v13;
	v13 =	vld [tilespmem:s31+$0x800]  }
0xfd: {  	v12 =	vtrunc.f32 v12;
	v11 =	vmul.f32 $3.199999810e+01, v11  }
0xfe: {  	v12 =	vcvt.f32.s32 v12;
	v8 =	vshll.u32 v8, $0x4  }
0xff: {  	v11 =	vtrunc.f32 v11;
	v10 =	vmul.f32 $3.199999810e+01, v10;
	v8 =	vadd.s32 v9, v8  }
0x100: {  	v12 =	vshll.u32 v12, $0x4;
	v11 =	vcvt.f32.s32 v11  }
0x101: {  	v12 =	vadd.s32 v9, v12;
	v10 =	vtrunc.f32 v10;
	v13 =	vmul.f32 $3.199999810e+01, v13  }
0x102: {  	v11 =	vshll.u32 v11, $0x4;
	v10 =	vcvt.f32.s32 v10  }
0x103: {  	v11 =	vadd.s32 v9, v11;
	v13 =	vtrunc.f32 v13  }
0x104: {  	[tilespmem:v8+s14+$0x0] =	vst.idx.add.f32.msk $0xffff, v2;
	v8 =	vshll.u32 v10, $0x4;
	v10 =	vcvt.f32.s32 v13  }
0x105: {  	v13 =	vld [tilespmem:s28+$0x10];
	v14 =	vadd.s32 v9, v8  }
0x106: {  	[tilespmem:v12+s14+$0x0] =	vst.idx.add.f32.msk $0xffff, v2;
	v8 =	vor.u32 s2, v5;
	v10 =	vshll.u32 v10, $0x4  }
0x107: {  	v12 =	vld [tilespmem:s26+$0x50];
	v10 =	vadd.s32 v8, v10  }
0x108: {  	[tilespmem:v11+s14+$0x0] =	vst.idx.add.f32.msk $0xffff, v2  }
0x109: {  	v11 =	vld [tilespmem:s25+$0x410]  }
0x10a: {  	v13 =	vmul.f32 $3.199999810e+01, v13;
	[tilespmem:v14+s14+$0x0] =	vst.idx.add.f32.msk $0xffff, v2  }
0x10b: {  	v14 =	vld [tilespmem:s0+$0x450]  }
0x10c: {  	v12 =	vmul.f32 $3.199999810e+01, v12;
	v13 =	vtrunc.f32 v13;
	[tilespmem:v10+s14+$0x0] =	vst.idx.add.f32.msk $0xffff, v2  }
0x10d: {  	v10 =	vcvt.f32.s32 v13;
	v13 =	vld [tilespmem:s31+$0x810]  }
0x10e: {  	v12 =	vtrunc.f32 v12;
	v11 =	vmul.f32 $3.199999810e+01, v11  }
0x10f: {  	v12 =	vcvt.f32.s32 v12;
	v10 =	vshll.u32 v10, $0x4  }
0x110: {  	v11 =	vtrunc.f32 v11;
	v10 =	vadd.s32 v9, v10;
	v14 =	vmul.f32 $3.199999810e+01, v14  }
0x111: {  	v12 =	vshll.u32 v12, $0x4;
	v11 =	vcvt.f32.s32 v11  }
0x112: {  	v12 =	vadd.s32 v9, v12;
	v14 =	vtrunc.f32 v14;
	v13 =	vmul.f32 $3.199999810e+01, v13  }
0x113: {  	v11 =	vshll.u32 v11, $0x4;
	v14 =	vcvt.f32.s32 v14  }
0x114: {  	v11 =	vadd.s32 v9, v11;
	v13 =	vtrunc.f32 v13  }
0x115: {  	[tilespmem:v10+s14+$0x0] =	vst.idx.add.f32.msk $0xffff, v2;
	v10 =	vshll.u32 v14, $0x4;
	v13 =	vcvt.f32.s32 v13  }
0x116: {  	v14 =	vld [tilespmem:s28+$0x20];
	v10 =	vadd.s32 v9, v10  }
0x117: {  	[tilespmem:v12+s14+$0x0] =	vst.idx.add.f32.msk $0xffff, v2;
	v12 =	vshll.u32 v13, $0x4  }
0x118: {  	v13 =	vld [tilespmem:s26+$0x60];
	v12 =	vadd.s32 v8, v12  }
0x119: {  	[tilespmem:v11+s14+$0x0] =	vst.idx.add.f32.msk $0xffff, v2  }
0x11a: {  	v11 =	vld [tilespmem:s25+$0x420]  }
0x11b: {  	v14 =	vmul.f32 $3.199999810e+01, v14;
	[tilespmem:v10+s14+$0x0] =	vst.idx.add.f32.msk $0xffff, v2  }
0x11c: {  	v10 =	vld [tilespmem:s0+$0x460]  }
0x11d: {  	v14 =	vtrunc.f32 v14;
	v13 =	vmul.f32 $3.199999810e+01, v13;
	[tilespmem:v12+s14+$0x0] =	vst.idx.add.f32.msk $0xffff, v2  }
0x11e: {  	v12 =	vcvt.f32.s32 v14;
	v14 =	vld [tilespmem:s31+$0x820]  }
0x11f: {  	v11 =	vmul.f32 $3.199999810e+01, v11;
	v13 =	vtrunc.f32 v13  }
0x120: {  	v12 =	vshll.u32 v12, $0x4;
	v13 =	vcvt.f32.s32 v13  }
0x121: {  	v11 =	vtrunc.f32 v11;
	v12 =	vadd.s32 v9, v12;
	v10 =	vmul.f32 $3.199999810e+01, v10  }
0x122: {  	v11 =	vcvt.f32.s32 v11;
	v13 =	vshll.u32 v13, $0x4  }
0x123: {  	v13 =	vadd.s32 v9, v13;
	v10 =	vtrunc.f32 v10;
	v14 =	vmul.f32 $3.199999810e+01, v14  }
0x124: {  	v11 =	vshll.u32 v11, $0x4;
	v10 =	vcvt.f32.s32 v10  }
0x125: {  	v11 =	vadd.s32 v9, v11;
	v14 =	vtrunc.f32 v14  }
0x126: {  	[tilespmem:v12+s14+$0x0] =	vst.idx.add.f32.msk $0xffff, v2;
	v10 =	vshll.u32 v10, $0x4;
	v12 =	vcvt.f32.s32 v14  }
0x127: {  	v14 =	vld [tilespmem:s28+$0x30];
	v10 =	vadd.s32 v9, v10  }
0x128: {  	[tilespmem:v13+s14+$0x0] =	vst.idx.add.f32.msk $0xffff, v2;
	v12 =	vshll.u32 v12, $0x4  }
0x129: {  	v13 =	vld [tilespmem:s26+$0x70];
	v12 =	vadd.s32 v8, v12  }
0x12a: {  	[tilespmem:v11+s14+$0x0] =	vst.idx.add.f32.msk $0xffff, v2  }
0x12b: {  	v11 =	vld [tilespmem:s25+$0x430]  }
0x12c: {  	v14 =	vmul.f32 $3.199999810e+01, v14;
	[tilespmem:v10+s14+$0x0] =	vst.idx.add.f32.msk $0xffff, v2  }
0x12d: {  	v10 =	vld [tilespmem:s0+$0x470]  }
0x12e: {  	v14 =	vtrunc.f32 v14;
	v13 =	vmul.f32 $3.199999810e+01, v13;
	[tilespmem:v12+s14+$0x0] =	vst.idx.add.f32.msk $0xffff, v2  }
0x12f: {  	v12 =	vcvt.f32.s32 v14;
	v14 =	vld [tilespmem:s31+$0x830]  }
0x130: {  	v11 =	vmul.f32 $3.199999810e+01, v11;
	v13 =	vtrunc.f32 v13  }
0x131: {  	v12 =	vshll.u32 v12, $0x4;
	v13 =	vcvt.f32.s32 v13  }
0x132: {  	v11 =	vtrunc.f32 v11;
	v12 =	vadd.s32 v9, v12;
	v10 =	vmul.f32 $3.199999810e+01, v10  }
0x133: {  	s10 =	simm.s32 $0x280;
	s9 =	simm.s32 $0xA00;
	v11 =	vcvt.f32.s32 v11;
	v13 =	vshll.u32 v13, $0x4  }
0x134: {  	s2 =	sand.u32 $0x7000, s9;
	s9 =	sand.u32 $0x380, s10;
	v13 =	vadd.s32 v9, v13;
	v10 =	vtrunc.f32 v10;
	v14 =	vmul.f32 $3.199999810e+01, v14  }
0x135: {  	v11 =	vshll.u32 v11, $0x4;
	s29 =	sor.u32 s9, s2;
	v10 =	vcvt.f32.s32 v10  }
0x136: {  	v11 =	vadd.s32 v9, v11;
	v15 =	vld [tilespmem:s29+$0x0];
	v14 =	vtrunc.f32 v14  }
0x137: {  	[tilespmem:v12+s14+$0x0] =	vst.idx.add.f32.msk $0xffff, v2;
	v10 =	vshll.u32 v10, $0x4;
	v12 =	vcvt.f32.s32 v14  }
0x138: {  	v14 =	vld [tilespmem:s28+$0x40];
	v10 =	vadd.s32 v9, v10  }
0x139: {  	[tilespmem:v13+s14+$0x0] =	vst.idx.add.f32.msk $0xffff, v2;
	v12 =	vshll.u32 v12, $0x4  }
0x13a: {  	v13 =	vld [tilespmem:s26+$0x400];
	v12 =	vadd.s32 v8, v12  }
0x13b: {  	[tilespmem:v11+s14+$0x0] =	vst.idx.add.f32.msk $0xffff, v2;
	v15 =	vmul.f32 $3.199999810e+01, v15  }
0x13c: {  	v11 =	vld [tilespmem:s25+$0x440]  }
0x13d: {  	v15 =	vtrunc.f32 v15;
	v14 =	vmul.f32 $3.199999810e+01, v14;
	[tilespmem:v10+s14+$0x0] =	vst.idx.add.f32.msk $0xffff, v2  }
0x13e: {  	v10 =	vcvt.f32.s32 v15;
	v15 =	vld [tilespmem:s0+$0x800]  }
0x13f: {  	v14 =	vtrunc.f32 v14;
	v13 =	vmul.f32 $3.199999810e+01, v13;
	[tilespmem:v12+s14+$0x0] =	vst.idx.add.f32.msk $0xffff, v2  }
0x140: {  	v10 =	vshll.u32 v10, $0x4;
	v12 =	vcvt.f32.s32 v14;
	v14 =	vld [tilespmem:s31+$0x840]  }
0x141: {  	v11 =	vmul.f32 $3.199999810e+01, v11;
	v10 =	vadd.s32 v9, v10;
	v13 =	vtrunc.f32 v13  }
0x142: {  	v12 =	vshll.u32 v12, $0x4;
	v13 =	vcvt.f32.s32 v13  }
0x143: {  	v11 =	vtrunc.f32 v11;
	v12 =	vadd.s32 v9, v12;
	v15 =	vmul.f32 $3.199999810e+01, v15  }
0x144: {  	v11 =	vcvt.f32.s32 v11;
	v13 =	vshll.u32 v13, $0x4  }
0x145: {  	v13 =	vadd.s32 v9, v13;
	v15 =	vtrunc.f32 v15;
	v14 =	vmul.f32 $3.199999810e+01, v14  }
0x146: {  	[tilespmem:v10+s14+$0x0] =	vst.idx.add.f32.msk $0xffff, v2;
	v10 =	vshll.u32 v11, $0x4;
	v11 =	vcvt.f32.s32 v15  }
0x147: {  	v15 =	vld [tilespmem:s29+$0x10];
	v10 =	vadd.s32 v9, v10;
	v14 =	vtrunc.f32 v14  }
0x148: {  	[tilespmem:v12+s14+$0x0] =	vst.idx.add.f32.msk $0xffff, v2;
	v11 =	vshll.u32 v11, $0x4;
	v12 =	vcvt.f32.s32 v14  }
0x149: {  	v14 =	vld [tilespmem:s28+$0x50];
	v11 =	vadd.s32 v8, v11  }
0x14a: {  	[tilespmem:v13+s14+$0x0] =	vst.idx.add.f32.msk $0xffff, v2;
	v12 =	vshll.u32 v12, $0x4  }
0x14b: {  	v13 =	vld [tilespmem:s26+$0x410];
	v12 =	vadd.s32 v8, v12  }
0x14c: {  	v15 =	vmul.f32 $3.199999810e+01, v15;
	[tilespmem:v10+s14+$0x0] =	vst.idx.add.f32.msk $0xffff, v2  }
0x14d: {  	v10 =	vld [tilespmem:s25+$0x450]  }
0x14e: {  	v15 =	vtrunc.f32 v15;
	v14 =	vmul.f32 $3.199999810e+01, v14;
	[tilespmem:v11+s14+$0x0] =	vst.idx.add.f32.msk $0xffff, v2  }
0x14f: {  	v11 =	vcvt.f32.s32 v15;
	v15 =	vld [tilespmem:s0+$0x810]  }
0x150: {  	v14 =	vtrunc.f32 v14;
	v13 =	vmul.f32 $3.199999810e+01, v13;
	[tilespmem:v12+s14+$0x0] =	vst.idx.add.f32.msk $0xffff, v2  }
0x151: {  	v11 =	vshll.u32 v11, $0x4;
	v12 =	vcvt.f32.s32 v14;
	v14 =	vld [tilespmem:s31+$0x850]  }
0x152: {  	v11 =	vadd.s32 v9, v11;
	v10 =	vmul.f32 $3.199999810e+01, v10;
	v13 =	vtrunc.f32 v13  }
0x153: {  	v12 =	vshll.u32 v12, $0x4;
	v13 =	vcvt.f32.s32 v13  }
0x154: {  	v10 =	vtrunc.f32 v10;
	v12 =	vadd.s32 v9, v12;
	v15 =	vmul.f32 $3.199999810e+01, v15  }
0x155: {  	v10 =	vcvt.f32.s32 v10;
	v13 =	vshll.u32 v13, $0x4  }
0x156: {  	v13 =	vadd.s32 v9, v13;
	v15 =	vtrunc.f32 v15;
	v14 =	vmul.f32 $3.199999810e+01, v14  }
0x157: {  	[tilespmem:v11+s14+$0x0] =	vst.idx.add.f32.msk $0xffff, v2;
	v10 =	vshll.u32 v10, $0x4;
	v11 =	vcvt.f32.s32 v15  }
0x158: {  	v15 =	vld [tilespmem:s29+$0x20];
	v10 =	vadd.s32 v9, v10;
	v14 =	vtrunc.f32 v14  }
0x159: {  	[tilespmem:v12+s14+$0x0] =	vst.idx.add.f32.msk $0xffff, v2;
	v11 =	vshll.u32 v11, $0x4;
	v12 =	vcvt.f32.s32 v14  }
0x15a: {  	v14 =	vld [tilespmem:s28+$0x60];
	v11 =	vadd.s32 v8, v11  }
0x15b: {  	[tilespmem:v13+s14+$0x0] =	vst.idx.add.f32.msk $0xffff, v2;
	v12 =	vshll.u32 v12, $0x4  }
0x15c: {  	v13 =	vld [tilespmem:s26+$0x420];
	v12 =	vadd.s32 v8, v12  }
0x15d: {  	v15 =	vmul.f32 $3.199999810e+01, v15;
	[tilespmem:v10+s14+$0x0] =	vst.idx.add.f32.msk $0xffff, v2  }
0x15e: {  	v10 =	vld [tilespmem:s25+$0x460]  }
0x15f: {  	v15 =	vtrunc.f32 v15;
	v14 =	vmul.f32 $3.199999810e+01, v14;
	[tilespmem:v11+s14+$0x0] =	vst.idx.add.f32.msk $0xffff, v2  }
0x160: {  	v11 =	vcvt.f32.s32 v15;
	v15 =	vld [tilespmem:s0+$0x820]  }
0x161: {  	v14 =	vtrunc.f32 v14;
	v13 =	vmul.f32 $3.199999810e+01, v13;
	[tilespmem:v12+s14+$0x0] =	vst.idx.add.f32.msk $0xffff, v2  }
0x162: {  	v11 =	vshll.u32 v11, $0x4;
	v12 =	vcvt.f32.s32 v14;
	v14 =	vld [tilespmem:s31+$0x860]  }
0x163: {  	v11 =	vadd.s32 v9, v11;
	v10 =	vmul.f32 $3.199999810e+01, v10;
	v13 =	vtrunc.f32 v13  }
0x164: {  	v12 =	vshll.u32 v12, $0x4;
	v13 =	vcvt.f32.s32 v13  }
0x165: {  	v10 =	vtrunc.f32 v10;
	v12 =	vadd.s32 v9, v12;
	v15 =	vmul.f32 $3.199999810e+01, v15  }
0x166: {  	v10 =	vcvt.f32.s32 v10;
	v13 =	vshll.u32 v13, $0x4  }
0x167: {  	v13 =	vadd.s32 v9, v13;
	v15 =	vtrunc.f32 v15;
	v14 =	vmul.f32 $3.199999810e+01, v14  }
0x168: {  	[tilespmem:v11+s14+$0x0] =	vst.idx.add.f32.msk $0xffff, v2;
	v10 =	vshll.u32 v10, $0x4;
	v11 =	vcvt.f32.s32 v15  }
0x169: {  	v15 =	vld [tilespmem:s29+$0x30];
	v10 =	vadd.s32 v9, v10;
	v14 =	vtrunc.f32 v14  }
0x16a: {  	[tilespmem:v12+s14+$0x0] =	vst.idx.add.f32.msk $0xffff, v2;
	v11 =	vshll.u32 v11, $0x4;
	v12 =	vcvt.f32.s32 v14  }
0x16b: {  	v14 =	vld [tilespmem:s28+$0x70];
	v11 =	vadd.s32 v8, v11  }
0x16c: {  	[tilespmem:v13+s14+$0x0] =	vst.idx.add.f32.msk $0xffff, v2;
	v12 =	vshll.u32 v12, $0x4  }
0x16d: {  	v13 =	vld [tilespmem:s26+$0x430];
	v12 =	vadd.s32 v8, v12  }
0x16e: {  	v15 =	vmul.f32 $3.199999810e+01, v15;
	[tilespmem:v10+s14+$0x0] =	vst.idx.add.f32.msk $0xffff, v2  }
0x16f: {  	v10 =	vld [tilespmem:s25+$0x470]  }
0x170: {  	v15 =	vtrunc.f32 v15;
	v14 =	vmul.f32 $3.199999810e+01, v14;
	[tilespmem:v11+s14+$0x0] =	vst.idx.add.f32.msk $0xffff, v2  }
0x171: {  	v11 =	vcvt.f32.s32 v15;
	v15 =	vld [tilespmem:s0+$0x830]  }
0x172: {  	v14 =	vtrunc.f32 v14;
	v13 =	vmul.f32 $3.199999810e+01, v13;
	[tilespmem:v12+s14+$0x0] =	vst.idx.add.f32.msk $0xffff, v2  }
0x173: {  	v11 =	vshll.u32 v11, $0x4;
	v12 =	vcvt.f32.s32 v14;
	v14 =	vld [tilespmem:s31+$0x870]  }
0x174: {  	v11 =	vadd.s32 v9, v11;
	v10 =	vmul.f32 $3.199999810e+01, v10;
	v13 =	vtrunc.f32 v13  }
0x175: {  	s20 =	simm.s32 $0x300;
	s19 =	simm.s32 $0xC00;
	v12 =	vshll.u32 v12, $0x4;
	v13 =	vcvt.f32.s32 v13  }
0x176: {  	s2 =	sand.u32 $0x7000, s19;
	s9 =	sand.u32 $0x380, s20;
	v10 =	vtrunc.f32 v10;
	v12 =	vadd.s32 v9, v12;
	v15 =	vmul.f32 $3.199999810e+01, v15  }
0x177: {  	s30 =	sor.u32 s9, s2;
	v10 =	vcvt.f32.s32 v10;
	v13 =	vshll.u32 v13, $0x4  }
0x178: {  	v16 =	vld [tilespmem:s30+$0x0];
	v13 =	vadd.s32 v9, v13;
	v15 =	vtrunc.f32 v15;
	v14 =	vmul.f32 $3.199999810e+01, v14  }
0x179: {  	[tilespmem:v11+s14+$0x0] =	vst.idx.add.f32.msk $0xffff, v2;
	v10 =	vshll.u32 v10, $0x4;
	v11 =	vcvt.f32.s32 v15  }
0x17a: {  	v15 =	vld [tilespmem:s29+$0x40];
	v10 =	vadd.s32 v9, v10;
	v14 =	vtrunc.f32 v14  }
0x17b: {  	[tilespmem:v12+s14+$0x0] =	vst.idx.add.f32.msk $0xffff, v2;
	v11 =	vshll.u32 v11, $0x4;
	v12 =	vcvt.f32.s32 v14  }
0x17c: {  	v14 =	vld [tilespmem:s28+$0x400];
	v11 =	vadd.s32 v8, v11  }
0x17d: {  	v16 =	vmul.f32 $3.199999810e+01, v16;
	[tilespmem:v13+s14+$0x0] =	vst.idx.add.f32.msk $0xffff, v2;
	v12 =	vshll.u32 v12, $0x4  }
0x17e: {  	v13 =	vld [tilespmem:s26+$0x440];
	v12 =	vadd.s32 v8, v12  }
0x17f: {  	v16 =	vtrunc.f32 v16;
	v15 =	vmul.f32 $3.199999810e+01, v15;
	[tilespmem:v10+s14+$0x0] =	vst.idx.add.f32.msk $0xffff, v2  }
0x180: {  	v10 =	vcvt.f32.s32 v16;
	v16 =	vld [tilespmem:s25+$0x800]  }
0x181: {  	v15 =	vtrunc.f32 v15;
	v14 =	vmul.f32 $3.199999810e+01, v14;
	[tilespmem:v11+s14+$0x0] =	vst.idx.add.f32.msk $0xffff, v2  }
0x182: {  	v10 =	vshll.u32 v10, $0x4;
	v11 =	vcvt.f32.s32 v15;
	v15 =	vld [tilespmem:s0+$0x840]  }
0x183: {  	v10 =	vadd.s32 v9, v10;
	v14 =	vtrunc.f32 v14;
	v13 =	vmul.f32 $3.199999810e+01, v13;
	[tilespmem:v12+s14+$0x0] =	vst.idx.add.f32.msk $0xffff, v2  }
0x184: {  	v11 =	vshll.u32 v11, $0x4;
	v12 =	vcvt.f32.s32 v14;
	v14 =	vld [tilespmem:s31+$0xC00]  }
0x185: {  	v11 =	vadd.s32 v9, v11;
	v16 =	vmul.f32 $3.199999810e+01, v16;
	v13 =	vtrunc.f32 v13  }
0x186: {  	v12 =	vshll.u32 v12, $0x4;
	v13 =	vcvt.f32.s32 v13  }
0x187: {  	v16 =	vtrunc.f32 v16;
	v12 =	vadd.s32 v9, v12;
	v15 =	vmul.f32 $3.199999810e+01, v15  }
0x188: {  	[tilespmem:v10+s14+$0x0] =	vst.idx.add.f32.msk $0xffff, v2;
	v10 =	vshll.u32 v13, $0x4;
	v13 =	vcvt.f32.s32 v16  }
0x189: {  	v16 =	vld [tilespmem:s30+$0x10];
	v10 =	vadd.s32 v9, v10;
	v15 =	vtrunc.f32 v15;
	v14 =	vmul.f32 $3.199999810e+01, v14  }
0x18a: {  	[tilespmem:v11+s14+$0x0] =	vst.idx.add.f32.msk $0xffff, v2;
	v11 =	vshll.u32 v13, $0x4;
	v13 =	vcvt.f32.s32 v15  }
0x18b: {  	v15 =	vld [tilespmem:s29+$0x50];
	v11 =	vadd.s32 v8, v11;
	v14 =	vtrunc.f32 v14  }
0x18c: {  	[tilespmem:v12+s14+$0x0] =	vst.idx.add.f32.msk $0xffff, v2;
	v12 =	vshll.u32 v13, $0x4;
	v13 =	vcvt.f32.s32 v14  }
0x18d: {  	v14 =	vld [tilespmem:s28+$0x410];
	v12 =	vadd.s32 v8, v12  }
0x18e: {  	v16 =	vmul.f32 $3.199999810e+01, v16;
	[tilespmem:v10+s14+$0x0] =	vst.idx.add.f32.msk $0xffff, v2;
	v10 =	vshll.u32 v13, $0x4  }
0x18f: {  	v13 =	vld [tilespmem:s26+$0x450];
	v10 =	vadd.s32 v8, v10  }
0x190: {  	v16 =	vtrunc.f32 v16;
	v15 =	vmul.f32 $3.199999810e+01, v15;
	[tilespmem:v11+s14+$0x0] =	vst.idx.add.f32.msk $0xffff, v2  }
0x191: {  	v11 =	vcvt.f32.s32 v16;
	v16 =	vld [tilespmem:s25+$0x810]  }
0x192: {  	v15 =	vtrunc.f32 v15;
	v14 =	vmul.f32 $3.199999810e+01, v14;
	[tilespmem:v12+s14+$0x0] =	vst.idx.add.f32.msk $0xffff, v2  }
0x193: {  	v11 =	vshll.u32 v11, $0x4;
	v12 =	vcvt.f32.s32 v15;
	v15 =	vld [tilespmem:s0+$0x850]  }
0x194: {  	v11 =	vadd.s32 v9, v11;
	v14 =	vtrunc.f32 v14;
	v13 =	vmul.f32 $3.199999810e+01, v13;
	[tilespmem:v10+s14+$0x0] =	vst.idx.add.f32.msk $0xffff, v2  }
0x195: {  	v10 =	vshll.u32 v12, $0x4;
	v12 =	vcvt.f32.s32 v14;
	v14 =	vld [tilespmem:s31+$0xC10]  }
0x196: {  	v10 =	vadd.s32 v9, v10;
	v13 =	vtrunc.f32 v13;
	v16 =	vmul.f32 $3.199999810e+01, v16  }
0x197: {  	v12 =	vshll.u32 v12, $0x4;
	v13 =	vcvt.f32.s32 v13  }
0x198: {  	v12 =	vadd.s32 v9, v12;
	v16 =	vtrunc.f32 v16;
	v15 =	vmul.f32 $3.199999810e+01, v15  }
0x199: {  	[tilespmem:v11+s14+$0x0] =	vst.idx.add.f32.msk $0xffff, v2;
	v11 =	vshll.u32 v13, $0x4;
	v13 =	vcvt.f32.s32 v16  }
0x19a: {  	v16 =	vld [tilespmem:s30+$0x20];
	v11 =	vadd.s32 v9, v11;
	v15 =	vtrunc.f32 v15;
	v14 =	vmul.f32 $3.199999810e+01, v14  }
0x19b: {  	[tilespmem:v10+s14+$0x0] =	vst.idx.add.f32.msk $0xffff, v2;
	v10 =	vshll.u32 v13, $0x4;
	v13 =	vcvt.f32.s32 v15  }
0x19c: {  	v15 =	vld [tilespmem:s29+$0x60];
	v10 =	vadd.s32 v8, v10;
	v14 =	vtrunc.f32 v14  }
0x19d: {  	[tilespmem:v12+s14+$0x0] =	vst.idx.add.f32.msk $0xffff, v2;
	v12 =	vshll.u32 v13, $0x4;
	v13 =	vcvt.f32.s32 v14  }
0x19e: {  	v14 =	vld [tilespmem:s28+$0x420];
	v12 =	vadd.s32 v8, v12  }
0x19f: {  	v16 =	vmul.f32 $3.199999810e+01, v16;
	[tilespmem:v11+s14+$0x0] =	vst.idx.add.f32.msk $0xffff, v2;
	v11 =	vshll.u32 v13, $0x4  }
0x1a0: {  	v13 =	vld [tilespmem:s26+$0x460];
	v11 =	vadd.s32 v8, v11  }
0x1a1: {  	v16 =	vtrunc.f32 v16;
	v15 =	vmul.f32 $3.199999810e+01, v15;
	[tilespmem:v10+s14+$0x0] =	vst.idx.add.f32.msk $0xffff, v2  }
0x1a2: {  	v10 =	vcvt.f32.s32 v16;
	v16 =	vld [tilespmem:s25+$0x820]  }
0x1a3: {  	v15 =	vtrunc.f32 v15;
	v14 =	vmul.f32 $3.199999810e+01, v14;
	[tilespmem:v12+s14+$0x0] =	vst.idx.add.f32.msk $0xffff, v2  }
0x1a4: {  	v10 =	vshll.u32 v10, $0x4;
	v12 =	vcvt.f32.s32 v15;
	v15 =	vld [tilespmem:s0+$0x860]  }
0x1a5: {  	v10 =	vadd.s32 v9, v10;
	v14 =	vtrunc.f32 v14;
	v13 =	vmul.f32 $3.199999810e+01, v13;
	[tilespmem:v11+s14+$0x0] =	vst.idx.add.f32.msk $0xffff, v2  }
0x1a6: {  	v11 =	vshll.u32 v12, $0x4;
	v12 =	vcvt.f32.s32 v14;
	v14 =	vld [tilespmem:s31+$0xC20]  }
0x1a7: {  	v11 =	vadd.s32 v9, v11;
	v13 =	vtrunc.f32 v13;
	v16 =	vmul.f32 $3.199999810e+01, v16  }
0x1a8: {  	v12 =	vshll.u32 v12, $0x4;
	v13 =	vcvt.f32.s32 v13  }
0x1a9: {  	v12 =	vadd.s32 v9, v12;
	v16 =	vtrunc.f32 v16;
	v15 =	vmul.f32 $3.199999810e+01, v15  }
0x1aa: {  	[tilespmem:v10+s14+$0x0] =	vst.idx.add.f32.msk $0xffff, v2;
	v10 =	vshll.u32 v13, $0x4;
	v13 =	vcvt.f32.s32 v16  }
0x1ab: {  	v16 =	vld [tilespmem:s30+$0x30];
	v10 =	vadd.s32 v9, v10;
	v15 =	vtrunc.f32 v15;
	v14 =	vmul.f32 $3.199999810e+01, v14  }
0x1ac: {  	[tilespmem:v11+s14+$0x0] =	vst.idx.add.f32.msk $0xffff, v2;
	v11 =	vshll.u32 v13, $0x4;
	v13 =	vcvt.f32.s32 v15  }
0x1ad: {  	v15 =	vld [tilespmem:s29+$0x70];
	v11 =	vadd.s32 v8, v11;
	v14 =	vtrunc.f32 v14  }
0x1ae: {  	[tilespmem:v12+s14+$0x0] =	vst.idx.add.f32.msk $0xffff, v2;
	v12 =	vshll.u32 v13, $0x4;
	v13 =	vcvt.f32.s32 v14  }
0x1af: {  	v14 =	vld [tilespmem:s28+$0x430];
	v12 =	vadd.s32 v8, v12  }
0x1b0: {  	v16 =	vmul.f32 $3.199999810e+01, v16;
	[tilespmem:v10+s14+$0x0] =	vst.idx.add.f32.msk $0xffff, v2;
	v10 =	vshll.u32 v13, $0x4  }
0x1b1: {  	v13 =	vld [tilespmem:s26+$0x470];
	v10 =	vadd.s32 v8, v10  }
0x1b2: {  	v16 =	vtrunc.f32 v16;
	v15 =	vmul.f32 $3.199999810e+01, v15;
	[tilespmem:v11+s14+$0x0] =	vst.idx.add.f32.msk $0xffff, v2  }
0x1b3: {  	v11 =	vcvt.f32.s32 v16;
	v16 =	vld [tilespmem:s25+$0x830]  }
0x1b4: {  	v15 =	vtrunc.f32 v15;
	v14 =	vmul.f32 $3.199999810e+01, v14;
	[tilespmem:v12+s14+$0x0] =	vst.idx.add.f32.msk $0xffff, v2  }
0x1b5: {  	v11 =	vshll.u32 v11, $0x4;
	v12 =	vcvt.f32.s32 v15;
	v15 =	vld [tilespmem:s0+$0x870]  }
0x1b6: {  	v11 =	vadd.s32 v9, v11;
	v14 =	vtrunc.f32 v14;
	v13 =	vmul.f32 $3.199999810e+01, v13;
	[tilespmem:v10+s14+$0x0] =	vst.idx.add.f32.msk $0xffff, v2  }
0x1b7: {  	s10 =	simm.s32 $0x380;
	s9 =	simm.s32 $0xE00;
	v10 =	vshll.u32 v12, $0x4;
	v12 =	vcvt.f32.s32 v14;
	v14 =	vld [tilespmem:s31+$0xC30]  }
0x1b8: {  	s2 =	sand.u32 $0x7000, s9;
	s9 =	sand.u32 $0x380, s10;
	v10 =	vadd.s32 v9, v10;
	v13 =	vtrunc.f32 v13;
	v16 =	vmul.f32 $3.199999810e+01, v16  }
0x1b9: {  	s2 =	sor.u32 s9, s2;
	v12 =	vshll.u32 v12, $0x4;
	v13 =	vcvt.f32.s32 v13  }
0x1ba: {  	v17 =	vld [tilespmem:s2+$0x0];
	v12 =	vadd.s32 v9, v12;
	v16 =	vtrunc.f32 v16;
	v15 =	vmul.f32 $3.199999810e+01, v15  }
0x1bb: {  	[tilespmem:v11+s14+$0x0] =	vst.idx.add.f32.msk $0xffff, v2;
	v11 =	vshll.u32 v13, $0x4;
	v13 =	vcvt.f32.s32 v16  }
0x1bc: {  	v16 =	vld [tilespmem:s30+$0x40];
	v11 =	vadd.s32 v9, v11;
	v15 =	vtrunc.f32 v15;
	v14 =	vmul.f32 $3.199999810e+01, v14  }
0x1bd: {  	[tilespmem:v10+s14+$0x0] =	vst.idx.add.f32.msk $0xffff, v2;
	v10 =	vshll.u32 v13, $0x4;
	v13 =	vcvt.f32.s32 v15  }
0x1be: {  	v15 =	vld [tilespmem:s29+$0x400];
	v10 =	vadd.s32 v8, v10;
	v14 =	vtrunc.f32 v14  }
0x1bf: {  	v17 =	vmul.f32 $3.199999810e+01, v17;
	[tilespmem:v12+s14+$0x0] =	vst.idx.add.f32.msk $0xffff, v2;
	v12 =	vshll.u32 v13, $0x4;
	v13 =	vcvt.f32.s32 v14  }
0x1c0: {  	v14 =	vld [tilespmem:s28+$0x440];
	v12 =	vadd.s32 v8, v12  }
0x1c1: {  	v17 =	vtrunc.f32 v17;
	v16 =	vmul.f32 $3.199999810e+01, v16;
	[tilespmem:v11+s14+$0x0] =	vst.idx.add.f32.msk $0xffff, v2;
	v11 =	vshll.u32 v13, $0x4  }
0x1c2: {  	v13 =	vcvt.f32.s32 v17;
	v17 =	vld [tilespmem:s26+$0x800];
	v11 =	vadd.s32 v8, v11  }
0x1c3: {  	v16 =	vtrunc.f32 v16;
	v15 =	vmul.f32 $3.199999810e+01, v15;
	[tilespmem:v10+s14+$0x0] =	vst.idx.add.f32.msk $0xffff, v2  }
0x1c4: {  	v10 =	vshll.u32 v13, $0x4;
	v13 =	vcvt.f32.s32 v16;
	v16 =	vld [tilespmem:s25+$0x840]  }
0x1c5: {  	v10 =	vadd.s32 v9, v10;
	v15 =	vtrunc.f32 v15;
	v14 =	vmul.f32 $3.199999810e+01, v14;
	[tilespmem:v12+s14+$0x0] =	vst.idx.add.f32.msk $0xffff, v2  }
0x1c6: {  	v12 =	vshll.u32 v13, $0x4;
	v13 =	vcvt.f32.s32 v15;
	v15 =	vld [tilespmem:s0+$0xC00]  }
0x1c7: {  	v12 =	vadd.s32 v9, v12;
	v14 =	vtrunc.f32 v14;
	v17 =	vmul.f32 $3.199999810e+01, v17;
	[tilespmem:v11+s14+$0x0] =	vst.idx.add.f32.msk $0xffff, v2  }
0x1c8: {  	v11 =	vshll.u32 v13, $0x4;
	v13 =	vcvt.f32.s32 v14;
	v14 =	vld [tilespmem:s31+$0xC40]  }
0x1c9: {  	v11 =	vadd.s32 v9, v11;
	v17 =	vtrunc.f32 v17;
	v16 =	vmul.f32 $3.199999810e+01, v16  }
0x1ca: {  	[tilespmem:v10+s14+$0x0] =	vst.idx.add.f32.msk $0xffff, v2;
	v10 =	vshll.u32 v13, $0x4;
	v13 =	vcvt.f32.s32 v17  }
0x1cb: {  	v17 =	vld [tilespmem:s2+$0x10];
	v10 =	vadd.s32 v9, v10;
	v16 =	vtrunc.f32 v16;
	v15 =	vmul.f32 $3.199999810e+01, v15  }
0x1cc: {  	[tilespmem:v12+s14+$0x0] =	vst.idx.add.f32.msk $0xffff, v2;
	v12 =	vshll.u32 v13, $0x4;
	v13 =	vcvt.f32.s32 v16  }
0x1cd: {  	v16 =	vld [tilespmem:s30+$0x50];
	v12 =	vadd.s32 v8, v12;
	v15 =	vtrunc.f32 v15;
	v14 =	vmul.f32 $3.199999810e+01, v14  }
0x1ce: {  	[tilespmem:v11+s14+$0x0] =	vst.idx.add.f32.msk $0xffff, v2;
	v11 =	vshll.u32 v13, $0x4;
	v13 =	vcvt.f32.s32 v15  }
0x1cf: {  	v15 =	vld [tilespmem:s29+$0x410];
	v11 =	vadd.s32 v8, v11;
	v14 =	vtrunc.f32 v14  }
0x1d0: {  	v17 =	vmul.f32 $3.199999810e+01, v17;
	[tilespmem:v10+s14+$0x0] =	vst.idx.add.f32.msk $0xffff, v2;
	v10 =	vshll.u32 v13, $0x4;
	v13 =	vcvt.f32.s32 v14  }
0x1d1: {  	v14 =	vld [tilespmem:s28+$0x450];
	v10 =	vadd.s32 v8, v10  }
0x1d2: {  	v17 =	vtrunc.f32 v17;
	v16 =	vmul.f32 $3.199999810e+01, v16;
	[tilespmem:v12+s14+$0x0] =	vst.idx.add.f32.msk $0xffff, v2;
	v12 =	vshll.u32 v13, $0x4  }
0x1d3: {  	v13 =	vcvt.f32.s32 v17;
	v17 =	vld [tilespmem:s26+$0x810];
	v12 =	vadd.s32 v8, v12  }
0x1d4: {  	v16 =	vtrunc.f32 v16;
	v15 =	vmul.f32 $3.199999810e+01, v15;
	[tilespmem:v11+s14+$0x0] =	vst.idx.add.f32.msk $0xffff, v2  }
0x1d5: {  	v11 =	vshll.u32 v13, $0x4;
	v13 =	vcvt.f32.s32 v16;
	v16 =	vld [tilespmem:s25+$0x850]  }
0x1d6: {  	v11 =	vadd.s32 v9, v11;
	v15 =	vtrunc.f32 v15;
	v14 =	vmul.f32 $3.199999810e+01, v14;
	[tilespmem:v10+s14+$0x0] =	vst.idx.add.f32.msk $0xffff, v2  }
0x1d7: {  	v10 =	vshll.u32 v13, $0x4;
	v13 =	vcvt.f32.s32 v15;
	v15 =	vld [tilespmem:s0+$0xC10]  }
0x1d8: {  	v10 =	vadd.s32 v9, v10;
	v14 =	vtrunc.f32 v14;
	v17 =	vmul.f32 $3.199999810e+01, v17;
	[tilespmem:v12+s14+$0x0] =	vst.idx.add.f32.msk $0xffff, v2  }
0x1d9: {  	v12 =	vshll.u32 v13, $0x4;
	v13 =	vcvt.f32.s32 v14;
	v14 =	vld [tilespmem:s31+$0xC50]  }
0x1da: {  	v12 =	vadd.s32 v9, v12;
	v17 =	vtrunc.f32 v17;
	v16 =	vmul.f32 $3.199999810e+01, v16  }
0x1db: {  	[tilespmem:v11+s14+$0x0] =	vst.idx.add.f32.msk $0xffff, v2;
	v11 =	vshll.u32 v13, $0x4;
	v13 =	vcvt.f32.s32 v17  }
0x1dc: {  	v17 =	vld [tilespmem:s2+$0x20];
	v11 =	vadd.s32 v9, v11;
	v16 =	vtrunc.f32 v16;
	v15 =	vmul.f32 $3.199999810e+01, v15  }
0x1dd: {  	[tilespmem:v10+s14+$0x0] =	vst.idx.add.f32.msk $0xffff, v2;
	v10 =	vshll.u32 v13, $0x4;
	v13 =	vcvt.f32.s32 v16  }
0x1de: {  	v16 =	vld [tilespmem:s30+$0x60];
	v10 =	vadd.s32 v8, v10;
	v15 =	vtrunc.f32 v15;
	v14 =	vmul.f32 $3.199999810e+01, v14  }
0x1df: {  	[tilespmem:v12+s14+$0x0] =	vst.idx.add.f32.msk $0xffff, v2;
	v12 =	vshll.u32 v13, $0x4;
	v13 =	vcvt.f32.s32 v15  }
0x1e0: {  	v15 =	vld [tilespmem:s29+$0x420];
	v12 =	vadd.s32 v8, v12;
	v14 =	vtrunc.f32 v14  }
0x1e1: {  	v17 =	vmul.f32 $3.199999810e+01, v17;
	[tilespmem:v11+s14+$0x0] =	vst.idx.add.f32.msk $0xffff, v2;
	v11 =	vshll.u32 v13, $0x4;
	v13 =	vcvt.f32.s32 v14  }
0x1e2: {  	v14 =	vld [tilespmem:s28+$0x460];
	v11 =	vadd.s32 v8, v11  }
0x1e3: {  	v17 =	vtrunc.f32 v17;
	v16 =	vmul.f32 $3.199999810e+01, v16;
	[tilespmem:v10+s14+$0x0] =	vst.idx.add.f32.msk $0xffff, v2;
	v10 =	vshll.u32 v13, $0x4  }
0x1e4: {  	v13 =	vcvt.f32.s32 v17;
	v17 =	vld [tilespmem:s26+$0x820];
	v10 =	vadd.s32 v8, v10  }
0x1e5: {  	v16 =	vtrunc.f32 v16;
	v15 =	vmul.f32 $3.199999810e+01, v15;
	[tilespmem:v12+s14+$0x0] =	vst.idx.add.f32.msk $0xffff, v2  }
0x1e6: {  	v12 =	vshll.u32 v13, $0x4;
	v13 =	vcvt.f32.s32 v16;
	v16 =	vld [tilespmem:s25+$0x860]  }
0x1e7: {  	v12 =	vadd.s32 v9, v12;
	v15 =	vtrunc.f32 v15;
	v14 =	vmul.f32 $3.199999810e+01, v14;
	[tilespmem:v11+s14+$0x0] =	vst.idx.add.f32.msk $0xffff, v2  }
0x1e8: {  	s19 =	simm.s32 $0x1000;
	s20 =	simm.s32 $0x400;
	v11 =	vshll.u32 v13, $0x4;
	v13 =	vcvt.f32.s32 v15;
	v15 =	vld [tilespmem:s0+$0xC20]  }
0x1e9: {  	s10 =	sand.u32 $0x380, s20;
	s9 =	sand.u32 $0x7000, s19;
	v11 =	vadd.s32 v9, v11;
	v14 =	vtrunc.f32 v14;
	v17 =	vmul.f32 $3.199999810e+01, v17;
	[tilespmem:v10+s14+$0x0] =	vst.idx.add.f32.msk $0xffff, v2  }
0x1ea: {  	s19 =	sor.u32 s10, s9;
	v13 =	vshll.u32 v13, $0x4;
	v14 =	vcvt.f32.s32 v14;
	v18 =	vld [tilespmem:s31+$0xC60]  }
0x1eb: {  	v10 =	vld [tilespmem:s19+$0x0];
	v13 =	vadd.s32 v9, v13;
	v17 =	vtrunc.f32 v17;
	v16 =	vmul.f32 $3.199999810e+01, v16  }
0x1ec: {  	[tilespmem:v12+s14+$0x0] =	vst.idx.add.f32.msk $0xffff, v2;
	v12 =	vshll.u32 v14, $0x4;
	v14 =	vcvt.f32.s32 v17  }
0x1ed: {  	v17 =	vld [tilespmem:s2+$0x30];
	v12 =	vadd.s32 v9, v12;
	v16 =	vtrunc.f32 v16;
	v15 =	vmul.f32 $3.199999810e+01, v15  }
0x1ee: {  	[tilespmem:v11+s14+$0x0] =	vst.idx.add.f32.msk $0xffff, v2;
	v11 =	vshll.u32 v14, $0x4;
	v14 =	vcvt.f32.s32 v16  }
0x1ef: {  	v16 =	vld [tilespmem:s30+$0x70];
	v11 =	vadd.s32 v8, v11;
	v15 =	vtrunc.f32 v15;
	v18 =	vmul.f32 $3.199999810e+01, v18  }
0x1f0: {  	[tilespmem:v13+s14+$0x0] =	vst.idx.add.f32.msk $0xffff, v2;
	v13 =	vshll.u32 v14, $0x4;
	v14 =	vcvt.f32.s32 v15  }
0x1f1: {  	v15 =	vld [tilespmem:s29+$0x430];
	v13 =	vadd.s32 v8, v13;
	v18 =	vtrunc.f32 v18  }
0x1f2: {  	v17 =	vmul.f32 $3.199999810e+01, v17;
	[tilespmem:v12+s14+$0x0] =	vst.idx.add.f32.msk $0xffff, v2;
	v12 =	vshll.u32 v14, $0x4;
	v14 =	vcvt.f32.s32 v18  }
0x1f3: {  	v18 =	vld [tilespmem:s28+$0x470];
	v12 =	vadd.s32 v8, v12  }
0x1f4: {  	v17 =	vtrunc.f32 v17;
	v16 =	vmul.f32 $3.199999810e+01, v16;
	[tilespmem:v11+s14+$0x0] =	vst.idx.add.f32.msk $0xffff, v2;
	v11 =	vshll.u32 v14, $0x4  }
0x1f5: {  	v14 =	vcvt.f32.s32 v17;
	v19 =	vld [tilespmem:s26+$0x830];
	v20 =	vadd.s32 v8, v11  }
0x1f6: {  	v11 =	vtrunc.f32 v16;
	v15 =	vmul.f32 $3.199999810e+01, v15;
	[tilespmem:v13+s14+$0x0] =	vst.idx.add.f32.msk $0xffff, v2  }
0x1f7: {  	v11 =	vcvt.f32.s32 v11;
	v13 =	vld [tilespmem:s25+$0x870];
	v14 =	vshll.u32 v14, $0x4  }
0x1f8: {  	v15 =	vtrunc.f32 v15;
	v16 =	vmul.f32 $3.199999810e+01, v18;
	[tilespmem:v12+s14+$0x0] =	vst.idx.add.f32.msk $0xffff, v2;
	v14 =	vadd.s32 v9, v14  }
0x1f9: {  	v12 =	vshll.u32 v11, $0x4;
	v15 =	vcvt.f32.s32 v15;
	v11 =	vld [tilespmem:s0+$0xC30]  }
0x1fa: {  	s9 =	simm.s32 $0x1200;
	v12 =	vadd.s32 v9, v12;
	v17 =	vtrunc.f32 v16;
	v16 =	vmul.f32 $3.199999810e+01, v19;
	[tilespmem:v20+s14+$0x0] =	vst.idx.add.f32.msk $0xffff, v2  }
.LBB2_5:
0x1fb: {  	p1 =	sne.s32 s9, $0x7E00;
	v15 =	vshll.u32 v15, $0x4;
	v17 =	vcvt.f32.s32 v17;
	v18 =	vld [tilespmem:s31+$0xC70];
	s31 =	smov.u32 s0;
	s0 =	smov.u32 s25  }
0x1fc: {  	s25 =	smov.u32 s26;
	s26 =	smov.u32 s28;
	s28 =	smov.u32 s29;
	v15 =	vadd.s32 v9, v15;
	v16 =	vtrunc.f32 v16;
	v13 =	vmul.f32 $3.199999810e+01, v13  }
0x1fd: {  	s29 =	smov.u32 s30;
	s30 =	smov.u32 s2;
	s2 =	smov.u32 s19;
	[tilespmem:v14+s14+$0x0] =	vst.idx.add.f32.msk $0xffff, v2;
	v14 =	vshll.u32 v17, $0x4;
	v16 =	vcvt.f32.s32 v16  }
0x1fe: {  	v17 =	vld [tilespmem:s30+$0x40];
	v14 =	vadd.s32 v9, v14;
	v13 =	vtrunc.f32 v13;
	v11 =	vmul.f32 $3.199999810e+01, v11  }
0x1ff: {  	v10 =	vmul.f32 $3.199999810e+01, v10;
	[tilespmem:v12+s14+$0x0] =	vst.idx.add.f32.msk $0xffff, v2;
	v12 =	vshll.u32 v16, $0x4;
	v13 =	vcvt.f32.s32 v13  }
0x200: {  	v16 =	vld [tilespmem:s29+$0x400];
	v12 =	vadd.s32 v8, v12;
	v11 =	vtrunc.f32 v11;
	v18 =	vmul.f32 $3.199999810e+01, v18  }
0x201: {  	[tilespmem:v15+s14+$0x0] =	vst.idx.add.f32.msk $0xffff, v2;
	v13 =	vshll.u32 v13, $0x4;
	v11 =	vcvt.f32.s32 v11  }
0x202: {  	v10 =	vtrunc.f32 v10;
	v15 =	vld [tilespmem:s28+$0x440];
	v13 =	vadd.s32 v8, v13;
	v18 =	vtrunc.f32 v18  }
0x203: {  	v17 =	vmul.f32 $3.199999810e+01, v17;
	[tilespmem:v14+s14+$0x0] =	vst.idx.add.f32.msk $0xffff, v2;
	v11 =	vshll.u32 v11, $0x4;
	v14 =	vcvt.f32.s32 v18  }
0x204: {  	v10 =	vcvt.f32.s32 v10;
	v18 =	vld [tilespmem:s26+$0x800];
	v11 =	vadd.s32 v8, v11  }
0x205: {  	v17 =	vtrunc.f32 v17;
	v16 =	vmul.f32 $3.199999810e+01, v16;
	[tilespmem:v12+s14+$0x0] =	vst.idx.add.f32.msk $0xffff, v2;
	v12 =	vshll.u32 v14, $0x4  }
0x206: {  	v10 =	vshll.u32 v10, $0x4;
	v14 =	vcvt.f32.s32 v17;
	v17 =	vld [tilespmem:s25+$0x840];
	v12 =	vadd.s32 v8, v12  }
0x207: {  	v10 =	vadd.s32 v9, v10;
	v16 =	vtrunc.f32 v16;
	v15 =	vmul.f32 $3.199999810e+01, v15;
	[tilespmem:v13+s14+$0x0] =	vst.idx.add.f32.msk $0xffff, v2  }
0x208: {  	v13 =	vshll.u32 v14, $0x4;
	v14 =	vcvt.f32.s32 v16;
	v16 =	vld [tilespmem:s0+$0xC00]  }
0x209: {  	v13 =	vadd.s32 v9, v13;
	v15 =	vtrunc.f32 v15;
	v18 =	vmul.f32 $3.199999810e+01, v18;
	[tilespmem:v11+s14+$0x0] =	vst.idx.add.f32.msk $0xffff, v2  }
0x20a: {  	v11 =	vshll.u32 v14, $0x4;
	v14 =	vcvt.f32.s32 v15;
	v15 =	vld [tilespmem:s31+$0xC40]  }
0x20b: {  	v11 =	vadd.s32 v9, v11;
	v18 =	vtrunc.f32 v18;
	v17 =	vmul.f32 $3.199999810e+01, v17;
	[tilespmem:v12+s14+$0x0] =	vst.idx.add.f32.msk $0xffff, v2  }
0x20c: {  	[tilespmem:v10+s14+$0x0] =	vst.idx.add.f32.msk $0xffff, v2;
	v10 =	vshll.u32 v14, $0x4;
	v12 =	vcvt.f32.s32 v18  }
0x20d: {  	v14 =	vld [tilespmem:s2+$0x10];
	v10 =	vadd.s32 v9, v10;
	v17 =	vtrunc.f32 v17;
	v16 =	vmul.f32 $3.199999810e+01, v16  }
0x20e: {  	[tilespmem:v13+s14+$0x0] =	vst.idx.add.f32.msk $0xffff, v2;
	v12 =	vshll.u32 v12, $0x4;
	v13 =	vcvt.f32.s32 v17  }
0x20f: {  	v17 =	vld [tilespmem:s30+$0x50];
	v12 =	vadd.s32 v8, v12;
	v16 =	vtrunc.f32 v16;
	v15 =	vmul.f32 $3.199999810e+01, v15  }
0x210: {  	[tilespmem:v11+s14+$0x0] =	vst.idx.add.f32.msk $0xffff, v2;
	v11 =	vshll.u32 v13, $0x4;
	v13 =	vcvt.f32.s32 v16  }
0x211: {  	v16 =	vld [tilespmem:s29+$0x410];
	v11 =	vadd.s32 v8, v11;
	v15 =	vtrunc.f32 v15  }
0x212: {  	v14 =	vmul.f32 $3.199999810e+01, v14;
	[tilespmem:v10+s14+$0x0] =	vst.idx.add.f32.msk $0xffff, v2;
	v10 =	vshll.u32 v13, $0x4;
	v13 =	vcvt.f32.s32 v15  }
0x213: {  	v15 =	vld [tilespmem:s28+$0x450];
	v10 =	vadd.s32 v8, v10  }
0x214: {  	v14 =	vtrunc.f32 v14;
	v17 =	vmul.f32 $3.199999810e+01, v17;
	[tilespmem:v12+s14+$0x0] =	vst.idx.add.f32.msk $0xffff, v2;
	v12 =	vshll.u32 v13, $0x4  }
0x215: {  	v13 =	vcvt.f32.s32 v14;
	v14 =	vld [tilespmem:s26+$0x810];
	v12 =	vadd.s32 v8, v12  }
0x216: {  	v17 =	vtrunc.f32 v17;
	v16 =	vmul.f32 $3.199999810e+01, v16;
	[tilespmem:v11+s14+$0x0] =	vst.idx.add.f32.msk $0xffff, v2  }
0x217: {  	v11 =	vshll.u32 v13, $0x4;
	v13 =	vcvt.f32.s32 v17;
	v17 =	vld [tilespmem:s25+$0x850]  }
0x218: {  	v11 =	vadd.s32 v9, v11;
	v16 =	vtrunc.f32 v16;
	v15 =	vmul.f32 $3.199999810e+01, v15;
	[tilespmem:v10+s14+$0x0] =	vst.idx.add.f32.msk $0xffff, v2  }
0x219: {  	v10 =	vshll.u32 v13, $0x4;
	v13 =	vcvt.f32.s32 v16;
	v16 =	vld [tilespmem:s0+$0xC10]  }
0x21a: {  	v10 =	vadd.s32 v9, v10;
	v15 =	vtrunc.f32 v15;
	v14 =	vmul.f32 $3.199999810e+01, v14;
	[tilespmem:v12+s14+$0x0] =	vst.idx.add.f32.msk $0xffff, v2  }
0x21b: {  	v12 =	vshll.u32 v13, $0x4;
	v13 =	vcvt.f32.s32 v15;
	v15 =	vld [tilespmem:s31+$0xC50]  }
0x21c: {  	v12 =	vadd.s32 v9, v12;
	v14 =	vtrunc.f32 v14;
	v17 =	vmul.f32 $3.199999810e+01, v17  }
0x21d: {  	[tilespmem:v11+s14+$0x0] =	vst.idx.add.f32.msk $0xffff, v2;
	v11 =	vshll.u32 v13, $0x4;
	v13 =	vcvt.f32.s32 v14  }
0x21e: {  	v14 =	vld [tilespmem:s2+$0x20];
	v11 =	vadd.s32 v9, v11;
	v17 =	vtrunc.f32 v17;
	v16 =	vmul.f32 $3.199999810e+01, v16  }
0x21f: {  	[tilespmem:v10+s14+$0x0] =	vst.idx.add.f32.msk $0xffff, v2;
	v10 =	vshll.u32 v13, $0x4;
	v13 =	vcvt.f32.s32 v17  }
0x220: {  	v17 =	vld [tilespmem:s30+$0x60];
	v10 =	vadd.s32 v8, v10;
	v16 =	vtrunc.f32 v16;
	v15 =	vmul.f32 $3.199999810e+01, v15  }
0x221: {  	[tilespmem:v12+s14+$0x0] =	vst.idx.add.f32.msk $0xffff, v2;
	v12 =	vshll.u32 v13, $0x4;
	v13 =	vcvt.f32.s32 v16  }
0x222: {  	v16 =	vld [tilespmem:s29+$0x420];
	v12 =	vadd.s32 v8, v12;
	v15 =	vtrunc.f32 v15  }
0x223: {  	v14 =	vmul.f32 $3.199999810e+01, v14;
	[tilespmem:v11+s14+$0x0] =	vst.idx.add.f32.msk $0xffff, v2;
	v11 =	vshll.u32 v13, $0x4;
	v13 =	vcvt.f32.s32 v15  }
0x224: {  	v15 =	vld [tilespmem:s28+$0x460];
	v11 =	vadd.s32 v8, v11  }
0x225: {  	v14 =	vtrunc.f32 v14;
	v17 =	vmul.f32 $3.199999810e+01, v17;
	[tilespmem:v10+s14+$0x0] =	vst.idx.add.f32.msk $0xffff, v2;
	v10 =	vshll.u32 v13, $0x4  }
0x226: {  	v13 =	vcvt.f32.s32 v14;
	v14 =	vld [tilespmem:s26+$0x820];
	v10 =	vadd.s32 v8, v10  }
0x227: {  	v17 =	vtrunc.f32 v17;
	v16 =	vmul.f32 $3.199999810e+01, v16;
	[tilespmem:v12+s14+$0x0] =	vst.idx.add.f32.msk $0xffff, v2  }
0x228: {  	v12 =	vshll.u32 v13, $0x4;
	v13 =	vcvt.f32.s32 v17;
	v17 =	vld [tilespmem:s25+$0x860]  }
0x229: {  	v12 =	vadd.s32 v9, v12;
	v16 =	vtrunc.f32 v16;
	v15 =	vmul.f32 $3.199999810e+01, v15;
	[tilespmem:v11+s14+$0x0] =	vst.idx.add.f32.msk $0xffff, v2  }
0x22a: {  	s20 =	sadd.s32 $0x80, s20;
	v11 =	vshll.u32 v13, $0x4;
	v13 =	vcvt.f32.s32 v16;
	v16 =	vld [tilespmem:s0+$0xC20]  }
0x22b: {  	s19 =	sand.u32 $0x7000, s9;
	s10 =	sand.u32 $0x380, s20;
	v11 =	vadd.s32 v9, v11;
	v15 =	vtrunc.f32 v15;
	v14 =	vmul.f32 $3.199999810e+01, v14;
	[tilespmem:v10+s14+$0x0] =	vst.idx.add.f32.msk $0xffff, v2  }
0x22c: {  	s19 =	sor.u32 s10, s19;
	v13 =	vshll.u32 v13, $0x4;
	v15 =	vcvt.f32.s32 v15;
	v18 =	vld [tilespmem:s31+$0xC60]  }
0x22d: {  	v10 =	vld [tilespmem:s19+$0x0];
	v13 =	vadd.s32 v9, v13;
	v14 =	vtrunc.f32 v14;
	v17 =	vmul.f32 $3.199999810e+01, v17  }
0x22e: {  	[tilespmem:v12+s14+$0x0] =	vst.idx.add.f32.msk $0xffff, v2;
	v12 =	vshll.u32 v15, $0x4;
	v14 =	vcvt.f32.s32 v14  }
0x22f: {  	v15 =	vld [tilespmem:s2+$0x30];
	v12 =	vadd.s32 v9, v12;
	v17 =	vtrunc.f32 v17;
	v16 =	vmul.f32 $3.199999810e+01, v16  }
0x230: {  	[tilespmem:v11+s14+$0x0] =	vst.idx.add.f32.msk $0xffff, v2;
	v11 =	vshll.u32 v14, $0x4;
	v14 =	vcvt.f32.s32 v17  }
0x231: {  	v17 =	vld [tilespmem:s30+$0x70];
	v11 =	vadd.s32 v8, v11;
	v16 =	vtrunc.f32 v16;
	v18 =	vmul.f32 $3.199999810e+01, v18  }
0x232: {  	[tilespmem:v13+s14+$0x0] =	vst.idx.add.f32.msk $0xffff, v2;
	v13 =	vshll.u32 v14, $0x4;
	v14 =	vcvt.f32.s32 v16  }
0x233: {  	v16 =	vld [tilespmem:s29+$0x430];
	v13 =	vadd.s32 v8, v13;
	v18 =	vtrunc.f32 v18  }
0x234: {  	v15 =	vmul.f32 $3.199999810e+01, v15;
	[tilespmem:v12+s14+$0x0] =	vst.idx.add.f32.msk $0xffff, v2;
	v12 =	vshll.u32 v14, $0x4;
	v14 =	vcvt.f32.s32 v18  }
0x235: {  	v18 =	vld [tilespmem:s28+$0x470];
	v12 =	vadd.s32 v8, v12  }
0x236: {  	v15 =	vtrunc.f32 v15;
	v17 =	vmul.f32 $3.199999810e+01, v17;
	[tilespmem:v11+s14+$0x0] =	vst.idx.add.f32.msk $0xffff, v2;
	v11 =	vshll.u32 v14, $0x4  }
0x237: {  	v14 =	vcvt.f32.s32 v15;
	v19 =	vld [tilespmem:s26+$0x830];
	v20 =	vadd.s32 v8, v11  }
.Ltmp3:
0x238: {  	v11 =	vtrunc.f32 v17;
	v15 =	vmul.f32 $3.199999810e+01, v16;
	[tilespmem:v13+s14+$0x0] =	vst.idx.add.f32.msk $0xffff, v2;
	(pc) =	sbr.rel @p1 .LBB2_5-.Ltmp3, $4  }
0x239: {  	v14 =	vshll.u32 v14, $0x4;
	v11 =	vcvt.f32.s32 v11;
	v13 =	vld [tilespmem:s25+$0x870]  }
0x23a: {  	v14 =	vadd.s32 v9, v14;
	v15 =	vtrunc.f32 v15;
	v16 =	vmul.f32 $3.199999810e+01, v18;
	[tilespmem:v12+s14+$0x0] =	vst.idx.add.f32.msk $0xffff, v2  }
0x23b: {  	v12 =	vshll.u32 v11, $0x4;
	v15 =	vcvt.f32.s32 v15;
	v11 =	vld [tilespmem:s0+$0xC30]  }
0x23c: {  	s9 =	sadd.s32 $0x200, s9;
	v12 =	vadd.s32 v9, v12;
	v17 =	vtrunc.f32 v16;
	v16 =	vmul.f32 $3.199999810e+01, v19;
	[tilespmem:v20+s14+$0x0] =	vst.idx.add.f32.msk $0xffff, v2  }
0x23d: {  	_ =	sdelay $0x1  }
0x23e: {  	v15 =	vshll.u32 v15, $0x4;
	v17 =	vcvt.f32.s32 v17  }
0x23f: {  	v15 =	vadd.s32 v9, v15;
	v16 =	vtrunc.f32 v16;
	v13 =	vmul.f32 $3.199999810e+01, v13  }
0x240: {  	[tilespmem:v14+s14+$0x0] =	vst.idx.add.f32.msk $0xffff, v2;
	v14 =	vshll.u32 v17, $0x4;
	v16 =	vcvt.f32.s32 v16  }
0x241: {  	v17 =	vld [tilespmem:s2+$0x40];
	v14 =	vadd.s32 v9, v14;
	v13 =	vtrunc.f32 v13;
	v11 =	vmul.f32 $3.199999810e+01, v11  }
0x242: {  	[tilespmem:v12+s14+$0x0] =	vst.idx.add.f32.msk $0xffff, v2;
	v12 =	vshll.u32 v16, $0x4;
	v13 =	vcvt.f32.s32 v13  }
0x243: {  	v10 =	vmul.f32 $3.199999810e+01, v10;
	v16 =	vld [tilespmem:s30+$0x400];
	v12 =	vadd.s32 v8, v12;
	v11 =	vtrunc.f32 v11  }
0x244: {  	[tilespmem:v15+s14+$0x0] =	vst.idx.add.f32.msk $0xffff, v2;
	v13 =	vshll.u32 v13, $0x4;
	v11 =	vcvt.f32.s32 v11  }
0x245: {  	v10 =	vtrunc.f32 v10;
	v15 =	vld [tilespmem:s29+$0x440];
	v13 =	vadd.s32 v8, v13  }
0x246: {  	v10 =	vcvt.f32.s32 v10;
	v17 =	vmul.f32 $3.199999810e+01, v17;
	[tilespmem:v14+s14+$0x0] =	vst.idx.add.f32.msk $0xffff, v2;
	v11 =	vshll.u32 v11, $0x4  }
0x247: {  	v14 =	vld [tilespmem:s28+$0x800];
	v11 =	vadd.s32 v8, v11  }
0x248: {  	v10 =	vshll.u32 v10, $0x4;
	v17 =	vtrunc.f32 v17;
	v16 =	vmul.f32 $3.199999810e+01, v16;
	[tilespmem:v12+s14+$0x0] =	vst.idx.add.f32.msk $0xffff, v2  }
0x249: {  	v10 =	vadd.s32 v9, v10;
	v12 =	vcvt.f32.s32 v17;
	v17 =	vld [tilespmem:s26+$0x840]  }
0x24a: {  	v16 =	vtrunc.f32 v16;
	v15 =	vmul.f32 $3.199999810e+01, v15;
	[tilespmem:v13+s14+$0x0] =	vst.idx.add.f32.msk $0xffff, v2  }
0x24b: {  	v12 =	vshll.u32 v12, $0x4;
	v13 =	vcvt.f32.s32 v16;
	v16 =	vld [tilespmem:s25+$0xC00]  }
0x24c: {  	v12 =	vadd.s32 v9, v12;
	v15 =	vtrunc.f32 v15;
	v14 =	vmul.f32 $3.199999810e+01, v14;
	[tilespmem:v11+s14+$0x0] =	vst.idx.add.f32.msk $0xffff, v2  }
0x24d: {  	v11 =	vshll.u32 v13, $0x4;
	v13 =	vcvt.f32.s32 v15;
	v15 =	vld [tilespmem:s0+$0xC40]  }
0x24e: {  	[tilespmem:v10+s14+$0x0] =	vst.idx.add.f32.msk $0xffff, v2;
	v11 =	vadd.s32 v9, v11;
	v14 =	vtrunc.f32 v14;
	v17 =	vmul.f32 $3.199999810e+01, v17  }
0x24f: {  	v10 =	vshll.u32 v13, $0x4;
	v13 =	vcvt.f32.s32 v14;
	v14 =	vld [tilespmem:s19+$0x10]  }
0x250: {  	v10 =	vadd.s32 v9, v10;
	v17 =	vtrunc.f32 v17;
	v16 =	vmul.f32 $3.199999810e+01, v16  }
0x251: {  	[tilespmem:v12+s14+$0x0] =	vst.idx.add.f32.msk $0xffff, v2;
	v12 =	vshll.u32 v13, $0x4;
	v13 =	vcvt.f32.s32 v17  }
0x252: {  	v17 =	vld [tilespmem:s2+$0x50];
	v12 =	vadd.s32 v8, v12;
	v16 =	vtrunc.f32 v16;
	v15 =	vmul.f32 $3.199999810e+01, v15  }
0x253: {  	[tilespmem:v11+s14+$0x0] =	vst.idx.add.f32.msk $0xffff, v2;
	v11 =	vshll.u32 v13, $0x4;
	v13 =	vcvt.f32.s32 v16  }
0x254: {  	v16 =	vld [tilespmem:s30+$0x410];
	v11 =	vadd.s32 v8, v11;
	v15 =	vtrunc.f32 v15;
	v14 =	vmul.f32 $3.199999810e+01, v14  }
0x255: {  	[tilespmem:v10+s14+$0x0] =	vst.idx.add.f32.msk $0xffff, v2;
	v10 =	vshll.u32 v13, $0x4;
	v13 =	vcvt.f32.s32 v15  }
0x256: {  	v15 =	vld [tilespmem:s29+$0x450];
	v10 =	vadd.s32 v8, v10;
	v14 =	vtrunc.f32 v14  }
0x257: {  	v17 =	vmul.f32 $3.199999810e+01, v17;
	[tilespmem:v12+s14+$0x0] =	vst.idx.add.f32.msk $0xffff, v2;
	v12 =	vshll.u32 v13, $0x4;
	v13 =	vcvt.f32.s32 v14  }
0x258: {  	v14 =	vld [tilespmem:s28+$0x810];
	v12 =	vadd.s32 v8, v12  }
0x259: {  	v17 =	vtrunc.f32 v17;
	v16 =	vmul.f32 $3.199999810e+01, v16;
	[tilespmem:v11+s14+$0x0] =	vst.idx.add.f32.msk $0xffff, v2;
	v11 =	vshll.u32 v13, $0x4  }
0x25a: {  	v13 =	vcvt.f32.s32 v17;
	v17 =	vld [tilespmem:s26+$0x850];
	v11 =	vadd.s32 v9, v11  }
0x25b: {  	v16 =	vtrunc.f32 v16;
	v15 =	vmul.f32 $3.199999810e+01, v15;
	[tilespmem:v10+s14+$0x0] =	vst.idx.add.f32.msk $0xffff, v2  }
0x25c: {  	v10 =	vshll.u32 v13, $0x4;
	v13 =	vcvt.f32.s32 v16;
	v16 =	vld [tilespmem:s25+$0xC10]  }
0x25d: {  	v10 =	vadd.s32 v9, v10;
	v15 =	vtrunc.f32 v15;
	v14 =	vmul.f32 $3.199999810e+01, v14;
	[tilespmem:v12+s14+$0x0] =	vst.idx.add.f32.msk $0xffff, v2  }
0x25e: {  	v12 =	vshll.u32 v13, $0x4;
	v13 =	vcvt.f32.s32 v15;
	v15 =	vld [tilespmem:s0+$0xC50]  }
0x25f: {  	v12 =	vadd.s32 v9, v12;
	v14 =	vtrunc.f32 v14;
	v17 =	vmul.f32 $3.199999810e+01, v17;
	[tilespmem:v11+s14+$0x0] =	vst.idx.add.f32.msk $0xffff, v2  }
0x260: {  	v11 =	vshll.u32 v13, $0x4;
	v13 =	vcvt.f32.s32 v14;
	v14 =	vld [tilespmem:s19+$0x20]  }
0x261: {  	v11 =	vadd.s32 v9, v11;
	v17 =	vtrunc.f32 v17;
	v16 =	vmul.f32 $3.199999810e+01, v16  }
0x262: {  	[tilespmem:v10+s14+$0x0] =	vst.idx.add.f32.msk $0xffff, v2;
	v10 =	vshll.u32 v13, $0x4;
	v13 =	vcvt.f32.s32 v17  }
0x263: {  	v17 =	vld [tilespmem:s2+$0x60];
	v10 =	vadd.s32 v8, v10;
	v16 =	vtrunc.f32 v16;
	v15 =	vmul.f32 $3.199999810e+01, v15  }
0x264: {  	[tilespmem:v12+s14+$0x0] =	vst.idx.add.f32.msk $0xffff, v2;
	v12 =	vshll.u32 v13, $0x4;
	v13 =	vcvt.f32.s32 v16  }
0x265: {  	v16 =	vld [tilespmem:s30+$0x420];
	v12 =	vadd.s32 v8, v12;
	v15 =	vtrunc.f32 v15;
	v14 =	vmul.f32 $3.199999810e+01, v14  }
0x266: {  	[tilespmem:v11+s14+$0x0] =	vst.idx.add.f32.msk $0xffff, v2;
	v11 =	vshll.u32 v13, $0x4;
	v13 =	vcvt.f32.s32 v15  }
0x267: {  	v15 =	vld [tilespmem:s29+$0x460];
	v11 =	vadd.s32 v8, v11;
	v14 =	vtrunc.f32 v14  }
0x268: {  	v17 =	vmul.f32 $3.199999810e+01, v17;
	[tilespmem:v10+s14+$0x0] =	vst.idx.add.f32.msk $0xffff, v2;
	v10 =	vshll.u32 v13, $0x4;
	v13 =	vcvt.f32.s32 v14  }
0x269: {  	v14 =	vld [tilespmem:s28+$0x820];
	v10 =	vadd.s32 v8, v10  }
0x26a: {  	v17 =	vtrunc.f32 v17;
	v16 =	vmul.f32 $3.199999810e+01, v16;
	[tilespmem:v12+s14+$0x0] =	vst.idx.add.f32.msk $0xffff, v2;
	v12 =	vshll.u32 v13, $0x4  }
0x26b: {  	v13 =	vcvt.f32.s32 v17;
	v17 =	vld [tilespmem:s26+$0x860];
	v12 =	vadd.s32 v9, v12  }
0x26c: {  	v16 =	vtrunc.f32 v16;
	v15 =	vmul.f32 $3.199999810e+01, v15;
	[tilespmem:v11+s14+$0x0] =	vst.idx.add.f32.msk $0xffff, v2  }
0x26d: {  	v11 =	vshll.u32 v13, $0x4;
	v13 =	vcvt.f32.s32 v16;
	v16 =	vld [tilespmem:s25+$0xC20]  }
0x26e: {  	v11 =	vadd.s32 v9, v11;
	v15 =	vtrunc.f32 v15;
	v14 =	vmul.f32 $3.199999810e+01, v14;
	[tilespmem:v10+s14+$0x0] =	vst.idx.add.f32.msk $0xffff, v2  }
0x26f: {  	v10 =	vshll.u32 v13, $0x4;
	v13 =	vcvt.f32.s32 v15;
	v15 =	vld [tilespmem:s0+$0xC60]  }
0x270: {  	v10 =	vadd.s32 v9, v10;
	v14 =	vtrunc.f32 v14;
	v17 =	vmul.f32 $3.199999810e+01, v17;
	[tilespmem:v12+s14+$0x0] =	vst.idx.add.f32.msk $0xffff, v2  }
0x271: {  	v12 =	vshll.u32 v13, $0x4;
	v13 =	vcvt.f32.s32 v14;
	v14 =	vld [tilespmem:s19+$0x30]  }
0x272: {  	v18 =	vld [tilespmem:s31+$0xC70];
	v12 =	vadd.s32 v9, v12;
	v17 =	vtrunc.f32 v17;
	v16 =	vmul.f32 $3.199999810e+01, v16  }
0x273: {  	[tilespmem:v11+s14+$0x0] =	vst.idx.add.f32.msk $0xffff, v2;
	v11 =	vshll.u32 v13, $0x4;
	v13 =	vcvt.f32.s32 v17  }
0x274: {  	v17 =	vld [tilespmem:s2+$0x70];
	v11 =	vadd.s32 v8, v11;
	v16 =	vtrunc.f32 v16;
	v15 =	vmul.f32 $3.199999810e+01, v15  }
0x275: {  	[tilespmem:v10+s14+$0x0] =	vst.idx.add.f32.msk $0xffff, v2;
	v10 =	vshll.u32 v13, $0x4;
	v13 =	vcvt.f32.s32 v16  }
0x276: {  	v16 =	vld [tilespmem:s30+$0x430];
	v10 =	vadd.s32 v8, v10;
	v15 =	vtrunc.f32 v15;
	v14 =	vmul.f32 $3.199999810e+01, v14  }
0x277: {  	[tilespmem:v12+s14+$0x0] =	vst.idx.add.f32.msk $0xffff, v2;
	v12 =	vshll.u32 v13, $0x4;
	v13 =	vcvt.f32.s32 v15  }
0x278: {  	v15 =	vmul.f32 $3.199999810e+01, v18;
	v18 =	vld [tilespmem:s29+$0x470];
	v12 =	vadd.s32 v8, v12;
	v14 =	vtrunc.f32 v14  }
0x279: {  	[tilespmem:v11+s14+$0x0] =	vst.idx.add.f32.msk $0xffff, v2;
	v11 =	vshll.u32 v13, $0x4;
	v13 =	vcvt.f32.s32 v14  }
0x27a: {  	v14 =	vtrunc.f32 v15;
	v15 =	vmul.f32 $3.199999810e+01, v17;
	v17 =	vld [tilespmem:s28+$0x830];
	v11 =	vadd.s32 v8, v11  }
0x27b: {  	v14 =	vcvt.f32.s32 v14;
	[tilespmem:v10+s14+$0x0] =	vst.idx.add.f32.msk $0xffff, v2;
	v10 =	vshll.u32 v13, $0x4  }
0x27c: {  	v13 =	vtrunc.f32 v15;
	v15 =	vmul.f32 $3.199999810e+01, v16;
	v16 =	vld [tilespmem:s26+$0x870];
	v10 =	vadd.s32 v9, v10  }
0x27d: {  	v13 =	vcvt.f32.s32 v13;
	[tilespmem:v12+s14+$0x0] =	vst.idx.add.f32.msk $0xffff, v2  }
0x27e: {  	v12 =	vshll.u32 v14, $0x4;
	v14 =	vtrunc.f32 v15;
	v15 =	vmul.f32 $3.199999810e+01, v18;
	v18 =	vld [tilespmem:s25+$0xC30]  }
0x27f: {  	v12 =	vadd.s32 v8, v12;
	v13 =	vshll.u32 v13, $0x4;
	v14 =	vcvt.f32.s32 v14;
	[tilespmem:v11+s14+$0x0] =	vst.idx.add.f32.msk $0xffff, v2  }
0x280: {  	v11 =	vadd.s32 v9, v13;
	v13 =	vtrunc.f32 v15;
	v15 =	vmul.f32 $3.199999810e+01, v17;
	v17 =	vld [tilespmem:s0+$0xC70]  }
0x281: {  	v14 =	vshll.u32 v14, $0x4;
	v13 =	vcvt.f32.s32 v13;
	[tilespmem:v10+s14+$0x0] =	vst.idx.add.f32.msk $0xffff, v2  }
0x282: {  	v10 =	vadd.s32 v9, v14;
	v14 =	vtrunc.f32 v15;
	v15 =	vmul.f32 $3.199999810e+01, v16;
	v16 =	vld [tilespmem:s19+$0x40]  }
0x283: {  	v13 =	vshll.u32 v13, $0x4;
	v14 =	vcvt.f32.s32 v14  }
0x284: {  	[tilespmem:v12+s14+$0x0] =	vst.idx.add.f32.msk $0xffff, v2;
	v12 =	vadd.s32 v9, v13;
	v13 =	vtrunc.f32 v15;
	v15 =	vmul.f32 $3.199999810e+01, v18  }
0x285: {  	[tilespmem:v11+s14+$0x0] =	vst.idx.add.f32.msk $0xffff, v2;
	v11 =	vshll.u32 v14, $0x4;
	v13 =	vcvt.f32.s32 v13  }
0x286: {  	v14 =	vld [tilespmem:s2+$0x400];
	v11 =	vadd.s32 v8, v11;
	v15 =	vtrunc.f32 v15;
	v17 =	vmul.f32 $3.199999810e+01, v17  }
0x287: {  	[tilespmem:v10+s14+$0x0] =	vst.idx.add.f32.msk $0xffff, v2;
	v10 =	vshll.u32 v13, $0x4;
	v13 =	vcvt.f32.s32 v15;
	v15 =	vmul.f32 $3.199999810e+01, v16  }
0x288: {  	v16 =	vld [tilespmem:s30+$0x440];
	v10 =	vadd.s32 v8, v10;
	v17 =	vtrunc.f32 v17  }
0x289: {  	[tilespmem:v12+s14+$0x0] =	vst.idx.add.f32.msk $0xffff, v2;
	v12 =	vshll.u32 v13, $0x4;
	v17 =	vcvt.f32.s32 v17;
	v15 =	vtrunc.f32 v15  }
0x28a: {  	v13 =	vld [tilespmem:s29+$0x800];
	v18 =	vadd.s32 v8, v12;
	v15 =	vcvt.f32.s32 v15  }
0x28b: {  	[tilespmem:v11+s14+$0x0] =	vst.idx.add.f32.msk $0xffff, v2;
	v11 =	vshll.u32 v17, $0x4  }
0x28c: {  	v12 =	vld [tilespmem:s28+$0x840];
	v17 =	vadd.s32 v8, v11;
	v11 =	vshll.u32 v15, $0x4  }
0x28d: {  	[tilespmem:v10+s14+$0x0] =	vst.idx.add.f32.msk $0xffff, v2;
	v15 =	vadd.s32 v9, v11  }
0x28e: {  	v11 =	vld [tilespmem:s26+$0xC00]  }
0x28f: {  	[tilespmem:v18+s14+$0x0] =	vst.idx.add.f32.msk $0xffff, v2  }
0x290: {  	v10 =	vld [tilespmem:s25+$0xC40]  }
0x291: {  	[tilespmem:v17+s14+$0x0] =	vst.idx.add.f32.msk $0xffff, v2  }
0x292: {  	[tilespmem:v15+s14+$0x0] =	vst.idx.add.f32.msk $0xffff, v2  }
0x293: {  	v15 =	vld [tilespmem:s19+$0x50];
	_ =	sdelay $0x4  }
0x294: {  	v15 =	vmul.f32 $3.199999810e+01, v15;
	_ =	sdelay $0x1  }
0x295: {  	v15 =	vtrunc.f32 v15  }
0x296: {  	v15 =	vcvt.f32.s32 v15;
	_ =	sdelay $0x1  }
0x297: {  	v15 =	vshll.u32 v15, $0x4  }
0x298: {  	v15 =	vadd.s32 v9, v15;
	_ =	sdelay $0x4  }
0x299: {  	[tilespmem:v15+s14+$0x0] =	vst.idx.add.f32.msk $0xffff, v2  }
0x29a: {  	v15 =	vld [tilespmem:s19+$0x60];
	_ =	sdelay $0x4  }
0x29b: {  	v15 =	vmul.f32 $3.199999810e+01, v15;
	_ =	sdelay $0x1  }
0x29c: {  	v15 =	vtrunc.f32 v15  }
0x29d: {  	v15 =	vcvt.f32.s32 v15;
	_ =	sdelay $0x1  }
0x29e: {  	v15 =	vshll.u32 v15, $0x4  }
0x29f: {  	v15 =	vadd.s32 v9, v15;
	_ =	sdelay $0x4  }
0x2a0: {  	[tilespmem:v15+s14+$0x0] =	vst.idx.add.f32.msk $0xffff, v2  }
0x2a1: {  	v15 =	vld [tilespmem:s19+$0x70];
	_ =	sdelay $0x4  }
0x2a2: {  	v15 =	vmul.f32 $3.199999810e+01, v15;
	_ =	sdelay $0x1  }
0x2a3: {  	v15 =	vtrunc.f32 v15  }
0x2a4: {  	v15 =	vcvt.f32.s32 v15;
	_ =	sdelay $0x1  }
0x2a5: {  	v15 =	vshll.u32 v15, $0x4  }
0x2a6: {  	v15 =	vadd.s32 v9, v15;
	_ =	sdelay $0x4  }
0x2a7: {  	[tilespmem:v15+s14+$0x0] =	vst.idx.add.f32.msk $0xffff, v2  }
0x2a8: {  	v15 =	vld [tilespmem:s19+$0x400];
	_ =	sdelay $0x2  }
0x2a9: {  	v14 =	vmul.f32 $3.199999810e+01, v14;
	_ =	sdelay $0x1  }
0x2aa: {  	v14 =	vtrunc.f32 v14;
	v15 =	vmul.f32 $3.199999810e+01, v15  }
0x2ab: {  	v14 =	vcvt.f32.s32 v14  }
0x2ac: {  	v15 =	vtrunc.f32 v15  }
0x2ad: {  	v14 =	vshll.u32 v14, $0x4;
	v15 =	vcvt.f32.s32 v15  }
0x2ae: {  	v14 =	vadd.s32 v9, v14  }
0x2af: {  	v15 =	vshll.u32 v15, $0x4  }
0x2b0: {  	v15 =	vadd.s32 v9, v15;
	_ =	sdelay $0x2  }
0x2b1: {  	[tilespmem:v14+s14+$0x0] =	vst.idx.add.f32.msk $0xffff, v2  }
0x2b2: {  	v14 =	vld [tilespmem:s2+$0x410]  }
0x2b3: {  	[tilespmem:v15+s14+$0x0] =	vst.idx.add.f32.msk $0xffff, v2  }
0x2b4: {  	v15 =	vld [tilespmem:s19+$0x410];
	_ =	sdelay $0x2  }
0x2b5: {  	v14 =	vmul.f32 $3.199999810e+01, v14;
	_ =	sdelay $0x1  }
0x2b6: {  	v14 =	vtrunc.f32 v14;
	v15 =	vmul.f32 $3.199999810e+01, v15  }
0x2b7: {  	v14 =	vcvt.f32.s32 v14  }
0x2b8: {  	v15 =	vtrunc.f32 v15  }
0x2b9: {  	v14 =	vshll.u32 v14, $0x4;
	v15 =	vcvt.f32.s32 v15  }
0x2ba: {  	v14 =	vadd.s32 v9, v14  }
0x2bb: {  	v15 =	vshll.u32 v15, $0x4  }
0x2bc: {  	v15 =	vadd.s32 v9, v15;
	_ =	sdelay $0x2  }
0x2bd: {  	[tilespmem:v14+s14+$0x0] =	vst.idx.add.f32.msk $0xffff, v2  }
0x2be: {  	v14 =	vld [tilespmem:s2+$0x420]  }
0x2bf: {  	[tilespmem:v15+s14+$0x0] =	vst.idx.add.f32.msk $0xffff, v2  }
0x2c0: {  	v15 =	vld [tilespmem:s19+$0x420];
	_ =	sdelay $0x2  }
0x2c1: {  	v14 =	vmul.f32 $3.199999810e+01, v14;
	_ =	sdelay $0x1  }
0x2c2: {  	v14 =	vtrunc.f32 v14;
	v15 =	vmul.f32 $3.199999810e+01, v15  }
0x2c3: {  	v14 =	vcvt.f32.s32 v14  }
0x2c4: {  	v15 =	vtrunc.f32 v15  }
0x2c5: {  	v14 =	vshll.u32 v14, $0x4;
	v15 =	vcvt.f32.s32 v15  }
0x2c6: {  	v14 =	vadd.s32 v9, v14  }
0x2c7: {  	v15 =	vshll.u32 v15, $0x4  }
0x2c8: {  	v15 =	vadd.s32 v9, v15;
	_ =	sdelay $0x2  }
0x2c9: {  	[tilespmem:v14+s14+$0x0] =	vst.idx.add.f32.msk $0xffff, v2  }
0x2ca: {  	v14 =	vld [tilespmem:s2+$0x430]  }
0x2cb: {  	[tilespmem:v15+s14+$0x0] =	vst.idx.add.f32.msk $0xffff, v2  }
0x2cc: {  	v15 =	vld [tilespmem:s19+$0x430];
	_ =	sdelay $0x2  }
0x2cd: {  	v14 =	vmul.f32 $3.199999810e+01, v14;
	_ =	sdelay $0x1  }
0x2ce: {  	v14 =	vtrunc.f32 v14;
	v15 =	vmul.f32 $3.199999810e+01, v15  }
0x2cf: {  	v14 =	vcvt.f32.s32 v14  }
0x2d0: {  	v15 =	vtrunc.f32 v15  }
0x2d1: {  	v14 =	vshll.u32 v14, $0x4;
	v15 =	vcvt.f32.s32 v15  }
0x2d2: {  	v14 =	vadd.s32 v9, v14  }
0x2d3: {  	v15 =	vshll.u32 v15, $0x4  }
0x2d4: {  	v15 =	vadd.s32 v9, v15;
	_ =	sdelay $0x2  }
0x2d5: {  	[tilespmem:v14+s14+$0x0] =	vst.idx.add.f32.msk $0xffff, v2  }
0x2d6: {  	v14 =	vld [tilespmem:s2+$0x440]  }
0x2d7: {  	[tilespmem:v15+s14+$0x0] =	vst.idx.add.f32.msk $0xffff, v2  }
0x2d8: {  	v15 =	vld [tilespmem:s19+$0x440]  }
0x2d9: {  	v16 =	vmul.f32 $3.199999810e+01, v16;
	_ =	sdelay $0x1  }
0x2da: {  	v16 =	vtrunc.f32 v16;
	v14 =	vmul.f32 $3.199999810e+01, v14  }
0x2db: {  	v16 =	vcvt.f32.s32 v16  }
0x2dc: {  	v14 =	vtrunc.f32 v14;
	v15 =	vmul.f32 $3.199999810e+01, v15  }
0x2dd: {  	v16 =	vshll.u32 v16, $0x4;
	v14 =	vcvt.f32.s32 v14  }
0x2de: {  	v16 =	vadd.s32 v9, v16;
	v15 =	vtrunc.f32 v15  }
0x2df: {  	v14 =	vshll.u32 v14, $0x4;
	v15 =	vcvt.f32.s32 v15  }
0x2e0: {  	v14 =	vadd.s32 v9, v14  }
0x2e1: {  	v15 =	vshll.u32 v15, $0x4  }
0x2e2: {  	v15 =	vadd.s32 v9, v15  }
0x2e3: {  	[tilespmem:v16+s14+$0x0] =	vst.idx.add.f32.msk $0xffff, v2  }
0x2e4: {  	v16 =	vld [tilespmem:s30+$0x450]  }
0x2e5: {  	[tilespmem:v14+s14+$0x0] =	vst.idx.add.f32.msk $0xffff, v2  }
0x2e6: {  	v14 =	vld [tilespmem:s2+$0x450]  }
0x2e7: {  	[tilespmem:v15+s14+$0x0] =	vst.idx.add.f32.msk $0xffff, v2  }
0x2e8: {  	v15 =	vld [tilespmem:s19+$0x450]  }
0x2e9: {  	v16 =	vmul.f32 $3.199999810e+01, v16;
	_ =	sdelay $0x1  }
0x2ea: {  	v16 =	vtrunc.f32 v16;
	v14 =	vmul.f32 $3.199999810e+01, v14  }
0x2eb: {  	v16 =	vcvt.f32.s32 v16  }
0x2ec: {  	v14 =	vtrunc.f32 v14;
	v15 =	vmul.f32 $3.199999810e+01, v15  }
0x2ed: {  	v16 =	vshll.u32 v16, $0x4;
	v14 =	vcvt.f32.s32 v14  }
0x2ee: {  	v16 =	vadd.s32 v9, v16;
	v15 =	vtrunc.f32 v15  }
0x2ef: {  	v14 =	vshll.u32 v14, $0x4;
	v15 =	vcvt.f32.s32 v15  }
0x2f0: {  	v14 =	vadd.s32 v9, v14  }
0x2f1: {  	v15 =	vshll.u32 v15, $0x4  }
0x2f2: {  	v15 =	vadd.s32 v9, v15  }
0x2f3: {  	[tilespmem:v16+s14+$0x0] =	vst.idx.add.f32.msk $0xffff, v2  }
0x2f4: {  	v16 =	vld [tilespmem:s30+$0x460]  }
0x2f5: {  	[tilespmem:v14+s14+$0x0] =	vst.idx.add.f32.msk $0xffff, v2  }
0x2f6: {  	v14 =	vld [tilespmem:s2+$0x460]  }
0x2f7: {  	[tilespmem:v15+s14+$0x0] =	vst.idx.add.f32.msk $0xffff, v2  }
0x2f8: {  	v15 =	vld [tilespmem:s19+$0x460]  }
0x2f9: {  	v16 =	vmul.f32 $3.199999810e+01, v16;
	_ =	sdelay $0x1  }
0x2fa: {  	v16 =	vtrunc.f32 v16;
	v14 =	vmul.f32 $3.199999810e+01, v14  }
0x2fb: {  	v16 =	vcvt.f32.s32 v16  }
0x2fc: {  	v14 =	vtrunc.f32 v14;
	v15 =	vmul.f32 $3.199999810e+01, v15  }
0x2fd: {  	v16 =	vshll.u32 v16, $0x4;
	v14 =	vcvt.f32.s32 v14  }
0x2fe: {  	v16 =	vadd.s32 v9, v16;
	v15 =	vtrunc.f32 v15  }
0x2ff: {  	v14 =	vshll.u32 v14, $0x4;
	v15 =	vcvt.f32.s32 v15  }
0x300: {  	v14 =	vadd.s32 v9, v14  }
0x301: {  	v15 =	vshll.u32 v15, $0x4  }
0x302: {  	v15 =	vadd.s32 v9, v15  }
0x303: {  	[tilespmem:v16+s14+$0x0] =	vst.idx.add.f32.msk $0xffff, v2  }
0x304: {  	v16 =	vld [tilespmem:s30+$0x470]  }
0x305: {  	[tilespmem:v14+s14+$0x0] =	vst.idx.add.f32.msk $0xffff, v2  }
0x306: {  	v14 =	vld [tilespmem:s2+$0x470]  }
0x307: {  	[tilespmem:v15+s14+$0x0] =	vst.idx.add.f32.msk $0xffff, v2  }
0x308: {  	v15 =	vld [tilespmem:s19+$0x470]  }
0x309: {  	v16 =	vmul.f32 $3.199999810e+01, v16;
	_ =	sdelay $0x1  }
0x30a: {  	v16 =	vtrunc.f32 v16;
	v14 =	vmul.f32 $3.199999810e+01, v14  }
0x30b: {  	v16 =	vcvt.f32.s32 v16  }
0x30c: {  	v14 =	vtrunc.f32 v14;
	v15 =	vmul.f32 $3.199999810e+01, v15  }
0x30d: {  	v16 =	vshll.u32 v16, $0x4;
	v14 =	vcvt.f32.s32 v14  }
0x30e: {  	v16 =	vadd.s32 v9, v16;
	v15 =	vtrunc.f32 v15  }
0x30f: {  	v14 =	vshll.u32 v14, $0x4;
	v15 =	vcvt.f32.s32 v15  }
0x310: {  	v14 =	vadd.s32 v9, v14  }
0x311: {  	v15 =	vshll.u32 v15, $0x4  }
0x312: {  	v15 =	vadd.s32 v9, v15  }
0x313: {  	[tilespmem:v16+s14+$0x0] =	vst.idx.add.f32.msk $0xffff, v2  }
0x314: {  	v16 =	vld [tilespmem:s30+$0x800]  }
0x315: {  	[tilespmem:v14+s14+$0x0] =	vst.idx.add.f32.msk $0xffff, v2  }
0x316: {  	v14 =	vld [tilespmem:s2+$0x800]  }
0x317: {  	v13 =	vmul.f32 $3.199999810e+01, v13;
	[tilespmem:v15+s14+$0x0] =	vst.idx.add.f32.msk $0xffff, v2  }
0x318: {  	v15 =	vld [tilespmem:s19+$0x800]  }
0x319: {  	v13 =	vtrunc.f32 v13;
	v16 =	vmul.f32 $3.199999810e+01, v16  }
0x31a: {  	v13 =	vcvt.f32.s32 v13  }
0x31b: {  	v16 =	vtrunc.f32 v16;
	v14 =	vmul.f32 $3.199999810e+01, v14  }
0x31c: {  	v13 =	vshll.u32 v13, $0x4;
	v16 =	vcvt.f32.s32 v16  }
0x31d: {  	v13 =	vadd.s32 v8, v13;
	v14 =	vtrunc.f32 v14;
	v15 =	vmul.f32 $3.199999810e+01, v15  }
0x31e: {  	v16 =	vshll.u32 v16, $0x4;
	v14 =	vcvt.f32.s32 v14  }
0x31f: {  	v16 =	vadd.s32 v8, v16;
	v15 =	vtrunc.f32 v15  }
0x320: {  	v14 =	vshll.u32 v14, $0x4;
	v15 =	vcvt.f32.s32 v15  }
0x321: {  	v14 =	vadd.s32 v8, v14  }
0x322: {  	[tilespmem:v13+s14+$0x0] =	vst.idx.add.f32.msk $0xffff, v2;
	v13 =	vshll.u32 v15, $0x4  }
0x323: {  	v15 =	vld [tilespmem:s29+$0x810];
	v13 =	vadd.s32 v8, v13  }
0x324: {  	[tilespmem:v16+s14+$0x0] =	vst.idx.add.f32.msk $0xffff, v2  }
0x325: {  	v16 =	vld [tilespmem:s30+$0x810]  }
0x326: {  	[tilespmem:v14+s14+$0x0] =	vst.idx.add.f32.msk $0xffff, v2  }
0x327: {  	v14 =	vld [tilespmem:s2+$0x810]  }
0x328: {  	v15 =	vmul.f32 $3.199999810e+01, v15;
	[tilespmem:v13+s14+$0x0] =	vst.idx.add.f32.msk $0xffff, v2  }
0x329: {  	v13 =	vld [tilespmem:s19+$0x810]  }
0x32a: {  	v16 =	vmul.f32 $3.199999810e+01, v16;
	v15 =	vtrunc.f32 v15  }
0x32b: {  	v15 =	vcvt.f32.s32 v15  }
0x32c: {  	v16 =	vtrunc.f32 v16;
	v14 =	vmul.f32 $3.199999810e+01, v14  }
0x32d: {  	v16 =	vcvt.f32.s32 v16;
	v15 =	vshll.u32 v15, $0x4  }
0x32e: {  	v14 =	vtrunc.f32 v14;
	v15 =	vadd.s32 v8, v15;
	v13 =	vmul.f32 $3.199999810e+01, v13  }
0x32f: {  	v16 =	vshll.u32 v16, $0x4;
	v14 =	vcvt.f32.s32 v14  }
0x330: {  	v16 =	vadd.s32 v8, v16;
	v13 =	vtrunc.f32 v13  }
0x331: {  	v14 =	vshll.u32 v14, $0x4;
	v13 =	vcvt.f32.s32 v13  }
0x332: {  	v14 =	vadd.s32 v8, v14  }
0x333: {  	[tilespmem:v15+s14+$0x0] =	vst.idx.add.f32.msk $0xffff, v2;
	v13 =	vshll.u32 v13, $0x4  }
0x334: {  	v15 =	vld [tilespmem:s29+$0x820];
	v13 =	vadd.s32 v8, v13  }
0x335: {  	[tilespmem:v16+s14+$0x0] =	vst.idx.add.f32.msk $0xffff, v2  }
0x336: {  	v16 =	vld [tilespmem:s30+$0x820]  }
0x337: {  	[tilespmem:v14+s14+$0x0] =	vst.idx.add.f32.msk $0xffff, v2  }
0x338: {  	v14 =	vld [tilespmem:s2+$0x820]  }
0x339: {  	v15 =	vmul.f32 $3.199999810e+01, v15;
	[tilespmem:v13+s14+$0x0] =	vst.idx.add.f32.msk $0xffff, v2  }
0x33a: {  	v13 =	vld [tilespmem:s19+$0x820]  }
0x33b: {  	v16 =	vmul.f32 $3.199999810e+01, v16;
	v15 =	vtrunc.f32 v15  }
0x33c: {  	v15 =	vcvt.f32.s32 v15  }
0x33d: {  	v16 =	vtrunc.f32 v16;
	v14 =	vmul.f32 $3.199999810e+01, v14  }
0x33e: {  	v16 =	vcvt.f32.s32 v16;
	v15 =	vshll.u32 v15, $0x4  }
0x33f: {  	v14 =	vtrunc.f32 v14;
	v15 =	vadd.s32 v8, v15;
	v13 =	vmul.f32 $3.199999810e+01, v13  }
0x340: {  	v16 =	vshll.u32 v16, $0x4;
	v14 =	vcvt.f32.s32 v14  }
0x341: {  	v16 =	vadd.s32 v8, v16;
	v13 =	vtrunc.f32 v13  }
0x342: {  	v14 =	vshll.u32 v14, $0x4;
	v13 =	vcvt.f32.s32 v13  }
0x343: {  	v14 =	vadd.s32 v8, v14  }
0x344: {  	[tilespmem:v15+s14+$0x0] =	vst.idx.add.f32.msk $0xffff, v2;
	v13 =	vshll.u32 v13, $0x4  }
0x345: {  	v15 =	vld [tilespmem:s29+$0x830];
	v13 =	vadd.s32 v8, v13  }
0x346: {  	[tilespmem:v16+s14+$0x0] =	vst.idx.add.f32.msk $0xffff, v2  }
0x347: {  	v16 =	vld [tilespmem:s30+$0x830]  }
0x348: {  	[tilespmem:v14+s14+$0x0] =	vst.idx.add.f32.msk $0xffff, v2  }
0x349: {  	v14 =	vld [tilespmem:s2+$0x830]  }
0x34a: {  	v15 =	vmul.f32 $3.199999810e+01, v15;
	[tilespmem:v13+s14+$0x0] =	vst.idx.add.f32.msk $0xffff, v2  }
0x34b: {  	v13 =	vld [tilespmem:s19+$0x830]  }
0x34c: {  	v16 =	vmul.f32 $3.199999810e+01, v16;
	v15 =	vtrunc.f32 v15  }
0x34d: {  	v15 =	vcvt.f32.s32 v15  }
0x34e: {  	v16 =	vtrunc.f32 v16;
	v14 =	vmul.f32 $3.199999810e+01, v14  }
0x34f: {  	v16 =	vcvt.f32.s32 v16;
	v15 =	vshll.u32 v15, $0x4  }
0x350: {  	v14 =	vtrunc.f32 v14;
	v15 =	vadd.s32 v8, v15;
	v13 =	vmul.f32 $3.199999810e+01, v13  }
0x351: {  	v16 =	vshll.u32 v16, $0x4;
	v14 =	vcvt.f32.s32 v14  }
0x352: {  	v16 =	vadd.s32 v8, v16;
	v13 =	vtrunc.f32 v13  }
0x353: {  	v14 =	vshll.u32 v14, $0x4;
	v13 =	vcvt.f32.s32 v13  }
0x354: {  	v14 =	vadd.s32 v8, v14  }
0x355: {  	[tilespmem:v15+s14+$0x0] =	vst.idx.add.f32.msk $0xffff, v2;
	v13 =	vshll.u32 v13, $0x4  }
0x356: {  	v15 =	vld [tilespmem:s29+$0x840];
	v13 =	vadd.s32 v8, v13  }
0x357: {  	[tilespmem:v16+s14+$0x0] =	vst.idx.add.f32.msk $0xffff, v2  }
0x358: {  	v16 =	vld [tilespmem:s30+$0x840]  }
0x359: {  	v12 =	vmul.f32 $3.199999810e+01, v12;
	[tilespmem:v14+s14+$0x0] =	vst.idx.add.f32.msk $0xffff, v2  }
0x35a: {  	v14 =	vld [tilespmem:s2+$0x840]  }
0x35b: {  	v12 =	vtrunc.f32 v12;
	v15 =	vmul.f32 $3.199999810e+01, v15;
	[tilespmem:v13+s14+$0x0] =	vst.idx.add.f32.msk $0xffff, v2  }
0x35c: {  	v12 =	vcvt.f32.s32 v12;
	v13 =	vld [tilespmem:s19+$0x840]  }
0x35d: {  	v16 =	vmul.f32 $3.199999810e+01, v16;
	v15 =	vtrunc.f32 v15  }
0x35e: {  	v12 =	vshll.u32 v12, $0x4;
	v15 =	vcvt.f32.s32 v15  }
0x35f: {  	v12 =	vadd.s32 v8, v12;
	v16 =	vtrunc.f32 v16;
	v14 =	vmul.f32 $3.199999810e+01, v14  }
0x360: {  	v16 =	vcvt.f32.s32 v16;
	v15 =	vshll.u32 v15, $0x4  }
0x361: {  	v14 =	vtrunc.f32 v14;
	v15 =	vadd.s32 v8, v15;
	v13 =	vmul.f32 $3.199999810e+01, v13  }
0x362: {  	v16 =	vshll.u32 v16, $0x4;
	v14 =	vcvt.f32.s32 v14  }
0x363: {  	v16 =	vadd.s32 v8, v16;
	v13 =	vtrunc.f32 v13  }
0x364: {  	[tilespmem:v12+s14+$0x0] =	vst.idx.add.f32.msk $0xffff, v2;
	v12 =	vshll.u32 v14, $0x4;
	v13 =	vcvt.f32.s32 v13  }
0x365: {  	v14 =	vld [tilespmem:s28+$0x850];
	v12 =	vadd.s32 v8, v12  }
0x366: {  	[tilespmem:v15+s14+$0x0] =	vst.idx.add.f32.msk $0xffff, v2;
	v13 =	vshll.u32 v13, $0x4  }
0x367: {  	v15 =	vld [tilespmem:s29+$0x850];
	v13 =	vadd.s32 v8, v13  }
0x368: {  	[tilespmem:v16+s14+$0x0] =	vst.idx.add.f32.msk $0xffff, v2  }
0x369: {  	v16 =	vld [tilespmem:s30+$0x850]  }
0x36a: {  	v14 =	vmul.f32 $3.199999810e+01, v14;
	[tilespmem:v12+s14+$0x0] =	vst.idx.add.f32.msk $0xffff, v2  }
0x36b: {  	v12 =	vld [tilespmem:s2+$0x850]  }
0x36c: {  	v14 =	vtrunc.f32 v14;
	v15 =	vmul.f32 $3.199999810e+01, v15;
	[tilespmem:v13+s14+$0x0] =	vst.idx.add.f32.msk $0xffff, v2  }
0x36d: {  	v13 =	vcvt.f32.s32 v14;
	v14 =	vld [tilespmem:s19+$0x850]  }
0x36e: {  	v16 =	vmul.f32 $3.199999810e+01, v16;
	v15 =	vtrunc.f32 v15  }
0x36f: {  	v13 =	vshll.u32 v13, $0x4;
	v15 =	vcvt.f32.s32 v15  }
0x370: {  	v16 =	vtrunc.f32 v16;
	v12 =	vmul.f32 $3.199999810e+01, v12;
	v13 =	vadd.s32 v8, v13  }
0x371: {  	v16 =	vcvt.f32.s32 v16;
	v15 =	vshll.u32 v15, $0x4  }
0x372: {  	v12 =	vtrunc.f32 v12;
	v15 =	vadd.s32 v8, v15;
	v14 =	vmul.f32 $3.199999810e+01, v14  }
0x373: {  	v16 =	vshll.u32 v16, $0x4;
	v12 =	vcvt.f32.s32 v12  }
0x374: {  	v16 =	vadd.s32 v8, v16;
	v14 =	vtrunc.f32 v14  }
0x375: {  	v12 =	vshll.u32 v12, $0x4;
	[tilespmem:v13+s14+$0x0] =	vst.idx.add.f32.msk $0xffff, v2;
	v13 =	vcvt.f32.s32 v14  }
0x376: {  	v12 =	vadd.s32 v8, v12;
	v14 =	vld [tilespmem:s28+$0x860]  }
0x377: {  	[tilespmem:v15+s14+$0x0] =	vst.idx.add.f32.msk $0xffff, v2;
	v13 =	vshll.u32 v13, $0x4  }
0x378: {  	v15 =	vld [tilespmem:s29+$0x860];
	v13 =	vadd.s32 v8, v13  }
0x379: {  	[tilespmem:v16+s14+$0x0] =	vst.idx.add.f32.msk $0xffff, v2  }
0x37a: {  	v16 =	vld [tilespmem:s30+$0x860]  }
0x37b: {  	[tilespmem:v12+s14+$0x0] =	vst.idx.add.f32.msk $0xffff, v2;
	v14 =	vmul.f32 $3.199999810e+01, v14  }
0x37c: {  	v12 =	vld [tilespmem:s2+$0x860]  }
0x37d: {  	v14 =	vtrunc.f32 v14;
	v15 =	vmul.f32 $3.199999810e+01, v15;
	[tilespmem:v13+s14+$0x0] =	vst.idx.add.f32.msk $0xffff, v2  }
0x37e: {  	v13 =	vcvt.f32.s32 v14;
	v14 =	vld [tilespmem:s19+$0x860]  }
0x37f: {  	v16 =	vmul.f32 $3.199999810e+01, v16;
	v15 =	vtrunc.f32 v15  }
0x380: {  	v13 =	vshll.u32 v13, $0x4;
	v15 =	vcvt.f32.s32 v15  }
0x381: {  	v16 =	vtrunc.f32 v16;
	v12 =	vmul.f32 $3.199999810e+01, v12;
	v13 =	vadd.s32 v8, v13  }
0x382: {  	v16 =	vcvt.f32.s32 v16;
	v15 =	vshll.u32 v15, $0x4  }
0x383: {  	v12 =	vtrunc.f32 v12;
	v15 =	vadd.s32 v8, v15;
	v14 =	vmul.f32 $3.199999810e+01, v14  }
0x384: {  	v16 =	vshll.u32 v16, $0x4;
	v12 =	vcvt.f32.s32 v12  }
0x385: {  	v16 =	vadd.s32 v8, v16;
	v14 =	vtrunc.f32 v14  }
0x386: {  	v12 =	vshll.u32 v12, $0x4;
	[tilespmem:v13+s14+$0x0] =	vst.idx.add.f32.msk $0xffff, v2;
	v13 =	vcvt.f32.s32 v14  }
0x387: {  	v12 =	vadd.s32 v8, v12;
	v14 =	vld [tilespmem:s28+$0x870]  }
0x388: {  	[tilespmem:v15+s14+$0x0] =	vst.idx.add.f32.msk $0xffff, v2;
	v13 =	vshll.u32 v13, $0x4  }
0x389: {  	v15 =	vld [tilespmem:s29+$0x870];
	v13 =	vadd.s32 v8, v13  }
0x38a: {  	[tilespmem:v16+s14+$0x0] =	vst.idx.add.f32.msk $0xffff, v2  }
0x38b: {  	v16 =	vld [tilespmem:s30+$0x870]  }
0x38c: {  	[tilespmem:v12+s14+$0x0] =	vst.idx.add.f32.msk $0xffff, v2;
	v14 =	vmul.f32 $3.199999810e+01, v14  }
0x38d: {  	v12 =	vld [tilespmem:s2+$0x870]  }
0x38e: {  	v14 =	vtrunc.f32 v14;
	v15 =	vmul.f32 $3.199999810e+01, v15;
	[tilespmem:v13+s14+$0x0] =	vst.idx.add.f32.msk $0xffff, v2  }
0x38f: {  	v13 =	vcvt.f32.s32 v14;
	v14 =	vld [tilespmem:s19+$0x870]  }
0x390: {  	v16 =	vmul.f32 $3.199999810e+01, v16;
	v15 =	vtrunc.f32 v15  }
0x391: {  	v13 =	vshll.u32 v13, $0x4;
	v15 =	vcvt.f32.s32 v15  }
0x392: {  	v16 =	vtrunc.f32 v16;
	v12 =	vmul.f32 $3.199999810e+01, v12;
	v13 =	vadd.s32 v8, v13  }
0x393: {  	v16 =	vcvt.f32.s32 v16;
	v15 =	vshll.u32 v15, $0x4  }
0x394: {  	v12 =	vtrunc.f32 v12;
	v15 =	vadd.s32 v8, v15;
	v14 =	vmul.f32 $3.199999810e+01, v14  }
0x395: {  	v16 =	vshll.u32 v16, $0x4;
	v12 =	vcvt.f32.s32 v12  }
0x396: {  	v16 =	vadd.s32 v8, v16;
	v14 =	vtrunc.f32 v14  }
0x397: {  	v12 =	vshll.u32 v12, $0x4;
	[tilespmem:v13+s14+$0x0] =	vst.idx.add.f32.msk $0xffff, v2;
	v13 =	vcvt.f32.s32 v14  }
0x398: {  	v12 =	vadd.s32 v8, v12;
	v14 =	vld [tilespmem:s28+$0xC00]  }
0x399: {  	[tilespmem:v15+s14+$0x0] =	vst.idx.add.f32.msk $0xffff, v2;
	v13 =	vshll.u32 v13, $0x4  }
0x39a: {  	v15 =	vld [tilespmem:s29+$0xC00];
	v13 =	vadd.s32 v8, v13  }
0x39b: {  	v11 =	vmul.f32 $3.199999810e+01, v11;
	[tilespmem:v16+s14+$0x0] =	vst.idx.add.f32.msk $0xffff, v2  }
0x39c: {  	v16 =	vld [tilespmem:s30+$0xC00]  }
0x39d: {  	v11 =	vtrunc.f32 v11;
	[tilespmem:v12+s14+$0x0] =	vst.idx.add.f32.msk $0xffff, v2;
	v14 =	vmul.f32 $3.199999810e+01, v14  }
0x39e: {  	v11 =	vcvt.f32.s32 v11;
	v12 =	vld [tilespmem:s2+$0xC00]  }
0x39f: {  	v14 =	vtrunc.f32 v14;
	v15 =	vmul.f32 $3.199999810e+01, v15;
	[tilespmem:v13+s14+$0x0] =	vst.idx.add.f32.msk $0xffff, v2  }
0x3a0: {  	v11 =	vshll.u32 v11, $0x4;
	v13 =	vcvt.f32.s32 v14;
	v14 =	vld [tilespmem:s19+$0xC00]  }
0x3a1: {  	v11 =	vadd.s32 v8, v11;
	v16 =	vmul.f32 $3.199999810e+01, v16;
	v15 =	vtrunc.f32 v15  }
0x3a2: {  	v13 =	vshll.u32 v13, $0x4;
	v15 =	vcvt.f32.s32 v15  }
0x3a3: {  	v16 =	vtrunc.f32 v16;
	v12 =	vmul.f32 $3.199999810e+01, v12;
	v13 =	vadd.s32 v8, v13  }
0x3a4: {  	v16 =	vcvt.f32.s32 v16;
	v15 =	vshll.u32 v15, $0x4  }
0x3a5: {  	v12 =	vtrunc.f32 v12;
	v15 =	vadd.s32 v8, v15;
	v14 =	vmul.f32 $3.199999810e+01, v14  }
0x3a6: {  	[tilespmem:v11+s14+$0x0] =	vst.idx.add.f32.msk $0xffff, v2;
	v11 =	vshll.u32 v16, $0x4;
	v12 =	vcvt.f32.s32 v12  }
0x3a7: {  	v16 =	vld [tilespmem:s26+$0xC10];
	v11 =	vadd.s32 v8, v11;
	v14 =	vtrunc.f32 v14  }
0x3a8: {  	v12 =	vshll.u32 v12, $0x4;
	[tilespmem:v13+s14+$0x0] =	vst.idx.add.f32.msk $0xffff, v2;
	v13 =	vcvt.f32.s32 v14  }
0x3a9: {  	v12 =	vadd.s32 v8, v12;
	v14 =	vld [tilespmem:s28+$0xC10]  }
0x3aa: {  	[tilespmem:v15+s14+$0x0] =	vst.idx.add.f32.msk $0xffff, v2;
	v13 =	vshll.u32 v13, $0x4  }
0x3ab: {  	v15 =	vld [tilespmem:s29+$0xC10];
	v13 =	vadd.s32 v8, v13  }
0x3ac: {  	v16 =	vmul.f32 $3.199999810e+01, v16;
	[tilespmem:v11+s14+$0x0] =	vst.idx.add.f32.msk $0xffff, v2  }
0x3ad: {  	v11 =	vld [tilespmem:s30+$0xC10]  }
0x3ae: {  	v16 =	vtrunc.f32 v16;
	[tilespmem:v12+s14+$0x0] =	vst.idx.add.f32.msk $0xffff, v2;
	v14 =	vmul.f32 $3.199999810e+01, v14  }
0x3af: {  	v12 =	vcvt.f32.s32 v16;
	v16 =	vld [tilespmem:s2+$0xC10]  }
0x3b0: {  	v14 =	vtrunc.f32 v14;
	v15 =	vmul.f32 $3.199999810e+01, v15;
	[tilespmem:v13+s14+$0x0] =	vst.idx.add.f32.msk $0xffff, v2  }
0x3b1: {  	v12 =	vshll.u32 v12, $0x4;
	v13 =	vcvt.f32.s32 v14;
	v14 =	vld [tilespmem:s19+$0xC10]  }
0x3b2: {  	v11 =	vmul.f32 $3.199999810e+01, v11;
	v12 =	vadd.s32 v8, v12;
	v15 =	vtrunc.f32 v15  }
0x3b3: {  	v13 =	vshll.u32 v13, $0x4;
	v15 =	vcvt.f32.s32 v15  }
0x3b4: {  	v11 =	vtrunc.f32 v11;
	v16 =	vmul.f32 $3.199999810e+01, v16;
	v13 =	vadd.s32 v8, v13  }
0x3b5: {  	v11 =	vcvt.f32.s32 v11;
	v15 =	vshll.u32 v15, $0x4  }
0x3b6: {  	v16 =	vtrunc.f32 v16;
	v15 =	vadd.s32 v8, v15;
	v14 =	vmul.f32 $3.199999810e+01, v14  }
0x3b7: {  	v11 =	vshll.u32 v11, $0x4;
	[tilespmem:v12+s14+$0x0] =	vst.idx.add.f32.msk $0xffff, v2;
	v12 =	vcvt.f32.s32 v16  }
0x3b8: {  	v11 =	vadd.s32 v8, v11;
	v16 =	vld [tilespmem:s26+$0xC20];
	v14 =	vtrunc.f32 v14  }
0x3b9: {  	v12 =	vshll.u32 v12, $0x4;
	[tilespmem:v13+s14+$0x0] =	vst.idx.add.f32.msk $0xffff, v2;
	v13 =	vcvt.f32.s32 v14  }
0x3ba: {  	v12 =	vadd.s32 v8, v12;
	v14 =	vld [tilespmem:s28+$0xC20]  }
0x3bb: {  	[tilespmem:v15+s14+$0x0] =	vst.idx.add.f32.msk $0xffff, v2;
	v13 =	vshll.u32 v13, $0x4  }
0x3bc: {  	v15 =	vld [tilespmem:s29+$0xC20];
	v13 =	vadd.s32 v8, v13  }
0x3bd: {  	[tilespmem:v11+s14+$0x0] =	vst.idx.add.f32.msk $0xffff, v2;
	v16 =	vmul.f32 $3.199999810e+01, v16  }
0x3be: {  	v11 =	vld [tilespmem:s30+$0xC20]  }
0x3bf: {  	v16 =	vtrunc.f32 v16;
	[tilespmem:v12+s14+$0x0] =	vst.idx.add.f32.msk $0xffff, v2;
	v14 =	vmul.f32 $3.199999810e+01, v14  }
0x3c0: {  	v12 =	vcvt.f32.s32 v16;
	v16 =	vld [tilespmem:s2+$0xC20]  }
0x3c1: {  	v14 =	vtrunc.f32 v14;
	v15 =	vmul.f32 $3.199999810e+01, v15;
	[tilespmem:v13+s14+$0x0] =	vst.idx.add.f32.msk $0xffff, v2  }
0x3c2: {  	v12 =	vshll.u32 v12, $0x4;
	v13 =	vcvt.f32.s32 v14;
	v14 =	vld [tilespmem:s19+$0xC20]  }
0x3c3: {  	v11 =	vmul.f32 $3.199999810e+01, v11;
	v12 =	vadd.s32 v8, v12;
	v15 =	vtrunc.f32 v15  }
0x3c4: {  	v13 =	vshll.u32 v13, $0x4;
	v15 =	vcvt.f32.s32 v15  }
0x3c5: {  	v11 =	vtrunc.f32 v11;
	v16 =	vmul.f32 $3.199999810e+01, v16;
	v13 =	vadd.s32 v8, v13  }
0x3c6: {  	v11 =	vcvt.f32.s32 v11;
	v15 =	vshll.u32 v15, $0x4  }
0x3c7: {  	v16 =	vtrunc.f32 v16;
	v15 =	vadd.s32 v8, v15;
	v14 =	vmul.f32 $3.199999810e+01, v14  }
0x3c8: {  	v11 =	vshll.u32 v11, $0x4;
	[tilespmem:v12+s14+$0x0] =	vst.idx.add.f32.msk $0xffff, v2;
	v12 =	vcvt.f32.s32 v16  }
0x3c9: {  	v11 =	vadd.s32 v8, v11;
	v16 =	vld [tilespmem:s26+$0xC30];
	v14 =	vtrunc.f32 v14  }
0x3ca: {  	v12 =	vshll.u32 v12, $0x4;
	[tilespmem:v13+s14+$0x0] =	vst.idx.add.f32.msk $0xffff, v2;
	v13 =	vcvt.f32.s32 v14  }
0x3cb: {  	v12 =	vadd.s32 v8, v12;
	v14 =	vld [tilespmem:s28+$0xC30]  }
0x3cc: {  	[tilespmem:v15+s14+$0x0] =	vst.idx.add.f32.msk $0xffff, v2;
	v13 =	vshll.u32 v13, $0x4  }
0x3cd: {  	v15 =	vld [tilespmem:s29+$0xC30];
	v13 =	vadd.s32 v8, v13  }
0x3ce: {  	[tilespmem:v11+s14+$0x0] =	vst.idx.add.f32.msk $0xffff, v2;
	v16 =	vmul.f32 $3.199999810e+01, v16  }
0x3cf: {  	v11 =	vld [tilespmem:s30+$0xC30]  }
0x3d0: {  	v16 =	vtrunc.f32 v16;
	[tilespmem:v12+s14+$0x0] =	vst.idx.add.f32.msk $0xffff, v2;
	v14 =	vmul.f32 $3.199999810e+01, v14  }
0x3d1: {  	v12 =	vcvt.f32.s32 v16;
	v16 =	vld [tilespmem:s2+$0xC30]  }
0x3d2: {  	v14 =	vtrunc.f32 v14;
	v15 =	vmul.f32 $3.199999810e+01, v15;
	[tilespmem:v13+s14+$0x0] =	vst.idx.add.f32.msk $0xffff, v2  }
0x3d3: {  	v12 =	vshll.u32 v12, $0x4;
	v13 =	vcvt.f32.s32 v14;
	v14 =	vld [tilespmem:s19+$0xC30]  }
0x3d4: {  	v11 =	vmul.f32 $3.199999810e+01, v11;
	v12 =	vadd.s32 v8, v12;
	v15 =	vtrunc.f32 v15  }
0x3d5: {  	v13 =	vshll.u32 v13, $0x4;
	v15 =	vcvt.f32.s32 v15  }
0x3d6: {  	v11 =	vtrunc.f32 v11;
	v16 =	vmul.f32 $3.199999810e+01, v16;
	v13 =	vadd.s32 v8, v13  }
0x3d7: {  	v11 =	vcvt.f32.s32 v11;
	v15 =	vshll.u32 v15, $0x4  }
0x3d8: {  	v16 =	vtrunc.f32 v16;
	v15 =	vadd.s32 v8, v15;
	v14 =	vmul.f32 $3.199999810e+01, v14  }
0x3d9: {  	v11 =	vshll.u32 v11, $0x4;
	[tilespmem:v12+s14+$0x0] =	vst.idx.add.f32.msk $0xffff, v2;
	v12 =	vcvt.f32.s32 v16  }
0x3da: {  	v11 =	vadd.s32 v8, v11;
	v16 =	vld [tilespmem:s26+$0xC40];
	v14 =	vtrunc.f32 v14  }
0x3db: {  	v12 =	vshll.u32 v12, $0x4;
	[tilespmem:v13+s14+$0x0] =	vst.idx.add.f32.msk $0xffff, v2;
	v13 =	vcvt.f32.s32 v14  }
0x3dc: {  	v12 =	vadd.s32 v8, v12;
	v14 =	vld [tilespmem:s28+$0xC40]  }
0x3dd: {  	v10 =	vmul.f32 $3.199999810e+01, v10;
	[tilespmem:v15+s14+$0x0] =	vst.idx.add.f32.msk $0xffff, v2;
	v13 =	vshll.u32 v13, $0x4  }
0x3de: {  	v15 =	vld [tilespmem:s29+$0xC40];
	v13 =	vadd.s32 v8, v13  }
0x3df: {  	v10 =	vtrunc.f32 v10;
	[tilespmem:v11+s14+$0x0] =	vst.idx.add.f32.msk $0xffff, v2;
	v16 =	vmul.f32 $3.199999810e+01, v16  }
0x3e0: {  	v10 =	vcvt.f32.s32 v10;
	v11 =	vld [tilespmem:s30+$0xC40]  }
0x3e1: {  	v16 =	vtrunc.f32 v16;
	[tilespmem:v12+s14+$0x0] =	vst.idx.add.f32.msk $0xffff, v2;
	v14 =	vmul.f32 $3.199999810e+01, v14  }
0x3e2: {  	v10 =	vshll.u32 v10, $0x4;
	v12 =	vcvt.f32.s32 v16;
	v16 =	vld [tilespmem:s2+$0xC40]  }
0x3e3: {  	v10 =	vadd.s32 v8, v10;
	v14 =	vtrunc.f32 v14;
	v15 =	vmul.f32 $3.199999810e+01, v15;
	[tilespmem:v13+s14+$0x0] =	vst.idx.add.f32.msk $0xffff, v2  }
0x3e4: {  	v12 =	vshll.u32 v12, $0x4;
	v13 =	vcvt.f32.s32 v14;
	v14 =	vld [tilespmem:s19+$0xC40]  }
0x3e5: {  	v11 =	vmul.f32 $3.199999810e+01, v11;
	v12 =	vadd.s32 v8, v12;
	v15 =	vtrunc.f32 v15  }
0x3e6: {  	v13 =	vshll.u32 v13, $0x4;
	v15 =	vcvt.f32.s32 v15  }
0x3e7: {  	v11 =	vtrunc.f32 v11;
	v16 =	vmul.f32 $3.199999810e+01, v16;
	v13 =	vadd.s32 v8, v13  }
0x3e8: {  	[tilespmem:v10+s14+$0x0] =	vst.idx.add.f32.msk $0xffff, v2;
	v11 =	vcvt.f32.s32 v11;
	v10 =	vshll.u32 v15, $0x4  }
0x3e9: {  	v16 =	vtrunc.f32 v16;
	v15 =	vld [tilespmem:s25+$0xC50];
	v10 =	vadd.s32 v8, v10;
	v14 =	vmul.f32 $3.199999810e+01, v14  }
0x3ea: {  	v11 =	vshll.u32 v11, $0x4;
	[tilespmem:v12+s14+$0x0] =	vst.idx.add.f32.msk $0xffff, v2;
	v12 =	vcvt.f32.s32 v16  }
0x3eb: {  	v11 =	vadd.s32 v8, v11;
	v16 =	vld [tilespmem:s26+$0xC50];
	v14 =	vtrunc.f32 v14  }
0x3ec: {  	v12 =	vshll.u32 v12, $0x4;
	[tilespmem:v13+s14+$0x0] =	vst.idx.add.f32.msk $0xffff, v2;
	v13 =	vcvt.f32.s32 v14  }
0x3ed: {  	v12 =	vadd.s32 v8, v12;
	v14 =	vld [tilespmem:s28+$0xC50]  }
0x3ee: {  	v15 =	vmul.f32 $3.199999810e+01, v15;
	[tilespmem:v10+s14+$0x0] =	vst.idx.add.f32.msk $0xffff, v2;
	v10 =	vshll.u32 v13, $0x4  }
0x3ef: {  	v13 =	vld [tilespmem:s29+$0xC50];
	v10 =	vadd.s32 v8, v10  }
0x3f0: {  	[tilespmem:v11+s14+$0x0] =	vst.idx.add.f32.msk $0xffff, v2;
	v16 =	vmul.f32 $3.199999810e+01, v16;
	v15 =	vtrunc.f32 v15  }
0x3f1: {  	v11 =	vcvt.f32.s32 v15;
	v15 =	vld [tilespmem:s30+$0xC50]  }
0x3f2: {  	v16 =	vtrunc.f32 v16;
	[tilespmem:v12+s14+$0x0] =	vst.idx.add.f32.msk $0xffff, v2;
	v14 =	vmul.f32 $3.199999810e+01, v14  }
0x3f3: {  	v12 =	vcvt.f32.s32 v16;
	v16 =	vld [tilespmem:s2+$0xC50];
	v11 =	vshll.u32 v11, $0x4  }
0x3f4: {  	v11 =	vadd.s32 v8, v11;
	v14 =	vtrunc.f32 v14;
	v13 =	vmul.f32 $3.199999810e+01, v13;
	[tilespmem:v10+s14+$0x0] =	vst.idx.add.f32.msk $0xffff, v2  }
0x3f5: {  	v10 =	vshll.u32 v12, $0x4;
	v12 =	vcvt.f32.s32 v14;
	v14 =	vld [tilespmem:s19+$0xC50]  }
0x3f6: {  	v15 =	vmul.f32 $3.199999810e+01, v15;
	v10 =	vadd.s32 v8, v10;
	v13 =	vtrunc.f32 v13  }
0x3f7: {  	v12 =	vshll.u32 v12, $0x4;
	v13 =	vcvt.f32.s32 v13  }
0x3f8: {  	v16 =	vmul.f32 $3.199999810e+01, v16;
	v15 =	vtrunc.f32 v15;
	v12 =	vadd.s32 v8, v12  }
0x3f9: {  	[tilespmem:v11+s14+$0x0] =	vst.idx.add.f32.msk $0xffff, v2;
	v11 =	vshll.u32 v13, $0x4;
	v13 =	vcvt.f32.s32 v15  }
0x3fa: {  	v16 =	vtrunc.f32 v16;
	v15 =	vld [tilespmem:s25+$0xC60];
	v11 =	vadd.s32 v8, v11;
	v14 =	vmul.f32 $3.199999810e+01, v14  }
0x3fb: {  	[tilespmem:v10+s14+$0x0] =	vst.idx.add.f32.msk $0xffff, v2;
	v10 =	vshll.u32 v13, $0x4;
	v13 =	vcvt.f32.s32 v16  }
0x3fc: {  	v16 =	vld [tilespmem:s26+$0xC60];
	v10 =	vadd.s32 v8, v10;
	v14 =	vtrunc.f32 v14  }
0x3fd: {  	[tilespmem:v12+s14+$0x0] =	vst.idx.add.f32.msk $0xffff, v2;
	v12 =	vshll.u32 v13, $0x4;
	v13 =	vcvt.f32.s32 v14  }
0x3fe: {  	v14 =	vld [tilespmem:s28+$0xC60];
	v12 =	vadd.s32 v8, v12  }
0x3ff: {  	v15 =	vmul.f32 $3.199999810e+01, v15;
	[tilespmem:v11+s14+$0x0] =	vst.idx.add.f32.msk $0xffff, v2;
	v11 =	vshll.u32 v13, $0x4  }
0x400: {  	v13 =	vld [tilespmem:s29+$0xC60];
	v11 =	vadd.s32 v8, v11  }
0x401: {  	v15 =	vtrunc.f32 v15;
	v16 =	vmul.f32 $3.199999810e+01, v16;
	[tilespmem:v10+s14+$0x0] =	vst.idx.add.f32.msk $0xffff, v2  }
0x402: {  	v10 =	vcvt.f32.s32 v15;
	v15 =	vld [tilespmem:s30+$0xC60]  }
0x403: {  	v16 =	vtrunc.f32 v16;
	v14 =	vmul.f32 $3.199999810e+01, v14;
	[tilespmem:v12+s14+$0x0] =	vst.idx.add.f32.msk $0xffff, v2  }
0x404: {  	v10 =	vshll.u32 v10, $0x4;
	v12 =	vcvt.f32.s32 v16;
	v16 =	vld [tilespmem:s2+$0xC60]  }
0x405: {  	v10 =	vadd.s32 v8, v10;
	v14 =	vtrunc.f32 v14;
	v13 =	vmul.f32 $3.199999810e+01, v13;
	[tilespmem:v11+s14+$0x0] =	vst.idx.add.f32.msk $0xffff, v2  }
0x406: {  	v11 =	vshll.u32 v12, $0x4;
	v12 =	vcvt.f32.s32 v14;
	v14 =	vld [tilespmem:s19+$0xC60]  }
0x407: {  	v11 =	vadd.s32 v8, v11;
	v13 =	vtrunc.f32 v13;
	v15 =	vmul.f32 $3.199999810e+01, v15  }
0x408: {  	v12 =	vshll.u32 v12, $0x4;
	v13 =	vcvt.f32.s32 v13  }
0x409: {  	v12 =	vadd.s32 v8, v12;
	v15 =	vtrunc.f32 v15;
	v16 =	vmul.f32 $3.199999810e+01, v16  }
0x40a: {  	[tilespmem:v10+s14+$0x0] =	vst.idx.add.f32.msk $0xffff, v2;
	v10 =	vshll.u32 v13, $0x4;
	v13 =	vcvt.f32.s32 v15  }
0x40b: {  	v15 =	vld [tilespmem:s25+$0xC70];
	v10 =	vadd.s32 v8, v10;
	v16 =	vtrunc.f32 v16;
	v14 =	vmul.f32 $3.199999810e+01, v14  }
0x40c: {  	[tilespmem:v11+s14+$0x0] =	vst.idx.add.f32.msk $0xffff, v2;
	v11 =	vshll.u32 v13, $0x4;
	v13 =	vcvt.f32.s32 v16  }
0x40d: {  	v16 =	vld [tilespmem:s26+$0xC70];
	v11 =	vadd.s32 v8, v11;
	v14 =	vtrunc.f32 v14  }
0x40e: {  	[tilespmem:v12+s14+$0x0] =	vst.idx.add.f32.msk $0xffff, v2;
	v12 =	vshll.u32 v13, $0x4;
	v13 =	vcvt.f32.s32 v14  }
0x40f: {  	v14 =	vld [tilespmem:s28+$0xC70];
	v12 =	vadd.s32 v8, v12  }
0x410: {  	[tilespmem:v10+s14+$0x0] =	vst.idx.add.f32.msk $0xffff, v2;
	v10 =	vshll.u32 v13, $0x4  }
0x411: {  	v13 =	vld [tilespmem:s29+$0xC70];
	v10 =	vadd.s32 v8, v10  }
0x412: {  	v15 =	vmul.f32 $3.199999810e+01, v15;
	[tilespmem:v11+s14+$0x0] =	vst.idx.add.f32.msk $0xffff, v2  }
0x413: {  	v11 =	vld [tilespmem:s30+$0xC70]  }
0x414: {  	v15 =	vtrunc.f32 v15;
	v16 =	vmul.f32 $3.199999810e+01, v16;
	[tilespmem:v12+s14+$0x0] =	vst.idx.add.f32.msk $0xffff, v2  }
0x415: {  	v12 =	vcvt.f32.s32 v15;
	v15 =	vld [tilespmem:s2+$0xC70]  }
0x416: {  	v16 =	vtrunc.f32 v16;
	v14 =	vmul.f32 $3.199999810e+01, v14;
	[tilespmem:v10+s14+$0x0] =	vst.idx.add.f32.msk $0xffff, v2  }
0x417: {  	v10 =	vcvt.f32.s32 v16;
	v16 =	vld [tilespmem:s19+$0xC70]  }
0x418: {  	v12 =	vshll.u32 v12, $0x4;
	v14 =	vtrunc.f32 v14;
	v13 =	vmul.f32 $3.199999810e+01, v13  }
0x419: {  	v12 =	vadd.s32 v8, v12;
	v14 =	vcvt.f32.s32 v14  }
0x41a: {  	v13 =	vtrunc.f32 v13;
	v11 =	vmul.f32 $3.199999810e+01, v11;
	v10 =	vshll.u32 v10, $0x4  }
0x41b: {  	v13 =	vcvt.f32.s32 v13;
	v14 =	vshll.u32 v14, $0x4;
	v15 =	vmul.f32 $3.199999810e+01, v15  }
0x41c: {  	v10 =	vadd.s32 v8, v10;
	v11 =	vtrunc.f32 v11;
	v16 =	vmul.f32 $3.199999810e+01, v16  }
0x41d: {  	v14 =	vadd.s32 v8, v14;
	v11 =	vcvt.f32.s32 v11;
	v15 =	vtrunc.f32 v15  }
0x41e: {  	v13 =	vshll.u32 v13, $0x4;
	v15 =	vcvt.f32.s32 v15;
	v16 =	vtrunc.f32 v16  }
0x41f: {  	v13 =	vadd.s32 v8, v13;
	v11 =	vshll.u32 v11, $0x4;
	v16 =	vcvt.f32.s32 v16  }
0x420: {  	p1 =	seq.s32 s23, $0x5;
	v11 =	vadd.s32 v8, v11;
	v15 =	vshll.u32 v15, $0x4  }
0x421: {  	s0 =	sshll.u32 @!p1 s24, $0xF;
	[tilespmem:v12+s14+$0x0] =	vst.idx.add.f32.msk $0xffff, v2;
	v12 =	vadd.s32 v8, v15;
	v15 =	vshll.u32 v16, $0x4  }
0x422: {  	s0 =	sadd.s32 @!p1 $0x10000, s0;
	[tilespmem:v10+s14+$0x0] =	vst.idx.add.f32.msk $0xffff, v2;
	v10 =	vadd.s32 v8, v15  }
0x423: {  	s2 =	sand.u32 @!p1 $0x1C0000, s0;
	[tilespmem:v14+s14+$0x0] =	vst.idx.add.f32.msk $0xffff, v2  }
0x424: {  	s0 =	sand.u32 @!p1 $0x30000, s0;
	s2 =	sadd.s32 @!p1 s3, s2;
	[tilespmem:v13+s14+$0x0] =	vst.idx.add.f32.msk $0xffff, v2  }
0x425: {  	s0 =	sor.u32 @!p1 s0, s2;
	[tilespmem:v11+s14+$0x0] =	vst.idx.add.f32.msk $0xffff, v2  }
0x426: {  	s0 =	sshrl.u32 @!p1 s0, $0x3;
	[tilespmem:v12+s14+$0x0] =	vst.idx.add.f32.msk $0xffff, v2  }
0x427: {  	s2 =	simm.s32 @!p1 $0x0;
	s0 =	sadd.s32 @!p1 s1, s0;
	[tilespmem:v10+s14+$0x0] =	vst.idx.add.f32.msk $0xffff, v2  }
0x428: {  	[tilespmem:s2], [sflag:$0x1] =	stream.linear.gather @!p1 [hbm4b:s0+s2], $0x8000, $0x38;
	[tilespmem:$0x11E00] =	vst v63  }
0x429: {  	s10 =	simm.s32 $0x0;
	_ =	swait.ge [sflag:s15], $0x8000  }
0x42a: {  	s19 =	sand.u32 $0x7000, s10;
	s0 =	sand.u32 $0x380, s10;
	[sflag:s15] =	ssyncset.done $0x0  }
0x42b: {  	s25 =	sor.u32 s0, s19;
	[sflag:s15] =	ssyncadd.s32 $0xFFFF8000  }
0x42c: {  	v10 =	vld [tilespmem:s25+$0x8000];
	_ =	sdelay $0x4  }
0x42d: {  	v10 =	vmul.f32 $3.199999810e+01, v10;
	_ =	sdelay $0x1  }
0x42e: {  	v10 =	vtrunc.f32 v10  }
0x42f: {  	v10 =	vcvt.f32.s32 v10;
	_ =	sdelay $0x1  }
0x430: {  	v10 =	vshll.u32 v10, $0x4  }
0x431: {  	v10 =	vadd.s32 v9, v10;
	_ =	sdelay $0x4  }
0x432: {  	[tilespmem:v10+s14+$0x0] =	vst.idx.add.f32.msk $0xffff, v2  }
0x433: {  	v10 =	vld [tilespmem:s25+$0x8010];
	_ =	sdelay $0x4  }
0x434: {  	v10 =	vmul.f32 $3.199999810e+01, v10;
	_ =	sdelay $0x1  }
0x435: {  	v10 =	vtrunc.f32 v10  }
0x436: {  	v10 =	vcvt.f32.s32 v10;
	_ =	sdelay $0x1  }
0x437: {  	v10 =	vshll.u32 v10, $0x4  }
0x438: {  	v10 =	vadd.s32 v9, v10;
	_ =	sdelay $0x4  }
0x439: {  	[tilespmem:v10+s14+$0x0] =	vst.idx.add.f32.msk $0xffff, v2  }
0x43a: {  	v10 =	vld [tilespmem:s25+$0x8020];
	_ =	sdelay $0x4  }
0x43b: {  	v10 =	vmul.f32 $3.199999810e+01, v10;
	_ =	sdelay $0x1  }
0x43c: {  	v10 =	vtrunc.f32 v10  }
0x43d: {  	v10 =	vcvt.f32.s32 v10;
	_ =	sdelay $0x1  }
0x43e: {  	v10 =	vshll.u32 v10, $0x4  }
0x43f: {  	v10 =	vadd.s32 v9, v10;
	_ =	sdelay $0x4  }
0x440: {  	[tilespmem:v10+s14+$0x0] =	vst.idx.add.f32.msk $0xffff, v2  }
0x441: {  	v10 =	vld [tilespmem:s25+$0x8030];
	_ =	sdelay $0x4  }
0x442: {  	v10 =	vmul.f32 $3.199999810e+01, v10;
	_ =	sdelay $0x1  }
0x443: {  	v10 =	vtrunc.f32 v10  }
0x444: {  	v10 =	vcvt.f32.s32 v10;
	_ =	sdelay $0x1  }
0x445: {  	v10 =	vshll.u32 v10, $0x4  }
0x446: {  	v10 =	vadd.s32 v9, v10  }
0x447: {  	s20 =	simm.s32 $0x200;
	s26 =	simm.s32 $0x80  }
0x448: {  	s2 =	sand.u32 $0x380, s26;
	s0 =	sand.u32 $0x7000, s20  }
0x449: {  	s26 =	sor.u32 s2, s0  }
0x44a: {  	v11 =	vld [tilespmem:s26+$0x8000]  }
0x44b: {  	[tilespmem:v10+s14+$0x0] =	vst.idx.add.f32.msk $0xffff, v2  }
0x44c: {  	v10 =	vld [tilespmem:s25+$0x8040];
	_ =	sdelay $0x2  }
0x44d: {  	v11 =	vmul.f32 $3.199999810e+01, v11;
	_ =	sdelay $0x1  }
0x44e: {  	v11 =	vtrunc.f32 v11;
	v10 =	vmul.f32 $3.199999810e+01, v10  }
0x44f: {  	v11 =	vcvt.f32.s32 v11  }
0x450: {  	v10 =	vtrunc.f32 v10  }
0x451: {  	v11 =	vshll.u32 v11, $0x4;
	v10 =	vcvt.f32.s32 v10  }
0x452: {  	v11 =	vadd.s32 v9, v11  }
0x453: {  	v10 =	vshll.u32 v10, $0x4  }
0x454: {  	v10 =	vadd.s32 v9, v10;
	_ =	sdelay $0x2  }
0x455: {  	[tilespmem:v11+s14+$0x0] =	vst.idx.add.f32.msk $0xffff, v2  }
0x456: {  	v11 =	vld [tilespmem:s26+$0x8010]  }
0x457: {  	[tilespmem:v10+s14+$0x0] =	vst.idx.add.f32.msk $0xffff, v2  }
0x458: {  	v10 =	vld [tilespmem:s25+$0x8050];
	_ =	sdelay $0x2  }
0x459: {  	v11 =	vmul.f32 $3.199999810e+01, v11;
	_ =	sdelay $0x1  }
0x45a: {  	v11 =	vtrunc.f32 v11;
	v10 =	vmul.f32 $3.199999810e+01, v10  }
0x45b: {  	v11 =	vcvt.f32.s32 v11  }
0x45c: {  	v10 =	vtrunc.f32 v10  }
0x45d: {  	v11 =	vshll.u32 v11, $0x4;
	v10 =	vcvt.f32.s32 v10  }
0x45e: {  	v11 =	vadd.s32 v9, v11  }
0x45f: {  	v10 =	vshll.u32 v10, $0x4  }
0x460: {  	v10 =	vadd.s32 v9, v10;
	_ =	sdelay $0x2  }
0x461: {  	[tilespmem:v11+s14+$0x0] =	vst.idx.add.f32.msk $0xffff, v2  }
0x462: {  	v11 =	vld [tilespmem:s26+$0x8020]  }
0x463: {  	[tilespmem:v10+s14+$0x0] =	vst.idx.add.f32.msk $0xffff, v2  }
0x464: {  	v10 =	vld [tilespmem:s25+$0x8060];
	_ =	sdelay $0x2  }
0x465: {  	v11 =	vmul.f32 $3.199999810e+01, v11;
	_ =	sdelay $0x1  }
0x466: {  	v11 =	vtrunc.f32 v11;
	v10 =	vmul.f32 $3.199999810e+01, v10  }
0x467: {  	v11 =	vcvt.f32.s32 v11  }
0x468: {  	v10 =	vtrunc.f32 v10  }
0x469: {  	v11 =	vshll.u32 v11, $0x4;
	v10 =	vcvt.f32.s32 v10  }
0x46a: {  	v11 =	vadd.s32 v9, v11  }
0x46b: {  	v10 =	vshll.u32 v10, $0x4  }
0x46c: {  	v10 =	vadd.s32 v9, v10;
	_ =	sdelay $0x2  }
0x46d: {  	[tilespmem:v11+s14+$0x0] =	vst.idx.add.f32.msk $0xffff, v2  }
0x46e: {  	v11 =	vld [tilespmem:s26+$0x8030]  }
0x46f: {  	[tilespmem:v10+s14+$0x0] =	vst.idx.add.f32.msk $0xffff, v2  }
0x470: {  	v10 =	vld [tilespmem:s25+$0x8070];
	_ =	sdelay $0x2  }
0x471: {  	v11 =	vmul.f32 $3.199999810e+01, v11;
	_ =	sdelay $0x1  }
0x472: {  	v11 =	vtrunc.f32 v11;
	v10 =	vmul.f32 $3.199999810e+01, v10  }
0x473: {  	v11 =	vcvt.f32.s32 v11  }
0x474: {  	v10 =	vtrunc.f32 v10  }
0x475: {  	v11 =	vshll.u32 v11, $0x4;
	v10 =	vcvt.f32.s32 v10  }
0x476: {  	v11 =	vadd.s32 v9, v11  }
0x477: {  	s9 =	simm.s32 $0x400;
	s10 =	simm.s32 $0x100;
	v10 =	vshll.u32 v10, $0x4  }
0x478: {  	s0 =	sand.u32 $0x7000, s9;
	s2 =	sand.u32 $0x380, s10;
	v10 =	vadd.s32 v9, v10  }
0x479: {  	s28 =	sor.u32 s2, s0  }
0x47a: {  	v12 =	vld [tilespmem:s28+$0x8000]  }
0x47b: {  	[tilespmem:v11+s14+$0x0] =	vst.idx.add.f32.msk $0xffff, v2  }
0x47c: {  	v11 =	vld [tilespmem:s26+$0x8040]  }
0x47d: {  	[tilespmem:v10+s14+$0x0] =	vst.idx.add.f32.msk $0xffff, v2  }
0x47e: {  	v10 =	vld [tilespmem:s25+$0x8400]  }
0x47f: {  	v12 =	vmul.f32 $3.199999810e+01, v12;
	_ =	sdelay $0x1  }
0x480: {  	v12 =	vtrunc.f32 v12;
	v11 =	vmul.f32 $3.199999810e+01, v11  }
0x481: {  	v12 =	vcvt.f32.s32 v12  }
0x482: {  	v11 =	vtrunc.f32 v11;
	v10 =	vmul.f32 $3.199999810e+01, v10  }
0x483: {  	v12 =	vshll.u32 v12, $0x4;
	v11 =	vcvt.f32.s32 v11  }
0x484: {  	v12 =	vadd.s32 v9, v12;
	v10 =	vtrunc.f32 v10  }
0x485: {  	v11 =	vshll.u32 v11, $0x4;
	v10 =	vcvt.f32.s32 v10  }
0x486: {  	v11 =	vadd.s32 v9, v11  }
0x487: {  	v10 =	vshll.u32 v10, $0x4  }
0x488: {  	v10 =	vadd.s32 v9, v10  }
0x489: {  	[tilespmem:v12+s14+$0x0] =	vst.idx.add.f32.msk $0xffff, v2  }
0x48a: {  	v12 =	vld [tilespmem:s28+$0x8010]  }
0x48b: {  	[tilespmem:v11+s14+$0x0] =	vst.idx.add.f32.msk $0xffff, v2  }
0x48c: {  	v11 =	vld [tilespmem:s26+$0x8050]  }
0x48d: {  	[tilespmem:v10+s14+$0x0] =	vst.idx.add.f32.msk $0xffff, v2  }
0x48e: {  	v10 =	vld [tilespmem:s25+$0x8410]  }
0x48f: {  	v12 =	vmul.f32 $3.199999810e+01, v12;
	_ =	sdelay $0x1  }
0x490: {  	v12 =	vtrunc.f32 v12;
	v11 =	vmul.f32 $3.199999810e+01, v11  }
0x491: {  	v12 =	vcvt.f32.s32 v12  }
0x492: {  	v11 =	vtrunc.f32 v11;
	v10 =	vmul.f32 $3.199999810e+01, v10  }
0x493: {  	v12 =	vshll.u32 v12, $0x4;
	v11 =	vcvt.f32.s32 v11  }
0x494: {  	v12 =	vadd.s32 v9, v12;
	v10 =	vtrunc.f32 v10  }
0x495: {  	v11 =	vshll.u32 v11, $0x4;
	v10 =	vcvt.f32.s32 v10  }
0x496: {  	v11 =	vadd.s32 v9, v11  }
0x497: {  	v10 =	vshll.u32 v10, $0x4  }
0x498: {  	v10 =	vadd.s32 v9, v10  }
0x499: {  	[tilespmem:v12+s14+$0x0] =	vst.idx.add.f32.msk $0xffff, v2  }
0x49a: {  	v12 =	vld [tilespmem:s28+$0x8020]  }
0x49b: {  	[tilespmem:v11+s14+$0x0] =	vst.idx.add.f32.msk $0xffff, v2  }
0x49c: {  	v11 =	vld [tilespmem:s26+$0x8060]  }
0x49d: {  	[tilespmem:v10+s14+$0x0] =	vst.idx.add.f32.msk $0xffff, v2  }
0x49e: {  	v10 =	vld [tilespmem:s25+$0x8420]  }
0x49f: {  	v12 =	vmul.f32 $3.199999810e+01, v12;
	_ =	sdelay $0x1  }
0x4a0: {  	v12 =	vtrunc.f32 v12;
	v11 =	vmul.f32 $3.199999810e+01, v11  }
0x4a1: {  	v12 =	vcvt.f32.s32 v12  }
0x4a2: {  	v11 =	vtrunc.f32 v11;
	v10 =	vmul.f32 $3.199999810e+01, v10  }
0x4a3: {  	v12 =	vshll.u32 v12, $0x4;
	v11 =	vcvt.f32.s32 v11  }
0x4a4: {  	v12 =	vadd.s32 v9, v12;
	v10 =	vtrunc.f32 v10  }
0x4a5: {  	v11 =	vshll.u32 v11, $0x4;
	v10 =	vcvt.f32.s32 v10  }
0x4a6: {  	v11 =	vadd.s32 v9, v11  }
0x4a7: {  	v10 =	vshll.u32 v10, $0x4  }
0x4a8: {  	v10 =	vadd.s32 v9, v10  }
0x4a9: {  	[tilespmem:v12+s14+$0x0] =	vst.idx.add.f32.msk $0xffff, v2  }
0x4aa: {  	v12 =	vld [tilespmem:s28+$0x8030]  }
0x4ab: {  	[tilespmem:v11+s14+$0x0] =	vst.idx.add.f32.msk $0xffff, v2  }
0x4ac: {  	v11 =	vld [tilespmem:s26+$0x8070]  }
0x4ad: {  	[tilespmem:v10+s14+$0x0] =	vst.idx.add.f32.msk $0xffff, v2  }
0x4ae: {  	v10 =	vld [tilespmem:s25+$0x8430]  }
0x4af: {  	v12 =	vmul.f32 $3.199999810e+01, v12;
	_ =	sdelay $0x1  }
0x4b0: {  	v12 =	vtrunc.f32 v12;
	v11 =	vmul.f32 $3.199999810e+01, v11  }
0x4b1: {  	v12 =	vcvt.f32.s32 v12  }
0x4b2: {  	v11 =	vtrunc.f32 v11;
	v10 =	vmul.f32 $3.199999810e+01, v10  }
0x4b3: {  	v12 =	vshll.u32 v12, $0x4;
	v11 =	vcvt.f32.s32 v11  }
0x4b4: {  	v12 =	vadd.s32 v9, v12;
	v10 =	vtrunc.f32 v10  }
0x4b5: {  	s19 =	simm.s32 $0x600;
	s20 =	simm.s32 $0x180;
	v11 =	vshll.u32 v11, $0x4;
	v10 =	vcvt.f32.s32 v10  }
0x4b6: {  	s0 =	sand.u32 $0x7000, s19;
	s2 =	sand.u32 $0x380, s20;
	v11 =	vadd.s32 v9, v11  }
0x4b7: {  	s29 =	sor.u32 s2, s0;
	v10 =	vshll.u32 v10, $0x4  }
0x4b8: {  	v13 =	vld [tilespmem:s29+$0x8000];
	v10 =	vadd.s32 v9, v10  }
0x4b9: {  	[tilespmem:v12+s14+$0x0] =	vst.idx.add.f32.msk $0xffff, v2  }
0x4ba: {  	v12 =	vld [tilespmem:s28+$0x8040]  }
0x4bb: {  	[tilespmem:v11+s14+$0x0] =	vst.idx.add.f32.msk $0xffff, v2  }
0x4bc: {  	v11 =	vld [tilespmem:s26+$0x8400]  }
0x4bd: {  	v13 =	vmul.f32 $3.199999810e+01, v13;
	[tilespmem:v10+s14+$0x0] =	vst.idx.add.f32.msk $0xffff, v2  }
0x4be: {  	v10 =	vld [tilespmem:s25+$0x8440]  }
0x4bf: {  	v13 =	vtrunc.f32 v13;
	v12 =	vmul.f32 $3.199999810e+01, v12  }
0x4c0: {  	v13 =	vcvt.f32.s32 v13  }
0x4c1: {  	v12 =	vtrunc.f32 v12;
	v11 =	vmul.f32 $3.199999810e+01, v11  }
0x4c2: {  	v13 =	vshll.u32 v13, $0x4;
	v12 =	vcvt.f32.s32 v12  }
0x4c3: {  	v13 =	vadd.s32 v9, v13;
	v11 =	vtrunc.f32 v11;
	v10 =	vmul.f32 $3.199999810e+01, v10  }
0x4c4: {  	v12 =	vshll.u32 v12, $0x4;
	v11 =	vcvt.f32.s32 v11  }
0x4c5: {  	v12 =	vadd.s32 v9, v12;
	v10 =	vtrunc.f32 v10  }
0x4c6: {  	v11 =	vshll.u32 v11, $0x4;
	v10 =	vcvt.f32.s32 v10  }
0x4c7: {  	v11 =	vadd.s32 v9, v11  }
0x4c8: {  	[tilespmem:v13+s14+$0x0] =	vst.idx.add.f32.msk $0xffff, v2;
	v10 =	vshll.u32 v10, $0x4  }
0x4c9: {  	v13 =	vld [tilespmem:s29+$0x8010];
	v10 =	vadd.s32 v9, v10  }
0x4ca: {  	[tilespmem:v12+s14+$0x0] =	vst.idx.add.f32.msk $0xffff, v2  }
0x4cb: {  	v12 =	vld [tilespmem:s28+$0x8050]  }
0x4cc: {  	[tilespmem:v11+s14+$0x0] =	vst.idx.add.f32.msk $0xffff, v2  }
0x4cd: {  	v11 =	vld [tilespmem:s26+$0x8410]  }
0x4ce: {  	v13 =	vmul.f32 $3.199999810e+01, v13;
	[tilespmem:v10+s14+$0x0] =	vst.idx.add.f32.msk $0xffff, v2  }
0x4cf: {  	v10 =	vld [tilespmem:s25+$0x8450]  }
0x4d0: {  	v13 =	vtrunc.f32 v13;
	v12 =	vmul.f32 $3.199999810e+01, v12  }
0x4d1: {  	v13 =	vcvt.f32.s32 v13  }
0x4d2: {  	v12 =	vtrunc.f32 v12;
	v11 =	vmul.f32 $3.199999810e+01, v11  }
0x4d3: {  	v13 =	vshll.u32 v13, $0x4;
	v12 =	vcvt.f32.s32 v12  }
0x4d4: {  	v13 =	vadd.s32 v9, v13;
	v11 =	vtrunc.f32 v11;
	v10 =	vmul.f32 $3.199999810e+01, v10  }
0x4d5: {  	v12 =	vshll.u32 v12, $0x4;
	v11 =	vcvt.f32.s32 v11  }
0x4d6: {  	v12 =	vadd.s32 v9, v12;
	v10 =	vtrunc.f32 v10  }
0x4d7: {  	v11 =	vshll.u32 v11, $0x4;
	v10 =	vcvt.f32.s32 v10  }
0x4d8: {  	v11 =	vadd.s32 v9, v11  }
0x4d9: {  	[tilespmem:v13+s14+$0x0] =	vst.idx.add.f32.msk $0xffff, v2;
	v10 =	vshll.u32 v10, $0x4  }
0x4da: {  	v13 =	vld [tilespmem:s29+$0x8020];
	v10 =	vadd.s32 v9, v10  }
0x4db: {  	[tilespmem:v12+s14+$0x0] =	vst.idx.add.f32.msk $0xffff, v2  }
0x4dc: {  	v12 =	vld [tilespmem:s28+$0x8060]  }
0x4dd: {  	[tilespmem:v11+s14+$0x0] =	vst.idx.add.f32.msk $0xffff, v2  }
0x4de: {  	v11 =	vld [tilespmem:s26+$0x8420]  }
0x4df: {  	v13 =	vmul.f32 $3.199999810e+01, v13;
	[tilespmem:v10+s14+$0x0] =	vst.idx.add.f32.msk $0xffff, v2  }
0x4e0: {  	v10 =	vld [tilespmem:s25+$0x8460]  }
0x4e1: {  	v13 =	vtrunc.f32 v13;
	v12 =	vmul.f32 $3.199999810e+01, v12  }
0x4e2: {  	v13 =	vcvt.f32.s32 v13  }
0x4e3: {  	v12 =	vtrunc.f32 v12;
	v11 =	vmul.f32 $3.199999810e+01, v11  }
0x4e4: {  	v13 =	vshll.u32 v13, $0x4;
	v12 =	vcvt.f32.s32 v12  }
0x4e5: {  	v13 =	vadd.s32 v9, v13;
	v11 =	vtrunc.f32 v11;
	v10 =	vmul.f32 $3.199999810e+01, v10  }
0x4e6: {  	v12 =	vshll.u32 v12, $0x4;
	v11 =	vcvt.f32.s32 v11  }
0x4e7: {  	v12 =	vadd.s32 v9, v12;
	v10 =	vtrunc.f32 v10  }
0x4e8: {  	v11 =	vshll.u32 v11, $0x4;
	v10 =	vcvt.f32.s32 v10  }
0x4e9: {  	v11 =	vadd.s32 v9, v11  }
0x4ea: {  	[tilespmem:v13+s14+$0x0] =	vst.idx.add.f32.msk $0xffff, v2;
	v10 =	vshll.u32 v10, $0x4  }
0x4eb: {  	v13 =	vld [tilespmem:s29+$0x8030];
	v10 =	vadd.s32 v9, v10  }
0x4ec: {  	[tilespmem:v12+s14+$0x0] =	vst.idx.add.f32.msk $0xffff, v2  }
0x4ed: {  	v12 =	vld [tilespmem:s28+$0x8070]  }
0x4ee: {  	[tilespmem:v11+s14+$0x0] =	vst.idx.add.f32.msk $0xffff, v2  }
0x4ef: {  	v11 =	vld [tilespmem:s26+$0x8430]  }
0x4f0: {  	v13 =	vmul.f32 $3.199999810e+01, v13;
	[tilespmem:v10+s14+$0x0] =	vst.idx.add.f32.msk $0xffff, v2  }
0x4f1: {  	v10 =	vld [tilespmem:s25+$0x8470]  }
0x4f2: {  	v13 =	vtrunc.f32 v13;
	v12 =	vmul.f32 $3.199999810e+01, v12  }
0x4f3: {  	v13 =	vcvt.f32.s32 v13  }
0x4f4: {  	v12 =	vtrunc.f32 v12;
	v11 =	vmul.f32 $3.199999810e+01, v11  }
0x4f5: {  	v13 =	vshll.u32 v13, $0x4;
	v12 =	vcvt.f32.s32 v12  }
0x4f6: {  	v13 =	vadd.s32 v9, v13;
	v11 =	vtrunc.f32 v11;
	v10 =	vmul.f32 $3.199999810e+01, v10  }
0x4f7: {  	s9 =	simm.s32 $0x800;
	s10 =	simm.s32 $0x200;
	v12 =	vshll.u32 v12, $0x4;
	v11 =	vcvt.f32.s32 v11  }
0x4f8: {  	s0 =	sand.u32 $0x7000, s9;
	s2 =	sand.u32 $0x380, s10;
	v12 =	vadd.s32 v9, v12;
	v10 =	vtrunc.f32 v10  }
0x4f9: {  	s30 =	sor.u32 s2, s0;
	v11 =	vshll.u32 v11, $0x4;
	v10 =	vcvt.f32.s32 v10  }
0x4fa: {  	v14 =	vld [tilespmem:s30+$0x8000];
	v11 =	vadd.s32 v9, v11  }
0x4fb: {  	[tilespmem:v13+s14+$0x0] =	vst.idx.add.f32.msk $0xffff, v2;
	v10 =	vshll.u32 v10, $0x4  }
0x4fc: {  	v13 =	vld [tilespmem:s29+$0x8040];
	v10 =	vadd.s32 v9, v10  }
0x4fd: {  	[tilespmem:v12+s14+$0x0] =	vst.idx.add.f32.msk $0xffff, v2  }
0x4fe: {  	v12 =	vld [tilespmem:s28+$0x8400]  }
0x4ff: {  	v14 =	vmul.f32 $3.199999810e+01, v14;
	[tilespmem:v11+s14+$0x0] =	vst.idx.add.f32.msk $0xffff, v2  }
0x500: {  	v11 =	vld [tilespmem:s26+$0x8440]  }
0x501: {  	v14 =	vtrunc.f32 v14;
	v13 =	vmul.f32 $3.199999810e+01, v13;
	[tilespmem:v10+s14+$0x0] =	vst.idx.add.f32.msk $0xffff, v2  }
0x502: {  	v10 =	vcvt.f32.s32 v14;
	v14 =	vld [tilespmem:s25+$0x8800]  }
0x503: {  	v13 =	vtrunc.f32 v13;
	v12 =	vmul.f32 $3.199999810e+01, v12  }
0x504: {  	v13 =	vcvt.f32.s32 v13;
	v10 =	vshll.u32 v10, $0x4  }
0x505: {  	v12 =	vtrunc.f32 v12;
	v11 =	vmul.f32 $3.199999810e+01, v11;
	v10 =	vadd.s32 v9, v10  }
0x506: {  	v13 =	vshll.u32 v13, $0x4;
	v12 =	vcvt.f32.s32 v12  }
0x507: {  	v13 =	vadd.s32 v9, v13;
	v11 =	vtrunc.f32 v11;
	v14 =	vmul.f32 $3.199999810e+01, v14  }
0x508: {  	v12 =	vshll.u32 v12, $0x4;
	v11 =	vcvt.f32.s32 v11  }
0x509: {  	v12 =	vadd.s32 v9, v12;
	v14 =	vtrunc.f32 v14  }
0x50a: {  	[tilespmem:v10+s14+$0x0] =	vst.idx.add.f32.msk $0xffff, v2;
	v10 =	vshll.u32 v11, $0x4;
	v11 =	vcvt.f32.s32 v14  }
0x50b: {  	v14 =	vld [tilespmem:s30+$0x8010];
	v10 =	vadd.s32 v9, v10  }
0x50c: {  	[tilespmem:v13+s14+$0x0] =	vst.idx.add.f32.msk $0xffff, v2;
	v11 =	vshll.u32 v11, $0x4  }
0x50d: {  	v13 =	vld [tilespmem:s29+$0x8050];
	v11 =	vadd.s32 v8, v11  }
0x50e: {  	[tilespmem:v12+s14+$0x0] =	vst.idx.add.f32.msk $0xffff, v2  }
0x50f: {  	v12 =	vld [tilespmem:s28+$0x8410]  }
0x510: {  	v14 =	vmul.f32 $3.199999810e+01, v14;
	[tilespmem:v10+s14+$0x0] =	vst.idx.add.f32.msk $0xffff, v2  }
0x511: {  	v10 =	vld [tilespmem:s26+$0x8450]  }
0x512: {  	v13 =	vmul.f32 $3.199999810e+01, v13;
	v14 =	vtrunc.f32 v14;
	[tilespmem:v11+s14+$0x0] =	vst.idx.add.f32.msk $0xffff, v2  }
0x513: {  	v11 =	vcvt.f32.s32 v14;
	v14 =	vld [tilespmem:s25+$0x8810]  }
0x514: {  	v13 =	vtrunc.f32 v13;
	v12 =	vmul.f32 $3.199999810e+01, v12  }
0x515: {  	v13 =	vcvt.f32.s32 v13;
	v11 =	vshll.u32 v11, $0x4  }
0x516: {  	v12 =	vtrunc.f32 v12;
	v11 =	vadd.s32 v9, v11;
	v10 =	vmul.f32 $3.199999810e+01, v10  }
0x517: {  	v13 =	vshll.u32 v13, $0x4;
	v12 =	vcvt.f32.s32 v12  }
0x518: {  	v13 =	vadd.s32 v9, v13;
	v10 =	vtrunc.f32 v10;
	v14 =	vmul.f32 $3.199999810e+01, v14  }
0x519: {  	v12 =	vshll.u32 v12, $0x4;
	v10 =	vcvt.f32.s32 v10  }
0x51a: {  	v12 =	vadd.s32 v9, v12;
	v14 =	vtrunc.f32 v14  }
0x51b: {  	[tilespmem:v11+s14+$0x0] =	vst.idx.add.f32.msk $0xffff, v2;
	v10 =	vshll.u32 v10, $0x4;
	v11 =	vcvt.f32.s32 v14  }
0x51c: {  	v14 =	vld [tilespmem:s30+$0x8020];
	v10 =	vadd.s32 v9, v10  }
0x51d: {  	[tilespmem:v13+s14+$0x0] =	vst.idx.add.f32.msk $0xffff, v2;
	v11 =	vshll.u32 v11, $0x4  }
0x51e: {  	v13 =	vld [tilespmem:s29+$0x8060];
	v11 =	vadd.s32 v8, v11  }
0x51f: {  	[tilespmem:v12+s14+$0x0] =	vst.idx.add.f32.msk $0xffff, v2  }
0x520: {  	v12 =	vld [tilespmem:s28+$0x8420]  }
0x521: {  	v14 =	vmul.f32 $3.199999810e+01, v14;
	[tilespmem:v10+s14+$0x0] =	vst.idx.add.f32.msk $0xffff, v2  }
0x522: {  	v10 =	vld [tilespmem:s26+$0x8460]  }
0x523: {  	v13 =	vmul.f32 $3.199999810e+01, v13;
	v14 =	vtrunc.f32 v14;
	[tilespmem:v11+s14+$0x0] =	vst.idx.add.f32.msk $0xffff, v2  }
0x524: {  	v11 =	vcvt.f32.s32 v14;
	v14 =	vld [tilespmem:s25+$0x8820]  }
0x525: {  	v13 =	vtrunc.f32 v13;
	v12 =	vmul.f32 $3.199999810e+01, v12  }
0x526: {  	v13 =	vcvt.f32.s32 v13;
	v11 =	vshll.u32 v11, $0x4  }
0x527: {  	v12 =	vtrunc.f32 v12;
	v11 =	vadd.s32 v9, v11;
	v10 =	vmul.f32 $3.199999810e+01, v10  }
0x528: {  	v13 =	vshll.u32 v13, $0x4;
	v12 =	vcvt.f32.s32 v12  }
0x529: {  	v13 =	vadd.s32 v9, v13;
	v10 =	vtrunc.f32 v10;
	v14 =	vmul.f32 $3.199999810e+01, v14  }
0x52a: {  	v12 =	vshll.u32 v12, $0x4;
	v10 =	vcvt.f32.s32 v10  }
0x52b: {  	v12 =	vadd.s32 v9, v12;
	v14 =	vtrunc.f32 v14  }
0x52c: {  	[tilespmem:v11+s14+$0x0] =	vst.idx.add.f32.msk $0xffff, v2;
	v10 =	vshll.u32 v10, $0x4;
	v11 =	vcvt.f32.s32 v14  }
0x52d: {  	v14 =	vld [tilespmem:s30+$0x8030];
	v10 =	vadd.s32 v9, v10  }
0x52e: {  	[tilespmem:v13+s14+$0x0] =	vst.idx.add.f32.msk $0xffff, v2;
	v11 =	vshll.u32 v11, $0x4  }
0x52f: {  	v13 =	vld [tilespmem:s29+$0x8070];
	v11 =	vadd.s32 v8, v11  }
0x530: {  	[tilespmem:v12+s14+$0x0] =	vst.idx.add.f32.msk $0xffff, v2  }
0x531: {  	v12 =	vld [tilespmem:s28+$0x8430]  }
0x532: {  	v14 =	vmul.f32 $3.199999810e+01, v14;
	[tilespmem:v10+s14+$0x0] =	vst.idx.add.f32.msk $0xffff, v2  }
0x533: {  	v10 =	vld [tilespmem:s26+$0x8470]  }
0x534: {  	v13 =	vmul.f32 $3.199999810e+01, v13;
	v14 =	vtrunc.f32 v14;
	[tilespmem:v11+s14+$0x0] =	vst.idx.add.f32.msk $0xffff, v2  }
0x535: {  	v11 =	vcvt.f32.s32 v14;
	v14 =	vld [tilespmem:s25+$0x8830]  }
0x536: {  	v13 =	vtrunc.f32 v13;
	v12 =	vmul.f32 $3.199999810e+01, v12  }
0x537: {  	v13 =	vcvt.f32.s32 v13;
	v11 =	vshll.u32 v11, $0x4  }
0x538: {  	v12 =	vtrunc.f32 v12;
	v11 =	vadd.s32 v9, v11;
	v10 =	vmul.f32 $3.199999810e+01, v10  }
0x539: {  	s19 =	simm.s32 $0xA00;
	s20 =	simm.s32 $0x280;
	v13 =	vshll.u32 v13, $0x4;
	v12 =	vcvt.f32.s32 v12  }
0x53a: {  	s0 =	sand.u32 $0x7000, s19;
	s2 =	sand.u32 $0x380, s20;
	v13 =	vadd.s32 v9, v13;
	v10 =	vtrunc.f32 v10;
	v14 =	vmul.f32 $3.199999810e+01, v14  }
0x53b: {  	s31 =	sor.u32 s2, s0;
	v12 =	vshll.u32 v12, $0x4;
	v10 =	vcvt.f32.s32 v10  }
0x53c: {  	v15 =	vld [tilespmem:s31+$0x8000];
	v12 =	vadd.s32 v9, v12;
	v14 =	vtrunc.f32 v14  }
0x53d: {  	[tilespmem:v11+s14+$0x0] =	vst.idx.add.f32.msk $0xffff, v2;
	v10 =	vshll.u32 v10, $0x4;
	v11 =	vcvt.f32.s32 v14  }
0x53e: {  	v14 =	vld [tilespmem:s30+$0x8040];
	v10 =	vadd.s32 v9, v10  }
0x53f: {  	[tilespmem:v13+s14+$0x0] =	vst.idx.add.f32.msk $0xffff, v2;
	v11 =	vshll.u32 v11, $0x4  }
0x540: {  	v13 =	vld [tilespmem:s29+$0x8400];
	v11 =	vadd.s32 v8, v11  }
0x541: {  	v15 =	vmul.f32 $3.199999810e+01, v15;
	[tilespmem:v12+s14+$0x0] =	vst.idx.add.f32.msk $0xffff, v2  }
0x542: {  	v12 =	vld [tilespmem:s28+$0x8440]  }
0x543: {  	v15 =	vtrunc.f32 v15;
	v14 =	vmul.f32 $3.199999810e+01, v14;
	[tilespmem:v10+s14+$0x0] =	vst.idx.add.f32.msk $0xffff, v2  }
0x544: {  	v10 =	vcvt.f32.s32 v15;
	v15 =	vld [tilespmem:s26+$0x8800]  }
0x545: {  	v13 =	vmul.f32 $3.199999810e+01, v13;
	v14 =	vtrunc.f32 v14;
	[tilespmem:v11+s14+$0x0] =	vst.idx.add.f32.msk $0xffff, v2  }
0x546: {  	v10 =	vshll.u32 v10, $0x4;
	v11 =	vcvt.f32.s32 v14;
	v14 =	vld [tilespmem:s25+$0x8840]  }
0x547: {  	v13 =	vtrunc.f32 v13;
	v12 =	vmul.f32 $3.199999810e+01, v12;
	v10 =	vadd.s32 v9, v10  }
0x548: {  	v13 =	vcvt.f32.s32 v13;
	v11 =	vshll.u32 v11, $0x4  }
0x549: {  	v12 =	vtrunc.f32 v12;
	v11 =	vadd.s32 v9, v11;
	v15 =	vmul.f32 $3.199999810e+01, v15  }
0x54a: {  	v13 =	vshll.u32 v13, $0x4;
	v12 =	vcvt.f32.s32 v12  }
0x54b: {  	v13 =	vadd.s32 v9, v13;
	v15 =	vtrunc.f32 v15;
	v14 =	vmul.f32 $3.199999810e+01, v14  }
0x54c: {  	[tilespmem:v10+s14+$0x0] =	vst.idx.add.f32.msk $0xffff, v2;
	v10 =	vshll.u32 v12, $0x4;
	v12 =	vcvt.f32.s32 v15  }
0x54d: {  	v15 =	vld [tilespmem:s31+$0x8010];
	v10 =	vadd.s32 v9, v10;
	v14 =	vtrunc.f32 v14  }
0x54e: {  	[tilespmem:v11+s14+$0x0] =	vst.idx.add.f32.msk $0xffff, v2;
	v11 =	vshll.u32 v12, $0x4;
	v12 =	vcvt.f32.s32 v14  }
0x54f: {  	v14 =	vld [tilespmem:s30+$0x8050];
	v11 =	vadd.s32 v8, v11  }
0x550: {  	[tilespmem:v13+s14+$0x0] =	vst.idx.add.f32.msk $0xffff, v2;
	v12 =	vshll.u32 v12, $0x4  }
0x551: {  	v13 =	vld [tilespmem:s29+$0x8410];
	v12 =	vadd.s32 v8, v12  }
0x552: {  	v15 =	vmul.f32 $3.199999810e+01, v15;
	[tilespmem:v10+s14+$0x0] =	vst.idx.add.f32.msk $0xffff, v2  }
0x553: {  	v10 =	vld [tilespmem:s28+$0x8450]  }
0x554: {  	v15 =	vtrunc.f32 v15;
	v14 =	vmul.f32 $3.199999810e+01, v14;
	[tilespmem:v11+s14+$0x0] =	vst.idx.add.f32.msk $0xffff, v2  }
0x555: {  	v11 =	vcvt.f32.s32 v15;
	v15 =	vld [tilespmem:s26+$0x8810]  }
0x556: {  	v13 =	vmul.f32 $3.199999810e+01, v13;
	v14 =	vtrunc.f32 v14;
	[tilespmem:v12+s14+$0x0] =	vst.idx.add.f32.msk $0xffff, v2  }
0x557: {  	v11 =	vshll.u32 v11, $0x4;
	v12 =	vcvt.f32.s32 v14;
	v14 =	vld [tilespmem:s25+$0x8850]  }
0x558: {  	v13 =	vtrunc.f32 v13;
	v11 =	vadd.s32 v9, v11;
	v10 =	vmul.f32 $3.199999810e+01, v10  }
0x559: {  	v13 =	vcvt.f32.s32 v13;
	v12 =	vshll.u32 v12, $0x4  }
0x55a: {  	v10 =	vtrunc.f32 v10;
	v12 =	vadd.s32 v9, v12;
	v15 =	vmul.f32 $3.199999810e+01, v15  }
0x55b: {  	v13 =	vshll.u32 v13, $0x4;
	v10 =	vcvt.f32.s32 v10  }
0x55c: {  	v13 =	vadd.s32 v9, v13;
	v15 =	vtrunc.f32 v15;
	v14 =	vmul.f32 $3.199999810e+01, v14  }
0x55d: {  	[tilespmem:v11+s14+$0x0] =	vst.idx.add.f32.msk $0xffff, v2;
	v10 =	vshll.u32 v10, $0x4;
	v11 =	vcvt.f32.s32 v15  }
0x55e: {  	v15 =	vld [tilespmem:s31+$0x8020];
	v10 =	vadd.s32 v9, v10;
	v14 =	vtrunc.f32 v14  }
0x55f: {  	[tilespmem:v12+s14+$0x0] =	vst.idx.add.f32.msk $0xffff, v2;
	v11 =	vshll.u32 v11, $0x4;
	v12 =	vcvt.f32.s32 v14  }
0x560: {  	v14 =	vld [tilespmem:s30+$0x8060];
	v11 =	vadd.s32 v8, v11  }
0x561: {  	[tilespmem:v13+s14+$0x0] =	vst.idx.add.f32.msk $0xffff, v2;
	v12 =	vshll.u32 v12, $0x4  }
0x562: {  	v13 =	vld [tilespmem:s29+$0x8420];
	v12 =	vadd.s32 v8, v12  }
0x563: {  	v15 =	vmul.f32 $3.199999810e+01, v15;
	[tilespmem:v10+s14+$0x0] =	vst.idx.add.f32.msk $0xffff, v2  }
0x564: {  	v10 =	vld [tilespmem:s28+$0x8460]  }
0x565: {  	v15 =	vtrunc.f32 v15;
	v14 =	vmul.f32 $3.199999810e+01, v14;
	[tilespmem:v11+s14+$0x0] =	vst.idx.add.f32.msk $0xffff, v2  }
0x566: {  	v11 =	vcvt.f32.s32 v15;
	v15 =	vld [tilespmem:s26+$0x8820]  }
0x567: {  	v13 =	vmul.f32 $3.199999810e+01, v13;
	v14 =	vtrunc.f32 v14;
	[tilespmem:v12+s14+$0x0] =	vst.idx.add.f32.msk $0xffff, v2  }
0x568: {  	v11 =	vshll.u32 v11, $0x4;
	v12 =	vcvt.f32.s32 v14;
	v14 =	vld [tilespmem:s25+$0x8860]  }
0x569: {  	v13 =	vtrunc.f32 v13;
	v11 =	vadd.s32 v9, v11;
	v10 =	vmul.f32 $3.199999810e+01, v10  }
0x56a: {  	v13 =	vcvt.f32.s32 v13;
	v12 =	vshll.u32 v12, $0x4  }
0x56b: {  	v10 =	vtrunc.f32 v10;
	v12 =	vadd.s32 v9, v12;
	v15 =	vmul.f32 $3.199999810e+01, v15  }
0x56c: {  	v13 =	vshll.u32 v13, $0x4;
	v10 =	vcvt.f32.s32 v10  }
0x56d: {  	v13 =	vadd.s32 v9, v13;
	v15 =	vtrunc.f32 v15;
	v14 =	vmul.f32 $3.199999810e+01, v14  }
0x56e: {  	[tilespmem:v11+s14+$0x0] =	vst.idx.add.f32.msk $0xffff, v2;
	v10 =	vshll.u32 v10, $0x4;
	v11 =	vcvt.f32.s32 v15  }
0x56f: {  	v15 =	vld [tilespmem:s31+$0x8030];
	v10 =	vadd.s32 v9, v10;
	v14 =	vtrunc.f32 v14  }
0x570: {  	[tilespmem:v12+s14+$0x0] =	vst.idx.add.f32.msk $0xffff, v2;
	v11 =	vshll.u32 v11, $0x4;
	v12 =	vcvt.f32.s32 v14  }
0x571: {  	v14 =	vld [tilespmem:s30+$0x8070];
	v11 =	vadd.s32 v8, v11  }
0x572: {  	[tilespmem:v13+s14+$0x0] =	vst.idx.add.f32.msk $0xffff, v2;
	v12 =	vshll.u32 v12, $0x4  }
0x573: {  	v13 =	vld [tilespmem:s29+$0x8430];
	v12 =	vadd.s32 v8, v12  }
0x574: {  	v15 =	vmul.f32 $3.199999810e+01, v15;
	[tilespmem:v10+s14+$0x0] =	vst.idx.add.f32.msk $0xffff, v2  }
0x575: {  	v10 =	vld [tilespmem:s28+$0x8470]  }
0x576: {  	v15 =	vtrunc.f32 v15;
	v14 =	vmul.f32 $3.199999810e+01, v14;
	[tilespmem:v11+s14+$0x0] =	vst.idx.add.f32.msk $0xffff, v2  }
0x577: {  	v11 =	vcvt.f32.s32 v15;
	v15 =	vld [tilespmem:s26+$0x8830]  }
0x578: {  	v13 =	vmul.f32 $3.199999810e+01, v13;
	v14 =	vtrunc.f32 v14;
	[tilespmem:v12+s14+$0x0] =	vst.idx.add.f32.msk $0xffff, v2  }
0x579: {  	v11 =	vshll.u32 v11, $0x4;
	v12 =	vcvt.f32.s32 v14;
	v14 =	vld [tilespmem:s25+$0x8870]  }
0x57a: {  	v13 =	vtrunc.f32 v13;
	v11 =	vadd.s32 v9, v11;
	v10 =	vmul.f32 $3.199999810e+01, v10  }
0x57b: {  	s9 =	simm.s32 $0x300;
	s2 =	simm.s32 $0xC00;
	v13 =	vcvt.f32.s32 v13;
	v12 =	vshll.u32 v12, $0x4  }
0x57c: {  	s0 =	sand.u32 $0x7000, s2;
	s2 =	sand.u32 $0x380, s9;
	v10 =	vtrunc.f32 v10;
	v12 =	vadd.s32 v9, v12;
	v15 =	vmul.f32 $3.199999810e+01, v15  }
0x57d: {  	s2 =	sor.u32 s2, s0;
	v13 =	vshll.u32 v13, $0x4;
	v10 =	vcvt.f32.s32 v10  }
0x57e: {  	v16 =	vld [tilespmem:s2+$0x8000];
	v13 =	vadd.s32 v9, v13;
	v15 =	vtrunc.f32 v15;
	v14 =	vmul.f32 $3.199999810e+01, v14  }
0x57f: {  	[tilespmem:v11+s14+$0x0] =	vst.idx.add.f32.msk $0xffff, v2;
	v10 =	vshll.u32 v10, $0x4;
	v11 =	vcvt.f32.s32 v15  }
0x580: {  	v15 =	vld [tilespmem:s31+$0x8040];
	v10 =	vadd.s32 v9, v10;
	v14 =	vtrunc.f32 v14  }
0x581: {  	[tilespmem:v12+s14+$0x0] =	vst.idx.add.f32.msk $0xffff, v2;
	v11 =	vshll.u32 v11, $0x4;
	v12 =	vcvt.f32.s32 v14  }
0x582: {  	v14 =	vld [tilespmem:s30+$0x8400];
	v11 =	vadd.s32 v8, v11  }
0x583: {  	v16 =	vmul.f32 $3.199999810e+01, v16;
	[tilespmem:v13+s14+$0x0] =	vst.idx.add.f32.msk $0xffff, v2;
	v12 =	vshll.u32 v12, $0x4  }
0x584: {  	v13 =	vld [tilespmem:s29+$0x8440];
	v12 =	vadd.s32 v8, v12  }
0x585: {  	v16 =	vtrunc.f32 v16;
	v15 =	vmul.f32 $3.199999810e+01, v15;
	[tilespmem:v10+s14+$0x0] =	vst.idx.add.f32.msk $0xffff, v2  }
0x586: {  	v10 =	vcvt.f32.s32 v16;
	v16 =	vld [tilespmem:s28+$0x8800]  }
0x587: {  	v15 =	vtrunc.f32 v15;
	v14 =	vmul.f32 $3.199999810e+01, v14;
	[tilespmem:v11+s14+$0x0] =	vst.idx.add.f32.msk $0xffff, v2  }
0x588: {  	v10 =	vshll.u32 v10, $0x4;
	v11 =	vcvt.f32.s32 v15;
	v15 =	vld [tilespmem:s26+$0x8840]  }
0x589: {  	v13 =	vmul.f32 $3.199999810e+01, v13;
	v10 =	vadd.s32 v9, v10;
	v14 =	vtrunc.f32 v14;
	[tilespmem:v12+s14+$0x0] =	vst.idx.add.f32.msk $0xffff, v2  }
0x58a: {  	v11 =	vshll.u32 v11, $0x4;
	v12 =	vcvt.f32.s32 v14;
	v14 =	vld [tilespmem:s25+$0x8C00]  }
0x58b: {  	v13 =	vtrunc.f32 v13;
	v11 =	vadd.s32 v9, v11;
	v16 =	vmul.f32 $3.199999810e+01, v16  }
0x58c: {  	v13 =	vcvt.f32.s32 v13;
	v12 =	vshll.u32 v12, $0x4  }
0x58d: {  	v16 =	vtrunc.f32 v16;
	v12 =	vadd.s32 v9, v12;
	v15 =	vmul.f32 $3.199999810e+01, v15  }
0x58e: {  	[tilespmem:v10+s14+$0x0] =	vst.idx.add.f32.msk $0xffff, v2;
	v10 =	vshll.u32 v13, $0x4;
	v13 =	vcvt.f32.s32 v16  }
0x58f: {  	v16 =	vld [tilespmem:s2+$0x8010];
	v10 =	vadd.s32 v9, v10;
	v15 =	vtrunc.f32 v15;
	v14 =	vmul.f32 $3.199999810e+01, v14  }
0x590: {  	[tilespmem:v11+s14+$0x0] =	vst.idx.add.f32.msk $0xffff, v2;
	v11 =	vshll.u32 v13, $0x4;
	v13 =	vcvt.f32.s32 v15  }
0x591: {  	v15 =	vld [tilespmem:s31+$0x8050];
	v11 =	vadd.s32 v8, v11;
	v14 =	vtrunc.f32 v14  }
0x592: {  	[tilespmem:v12+s14+$0x0] =	vst.idx.add.f32.msk $0xffff, v2;
	v12 =	vshll.u32 v13, $0x4;
	v13 =	vcvt.f32.s32 v14  }
0x593: {  	v14 =	vld [tilespmem:s30+$0x8410];
	v12 =	vadd.s32 v8, v12  }
0x594: {  	v16 =	vmul.f32 $3.199999810e+01, v16;
	[tilespmem:v10+s14+$0x0] =	vst.idx.add.f32.msk $0xffff, v2;
	v10 =	vshll.u32 v13, $0x4  }
0x595: {  	v13 =	vld [tilespmem:s29+$0x8450];
	v10 =	vadd.s32 v8, v10  }
0x596: {  	v16 =	vtrunc.f32 v16;
	v15 =	vmul.f32 $3.199999810e+01, v15;
	[tilespmem:v11+s14+$0x0] =	vst.idx.add.f32.msk $0xffff, v2  }
0x597: {  	v11 =	vcvt.f32.s32 v16;
	v16 =	vld [tilespmem:s28+$0x8810]  }
0x598: {  	v15 =	vtrunc.f32 v15;
	v14 =	vmul.f32 $3.199999810e+01, v14;
	[tilespmem:v12+s14+$0x0] =	vst.idx.add.f32.msk $0xffff, v2  }
0x599: {  	v11 =	vshll.u32 v11, $0x4;
	v12 =	vcvt.f32.s32 v15;
	v15 =	vld [tilespmem:s26+$0x8850]  }
0x59a: {  	v11 =	vadd.s32 v9, v11;
	v14 =	vtrunc.f32 v14;
	v13 =	vmul.f32 $3.199999810e+01, v13;
	[tilespmem:v10+s14+$0x0] =	vst.idx.add.f32.msk $0xffff, v2  }
0x59b: {  	v10 =	vshll.u32 v12, $0x4;
	v12 =	vcvt.f32.s32 v14;
	v14 =	vld [tilespmem:s25+$0x8C10]  }
0x59c: {  	v16 =	vmul.f32 $3.199999810e+01, v16;
	v10 =	vadd.s32 v9, v10;
	v13 =	vtrunc.f32 v13  }
0x59d: {  	v12 =	vshll.u32 v12, $0x4;
	v13 =	vcvt.f32.s32 v13  }
0x59e: {  	v16 =	vtrunc.f32 v16;
	v12 =	vadd.s32 v9, v12;
	v15 =	vmul.f32 $3.199999810e+01, v15  }
0x59f: {  	[tilespmem:v11+s14+$0x0] =	vst.idx.add.f32.msk $0xffff, v2;
	v11 =	vshll.u32 v13, $0x4;
	v13 =	vcvt.f32.s32 v16  }
0x5a0: {  	v16 =	vld [tilespmem:s2+$0x8020];
	v11 =	vadd.s32 v9, v11;
	v15 =	vtrunc.f32 v15;
	v14 =	vmul.f32 $3.199999810e+01, v14  }
0x5a1: {  	[tilespmem:v10+s14+$0x0] =	vst.idx.add.f32.msk $0xffff, v2;
	v10 =	vshll.u32 v13, $0x4;
	v13 =	vcvt.f32.s32 v15  }
0x5a2: {  	v15 =	vld [tilespmem:s31+$0x8060];
	v10 =	vadd.s32 v8, v10;
	v14 =	vtrunc.f32 v14  }
0x5a3: {  	[tilespmem:v12+s14+$0x0] =	vst.idx.add.f32.msk $0xffff, v2;
	v12 =	vshll.u32 v13, $0x4;
	v13 =	vcvt.f32.s32 v14  }
0x5a4: {  	v14 =	vld [tilespmem:s30+$0x8420];
	v12 =	vadd.s32 v8, v12  }
0x5a5: {  	v16 =	vmul.f32 $3.199999810e+01, v16;
	[tilespmem:v11+s14+$0x0] =	vst.idx.add.f32.msk $0xffff, v2;
	v11 =	vshll.u32 v13, $0x4  }
0x5a6: {  	v13 =	vld [tilespmem:s29+$0x8460];
	v11 =	vadd.s32 v8, v11  }
0x5a7: {  	v16 =	vtrunc.f32 v16;
	v15 =	vmul.f32 $3.199999810e+01, v15;
	[tilespmem:v10+s14+$0x0] =	vst.idx.add.f32.msk $0xffff, v2  }
0x5a8: {  	v10 =	vcvt.f32.s32 v16;
	v16 =	vld [tilespmem:s28+$0x8820]  }
0x5a9: {  	v15 =	vtrunc.f32 v15;
	v14 =	vmul.f32 $3.199999810e+01, v14;
	[tilespmem:v12+s14+$0x0] =	vst.idx.add.f32.msk $0xffff, v2  }
0x5aa: {  	v10 =	vshll.u32 v10, $0x4;
	v12 =	vcvt.f32.s32 v15;
	v15 =	vld [tilespmem:s26+$0x8860]  }
0x5ab: {  	v10 =	vadd.s32 v9, v10;
	v14 =	vtrunc.f32 v14;
	v13 =	vmul.f32 $3.199999810e+01, v13;
	[tilespmem:v11+s14+$0x0] =	vst.idx.add.f32.msk $0xffff, v2  }
0x5ac: {  	v11 =	vshll.u32 v12, $0x4;
	v12 =	vcvt.f32.s32 v14;
	v14 =	vld [tilespmem:s25+$0x8C20]  }
0x5ad: {  	v11 =	vadd.s32 v9, v11;
	v13 =	vtrunc.f32 v13;
	v16 =	vmul.f32 $3.199999810e+01, v16  }
0x5ae: {  	v12 =	vshll.u32 v12, $0x4;
	v13 =	vcvt.f32.s32 v13  }
0x5af: {  	v12 =	vadd.s32 v9, v12;
	v16 =	vtrunc.f32 v16;
	v15 =	vmul.f32 $3.199999810e+01, v15  }
0x5b0: {  	[tilespmem:v10+s14+$0x0] =	vst.idx.add.f32.msk $0xffff, v2;
	v10 =	vshll.u32 v13, $0x4;
	v13 =	vcvt.f32.s32 v16  }
0x5b1: {  	v16 =	vld [tilespmem:s2+$0x8030];
	v10 =	vadd.s32 v9, v10;
	v15 =	vtrunc.f32 v15;
	v14 =	vmul.f32 $3.199999810e+01, v14  }
0x5b2: {  	[tilespmem:v11+s14+$0x0] =	vst.idx.add.f32.msk $0xffff, v2;
	v11 =	vshll.u32 v13, $0x4;
	v13 =	vcvt.f32.s32 v15  }
0x5b3: {  	v15 =	vld [tilespmem:s31+$0x8070];
	v11 =	vadd.s32 v8, v11;
	v14 =	vtrunc.f32 v14  }
0x5b4: {  	[tilespmem:v12+s14+$0x0] =	vst.idx.add.f32.msk $0xffff, v2;
	v12 =	vshll.u32 v13, $0x4;
	v13 =	vcvt.f32.s32 v14  }
0x5b5: {  	v14 =	vld [tilespmem:s30+$0x8430];
	v12 =	vadd.s32 v8, v12  }
0x5b6: {  	v16 =	vmul.f32 $3.199999810e+01, v16;
	[tilespmem:v10+s14+$0x0] =	vst.idx.add.f32.msk $0xffff, v2;
	v10 =	vshll.u32 v13, $0x4  }
0x5b7: {  	v13 =	vld [tilespmem:s29+$0x8470];
	v10 =	vadd.s32 v8, v10  }
0x5b8: {  	v16 =	vtrunc.f32 v16;
	v15 =	vmul.f32 $3.199999810e+01, v15;
	[tilespmem:v11+s14+$0x0] =	vst.idx.add.f32.msk $0xffff, v2  }
0x5b9: {  	v11 =	vcvt.f32.s32 v16;
	v16 =	vld [tilespmem:s28+$0x8830]  }
0x5ba: {  	v15 =	vtrunc.f32 v15;
	v14 =	vmul.f32 $3.199999810e+01, v14;
	[tilespmem:v12+s14+$0x0] =	vst.idx.add.f32.msk $0xffff, v2  }
0x5bb: {  	v11 =	vshll.u32 v11, $0x4;
	v12 =	vcvt.f32.s32 v15;
	v15 =	vld [tilespmem:s26+$0x8870]  }
0x5bc: {  	v11 =	vadd.s32 v9, v11;
	v14 =	vtrunc.f32 v14;
	v13 =	vmul.f32 $3.199999810e+01, v13;
	[tilespmem:v10+s14+$0x0] =	vst.idx.add.f32.msk $0xffff, v2  }
0x5bd: {  	s10 =	simm.s32 $0xE00;
	s9 =	simm.s32 $0x380;
	v10 =	vshll.u32 v12, $0x4;
	v12 =	vcvt.f32.s32 v14;
	v14 =	vld [tilespmem:s25+$0x8C30]  }
0x5be: {  	s0 =	sand.u32 $0x7000, s10;
	s9 =	sand.u32 $0x380, s9;
	v10 =	vadd.s32 v9, v10;
	v13 =	vtrunc.f32 v13;
	v16 =	vmul.f32 $3.199999810e+01, v16  }
0x5bf: {  	s0 =	sor.u32 s9, s0;
	v12 =	vshll.u32 v12, $0x4;
	v13 =	vcvt.f32.s32 v13  }
0x5c0: {  	v17 =	vld [tilespmem:s0+$0x8000];
	v12 =	vadd.s32 v9, v12;
	v16 =	vtrunc.f32 v16;
	v15 =	vmul.f32 $3.199999810e+01, v15  }
0x5c1: {  	[tilespmem:v11+s14+$0x0] =	vst.idx.add.f32.msk $0xffff, v2;
	v11 =	vshll.u32 v13, $0x4;
	v13 =	vcvt.f32.s32 v16  }
0x5c2: {  	v16 =	vld [tilespmem:s2+$0x8040];
	v11 =	vadd.s32 v9, v11;
	v15 =	vtrunc.f32 v15;
	v14 =	vmul.f32 $3.199999810e+01, v14  }
0x5c3: {  	[tilespmem:v10+s14+$0x0] =	vst.idx.add.f32.msk $0xffff, v2;
	v10 =	vshll.u32 v13, $0x4;
	v13 =	vcvt.f32.s32 v15  }
0x5c4: {  	v15 =	vld [tilespmem:s31+$0x8400];
	v10 =	vadd.s32 v8, v10;
	v14 =	vtrunc.f32 v14  }
0x5c5: {  	v17 =	vmul.f32 $3.199999810e+01, v17;
	[tilespmem:v12+s14+$0x0] =	vst.idx.add.f32.msk $0xffff, v2;
	v12 =	vshll.u32 v13, $0x4;
	v13 =	vcvt.f32.s32 v14  }
0x5c6: {  	v14 =	vld [tilespmem:s30+$0x8440];
	v12 =	vadd.s32 v8, v12  }
0x5c7: {  	v17 =	vtrunc.f32 v17;
	v16 =	vmul.f32 $3.199999810e+01, v16;
	[tilespmem:v11+s14+$0x0] =	vst.idx.add.f32.msk $0xffff, v2;
	v11 =	vshll.u32 v13, $0x4  }
0x5c8: {  	v13 =	vcvt.f32.s32 v17;
	v17 =	vld [tilespmem:s29+$0x8800];
	v11 =	vadd.s32 v8, v11  }
0x5c9: {  	v16 =	vtrunc.f32 v16;
	v15 =	vmul.f32 $3.199999810e+01, v15;
	[tilespmem:v10+s14+$0x0] =	vst.idx.add.f32.msk $0xffff, v2  }
0x5ca: {  	v10 =	vshll.u32 v13, $0x4;
	v13 =	vcvt.f32.s32 v16;
	v16 =	vld [tilespmem:s28+$0x8840]  }
0x5cb: {  	v10 =	vadd.s32 v9, v10;
	v15 =	vtrunc.f32 v15;
	v14 =	vmul.f32 $3.199999810e+01, v14;
	[tilespmem:v12+s14+$0x0] =	vst.idx.add.f32.msk $0xffff, v2  }
0x5cc: {  	v12 =	vshll.u32 v13, $0x4;
	v13 =	vcvt.f32.s32 v15;
	v15 =	vld [tilespmem:s26+$0x8C00]  }
0x5cd: {  	v12 =	vadd.s32 v9, v12;
	v14 =	vtrunc.f32 v14;
	v17 =	vmul.f32 $3.199999810e+01, v17;
	[tilespmem:v11+s14+$0x0] =	vst.idx.add.f32.msk $0xffff, v2  }
0x5ce: {  	v11 =	vshll.u32 v13, $0x4;
	v13 =	vcvt.f32.s32 v14;
	v14 =	vld [tilespmem:s25+$0x8C40]  }
0x5cf: {  	v11 =	vadd.s32 v9, v11;
	v17 =	vtrunc.f32 v17;
	v16 =	vmul.f32 $3.199999810e+01, v16  }
0x5d0: {  	[tilespmem:v10+s14+$0x0] =	vst.idx.add.f32.msk $0xffff, v2;
	v10 =	vshll.u32 v13, $0x4;
	v13 =	vcvt.f32.s32 v17  }
0x5d1: {  	v17 =	vld [tilespmem:s0+$0x8010];
	v10 =	vadd.s32 v9, v10;
	v16 =	vtrunc.f32 v16;
	v15 =	vmul.f32 $3.199999810e+01, v15  }
0x5d2: {  	[tilespmem:v12+s14+$0x0] =	vst.idx.add.f32.msk $0xffff, v2;
	v12 =	vshll.u32 v13, $0x4;
	v13 =	vcvt.f32.s32 v16  }
0x5d3: {  	v16 =	vld [tilespmem:s2+$0x8050];
	v12 =	vadd.s32 v8, v12;
	v15 =	vtrunc.f32 v15;
	v14 =	vmul.f32 $3.199999810e+01, v14  }
0x5d4: {  	[tilespmem:v11+s14+$0x0] =	vst.idx.add.f32.msk $0xffff, v2;
	v11 =	vshll.u32 v13, $0x4;
	v13 =	vcvt.f32.s32 v15  }
0x5d5: {  	v15 =	vld [tilespmem:s31+$0x8410];
	v11 =	vadd.s32 v8, v11;
	v14 =	vtrunc.f32 v14  }
0x5d6: {  	v17 =	vmul.f32 $3.199999810e+01, v17;
	[tilespmem:v10+s14+$0x0] =	vst.idx.add.f32.msk $0xffff, v2;
	v10 =	vshll.u32 v13, $0x4;
	v13 =	vcvt.f32.s32 v14  }
0x5d7: {  	v14 =	vld [tilespmem:s30+$0x8450];
	v10 =	vadd.s32 v8, v10  }
0x5d8: {  	v17 =	vtrunc.f32 v17;
	v16 =	vmul.f32 $3.199999810e+01, v16;
	[tilespmem:v12+s14+$0x0] =	vst.idx.add.f32.msk $0xffff, v2;
	v12 =	vshll.u32 v13, $0x4  }
0x5d9: {  	v13 =	vcvt.f32.s32 v17;
	v17 =	vld [tilespmem:s29+$0x8810];
	v12 =	vadd.s32 v8, v12  }
0x5da: {  	v16 =	vtrunc.f32 v16;
	v15 =	vmul.f32 $3.199999810e+01, v15;
	[tilespmem:v11+s14+$0x0] =	vst.idx.add.f32.msk $0xffff, v2  }
0x5db: {  	v11 =	vshll.u32 v13, $0x4;
	v13 =	vcvt.f32.s32 v16;
	v16 =	vld [tilespmem:s28+$0x8850]  }
0x5dc: {  	v11 =	vadd.s32 v9, v11;
	v15 =	vtrunc.f32 v15;
	v14 =	vmul.f32 $3.199999810e+01, v14;
	[tilespmem:v10+s14+$0x0] =	vst.idx.add.f32.msk $0xffff, v2  }
0x5dd: {  	v10 =	vshll.u32 v13, $0x4;
	v13 =	vcvt.f32.s32 v15;
	v15 =	vld [tilespmem:s26+$0x8C10]  }
0x5de: {  	v10 =	vadd.s32 v9, v10;
	v14 =	vtrunc.f32 v14;
	v17 =	vmul.f32 $3.199999810e+01, v17;
	[tilespmem:v12+s14+$0x0] =	vst.idx.add.f32.msk $0xffff, v2  }
0x5df: {  	v12 =	vshll.u32 v13, $0x4;
	v13 =	vcvt.f32.s32 v14;
	v14 =	vld [tilespmem:s25+$0x8C50]  }
0x5e0: {  	v12 =	vadd.s32 v9, v12;
	v17 =	vtrunc.f32 v17;
	v16 =	vmul.f32 $3.199999810e+01, v16  }
0x5e1: {  	[tilespmem:v11+s14+$0x0] =	vst.idx.add.f32.msk $0xffff, v2;
	v11 =	vshll.u32 v13, $0x4;
	v13 =	vcvt.f32.s32 v17  }
0x5e2: {  	v17 =	vld [tilespmem:s0+$0x8020];
	v11 =	vadd.s32 v9, v11;
	v16 =	vtrunc.f32 v16;
	v15 =	vmul.f32 $3.199999810e+01, v15  }
0x5e3: {  	[tilespmem:v10+s14+$0x0] =	vst.idx.add.f32.msk $0xffff, v2;
	v10 =	vshll.u32 v13, $0x4;
	v13 =	vcvt.f32.s32 v16  }
0x5e4: {  	v16 =	vld [tilespmem:s2+$0x8060];
	v10 =	vadd.s32 v8, v10;
	v15 =	vtrunc.f32 v15;
	v14 =	vmul.f32 $3.199999810e+01, v14  }
0x5e5: {  	[tilespmem:v12+s14+$0x0] =	vst.idx.add.f32.msk $0xffff, v2;
	v12 =	vshll.u32 v13, $0x4;
	v13 =	vcvt.f32.s32 v15  }
0x5e6: {  	v15 =	vld [tilespmem:s31+$0x8420];
	v12 =	vadd.s32 v8, v12;
	v14 =	vtrunc.f32 v14  }
0x5e7: {  	v17 =	vmul.f32 $3.199999810e+01, v17;
	[tilespmem:v11+s14+$0x0] =	vst.idx.add.f32.msk $0xffff, v2;
	v11 =	vshll.u32 v13, $0x4;
	v13 =	vcvt.f32.s32 v14  }
0x5e8: {  	v14 =	vld [tilespmem:s30+$0x8460];
	v11 =	vadd.s32 v8, v11  }
0x5e9: {  	v17 =	vtrunc.f32 v17;
	v16 =	vmul.f32 $3.199999810e+01, v16;
	[tilespmem:v10+s14+$0x0] =	vst.idx.add.f32.msk $0xffff, v2;
	v10 =	vshll.u32 v13, $0x4  }
0x5ea: {  	v13 =	vcvt.f32.s32 v17;
	v17 =	vld [tilespmem:s29+$0x8820];
	v10 =	vadd.s32 v8, v10  }
0x5eb: {  	v16 =	vtrunc.f32 v16;
	v15 =	vmul.f32 $3.199999810e+01, v15;
	[tilespmem:v12+s14+$0x0] =	vst.idx.add.f32.msk $0xffff, v2  }
0x5ec: {  	v12 =	vshll.u32 v13, $0x4;
	v13 =	vcvt.f32.s32 v16;
	v16 =	vld [tilespmem:s28+$0x8860]  }
0x5ed: {  	v12 =	vadd.s32 v9, v12;
	v15 =	vtrunc.f32 v15;
	v14 =	vmul.f32 $3.199999810e+01, v14;
	[tilespmem:v11+s14+$0x0] =	vst.idx.add.f32.msk $0xffff, v2  }
0x5ee: {  	s19 =	simm.s32 $0x1000;
	s20 =	simm.s32 $0x400;
	v11 =	vshll.u32 v13, $0x4;
	v13 =	vcvt.f32.s32 v15;
	v18 =	vld [tilespmem:s26+$0x8C20]  }
0x5ef: {  	s10 =	sand.u32 $0x380, s20;
	s9 =	sand.u32 $0x7000, s19;
	v11 =	vadd.s32 v9, v11;
	v14 =	vtrunc.f32 v14;
	v17 =	vmul.f32 $3.199999810e+01, v17;
	[tilespmem:v10+s14+$0x0] =	vst.idx.add.f32.msk $0xffff, v2  }
0x5f0: {  	s19 =	sor.u32 s10, s9;
	v10 =	vshll.u32 v13, $0x4;
	v13 =	vcvt.f32.s32 v14;
	v14 =	vld [tilespmem:s25+$0x8C60]  }
0x5f1: {  	v15 =	vld [tilespmem:s19+$0x8000];
	v10 =	vadd.s32 v9, v10;
	v17 =	vtrunc.f32 v17;
	v16 =	vmul.f32 $3.199999810e+01, v16  }
0x5f2: {  	[tilespmem:v12+s14+$0x0] =	vst.idx.add.f32.msk $0xffff, v2;
	v12 =	vshll.u32 v13, $0x4;
	v13 =	vcvt.f32.s32 v17  }
0x5f3: {  	v17 =	vld [tilespmem:s0+$0x8030];
	v12 =	vadd.s32 v9, v12;
	v16 =	vtrunc.f32 v16;
	v18 =	vmul.f32 $3.199999810e+01, v18  }
0x5f4: {  	[tilespmem:v11+s14+$0x0] =	vst.idx.add.f32.msk $0xffff, v2;
	v11 =	vshll.u32 v13, $0x4;
	v13 =	vcvt.f32.s32 v16  }
0x5f5: {  	v16 =	vld [tilespmem:s2+$0x8070];
	v11 =	vadd.s32 v8, v11;
	v18 =	vtrunc.f32 v18;
	v14 =	vmul.f32 $3.199999810e+01, v14  }
0x5f6: {  	[tilespmem:v10+s14+$0x0] =	vst.idx.add.f32.msk $0xffff, v2;
	v10 =	vshll.u32 v13, $0x4;
	v13 =	vcvt.f32.s32 v18  }
0x5f7: {  	v18 =	vld [tilespmem:s31+$0x8430];
	v10 =	vadd.s32 v8, v10;
	v14 =	vtrunc.f32 v14  }
0x5f8: {  	v17 =	vmul.f32 $3.199999810e+01, v17;
	[tilespmem:v12+s14+$0x0] =	vst.idx.add.f32.msk $0xffff, v2;
	v12 =	vshll.u32 v13, $0x4;
	v13 =	vcvt.f32.s32 v14  }
0x5f9: {  	v14 =	vld [tilespmem:s30+$0x8470];
	v12 =	vadd.s32 v8, v12  }
0x5fa: {  	v17 =	vtrunc.f32 v17;
	v16 =	vmul.f32 $3.199999810e+01, v16;
	[tilespmem:v11+s14+$0x0] =	vst.idx.add.f32.msk $0xffff, v2;
	v11 =	vshll.u32 v13, $0x4  }
0x5fb: {  	v13 =	vcvt.f32.s32 v17;
	v19 =	vld [tilespmem:s29+$0x8830];
	v20 =	vadd.s32 v8, v11  }
0x5fc: {  	v11 =	vtrunc.f32 v16;
	v16 =	vmul.f32 $3.199999810e+01, v18;
	[tilespmem:v10+s14+$0x0] =	vst.idx.add.f32.msk $0xffff, v2  }
0x5fd: {  	v10 =	vcvt.f32.s32 v11;
	v11 =	vld [tilespmem:s28+$0x8870];
	v13 =	vshll.u32 v13, $0x4  }
0x5fe: {  	v16 =	vtrunc.f32 v16;
	v18 =	vmul.f32 $3.199999810e+01, v14;
	[tilespmem:v12+s14+$0x0] =	vst.idx.add.f32.msk $0xffff, v2;
	v17 =	vadd.s32 v9, v13  }
0x5ff: {  	v12 =	vshll.u32 v10, $0x4;
	v14 =	vcvt.f32.s32 v16;
	v10 =	vld [tilespmem:s26+$0x8C30]  }
0x600: {  	s9 =	simm.s32 $0x1200;
	v16 =	vadd.s32 v9, v12;
	v13 =	vtrunc.f32 v18;
	v12 =	vmul.f32 $3.199999810e+01, v19;
	[tilespmem:v20+s14+$0x0] =	vst.idx.add.f32.msk $0xffff, v2  }
.LBB2_7:
0x601: {  	p2 =	sne.s32 s9, $0x7E00;
	v14 =	vshll.u32 v14, $0x4;
	v13 =	vcvt.f32.s32 v13;
	v18 =	vld [tilespmem:s25+$0x8C70];
	s25 =	smov.u32 s26;
	s26 =	smov.u32 s28  }
0x602: {  	s28 =	smov.u32 s29;
	s29 =	smov.u32 s30;
	s30 =	smov.u32 s31;
	v14 =	vadd.s32 v9, v14;
	v12 =	vtrunc.f32 v12;
	v11 =	vmul.f32 $3.199999810e+01, v11  }
0x603: {  	s31 =	smov.u32 s2;
	s2 =	smov.u32 s0;
	s0 =	smov.u32 s19;
	[tilespmem:v17+s14+$0x0] =	vst.idx.add.f32.msk $0xffff, v2;
	v13 =	vshll.u32 v13, $0x4;
	v12 =	vcvt.f32.s32 v12  }
0x604: {  	v17 =	vld [tilespmem:s2+$0x8040];
	v13 =	vadd.s32 v9, v13;
	v11 =	vtrunc.f32 v11;
	v10 =	vmul.f32 $3.199999810e+01, v10  }
0x605: {  	v15 =	vmul.f32 $3.199999810e+01, v15;
	[tilespmem:v16+s14+$0x0] =	vst.idx.add.f32.msk $0xffff, v2;
	v12 =	vshll.u32 v12, $0x4;
	v11 =	vcvt.f32.s32 v11  }
0x606: {  	v16 =	vld [tilespmem:s31+$0x8400];
	v12 =	vadd.s32 v8, v12;
	v10 =	vtrunc.f32 v10;
	v18 =	vmul.f32 $3.199999810e+01, v18  }
0x607: {  	[tilespmem:v14+s14+$0x0] =	vst.idx.add.f32.msk $0xffff, v2;
	v11 =	vshll.u32 v11, $0x4;
	v10 =	vcvt.f32.s32 v10  }
0x608: {  	v14 =	vtrunc.f32 v15;
	v15 =	vld [tilespmem:s30+$0x8440];
	v11 =	vadd.s32 v8, v11;
	v18 =	vtrunc.f32 v18  }
0x609: {  	v17 =	vmul.f32 $3.199999810e+01, v17;
	[tilespmem:v13+s14+$0x0] =	vst.idx.add.f32.msk $0xffff, v2;
	v10 =	vshll.u32 v10, $0x4;
	v13 =	vcvt.f32.s32 v18  }
0x60a: {  	v14 =	vcvt.f32.s32 v14;
	v18 =	vld [tilespmem:s29+$0x8800];
	v10 =	vadd.s32 v8, v10  }
0x60b: {  	v17 =	vtrunc.f32 v17;
	v16 =	vmul.f32 $3.199999810e+01, v16;
	[tilespmem:v12+s14+$0x0] =	vst.idx.add.f32.msk $0xffff, v2;
	v12 =	vshll.u32 v13, $0x4  }
0x60c: {  	v13 =	vshll.u32 v14, $0x4;
	v14 =	vcvt.f32.s32 v17;
	v17 =	vld [tilespmem:s28+$0x8840];
	v12 =	vadd.s32 v8, v12  }
0x60d: {  	v13 =	vadd.s32 v9, v13;
	v16 =	vtrunc.f32 v16;
	v15 =	vmul.f32 $3.199999810e+01, v15;
	[tilespmem:v11+s14+$0x0] =	vst.idx.add.f32.msk $0xffff, v2  }
0x60e: {  	v11 =	vshll.u32 v14, $0x4;
	v14 =	vcvt.f32.s32 v16;
	v16 =	vld [tilespmem:s26+$0x8C00]  }
0x60f: {  	v11 =	vadd.s32 v9, v11;
	v15 =	vtrunc.f32 v15;
	v18 =	vmul.f32 $3.199999810e+01, v18;
	[tilespmem:v10+s14+$0x0] =	vst.idx.add.f32.msk $0xffff, v2  }
0x610: {  	v10 =	vshll.u32 v14, $0x4;
	v14 =	vcvt.f32.s32 v15;
	v15 =	vld [tilespmem:s25+$0x8C40]  }
0x611: {  	v10 =	vadd.s32 v9, v10;
	v18 =	vtrunc.f32 v18;
	v17 =	vmul.f32 $3.199999810e+01, v17;
	[tilespmem:v12+s14+$0x0] =	vst.idx.add.f32.msk $0xffff, v2  }
0x612: {  	[tilespmem:v13+s14+$0x0] =	vst.idx.add.f32.msk $0xffff, v2;
	v12 =	vshll.u32 v14, $0x4;
	v13 =	vcvt.f32.s32 v18  }
0x613: {  	v14 =	vld [tilespmem:s0+$0x8010];
	v12 =	vadd.s32 v9, v12;
	v17 =	vtrunc.f32 v17;
	v16 =	vmul.f32 $3.199999810e+01, v16  }
0x614: {  	[tilespmem:v11+s14+$0x0] =	vst.idx.add.f32.msk $0xffff, v2;
	v11 =	vshll.u32 v13, $0x4;
	v13 =	vcvt.f32.s32 v17  }
0x615: {  	v17 =	vld [tilespmem:s2+$0x8050];
	v11 =	vadd.s32 v8, v11;
	v16 =	vtrunc.f32 v16;
	v15 =	vmul.f32 $3.199999810e+01, v15  }
0x616: {  	[tilespmem:v10+s14+$0x0] =	vst.idx.add.f32.msk $0xffff, v2;
	v10 =	vshll.u32 v13, $0x4;
	v13 =	vcvt.f32.s32 v16  }
0x617: {  	v16 =	vld [tilespmem:s31+$0x8410];
	v10 =	vadd.s32 v8, v10;
	v15 =	vtrunc.f32 v15  }
0x618: {  	v14 =	vmul.f32 $3.199999810e+01, v14;
	[tilespmem:v12+s14+$0x0] =	vst.idx.add.f32.msk $0xffff, v2;
	v12 =	vshll.u32 v13, $0x4;
	v13 =	vcvt.f32.s32 v15  }
0x619: {  	v15 =	vld [tilespmem:s30+$0x8450];
	v12 =	vadd.s32 v8, v12  }
0x61a: {  	v14 =	vtrunc.f32 v14;
	v17 =	vmul.f32 $3.199999810e+01, v17;
	[tilespmem:v11+s14+$0x0] =	vst.idx.add.f32.msk $0xffff, v2;
	v11 =	vshll.u32 v13, $0x4  }
0x61b: {  	v13 =	vcvt.f32.s32 v14;
	v14 =	vld [tilespmem:s29+$0x8810];
	v11 =	vadd.s32 v8, v11  }
0x61c: {  	v17 =	vtrunc.f32 v17;
	v16 =	vmul.f32 $3.199999810e+01, v16;
	[tilespmem:v10+s14+$0x0] =	vst.idx.add.f32.msk $0xffff, v2  }
0x61d: {  	v10 =	vshll.u32 v13, $0x4;
	v13 =	vcvt.f32.s32 v17;
	v17 =	vld [tilespmem:s28+$0x8850]  }
0x61e: {  	v10 =	vadd.s32 v9, v10;
	v16 =	vtrunc.f32 v16;
	v15 =	vmul.f32 $3.199999810e+01, v15;
	[tilespmem:v12+s14+$0x0] =	vst.idx.add.f32.msk $0xffff, v2  }
0x61f: {  	v12 =	vshll.u32 v13, $0x4;
	v13 =	vcvt.f32.s32 v16;
	v16 =	vld [tilespmem:s26+$0x8C10]  }
0x620: {  	v12 =	vadd.s32 v9, v12;
	v15 =	vtrunc.f32 v15;
	v14 =	vmul.f32 $3.199999810e+01, v14;
	[tilespmem:v11+s14+$0x0] =	vst.idx.add.f32.msk $0xffff, v2  }
0x621: {  	v11 =	vshll.u32 v13, $0x4;
	v13 =	vcvt.f32.s32 v15;
	v15 =	vld [tilespmem:s25+$0x8C50]  }
0x622: {  	v11 =	vadd.s32 v9, v11;
	v14 =	vtrunc.f32 v14;
	v17 =	vmul.f32 $3.199999810e+01, v17  }
0x623: {  	[tilespmem:v10+s14+$0x0] =	vst.idx.add.f32.msk $0xffff, v2;
	v10 =	vshll.u32 v13, $0x4;
	v13 =	vcvt.f32.s32 v14  }
0x624: {  	v14 =	vld [tilespmem:s0+$0x8020];
	v10 =	vadd.s32 v9, v10;
	v17 =	vtrunc.f32 v17;
	v16 =	vmul.f32 $3.199999810e+01, v16  }
0x625: {  	[tilespmem:v12+s14+$0x0] =	vst.idx.add.f32.msk $0xffff, v2;
	v12 =	vshll.u32 v13, $0x4;
	v13 =	vcvt.f32.s32 v17  }
0x626: {  	v17 =	vld [tilespmem:s2+$0x8060];
	v12 =	vadd.s32 v8, v12;
	v16 =	vtrunc.f32 v16;
	v15 =	vmul.f32 $3.199999810e+01, v15  }
0x627: {  	[tilespmem:v11+s14+$0x0] =	vst.idx.add.f32.msk $0xffff, v2;
	v11 =	vshll.u32 v13, $0x4;
	v13 =	vcvt.f32.s32 v16  }
0x628: {  	v16 =	vld [tilespmem:s31+$0x8420];
	v11 =	vadd.s32 v8, v11;
	v15 =	vtrunc.f32 v15  }
0x629: {  	v14 =	vmul.f32 $3.199999810e+01, v14;
	[tilespmem:v10+s14+$0x0] =	vst.idx.add.f32.msk $0xffff, v2;
	v10 =	vshll.u32 v13, $0x4;
	v13 =	vcvt.f32.s32 v15  }
0x62a: {  	v15 =	vld [tilespmem:s30+$0x8460];
	v10 =	vadd.s32 v8, v10  }
0x62b: {  	v14 =	vtrunc.f32 v14;
	v17 =	vmul.f32 $3.199999810e+01, v17;
	[tilespmem:v12+s14+$0x0] =	vst.idx.add.f32.msk $0xffff, v2;
	v12 =	vshll.u32 v13, $0x4  }
0x62c: {  	v13 =	vcvt.f32.s32 v14;
	v14 =	vld [tilespmem:s29+$0x8820];
	v12 =	vadd.s32 v8, v12  }
0x62d: {  	v17 =	vtrunc.f32 v17;
	v16 =	vmul.f32 $3.199999810e+01, v16;
	[tilespmem:v11+s14+$0x0] =	vst.idx.add.f32.msk $0xffff, v2  }
0x62e: {  	v11 =	vshll.u32 v13, $0x4;
	v13 =	vcvt.f32.s32 v17;
	v17 =	vld [tilespmem:s28+$0x8860]  }
0x62f: {  	v11 =	vadd.s32 v9, v11;
	v16 =	vtrunc.f32 v16;
	v15 =	vmul.f32 $3.199999810e+01, v15;
	[tilespmem:v10+s14+$0x0] =	vst.idx.add.f32.msk $0xffff, v2  }
0x630: {  	s20 =	sadd.s32 $0x80, s20;
	v10 =	vshll.u32 v13, $0x4;
	v13 =	vcvt.f32.s32 v16;
	v16 =	vld [tilespmem:s26+$0x8C20]  }
0x631: {  	s10 =	sand.u32 $0x7000, s9;
	s19 =	sand.u32 $0x380, s20;
	v10 =	vadd.s32 v9, v10;
	v15 =	vtrunc.f32 v15;
	v14 =	vmul.f32 $3.199999810e+01, v14;
	[tilespmem:v12+s14+$0x0] =	vst.idx.add.f32.msk $0xffff, v2  }
0x632: {  	s19 =	sor.u32 s19, s10;
	v12 =	vshll.u32 v13, $0x4;
	v13 =	vcvt.f32.s32 v15;
	v18 =	vld [tilespmem:s25+$0x8C60]  }
0x633: {  	v15 =	vld [tilespmem:s19+$0x8000];
	v12 =	vadd.s32 v9, v12;
	v14 =	vtrunc.f32 v14;
	v17 =	vmul.f32 $3.199999810e+01, v17  }
0x634: {  	[tilespmem:v11+s14+$0x0] =	vst.idx.add.f32.msk $0xffff, v2;
	v11 =	vshll.u32 v13, $0x4;
	v13 =	vcvt.f32.s32 v14  }
0x635: {  	v14 =	vld [tilespmem:s0+$0x8030];
	v11 =	vadd.s32 v9, v11;
	v17 =	vtrunc.f32 v17;
	v16 =	vmul.f32 $3.199999810e+01, v16  }
0x636: {  	[tilespmem:v10+s14+$0x0] =	vst.idx.add.f32.msk $0xffff, v2;
	v10 =	vshll.u32 v13, $0x4;
	v13 =	vcvt.f32.s32 v17  }
0x637: {  	v17 =	vld [tilespmem:s2+$0x8070];
	v10 =	vadd.s32 v8, v10;
	v16 =	vtrunc.f32 v16;
	v18 =	vmul.f32 $3.199999810e+01, v18  }
0x638: {  	[tilespmem:v12+s14+$0x0] =	vst.idx.add.f32.msk $0xffff, v2;
	v12 =	vshll.u32 v13, $0x4;
	v13 =	vcvt.f32.s32 v16  }
0x639: {  	v16 =	vld [tilespmem:s31+$0x8430];
	v12 =	vadd.s32 v8, v12;
	v18 =	vtrunc.f32 v18  }
0x63a: {  	v14 =	vmul.f32 $3.199999810e+01, v14;
	[tilespmem:v11+s14+$0x0] =	vst.idx.add.f32.msk $0xffff, v2;
	v11 =	vshll.u32 v13, $0x4;
	v13 =	vcvt.f32.s32 v18  }
0x63b: {  	v18 =	vld [tilespmem:s30+$0x8470];
	v19 =	vadd.s32 v8, v11  }
0x63c: {  	v11 =	vtrunc.f32 v14;
	v14 =	vmul.f32 $3.199999810e+01, v17;
	[tilespmem:v10+s14+$0x0] =	vst.idx.add.f32.msk $0xffff, v2;
	v10 =	vshll.u32 v13, $0x4  }
0x63d: {  	v11 =	vcvt.f32.s32 v11;
	v20 =	vld [tilespmem:s29+$0x8830];
	v21 =	vadd.s32 v8, v10  }
.Ltmp4:
0x63e: {  	v10 =	vtrunc.f32 v14;
	v13 =	vmul.f32 $3.199999810e+01, v16;
	[tilespmem:v12+s14+$0x0] =	vst.idx.add.f32.msk $0xffff, v2;
	(pc) =	sbr.rel @p2 .LBB2_7-.Ltmp4, $4  }
0x63f: {  	v12 =	vshll.u32 v11, $0x4;
	v10 =	vcvt.f32.s32 v10;
	v11 =	vld [tilespmem:s28+$0x8870]  }
0x640: {  	v17 =	vadd.s32 v9, v12;
	v12 =	vtrunc.f32 v13;
	v13 =	vmul.f32 $3.199999810e+01, v18;
	[tilespmem:v19+s14+$0x0] =	vst.idx.add.f32.msk $0xffff, v2  }
0x641: {  	v16 =	vshll.u32 v10, $0x4;
	v14 =	vcvt.f32.s32 v12;
	v10 =	vld [tilespmem:s26+$0x8C30]  }
0x642: {  	s9 =	sadd.s32 $0x200, s9;
	v16 =	vadd.s32 v9, v16;
	v13 =	vtrunc.f32 v13;
	v12 =	vmul.f32 $3.199999810e+01, v20;
	[tilespmem:v21+s14+$0x0] =	vst.idx.add.f32.msk $0xffff, v2  }
0x643: {  	v15 =	vmul.f32 $3.199999810e+01, v15;
	_ =	sdelay $0x1  }
0x644: {  	v15 =	vtrunc.f32 v15  }
0x645: {  	v15 =	vcvt.f32.s32 v15;
	_ =	sdelay $0x1  }
0x646: {  	v15 =	vshll.u32 v15, $0x4  }
0x647: {  	v15 =	vadd.s32 v9, v15;
	_ =	sdelay $0x4  }
0x648: {  	[tilespmem:v15+s14+$0x0] =	vst.idx.add.f32.msk $0xffff, v2  }
0x649: {  	v15 =	vld [tilespmem:s19+$0x8010];
	_ =	sdelay $0x4  }
0x64a: {  	v15 =	vmul.f32 $3.199999810e+01, v15;
	_ =	sdelay $0x1  }
0x64b: {  	v15 =	vtrunc.f32 v15  }
0x64c: {  	v15 =	vcvt.f32.s32 v15;
	_ =	sdelay $0x1  }
0x64d: {  	v15 =	vshll.u32 v15, $0x4  }
0x64e: {  	v15 =	vadd.s32 v9, v15;
	_ =	sdelay $0x4  }
0x64f: {  	[tilespmem:v15+s14+$0x0] =	vst.idx.add.f32.msk $0xffff, v2  }
0x650: {  	v15 =	vld [tilespmem:s19+$0x8020];
	_ =	sdelay $0x4  }
0x651: {  	v15 =	vmul.f32 $3.199999810e+01, v15;
	_ =	sdelay $0x1  }
0x652: {  	v15 =	vtrunc.f32 v15  }
0x653: {  	v15 =	vcvt.f32.s32 v15;
	_ =	sdelay $0x1  }
0x654: {  	v15 =	vshll.u32 v15, $0x4  }
0x655: {  	v15 =	vadd.s32 v9, v15;
	_ =	sdelay $0x4  }
0x656: {  	[tilespmem:v15+s14+$0x0] =	vst.idx.add.f32.msk $0xffff, v2  }
0x657: {  	v15 =	vld [tilespmem:s19+$0x8030];
	_ =	sdelay $0x4  }
0x658: {  	v15 =	vmul.f32 $3.199999810e+01, v15;
	_ =	sdelay $0x1  }
0x659: {  	v15 =	vtrunc.f32 v15  }
0x65a: {  	v15 =	vcvt.f32.s32 v15;
	_ =	sdelay $0x1  }
0x65b: {  	v15 =	vshll.u32 v15, $0x4  }
0x65c: {  	v15 =	vadd.s32 v9, v15;
	_ =	sdelay $0x2  }
0x65d: {  	[tilespmem:v17+s14+$0x0] =	vst.idx.add.f32.msk $0xffff, v2  }
0x65e: {  	v17 =	vld [tilespmem:s0+$0x8040]  }
0x65f: {  	[tilespmem:v15+s14+$0x0] =	vst.idx.add.f32.msk $0xffff, v2  }
0x660: {  	v15 =	vld [tilespmem:s19+$0x8040];
	_ =	sdelay $0x2  }
0x661: {  	v17 =	vmul.f32 $3.199999810e+01, v17;
	_ =	sdelay $0x1  }
0x662: {  	v17 =	vtrunc.f32 v17;
	v15 =	vmul.f32 $3.199999810e+01, v15  }
0x663: {  	v17 =	vcvt.f32.s32 v17  }
0x664: {  	v15 =	vtrunc.f32 v15  }
0x665: {  	v17 =	vshll.u32 v17, $0x4;
	v15 =	vcvt.f32.s32 v15  }
0x666: {  	v17 =	vadd.s32 v9, v17  }
0x667: {  	v15 =	vshll.u32 v15, $0x4  }
0x668: {  	v15 =	vadd.s32 v9, v15;
	_ =	sdelay $0x2  }
0x669: {  	[tilespmem:v17+s14+$0x0] =	vst.idx.add.f32.msk $0xffff, v2  }
0x66a: {  	v17 =	vld [tilespmem:s0+$0x8050]  }
0x66b: {  	[tilespmem:v15+s14+$0x0] =	vst.idx.add.f32.msk $0xffff, v2  }
0x66c: {  	v15 =	vld [tilespmem:s19+$0x8050];
	_ =	sdelay $0x2  }
0x66d: {  	v17 =	vmul.f32 $3.199999810e+01, v17;
	_ =	sdelay $0x1  }
0x66e: {  	v17 =	vtrunc.f32 v17;
	v15 =	vmul.f32 $3.199999810e+01, v15  }
0x66f: {  	v17 =	vcvt.f32.s32 v17  }
0x670: {  	v15 =	vtrunc.f32 v15  }
0x671: {  	v17 =	vshll.u32 v17, $0x4;
	v15 =	vcvt.f32.s32 v15  }
0x672: {  	v17 =	vadd.s32 v9, v17  }
0x673: {  	v15 =	vshll.u32 v15, $0x4  }
0x674: {  	v15 =	vadd.s32 v9, v15;
	_ =	sdelay $0x2  }
0x675: {  	[tilespmem:v17+s14+$0x0] =	vst.idx.add.f32.msk $0xffff, v2  }
0x676: {  	v17 =	vld [tilespmem:s0+$0x8060]  }
0x677: {  	[tilespmem:v15+s14+$0x0] =	vst.idx.add.f32.msk $0xffff, v2  }
0x678: {  	v15 =	vld [tilespmem:s19+$0x8060];
	_ =	sdelay $0x2  }
0x679: {  	v17 =	vmul.f32 $3.199999810e+01, v17;
	_ =	sdelay $0x1  }
0x67a: {  	v17 =	vtrunc.f32 v17;
	v15 =	vmul.f32 $3.199999810e+01, v15  }
0x67b: {  	v17 =	vcvt.f32.s32 v17  }
0x67c: {  	v15 =	vtrunc.f32 v15  }
0x67d: {  	v17 =	vshll.u32 v17, $0x4;
	v15 =	vcvt.f32.s32 v15  }
0x67e: {  	v17 =	vadd.s32 v9, v17  }
0x67f: {  	v15 =	vshll.u32 v15, $0x4  }
0x680: {  	v15 =	vadd.s32 v9, v15;
	_ =	sdelay $0x2  }
0x681: {  	[tilespmem:v17+s14+$0x0] =	vst.idx.add.f32.msk $0xffff, v2  }
0x682: {  	v17 =	vld [tilespmem:s0+$0x8070]  }
0x683: {  	[tilespmem:v15+s14+$0x0] =	vst.idx.add.f32.msk $0xffff, v2  }
0x684: {  	v15 =	vld [tilespmem:s19+$0x8070];
	_ =	sdelay $0x2  }
0x685: {  	v17 =	vmul.f32 $3.199999810e+01, v17;
	_ =	sdelay $0x1  }
0x686: {  	v17 =	vtrunc.f32 v17;
	v15 =	vmul.f32 $3.199999810e+01, v15  }
0x687: {  	v17 =	vcvt.f32.s32 v17  }
0x688: {  	[tilespmem:v16+s14+$0x0] =	vst.idx.add.f32.msk $0xffff, v2;
	v15 =	vtrunc.f32 v15  }
0x689: {  	v16 =	vld [tilespmem:s2+$0x8400];
	v17 =	vshll.u32 v17, $0x4;
	v15 =	vcvt.f32.s32 v15  }
0x68a: {  	v17 =	vadd.s32 v9, v17  }
0x68b: {  	v15 =	vshll.u32 v15, $0x4  }
0x68c: {  	v15 =	vadd.s32 v9, v15;
	_ =	sdelay $0x1  }
0x68d: {  	v16 =	vmul.f32 $3.199999810e+01, v16  }
0x68e: {  	[tilespmem:v17+s14+$0x0] =	vst.idx.add.f32.msk $0xffff, v2  }
0x68f: {  	v16 =	vtrunc.f32 v16;
	v17 =	vld [tilespmem:s0+$0x8400]  }
0x690: {  	v16 =	vcvt.f32.s32 v16;
	[tilespmem:v15+s14+$0x0] =	vst.idx.add.f32.msk $0xffff, v2  }
0x691: {  	v15 =	vld [tilespmem:s19+$0x8400]  }
0x692: {  	v16 =	vshll.u32 v16, $0x4  }
0x693: {  	v16 =	vadd.s32 v9, v16  }
0x694: {  	v17 =	vmul.f32 $3.199999810e+01, v17;
	_ =	sdelay $0x1  }
0x695: {  	v17 =	vtrunc.f32 v17;
	v15 =	vmul.f32 $3.199999810e+01, v15  }
0x696: {  	v17 =	vcvt.f32.s32 v17  }
0x697: {  	[tilespmem:v16+s14+$0x0] =	vst.idx.add.f32.msk $0xffff, v2;
	v15 =	vtrunc.f32 v15  }
0x698: {  	v16 =	vld [tilespmem:s2+$0x8410];
	v17 =	vshll.u32 v17, $0x4;
	v15 =	vcvt.f32.s32 v15  }
0x699: {  	v17 =	vadd.s32 v9, v17  }
0x69a: {  	v15 =	vshll.u32 v15, $0x4  }
0x69b: {  	v15 =	vadd.s32 v9, v15;
	_ =	sdelay $0x1  }
0x69c: {  	v16 =	vmul.f32 $3.199999810e+01, v16  }
0x69d: {  	[tilespmem:v17+s14+$0x0] =	vst.idx.add.f32.msk $0xffff, v2  }
0x69e: {  	v16 =	vtrunc.f32 v16;
	v17 =	vld [tilespmem:s0+$0x8410]  }
0x69f: {  	v16 =	vcvt.f32.s32 v16;
	[tilespmem:v15+s14+$0x0] =	vst.idx.add.f32.msk $0xffff, v2  }
0x6a0: {  	v15 =	vld [tilespmem:s19+$0x8410]  }
0x6a1: {  	v16 =	vshll.u32 v16, $0x4  }
0x6a2: {  	v16 =	vadd.s32 v9, v16  }
0x6a3: {  	v17 =	vmul.f32 $3.199999810e+01, v17;
	_ =	sdelay $0x1  }
0x6a4: {  	v17 =	vtrunc.f32 v17;
	v15 =	vmul.f32 $3.199999810e+01, v15  }
0x6a5: {  	v17 =	vcvt.f32.s32 v17  }
0x6a6: {  	[tilespmem:v16+s14+$0x0] =	vst.idx.add.f32.msk $0xffff, v2;
	v15 =	vtrunc.f32 v15  }
0x6a7: {  	v16 =	vld [tilespmem:s2+$0x8420];
	v17 =	vshll.u32 v17, $0x4;
	v15 =	vcvt.f32.s32 v15  }
0x6a8: {  	v17 =	vadd.s32 v9, v17  }
0x6a9: {  	v15 =	vshll.u32 v15, $0x4  }
0x6aa: {  	v15 =	vadd.s32 v9, v15;
	_ =	sdelay $0x1  }
0x6ab: {  	v16 =	vmul.f32 $3.199999810e+01, v16  }
0x6ac: {  	[tilespmem:v17+s14+$0x0] =	vst.idx.add.f32.msk $0xffff, v2  }
0x6ad: {  	v16 =	vtrunc.f32 v16;
	v17 =	vld [tilespmem:s0+$0x8420]  }
0x6ae: {  	v16 =	vcvt.f32.s32 v16;
	[tilespmem:v15+s14+$0x0] =	vst.idx.add.f32.msk $0xffff, v2  }
0x6af: {  	v15 =	vld [tilespmem:s19+$0x8420]  }
0x6b0: {  	v16 =	vshll.u32 v16, $0x4  }
0x6b1: {  	v16 =	vadd.s32 v9, v16  }
0x6b2: {  	v17 =	vmul.f32 $3.199999810e+01, v17;
	_ =	sdelay $0x1  }
0x6b3: {  	v17 =	vtrunc.f32 v17;
	v15 =	vmul.f32 $3.199999810e+01, v15  }
0x6b4: {  	v17 =	vcvt.f32.s32 v17  }
0x6b5: {  	[tilespmem:v16+s14+$0x0] =	vst.idx.add.f32.msk $0xffff, v2;
	v15 =	vtrunc.f32 v15  }
0x6b6: {  	v16 =	vld [tilespmem:s2+$0x8430];
	v17 =	vshll.u32 v17, $0x4;
	v15 =	vcvt.f32.s32 v15  }
0x6b7: {  	v17 =	vadd.s32 v9, v17  }
0x6b8: {  	v15 =	vshll.u32 v15, $0x4  }
0x6b9: {  	v15 =	vadd.s32 v9, v15;
	_ =	sdelay $0x1  }
0x6ba: {  	v16 =	vmul.f32 $3.199999810e+01, v16  }
0x6bb: {  	[tilespmem:v17+s14+$0x0] =	vst.idx.add.f32.msk $0xffff, v2  }
0x6bc: {  	v14 =	vshll.u32 v14, $0x4;
	v16 =	vtrunc.f32 v16;
	v17 =	vld [tilespmem:s0+$0x8430]  }
0x6bd: {  	v14 =	vadd.s32 v9, v14;
	v16 =	vcvt.f32.s32 v16;
	[tilespmem:v15+s14+$0x0] =	vst.idx.add.f32.msk $0xffff, v2  }
0x6be: {  	v15 =	vld [tilespmem:s19+$0x8430]  }
0x6bf: {  	v16 =	vshll.u32 v16, $0x4  }
0x6c0: {  	v16 =	vadd.s32 v9, v16  }
0x6c1: {  	v17 =	vmul.f32 $3.199999810e+01, v17  }
0x6c2: {  	[tilespmem:v14+s14+$0x0] =	vst.idx.add.f32.msk $0xffff, v2  }
0x6c3: {  	v57 =	vld [tilespmem:s31+$0x8440];
	v17 =	vtrunc.f32 v17;
	v15 =	vmul.f32 $3.199999810e+01, v15  }
0x6c4: {  	v17 =	vcvt.f32.s32 v17  }
0x6c5: {  	[tilespmem:v16+s14+$0x0] =	vst.idx.add.f32.msk $0xffff, v2;
	v15 =	vtrunc.f32 v15  }
0x6c6: {  	v16 =	vld [tilespmem:s2+$0x8440];
	v17 =	vshll.u32 v17, $0x4;
	v15 =	vcvt.f32.s32 v15  }
0x6c7: {  	v17 =	vadd.s32 v9, v17  }
0x6c8: {  	v56 =	vshll.u32 v15, $0x4;
	v15 =	vmul.f32 $3.199999810e+01, v57  }
0x6c9: {  	v14 =	vadd.s32 v9, v56  }
0x6ca: {  	v15 =	vtrunc.f32 v15  }
0x6cb: {  	v16 =	vmul.f32 $3.199999810e+01, v16;
	v15 =	vcvt.f32.s32 v15  }
0x6cc: {  	[tilespmem:v17+s14+$0x0] =	vst.idx.add.f32.msk $0xffff, v2  }
0x6cd: {  	v16 =	vtrunc.f32 v16;
	v17 =	vld [tilespmem:s0+$0x8440];
	v15 =	vshll.u32 v15, $0x4  }
0x6ce: {  	v16 =	vcvt.f32.s32 v16;
	[tilespmem:v14+s14+$0x0] =	vst.idx.add.f32.msk $0xffff, v2;
	v15 =	vadd.s32 v9, v15  }
0x6cf: {  	v14 =	vld [tilespmem:s19+$0x8440]  }
0x6d0: {  	v16 =	vshll.u32 v16, $0x4  }
0x6d1: {  	v16 =	vadd.s32 v9, v16  }
0x6d2: {  	v17 =	vmul.f32 $3.199999810e+01, v17  }
0x6d3: {  	[tilespmem:v15+s14+$0x0] =	vst.idx.add.f32.msk $0xffff, v2  }
0x6d4: {  	v17 =	vtrunc.f32 v17;
	v14 =	vmul.f32 $3.199999810e+01, v14;
	v15 =	vld [tilespmem:s31+$0x8450]  }
0x6d5: {  	v17 =	vcvt.f32.s32 v17  }
0x6d6: {  	[tilespmem:v16+s14+$0x0] =	vst.idx.add.f32.msk $0xffff, v2;
	v14 =	vtrunc.f32 v14  }
0x6d7: {  	v16 =	vld [tilespmem:s2+$0x8450];
	v17 =	vshll.u32 v17, $0x4;
	v14 =	vcvt.f32.s32 v14  }
0x6d8: {  	v17 =	vadd.s32 v9, v17  }
0x6d9: {  	v14 =	vshll.u32 v14, $0x4;
	v15 =	vmul.f32 $3.199999810e+01, v15  }
0x6da: {  	v14 =	vadd.s32 v9, v14  }
0x6db: {  	v15 =	vtrunc.f32 v15  }
0x6dc: {  	v16 =	vmul.f32 $3.199999810e+01, v16;
	v15 =	vcvt.f32.s32 v15  }
0x6dd: {  	[tilespmem:v17+s14+$0x0] =	vst.idx.add.f32.msk $0xffff, v2  }
0x6de: {  	v16 =	vtrunc.f32 v16;
	v17 =	vld [tilespmem:s0+$0x8450];
	v15 =	vshll.u32 v15, $0x4  }
0x6df: {  	v16 =	vcvt.f32.s32 v16;
	[tilespmem:v14+s14+$0x0] =	vst.idx.add.f32.msk $0xffff, v2;
	v15 =	vadd.s32 v9, v15  }
0x6e0: {  	v14 =	vld [tilespmem:s19+$0x8450]  }
0x6e1: {  	v16 =	vshll.u32 v16, $0x4  }
0x6e2: {  	v16 =	vadd.s32 v9, v16  }
0x6e3: {  	v17 =	vmul.f32 $3.199999810e+01, v17  }
0x6e4: {  	[tilespmem:v15+s14+$0x0] =	vst.idx.add.f32.msk $0xffff, v2  }
0x6e5: {  	v17 =	vtrunc.f32 v17;
	v14 =	vmul.f32 $3.199999810e+01, v14;
	v15 =	vld [tilespmem:s31+$0x8460]  }
0x6e6: {  	v17 =	vcvt.f32.s32 v17  }
0x6e7: {  	[tilespmem:v16+s14+$0x0] =	vst.idx.add.f32.msk $0xffff, v2;
	v14 =	vtrunc.f32 v14  }
0x6e8: {  	v16 =	vld [tilespmem:s2+$0x8460];
	v17 =	vshll.u32 v17, $0x4;
	v14 =	vcvt.f32.s32 v14  }
0x6e9: {  	v17 =	vadd.s32 v9, v17  }
0x6ea: {  	v14 =	vshll.u32 v14, $0x4;
	v15 =	vmul.f32 $3.199999810e+01, v15  }
0x6eb: {  	v14 =	vadd.s32 v9, v14  }
0x6ec: {  	v15 =	vtrunc.f32 v15  }
0x6ed: {  	v16 =	vmul.f32 $3.199999810e+01, v16;
	v15 =	vcvt.f32.s32 v15  }
0x6ee: {  	[tilespmem:v17+s14+$0x0] =	vst.idx.add.f32.msk $0xffff, v2  }
0x6ef: {  	v16 =	vtrunc.f32 v16;
	v17 =	vld [tilespmem:s0+$0x8460];
	v15 =	vshll.u32 v15, $0x4  }
0x6f0: {  	v16 =	vcvt.f32.s32 v16;
	[tilespmem:v14+s14+$0x0] =	vst.idx.add.f32.msk $0xffff, v2;
	v15 =	vadd.s32 v9, v15  }
0x6f1: {  	v14 =	vld [tilespmem:s19+$0x8460]  }
0x6f2: {  	v16 =	vshll.u32 v16, $0x4  }
0x6f3: {  	v16 =	vadd.s32 v9, v16  }
0x6f4: {  	v17 =	vmul.f32 $3.199999810e+01, v17  }
0x6f5: {  	[tilespmem:v15+s14+$0x0] =	vst.idx.add.f32.msk $0xffff, v2  }
0x6f6: {  	v17 =	vtrunc.f32 v17;
	v14 =	vmul.f32 $3.199999810e+01, v14;
	v15 =	vld [tilespmem:s31+$0x8470]  }
0x6f7: {  	v17 =	vcvt.f32.s32 v17  }
0x6f8: {  	[tilespmem:v16+s14+$0x0] =	vst.idx.add.f32.msk $0xffff, v2;
	v14 =	vtrunc.f32 v14  }
0x6f9: {  	v16 =	vld [tilespmem:s2+$0x8470];
	v17 =	vshll.u32 v17, $0x4;
	v14 =	vcvt.f32.s32 v14  }
0x6fa: {  	v17 =	vadd.s32 v9, v17  }
0x6fb: {  	v14 =	vshll.u32 v14, $0x4;
	v15 =	vmul.f32 $3.199999810e+01, v15  }
0x6fc: {  	v13 =	vcvt.f32.s32 v13;
	v14 =	vadd.s32 v9, v14  }
0x6fd: {  	v15 =	vtrunc.f32 v15  }
0x6fe: {  	v13 =	vshll.u32 v13, $0x4;
	v16 =	vmul.f32 $3.199999810e+01, v16;
	v15 =	vcvt.f32.s32 v15  }
0x6ff: {  	v13 =	vadd.s32 v9, v13;
	[tilespmem:v17+s14+$0x0] =	vst.idx.add.f32.msk $0xffff, v2  }
0x700: {  	v16 =	vtrunc.f32 v16;
	v17 =	vld [tilespmem:s0+$0x8470];
	v15 =	vshll.u32 v15, $0x4  }
0x701: {  	v16 =	vcvt.f32.s32 v16;
	[tilespmem:v14+s14+$0x0] =	vst.idx.add.f32.msk $0xffff, v2;
	v15 =	vadd.s32 v9, v15  }
0x702: {  	v14 =	vld [tilespmem:s19+$0x8470]  }
0x703: {  	v16 =	vshll.u32 v16, $0x4  }
0x704: {  	[tilespmem:v13+s14+$0x0] =	vst.idx.add.f32.msk $0xffff, v2;
	v16 =	vadd.s32 v9, v16  }
0x705: {  	v59 =	vld [tilespmem:s30+$0x8800];
	v17 =	vmul.f32 $3.199999810e+01, v17  }
0x706: {  	[tilespmem:v15+s14+$0x0] =	vst.idx.add.f32.msk $0xffff, v2  }
0x707: {  	v17 =	vtrunc.f32 v17;
	v14 =	vmul.f32 $3.199999810e+01, v14;
	v15 =	vld [tilespmem:s31+$0x8800]  }
0x708: {  	v17 =	vcvt.f32.s32 v17  }
0x709: {  	[tilespmem:v16+s14+$0x0] =	vst.idx.add.f32.msk $0xffff, v2;
	v14 =	vtrunc.f32 v14  }
0x70a: {  	v62 =	vmul.f32 $3.199999810e+01, v59;
	v61 =	vld [tilespmem:s2+$0x8800];
	v58 =	vshll.u32 v17, $0x4;
	v14 =	vcvt.f32.s32 v14  }
0x70b: {  	v13 =	vadd.s32 v9, v58  }
0x70c: {  	v16 =	vtrunc.f32 v62;
	v14 =	vshll.u32 v14, $0x4;
	v15 =	vmul.f32 $3.199999810e+01, v15  }
0x70d: {  	v63 =	vcvt.f32.s32 v16;
	v60 =	vadd.s32 v9, v14  }
0x70e: {  	v15 =	vtrunc.f32 v15  }
0x70f: {  	v14 =	vmul.f32 $3.199999810e+01, v61;
	v9 =	vshll.u32 v63, $0x4;
	v15 =	vcvt.f32.s32 v15  }
0x710: {  	[tilespmem:v13+s14+$0x0] =	vst.idx.add.f32.msk $0xffff, v2;
	v9 =	vadd.s32 v8, v9  }
0x711: {  	v13 =	vld [tilespmem:s0+$0x8800];
	v14 =	vtrunc.f32 v14;
	v15 =	vshll.u32 v15, $0x4  }
0x712: {  	v14 =	vcvt.f32.s32 v14;
	[tilespmem:v60+s14+$0x0] =	vst.idx.add.f32.msk $0xffff, v2;
	v15 =	vadd.s32 v8, v15  }
0x713: {  	v20 =	vld [tilespmem:s19+$0x8800]  }
0x714: {  	v14 =	vshll.u32 v14, $0x4  }
0x715: {  	v14 =	vadd.s32 v8, v14;
	[tilespmem:v9+s14+$0x0] =	vst.idx.add.f32.msk $0xffff, v2  }
0x716: {  	v13 =	vmul.f32 $3.199999810e+01, v13;
	v23 =	vld [tilespmem:s30+$0x8810]  }
0x717: {  	[tilespmem:v15+s14+$0x0] =	vst.idx.add.f32.msk $0xffff, v2  }
0x718: {  	v13 =	vtrunc.f32 v13;
	v16 =	vmul.f32 $3.199999810e+01, v20;
	v15 =	vld [tilespmem:s31+$0x8810]  }
0x719: {  	v13 =	vcvt.f32.s32 v13  }
0x71a: {  	[tilespmem:v14+s14+$0x0] =	vst.idx.add.f32.msk $0xffff, v2;
	v16 =	vtrunc.f32 v16  }
0x71b: {  	v21 =	vshll.u32 v13, $0x4;
	v14 =	vld [tilespmem:s2+$0x8810];
	v22 =	vcvt.f32.s32 v16  }
0x71c: {  	v9 =	vadd.s32 v8, v21  }
0x71d: {  	v16 =	vmul.f32 $3.199999810e+01, v23;
	v13 =	vshll.u32 v22, $0x4;
	v15 =	vmul.f32 $3.199999810e+01, v15  }
0x71e: {  	v13 =	vadd.s32 v8, v13  }
0x71f: {  	v16 =	vtrunc.f32 v16;
	v15 =	vtrunc.f32 v15  }
0x720: {  	v14 =	vmul.f32 $3.199999810e+01, v14;
	v15 =	vcvt.f32.s32 v15  }
0x721: {  	v24 =	vcvt.f32.s32 v16  }
0x722: {  	[tilespmem:v9+s14+$0x0] =	vst.idx.add.f32.msk $0xffff, v2;
	v14 =	vtrunc.f32 v14;
	v15 =	vshll.u32 v15, $0x4  }
0x723: {  	v14 =	vcvt.f32.s32 v14;
	[tilespmem:v13+s14+$0x0] =	vst.idx.add.f32.msk $0xffff, v2;
	v13 =	vshll.u32 v24, $0x4;
	v15 =	vadd.s32 v8, v15  }
0x724: {  	v9 =	vld [tilespmem:s0+$0x8810];
	v13 =	vadd.s32 v8, v13  }
0x725: {  	v14 =	vshll.u32 v14, $0x4  }
0x726: {  	v25 =	vld [tilespmem:s19+$0x8810];
	v14 =	vadd.s32 v8, v14;
	_ =	sdelay $0x1  }
0x727: {  	[tilespmem:v15+s14+$0x0] =	vst.idx.add.f32.msk $0xffff, v2  }
0x728: {  	v9 =	vmul.f32 $3.199999810e+01, v9;
	[tilespmem:v13+s14+$0x0] =	vst.idx.add.f32.msk $0xffff, v2  }
0x729: {  	v15 =	vld [tilespmem:s31+$0x8820]  }
0x72a: {  	v9 =	vtrunc.f32 v9;
	v16 =	vmul.f32 $3.199999810e+01, v25;
	[tilespmem:v14+s14+$0x0] =	vst.idx.add.f32.msk $0xffff, v2  }
0x72b: {  	v9 =	vcvt.f32.s32 v9;
	v27 =	vld [tilespmem:s30+$0x8820]  }
0x72c: {  	v14 =	vld [tilespmem:s2+$0x8820];
	v16 =	vtrunc.f32 v16  }
0x72d: {  	v9 =	vshll.u32 v9, $0x4;
	v26 =	vcvt.f32.s32 v16  }
0x72e: {  	v9 =	vadd.s32 v8, v9  }
0x72f: {  	v13 =	vshll.u32 v26, $0x4;
	v15 =	vmul.f32 $3.199999810e+01, v15  }
0x730: {  	v13 =	vadd.s32 v8, v13;
	v16 =	vmul.f32 $3.199999810e+01, v27  }
0x731: {  	v14 =	vmul.f32 $3.199999810e+01, v14;
	v15 =	vtrunc.f32 v15  }
0x732: {  	v16 =	vtrunc.f32 v16;
	v15 =	vcvt.f32.s32 v15  }
0x733: {  	[tilespmem:v9+s14+$0x0] =	vst.idx.add.f32.msk $0xffff, v2;
	v28 =	vcvt.f32.s32 v16  }
0x734: {  	v9 =	vld [tilespmem:s0+$0x8820];
	v14 =	vtrunc.f32 v14;
	v15 =	vshll.u32 v15, $0x4  }
0x735: {  	v14 =	vcvt.f32.s32 v14;
	[tilespmem:v13+s14+$0x0] =	vst.idx.add.f32.msk $0xffff, v2;
	v13 =	vshll.u32 v28, $0x4;
	v15 =	vadd.s32 v8, v15  }
0x736: {  	v13 =	vadd.s32 v8, v13  }
0x737: {  	v14 =	vshll.u32 v14, $0x4  }
0x738: {  	v29 =	vld [tilespmem:s19+$0x8820];
	v14 =	vadd.s32 v8, v14  }
0x739: {  	v9 =	vmul.f32 $3.199999810e+01, v9  }
0x73a: {  	[tilespmem:v15+s14+$0x0] =	vst.idx.add.f32.msk $0xffff, v2  }
0x73b: {  	v9 =	vtrunc.f32 v9;
	[tilespmem:v13+s14+$0x0] =	vst.idx.add.f32.msk $0xffff, v2  }
0x73c: {  	v9 =	vcvt.f32.s32 v9;
	v15 =	vld [tilespmem:s31+$0x8830]  }
0x73d: {  	v16 =	vmul.f32 $3.199999810e+01, v29;
	[tilespmem:v14+s14+$0x0] =	vst.idx.add.f32.msk $0xffff, v2  }
0x73e: {  	v9 =	vshll.u32 v9, $0x4;
	v31 =	vld [tilespmem:s30+$0x8830]  }
0x73f: {  	v9 =	vadd.s32 v8, v9;
	v14 =	vld [tilespmem:s2+$0x8830];
	v16 =	vtrunc.f32 v16  }
0x740: {  	v30 =	vcvt.f32.s32 v16  }
0x741: {  	v12 =	vtrunc.f32 v12  }
0x742: {  	v32 =	vcvt.f32.s32 v12;
	v13 =	vshll.u32 v30, $0x4;
	v15 =	vmul.f32 $3.199999810e+01, v15  }
0x743: {  	v13 =	vadd.s32 v8, v13;
	v16 =	vmul.f32 $3.199999810e+01, v31  }
0x744: {  	[tilespmem:v9+s14+$0x0] =	vst.idx.add.f32.msk $0xffff, v2;
	v9 =	vshll.u32 v32, $0x4;
	v14 =	vmul.f32 $3.199999810e+01, v14;
	v15 =	vtrunc.f32 v15  }
0x745: {  	v9 =	vadd.s32 v8, v9;
	v16 =	vtrunc.f32 v16;
	v15 =	vcvt.f32.s32 v15  }
0x746: {  	v33 =	vld [tilespmem:s0+$0x8830];
	v34 =	vcvt.f32.s32 v16  }
0x747: {  	v14 =	vtrunc.f32 v14;
	v15 =	vshll.u32 v15, $0x4  }
0x748: {  	v14 =	vcvt.f32.s32 v14;
	[tilespmem:v13+s14+$0x0] =	vst.idx.add.f32.msk $0xffff, v2;
	v13 =	vshll.u32 v34, $0x4;
	v15 =	vadd.s32 v8, v15  }
0x749: {  	v13 =	vadd.s32 v8, v13  }
0x74a: {  	[tilespmem:v9+s14+$0x0] =	vst.idx.add.f32.msk $0xffff, v2;
	v36 =	vshll.u32 v14, $0x4  }
0x74b: {  	v12 =	vmul.f32 $3.199999810e+01, v33;
	v35 =	vld [tilespmem:s19+$0x8830];
	v9 =	vadd.s32 v8, v36  }
0x74c: {  	v37 =	vld [tilespmem:s29+$0x8840]  }
0x74d: {  	v12 =	vtrunc.f32 v12;
	[tilespmem:v15+s14+$0x0] =	vst.idx.add.f32.msk $0xffff, v2  }
0x74e: {  	v12 =	vcvt.f32.s32 v12;
	[tilespmem:v13+s14+$0x0] =	vst.idx.add.f32.msk $0xffff, v2  }
0x74f: {  	v15 =	vld [tilespmem:s31+$0x8840]  }
0x750: {  	v12 =	vshll.u32 v12, $0x4;
	v16 =	vmul.f32 $3.199999810e+01, v35;
	[tilespmem:v9+s14+$0x0] =	vst.idx.add.f32.msk $0xffff, v2  }
0x751: {  	v12 =	vadd.s32 v8, v12;
	v14 =	vmul.f32 $3.199999810e+01, v37;
	v39 =	vld [tilespmem:s30+$0x8840]  }
0x752: {  	v9 =	vld [tilespmem:s2+$0x8840];
	v16 =	vtrunc.f32 v16  }
0x753: {  	v14 =	vtrunc.f32 v14;
	v38 =	vcvt.f32.s32 v16  }
0x754: {  	v40 =	vcvt.f32.s32 v14  }
0x755: {  	v13 =	vshll.u32 v38, $0x4;
	v15 =	vmul.f32 $3.199999810e+01, v15  }
0x756: {  	[tilespmem:v12+s14+$0x0] =	vst.idx.add.f32.msk $0xffff, v2;
	v12 =	vshll.u32 v40, $0x4;
	v13 =	vadd.s32 v8, v13;
	v16 =	vmul.f32 $3.199999810e+01, v39  }
0x757: {  	v41 =	vld [tilespmem:s0+$0x8840];
	v12 =	vadd.s32 v8, v12;
	v9 =	vmul.f32 $3.199999810e+01, v9;
	v15 =	vtrunc.f32 v15  }
0x758: {  	v16 =	vtrunc.f32 v16;
	v15 =	vcvt.f32.s32 v15  }
0x759: {  	v42 =	vcvt.f32.s32 v16  }
0x75a: {  	v9 =	vtrunc.f32 v9;
	v15 =	vshll.u32 v15, $0x4  }
0x75b: {  	v9 =	vcvt.f32.s32 v9;
	[tilespmem:v13+s14+$0x0] =	vst.idx.add.f32.msk $0xffff, v2;
	v13 =	vshll.u32 v42, $0x4;
	v15 =	vadd.s32 v8, v15  }
0x75c: {  	v14 =	vmul.f32 $3.199999810e+01, v41;
	[tilespmem:v12+s14+$0x0] =	vst.idx.add.f32.msk $0xffff, v2;
	v13 =	vadd.s32 v8, v13  }
0x75d: {  	v45 =	vld [tilespmem:s29+$0x8850];
	v9 =	vshll.u32 v9, $0x4  }
0x75e: {  	v14 =	vtrunc.f32 v14;
	v43 =	vld [tilespmem:s19+$0x8840];
	v9 =	vadd.s32 v8, v9  }
0x75f: {  	v44 =	vcvt.f32.s32 v14  }
0x760: {  	[tilespmem:v15+s14+$0x0] =	vst.idx.add.f32.msk $0xffff, v2  }
0x761: {  	v12 =	vshll.u32 v44, $0x4;
	[tilespmem:v13+s14+$0x0] =	vst.idx.add.f32.msk $0xffff, v2  }
0x762: {  	v12 =	vadd.s32 v8, v12;
	v14 =	vmul.f32 $3.199999810e+01, v45;
	v15 =	vld [tilespmem:s31+$0x8850]  }
0x763: {  	v16 =	vmul.f32 $3.199999810e+01, v43;
	[tilespmem:v9+s14+$0x0] =	vst.idx.add.f32.msk $0xffff, v2  }
0x764: {  	v14 =	vtrunc.f32 v14;
	v47 =	vld [tilespmem:s30+$0x8850]  }
0x765: {  	v48 =	vcvt.f32.s32 v14;
	v9 =	vld [tilespmem:s2+$0x8850];
	v16 =	vtrunc.f32 v16  }
0x766: {  	v46 =	vcvt.f32.s32 v16  }
0x767: {  	[tilespmem:v12+s14+$0x0] =	vst.idx.add.f32.msk $0xffff, v2;
	v12 =	vshll.u32 v48, $0x4  }
0x768: {  	v49 =	vld [tilespmem:s0+$0x8850];
	v12 =	vadd.s32 v8, v12;
	v13 =	vshll.u32 v46, $0x4;
	v15 =	vmul.f32 $3.199999810e+01, v15  }
0x769: {  	v13 =	vadd.s32 v8, v13;
	v16 =	vmul.f32 $3.199999810e+01, v47  }
0x76a: {  	v9 =	vmul.f32 $3.199999810e+01, v9;
	v15 =	vtrunc.f32 v15  }
0x76b: {  	v16 =	vtrunc.f32 v16;
	v15 =	vcvt.f32.s32 v15  }
0x76c: {  	v50 =	vcvt.f32.s32 v16  }
0x76d: {  	v14 =	vmul.f32 $3.199999810e+01, v49;
	[tilespmem:v12+s14+$0x0] =	vst.idx.add.f32.msk $0xffff, v2;
	v9 =	vtrunc.f32 v9;
	v15 =	vshll.u32 v15, $0x4  }
0x76e: {  	v9 =	vcvt.f32.s32 v9;
	[tilespmem:v13+s14+$0x0] =	vst.idx.add.f32.msk $0xffff, v2;
	v13 =	vshll.u32 v50, $0x4;
	v15 =	vadd.s32 v8, v15  }
0x76f: {  	v53 =	vld [tilespmem:s29+$0x8860];
	v13 =	vadd.s32 v8, v13  }
0x770: {  	v14 =	vtrunc.f32 v14;
	v9 =	vshll.u32 v9, $0x4  }
0x771: {  	v52 =	vcvt.f32.s32 v14;
	v51 =	vld [tilespmem:s19+$0x8850];
	v9 =	vadd.s32 v8, v9;
	_ =	sdelay $0x1  }
0x772: {  	v12 =	vshll.u32 v52, $0x4;
	[tilespmem:v15+s14+$0x0] =	vst.idx.add.f32.msk $0xffff, v2  }
0x773: {  	v12 =	vadd.s32 v8, v12;
	v14 =	vmul.f32 $3.199999810e+01, v53;
	[tilespmem:v13+s14+$0x0] =	vst.idx.add.f32.msk $0xffff, v2  }
0x774: {  	v15 =	vld [tilespmem:s31+$0x8860]  }
0x775: {  	v14 =	vtrunc.f32 v14;
	v16 =	vmul.f32 $3.199999810e+01, v51;
	[tilespmem:v9+s14+$0x0] =	vst.idx.add.f32.msk $0xffff, v2  }
0x776: {  	v56 =	vcvt.f32.s32 v14;
	v55 =	vld [tilespmem:s30+$0x8860]  }
0x777: {  	v9 =	vld [tilespmem:s2+$0x8860];
	v16 =	vtrunc.f32 v16  }
0x778: {  	[tilespmem:v12+s14+$0x0] =	vst.idx.add.f32.msk $0xffff, v2;
	v12 =	vshll.u32 v56, $0x4;
	v54 =	vcvt.f32.s32 v16  }
0x779: {  	v12 =	vadd.s32 v8, v12  }
0x77a: {  	v57 =	vld [tilespmem:s0+$0x8860];
	v13 =	vshll.u32 v54, $0x4;
	v15 =	vmul.f32 $3.199999810e+01, v15  }
0x77b: {  	v13 =	vadd.s32 v8, v13;
	v16 =	vmul.f32 $3.199999810e+01, v55  }
0x77c: {  	v9 =	vmul.f32 $3.199999810e+01, v9;
	v15 =	vtrunc.f32 v15  }
0x77d: {  	v16 =	vtrunc.f32 v16;
	v15 =	vcvt.f32.s32 v15  }
0x77e: {  	[tilespmem:v12+s14+$0x0] =	vst.idx.add.f32.msk $0xffff, v2;
	v58 =	vcvt.f32.s32 v16  }
0x77f: {  	v14 =	vmul.f32 $3.199999810e+01, v57;
	v61 =	vld [tilespmem:s29+$0x8870];
	v9 =	vtrunc.f32 v9;
	v15 =	vshll.u32 v15, $0x4  }
0x780: {  	v9 =	vcvt.f32.s32 v9;
	[tilespmem:v13+s14+$0x0] =	vst.idx.add.f32.msk $0xffff, v2;
	v13 =	vshll.u32 v58, $0x4;
	v15 =	vadd.s32 v8, v15  }
0x781: {  	v14 =	vtrunc.f32 v14;
	v59 =	vld [tilespmem:s19+$0x8860];
	v13 =	vadd.s32 v8, v13  }
0x782: {  	v60 =	vcvt.f32.s32 v14;
	v9 =	vshll.u32 v9, $0x4  }
0x783: {  	v9 =	vadd.s32 v8, v9  }
0x784: {  	v11 =	vmul.f32 $3.199999810e+01, v11;
	v12 =	vshll.u32 v60, $0x4  }
0x785: {  	v12 =	vadd.s32 v8, v12;
	v14 =	vmul.f32 $3.199999810e+01, v61;
	[tilespmem:v15+s14+$0x0] =	vst.idx.add.f32.msk $0xffff, v2  }
0x786: {  	v11 =	vtrunc.f32 v11;
	v16 =	vmul.f32 $3.199999810e+01, v59;
	[tilespmem:v13+s14+$0x0] =	vst.idx.add.f32.msk $0xffff, v2  }
0x787: {  	v20 =	vcvt.f32.s32 v11;
	v14 =	vtrunc.f32 v14;
	v15 =	vld [tilespmem:s31+$0x8870]  }
0x788: {  	v22 =	vcvt.f32.s32 v14;
	[tilespmem:v9+s14+$0x0] =	vst.idx.add.f32.msk $0xffff, v2;
	v16 =	vtrunc.f32 v16  }
0x789: {  	v9 =	vshll.u32 v20, $0x4;
	v63 =	vld [tilespmem:s30+$0x8870];
	v62 =	vcvt.f32.s32 v16  }
0x78a: {  	[tilespmem:v12+s14+$0x0] =	vst.idx.add.f32.msk $0xffff, v2;
	v12 =	vshll.u32 v22, $0x4;
	v9 =	vadd.s32 v8, v9  }
0x78b: {  	v12 =	vadd.s32 v8, v12;
	v13 =	vshll.u32 v62, $0x4  }
0x78c: {  	v15 =	vmul.f32 $3.199999810e+01, v15;
	v13 =	vadd.s32 v8, v13  }
0x78d: {  	v21 =	vld [tilespmem:s2+$0x8870]  }
0x78e: {  	v23 =	vld [tilespmem:s0+$0x8870];
	v16 =	vmul.f32 $3.199999810e+01, v63;
	v15 =	vtrunc.f32 v15  }
0x78f: {  	[tilespmem:v9+s14+$0x0] =	vst.idx.add.f32.msk $0xffff, v2;
	v15 =	vcvt.f32.s32 v15  }
0x790: {  	[tilespmem:v12+s14+$0x0] =	vst.idx.add.f32.msk $0xffff, v2;
	v16 =	vtrunc.f32 v16  }
0x791: {  	v24 =	vcvt.f32.s32 v16;
	v26 =	vshll.u32 v15, $0x4;
	[tilespmem:v13+s14+$0x0] =	vst.idx.add.f32.msk $0xffff, v2  }
0x792: {  	v11 =	vmul.f32 $3.199999810e+01, v21;
	v9 =	vadd.s32 v8, v26;
	v25 =	vld [tilespmem:s19+$0x8870]  }
0x793: {  	v27 =	vld [tilespmem:s28+$0x8C00];
	v13 =	vshll.u32 v24, $0x4  }
0x794: {  	v14 =	vmul.f32 $3.199999810e+01, v23;
	v29 =	vld [tilespmem:s29+$0x8C00];
	v11 =	vtrunc.f32 v11;
	v13 =	vadd.s32 v8, v13  }
0x795: {  	v11 =	vcvt.f32.s32 v11  }
0x796: {  	v14 =	vtrunc.f32 v14  }
0x797: {  	v28 =	vcvt.f32.s32 v14;
	v11 =	vshll.u32 v11, $0x4;
	[tilespmem:v9+s14+$0x0] =	vst.idx.add.f32.msk $0xffff, v2;
	v16 =	vmul.f32 $3.199999810e+01, v25  }
0x798: {  	v11 =	vadd.s32 v8, v11;
	v15 =	vmul.f32 $3.199999810e+01, v27;
	v33 =	vld [tilespmem:s31+$0x8C00]  }
0x799: {  	v12 =	vshll.u32 v28, $0x4;
	v14 =	vmul.f32 $3.199999810e+01, v29;
	[tilespmem:v13+s14+$0x0] =	vst.idx.add.f32.msk $0xffff, v2;
	v16 =	vtrunc.f32 v16  }
0x79a: {  	v12 =	vadd.s32 v8, v12;
	v15 =	vtrunc.f32 v15;
	v31 =	vld [tilespmem:s30+$0x8C00];
	v30 =	vcvt.f32.s32 v16  }
0x79b: {  	v34 =	vcvt.f32.s32 v15  }
0x79c: {  	v14 =	vtrunc.f32 v14;
	v32 =	vshll.u32 v30, $0x4  }
0x79d: {  	[tilespmem:v11+s14+$0x0] =	vst.idx.add.f32.msk $0xffff, v2;
	v11 =	vshll.u32 v34, $0x4;
	v13 =	vmul.f32 $3.199999810e+01, v33;
	v9 =	vadd.s32 v8, v32  }
0x79e: {  	v36 =	vcvt.f32.s32 v14;
	v11 =	vadd.s32 v8, v11  }
0x79f: {  	[tilespmem:v12+s14+$0x0] =	vst.idx.add.f32.msk $0xffff, v2;
	v16 =	vmul.f32 $3.199999810e+01, v31;
	v13 =	vtrunc.f32 v13  }
0x7a0: {  	v35 =	vld [tilespmem:s2+$0x8C00];
	v13 =	vcvt.f32.s32 v13  }
0x7a1: {  	v38 =	vshll.u32 v36, $0x4;
	v37 =	vld [tilespmem:s0+$0x8C00];
	v16 =	vtrunc.f32 v16  }
0x7a2: {  	v39 =	vcvt.f32.s32 v16;
	v41 =	vshll.u32 v13, $0x4;
	[tilespmem:v9+s14+$0x0] =	vst.idx.add.f32.msk $0xffff, v2;
	v9 =	vadd.s32 v8, v38  }
0x7a3: {  	[tilespmem:v11+s14+$0x0] =	vst.idx.add.f32.msk $0xffff, v2;
	v11 =	vadd.s32 v8, v41  }
0x7a4: {  	v12 =	vshll.u32 v39, $0x4  }
0x7a5: {  	v15 =	vmul.f32 $3.199999810e+01, v35;
	v40 =	vld [tilespmem:s19+$0x8C00];
	v12 =	vadd.s32 v8, v12  }
0x7a6: {  	v43 =	vld [tilespmem:s28+$0x8C10]  }
0x7a7: {  	v15 =	vtrunc.f32 v15;
	[tilespmem:v9+s14+$0x0] =	vst.idx.add.f32.msk $0xffff, v2  }
0x7a8: {  	v14 =	vmul.f32 $3.199999810e+01, v37;
	v42 =	vcvt.f32.s32 v15;
	[tilespmem:v11+s14+$0x0] =	vst.idx.add.f32.msk $0xffff, v2  }
0x7a9: {  	v46 =	vld [tilespmem:s29+$0x8C10]  }
0x7aa: {  	v14 =	vtrunc.f32 v14;
	v44 =	vshll.u32 v42, $0x4;
	v16 =	vmul.f32 $3.199999810e+01, v40;
	[tilespmem:v12+s14+$0x0] =	vst.idx.add.f32.msk $0xffff, v2  }
0x7ab: {  	v45 =	vcvt.f32.s32 v14;
	v15 =	vmul.f32 $3.199999810e+01, v43;
	v9 =	vadd.s32 v8, v44;
	v51 =	vld [tilespmem:s31+$0x8C10]  }
0x7ac: {  	v49 =	vld [tilespmem:s30+$0x8C10];
	v16 =	vtrunc.f32 v16  }
0x7ad: {  	v47 =	vshll.u32 v45, $0x4;
	v15 =	vtrunc.f32 v15;
	v48 =	vcvt.f32.s32 v16  }
0x7ae: {  	v52 =	vcvt.f32.s32 v15;
	v12 =	vadd.s32 v8, v47  }
0x7af: {  	v50 =	vshll.u32 v48, $0x4;
	v14 =	vmul.f32 $3.199999810e+01, v46  }
0x7b0: {  	[tilespmem:v9+s14+$0x0] =	vst.idx.add.f32.msk $0xffff, v2;
	v9 =	vshll.u32 v52, $0x4;
	v13 =	vmul.f32 $3.199999810e+01, v51;
	v11 =	vadd.s32 v8, v50  }
0x7b1: {  	v9 =	vadd.s32 v8, v9;
	v16 =	vmul.f32 $3.199999810e+01, v49;
	v14 =	vtrunc.f32 v14  }
0x7b2: {  	v53 =	vld [tilespmem:s2+$0x8C10];
	v13 =	vtrunc.f32 v13;
	v54 =	vcvt.f32.s32 v14  }
0x7b3: {  	[tilespmem:v12+s14+$0x0] =	vst.idx.add.f32.msk $0xffff, v2;
	v13 =	vcvt.f32.s32 v13  }
0x7b4: {  	v55 =	vld [tilespmem:s0+$0x8C10];
	v16 =	vtrunc.f32 v16;
	v56 =	vshll.u32 v54, $0x4  }
0x7b5: {  	v57 =	vcvt.f32.s32 v16;
	v59 =	vshll.u32 v13, $0x4;
	[tilespmem:v11+s14+$0x0] =	vst.idx.add.f32.msk $0xffff, v2;
	v11 =	vadd.s32 v8, v56  }
0x7b6: {  	[tilespmem:v9+s14+$0x0] =	vst.idx.add.f32.msk $0xffff, v2;
	v9 =	vadd.s32 v8, v59  }
0x7b7: {  	v12 =	vshll.u32 v57, $0x4  }
0x7b8: {  	v15 =	vmul.f32 $3.199999810e+01, v53;
	v58 =	vld [tilespmem:s19+$0x8C10];
	v12 =	vadd.s32 v8, v12  }
0x7b9: {  	v61 =	vld [tilespmem:s28+$0x8C20]  }
0x7ba: {  	v15 =	vtrunc.f32 v15;
	[tilespmem:v11+s14+$0x0] =	vst.idx.add.f32.msk $0xffff, v2  }
0x7bb: {  	v14 =	vmul.f32 $3.199999810e+01, v55;
	v60 =	vcvt.f32.s32 v15;
	[tilespmem:v9+s14+$0x0] =	vst.idx.add.f32.msk $0xffff, v2  }
0x7bc: {  	v20 =	vld [tilespmem:s29+$0x8C20]  }
0x7bd: {  	v14 =	vtrunc.f32 v14;
	v62 =	vshll.u32 v60, $0x4;
	v16 =	vmul.f32 $3.199999810e+01, v58;
	[tilespmem:v12+s14+$0x0] =	vst.idx.add.f32.msk $0xffff, v2  }
0x7be: {  	v63 =	vcvt.f32.s32 v14;
	v11 =	vadd.s32 v8, v62;
	v15 =	vmul.f32 $3.199999810e+01, v61;
	v25 =	vld [tilespmem:s31+$0x8C20]  }
0x7bf: {  	v23 =	vld [tilespmem:s30+$0x8C20];
	v16 =	vtrunc.f32 v16  }
0x7c0: {  	v21 =	vshll.u32 v63, $0x4;
	v15 =	vtrunc.f32 v15;
	v22 =	vcvt.f32.s32 v16  }
0x7c1: {  	v12 =	vadd.s32 v8, v21;
	v26 =	vcvt.f32.s32 v15  }
0x7c2: {  	v24 =	vshll.u32 v22, $0x4;
	v14 =	vmul.f32 $3.199999810e+01, v20  }
0x7c3: {  	[tilespmem:v11+s14+$0x0] =	vst.idx.add.f32.msk $0xffff, v2;
	v11 =	vshll.u32 v26, $0x4;
	v13 =	vmul.f32 $3.199999810e+01, v25;
	v9 =	vadd.s32 v8, v24  }
0x7c4: {  	v11 =	vadd.s32 v8, v11;
	v16 =	vmul.f32 $3.199999810e+01, v23;
	v14 =	vtrunc.f32 v14  }
0x7c5: {  	v27 =	vld [tilespmem:s2+$0x8C20];
	v13 =	vtrunc.f32 v13;
	v28 =	vcvt.f32.s32 v14  }
0x7c6: {  	[tilespmem:v12+s14+$0x0] =	vst.idx.add.f32.msk $0xffff, v2;
	v13 =	vcvt.f32.s32 v13  }
0x7c7: {  	v29 =	vld [tilespmem:s0+$0x8C20];
	v16 =	vtrunc.f32 v16;
	v30 =	vshll.u32 v28, $0x4  }
0x7c8: {  	v31 =	vcvt.f32.s32 v16;
	v33 =	vshll.u32 v13, $0x4;
	[tilespmem:v9+s14+$0x0] =	vst.idx.add.f32.msk $0xffff, v2;
	v9 =	vadd.s32 v8, v30  }
0x7c9: {  	[tilespmem:v11+s14+$0x0] =	vst.idx.add.f32.msk $0xffff, v2;
	v11 =	vadd.s32 v8, v33  }
0x7ca: {  	v15 =	vmul.f32 $3.199999810e+01, v27;
	v12 =	vshll.u32 v31, $0x4  }
0x7cb: {  	v32 =	vld [tilespmem:s19+$0x8C20];
	v12 =	vadd.s32 v8, v12  }
0x7cc: {  	v35 =	vld [tilespmem:s28+$0x8C30];
	v15 =	vtrunc.f32 v15  }
0x7cd: {  	v14 =	vmul.f32 $3.199999810e+01, v29;
	v34 =	vcvt.f32.s32 v15;
	[tilespmem:v9+s14+$0x0] =	vst.idx.add.f32.msk $0xffff, v2  }
0x7ce: {  	[tilespmem:v11+s14+$0x0] =	vst.idx.add.f32.msk $0xffff, v2  }
0x7cf: {  	v10 =	vmul.f32 $3.199999810e+01, v10;
	v14 =	vtrunc.f32 v14;
	v36 =	vshll.u32 v34, $0x4;
	v38 =	vld [tilespmem:s29+$0x8C30]  }
0x7d0: {  	v37 =	vcvt.f32.s32 v14;
	v9 =	vadd.s32 v8, v36;
	v16 =	vmul.f32 $3.199999810e+01, v32;
	[tilespmem:v12+s14+$0x0] =	vst.idx.add.f32.msk $0xffff, v2  }
0x7d1: {  	v10 =	vtrunc.f32 v10;
	v15 =	vmul.f32 $3.199999810e+01, v35;
	v43 =	vld [tilespmem:s31+$0x8C30]  }
0x7d2: {  	v10 =	vcvt.f32.s32 v10;
	v39 =	vshll.u32 v37, $0x4;
	v41 =	vld [tilespmem:s30+$0x8C30];
	v16 =	vtrunc.f32 v16  }
0x7d3: {  	v12 =	vadd.s32 v8, v39;
	v15 =	vtrunc.f32 v15;
	v40 =	vcvt.f32.s32 v16  }
0x7d4: {  	v44 =	vshll.u32 v10, $0x4;
	v45 =	vcvt.f32.s32 v15  }
0x7d5: {  	[tilespmem:v9+s14+$0x0] =	vst.idx.add.f32.msk $0xffff, v2;
	v9 =	vadd.s32 v8, v44;
	v42 =	vshll.u32 v40, $0x4;
	v14 =	vmul.f32 $3.199999810e+01, v38  }
0x7d6: {  	v10 =	vshll.u32 v45, $0x4;
	v13 =	vmul.f32 $3.199999810e+01, v43;
	v11 =	vadd.s32 v8, v42  }
0x7d7: {  	v46 =	vld [tilespmem:s2+$0x8C30];
	v10 =	vadd.s32 v8, v10;
	v16 =	vmul.f32 $3.199999810e+01, v41;
	v14 =	vtrunc.f32 v14  }
0x7d8: {  	[tilespmem:v12+s14+$0x0] =	vst.idx.add.f32.msk $0xffff, v2;
	v13 =	vtrunc.f32 v13;
	v47 =	vcvt.f32.s32 v14  }
0x7d9: {  	v48 =	vld [tilespmem:s0+$0x8C30];
	v53 =	vcvt.f32.s32 v13  }
0x7da: {  	v16 =	vtrunc.f32 v16;
	[tilespmem:v9+s14+$0x0] =	vst.idx.add.f32.msk $0xffff, v2;
	v49 =	vshll.u32 v47, $0x4  }
0x7db: {  	v50 =	vcvt.f32.s32 v16;
	v55 =	vshll.u32 v53, $0x4;
	[tilespmem:v11+s14+$0x0] =	vst.idx.add.f32.msk $0xffff, v2;
	v11 =	vadd.s32 v8, v49  }
0x7dc: {  	[tilespmem:v10+s14+$0x0] =	vst.idx.add.f32.msk $0xffff, v2;
	v10 =	vadd.s32 v8, v55  }
0x7dd: {  	v15 =	vmul.f32 $3.199999810e+01, v46;
	v54 =	vld [tilespmem:s26+$0x8C40];
	v52 =	vshll.u32 v50, $0x4  }
0x7de: {  	v51 =	vld [tilespmem:s19+$0x8C30];
	v9 =	vadd.s32 v8, v52  }
0x7df: {  	v14 =	vmul.f32 $3.199999810e+01, v48;
	v57 =	vld [tilespmem:s28+$0x8C40];
	v15 =	vtrunc.f32 v15  }
0x7e0: {  	v56 =	vcvt.f32.s32 v15;
	[tilespmem:v11+s14+$0x0] =	vst.idx.add.f32.msk $0xffff, v2  }
0x7e1: {  	v14 =	vtrunc.f32 v14;
	[tilespmem:v10+s14+$0x0] =	vst.idx.add.f32.msk $0xffff, v2  }
0x7e2: {  	v59 =	vcvt.f32.s32 v14;
	v58 =	vshll.u32 v56, $0x4;
	v13 =	vmul.f32 $3.199999810e+01, v54;
	v60 =	vld [tilespmem:s29+$0x8C40]  }
0x7e3: {  	v11 =	vadd.s32 v8, v58;
	v16 =	vmul.f32 $3.199999810e+01, v51;
	[tilespmem:v9+s14+$0x0] =	vst.idx.add.f32.msk $0xffff, v2  }
0x7e4: {  	v61 =	vshll.u32 v59, $0x4;
	v15 =	vmul.f32 $3.199999810e+01, v57;
	v13 =	vtrunc.f32 v13;
	v20 =	vld [tilespmem:s31+$0x8C40]  }
0x7e5: {  	v9 =	vadd.s32 v8, v61;
	v63 =	vld [tilespmem:s30+$0x8C40];
	v19 =	vcvt.f32.s32 v13;
	v16 =	vtrunc.f32 v16  }
0x7e6: {  	v15 =	vtrunc.f32 v15;
	v62 =	vcvt.f32.s32 v16  }
0x7e7: {  	v22 =	vcvt.f32.s32 v15;
	v21 =	vshll.u32 v19, $0x4  }
0x7e8: {  	[tilespmem:v11+s14+$0x0] =	vst.idx.add.f32.msk $0xffff, v2;
	v11 =	vadd.s32 v8, v21;
	v18 =	vshll.u32 v62, $0x4;
	v14 =	vmul.f32 $3.199999810e+01, v60  }
0x7e9: {  	v24 =	vshll.u32 v22, $0x4;
	v13 =	vmul.f32 $3.199999810e+01, v20;
	v10 =	vadd.s32 v8, v18  }
0x7ea: {  	[tilespmem:v9+s14+$0x0] =	vst.idx.add.f32.msk $0xffff, v2;
	v9 =	vadd.s32 v8, v24;
	v16 =	vmul.f32 $3.199999810e+01, v63;
	v14 =	vtrunc.f32 v14  }
0x7eb: {  	v26 =	vld [tilespmem:s0+$0x8C40];
	v13 =	vtrunc.f32 v13;
	v25 =	vcvt.f32.s32 v14  }
0x7ec: {  	v23 =	vld [tilespmem:s2+$0x8C40];
	v31 =	vcvt.f32.s32 v13  }
0x7ed: {  	v16 =	vtrunc.f32 v16;
	[tilespmem:v11+s14+$0x0] =	vst.idx.add.f32.msk $0xffff, v2;
	v27 =	vshll.u32 v25, $0x4  }
0x7ee: {  	v28 =	vcvt.f32.s32 v16;
	v33 =	vshll.u32 v31, $0x4;
	[tilespmem:v10+s14+$0x0] =	vst.idx.add.f32.msk $0xffff, v2;
	v10 =	vadd.s32 v8, v27  }
0x7ef: {  	[tilespmem:v9+s14+$0x0] =	vst.idx.add.f32.msk $0xffff, v2;
	v9 =	vadd.s32 v8, v33  }
0x7f0: {  	v30 =	vshll.u32 v28, $0x4;
	v14 =	vmul.f32 $3.199999810e+01, v26;
	v35 =	vld [tilespmem:s28+$0x8C50]  }
0x7f1: {  	v29 =	vld [tilespmem:s19+$0x8C40];
	v11 =	vadd.s32 v8, v30  }
0x7f2: {  	v15 =	vmul.f32 $3.199999810e+01, v23;
	v32 =	vld [tilespmem:s26+$0x8C50];
	v14 =	vtrunc.f32 v14  }
0x7f3: {  	v37 =	vcvt.f32.s32 v14;
	[tilespmem:v10+s14+$0x0] =	vst.idx.add.f32.msk $0xffff, v2  }
0x7f4: {  	v15 =	vtrunc.f32 v15;
	[tilespmem:v9+s14+$0x0] =	vst.idx.add.f32.msk $0xffff, v2  }
0x7f5: {  	v34 =	vcvt.f32.s32 v15;
	v39 =	vshll.u32 v37, $0x4;
	v15 =	vmul.f32 $3.199999810e+01, v35;
	v38 =	vld [tilespmem:s29+$0x8C50]  }
0x7f6: {  	v16 =	vmul.f32 $3.199999810e+01, v29;
	[tilespmem:v11+s14+$0x0] =	vst.idx.add.f32.msk $0xffff, v2;
	v11 =	vadd.s32 v8, v39  }
0x7f7: {  	v36 =	vshll.u32 v34, $0x4;
	v13 =	vmul.f32 $3.199999810e+01, v32;
	v44 =	vld [tilespmem:s31+$0x8C50];
	v15 =	vtrunc.f32 v15  }
0x7f8: {  	v10 =	vadd.s32 v8, v36;
	v41 =	vld [tilespmem:s30+$0x8C50];
	v16 =	vtrunc.f32 v16;
	v46 =	vcvt.f32.s32 v15  }
0x7f9: {  	v13 =	vtrunc.f32 v13;
	v40 =	vcvt.f32.s32 v16  }
0x7fa: {  	v43 =	vcvt.f32.s32 v13;
	v48 =	vshll.u32 v46, $0x4  }
0x7fb: {  	v42 =	vshll.u32 v40, $0x4;
	v14 =	vmul.f32 $3.199999810e+01, v38;
	[tilespmem:v11+s14+$0x0] =	vst.idx.add.f32.msk $0xffff, v2;
	v11 =	vadd.s32 v8, v48  }
0x7fc: {  	v13 =	vmul.f32 $3.199999810e+01, v44;
	v9 =	vadd.s32 v8, v42  }
0x7fd: {  	v45 =	vshll.u32 v43, $0x4;
	[tilespmem:v10+s14+$0x0] =	vst.idx.add.f32.msk $0xffff, v2;
	v16 =	vmul.f32 $3.199999810e+01, v41;
	v14 =	vtrunc.f32 v14  }
0x7fe: {  	v10 =	vadd.s32 v8, v45;
	v47 =	vld [tilespmem:s2+$0x8C50];
	v13 =	vtrunc.f32 v13;
	v49 =	vcvt.f32.s32 v14  }
0x7ff: {  	v50 =	vld [tilespmem:s0+$0x8C50];
	v55 =	vcvt.f32.s32 v13  }
0x800: {  	v16 =	vtrunc.f32 v16;
	v51 =	vshll.u32 v49, $0x4;
	[tilespmem:v11+s14+$0x0] =	vst.idx.add.f32.msk $0xffff, v2  }
0x801: {  	v52 =	vcvt.f32.s32 v16;
	v57 =	vshll.u32 v55, $0x4;
	[tilespmem:v9+s14+$0x0] =	vst.idx.add.f32.msk $0xffff, v2;
	v9 =	vadd.s32 v8, v51  }
0x802: {  	v11 =	vadd.s32 v8, v57;
	v53 =	vld [tilespmem:s19+$0x8C50]  }
0x803: {  	[tilespmem:v10+s14+$0x0] =	vst.idx.add.f32.msk $0xffff, v2;
	v15 =	vmul.f32 $3.199999810e+01, v47;
	v54 =	vshll.u32 v52, $0x4  }
0x804: {  	v56 =	vld [tilespmem:s26+$0x8C60];
	v10 =	vadd.s32 v8, v54  }
0x805: {  	v14 =	vmul.f32 $3.199999810e+01, v50;
	v59 =	vld [tilespmem:s28+$0x8C60];
	v15 =	vtrunc.f32 v15  }
0x806: {  	v58 =	vcvt.f32.s32 v15;
	[tilespmem:v9+s14+$0x0] =	vst.idx.add.f32.msk $0xffff, v2  }
0x807: {  	v14 =	vtrunc.f32 v14;
	[tilespmem:v11+s14+$0x0] =	vst.idx.add.f32.msk $0xffff, v2;
	v16 =	vmul.f32 $3.199999810e+01, v53  }
0x808: {  	v61 =	vcvt.f32.s32 v14;
	v60 =	vshll.u32 v58, $0x4;
	v62 =	vld [tilespmem:s29+$0x8C60]  }
0x809: {  	v13 =	vmul.f32 $3.199999810e+01, v56;
	v9 =	vadd.s32 v8, v60;
	[tilespmem:v10+s14+$0x0] =	vst.idx.add.f32.msk $0xffff, v2;
	v16 =	vtrunc.f32 v16  }
0x80a: {  	v63 =	vshll.u32 v61, $0x4;
	v15 =	vmul.f32 $3.199999810e+01, v59;
	v24 =	vld [tilespmem:s31+$0x8C60];
	v20 =	vcvt.f32.s32 v16  }
0x80b: {  	v10 =	vadd.s32 v8, v63;
	v21 =	vld [tilespmem:s30+$0x8C60]  }
0x80c: {  	v13 =	vtrunc.f32 v13;
	v15 =	vtrunc.f32 v15;
	v22 =	vshll.u32 v20, $0x4  }
0x80d: {  	v23 =	vcvt.f32.s32 v13;
	v26 =	vcvt.f32.s32 v15;
	v11 =	vadd.s32 v8, v22  }
0x80e: {  	[tilespmem:v9+s14+$0x0] =	vst.idx.add.f32.msk $0xffff, v2;
	v14 =	vmul.f32 $3.199999810e+01, v62  }
0x80f: {  	v25 =	vshll.u32 v23, $0x4;
	v28 =	vshll.u32 v26, $0x4;
	v27 =	vld [tilespmem:s2+$0x8C60];
	v13 =	vmul.f32 $3.199999810e+01, v24  }
0x810: {  	[tilespmem:v10+s14+$0x0] =	vst.idx.add.f32.msk $0xffff, v2;
	v10 =	vadd.s32 v8, v28;
	v16 =	vmul.f32 $3.199999810e+01, v21;
	v14 =	vtrunc.f32 v14  }
0x811: {  	v9 =	vadd.s32 v8, v25;
	v30 =	vld [tilespmem:s0+$0x8C60];
	v13 =	vtrunc.f32 v13;
	v29 =	vcvt.f32.s32 v14  }
0x812: {  	v16 =	vtrunc.f32 v16;
	v36 =	vcvt.f32.s32 v13;
	[tilespmem:v11+s14+$0x0] =	vst.idx.add.f32.msk $0xffff, v2  }
0x813: {  	v32 =	vcvt.f32.s32 v16;
	v31 =	vshll.u32 v29, $0x4;
	v33 =	vld [tilespmem:s19+$0x8C60]  }
0x814: {  	v34 =	vld [tilespmem:s25+$0x8C70];
	v15 =	vmul.f32 $3.199999810e+01, v27;
	v38 =	vshll.u32 v36, $0x4;
	v11 =	vadd.s32 v8, v31  }
0x815: {  	[tilespmem:v10+s14+$0x0] =	vst.idx.add.f32.msk $0xffff, v2;
	v10 =	vadd.s32 v8, v38  }
0x816: {  	[tilespmem:v9+s14+$0x0] =	vst.idx.add.f32.msk $0xffff, v2;
	v35 =	vshll.u32 v32, $0x4;
	v14 =	vmul.f32 $3.199999810e+01, v30;
	v15 =	vtrunc.f32 v15  }
0x817: {  	v37 =	vld [tilespmem:s26+$0x8C70];
	v9 =	vadd.s32 v8, v35;
	v39 =	vcvt.f32.s32 v15  }
0x818: {  	v40 =	vld [tilespmem:s28+$0x8C70];
	v14 =	vtrunc.f32 v14;
	v16 =	vmul.f32 $3.199999810e+01, v33  }
0x819: {  	v42 =	vcvt.f32.s32 v14;
	v41 =	vshll.u32 v39, $0x4;
	[tilespmem:v11+s14+$0x0] =	vst.idx.add.f32.msk $0xffff, v2  }
0x81a: {  	v11 =	vadd.s32 v8, v41;
	[tilespmem:v10+s14+$0x0] =	vst.idx.add.f32.msk $0xffff, v2;
	v16 =	vtrunc.f32 v16  }
0x81b: {  	v44 =	vshll.u32 v42, $0x4;
	v43 =	vld [tilespmem:s29+$0x8C70];
	v45 =	vcvt.f32.s32 v16  }
0x81c: {  	[tilespmem:v9+s14+$0x0] =	vst.idx.add.f32.msk $0xffff, v2;
	v9 =	vadd.s32 v8, v44  }
0x81d: {  	v17 =	vmul.f32 $3.199999810e+01, v34;
	v49 =	vld [tilespmem:s31+$0x8C70];
	v47 =	vshll.u32 v45, $0x4  }
0x81e: {  	v15 =	vmul.f32 $3.199999810e+01, v40;
	v46 =	vld [tilespmem:s30+$0x8C70];
	v10 =	vadd.s32 v8, v47  }
0x81f: {  	v17 =	vtrunc.f32 v17;
	v48 =	vmul.f32 $3.199999810e+01, v37;
	[tilespmem:v11+s14+$0x0] =	vst.idx.add.f32.msk $0xffff, v2  }
0x820: {  	v50 =	vcvt.f32.s32 v17;
	v15 =	vtrunc.f32 v15;
	v51 =	vld [tilespmem:s2+$0x8C70]  }
0x821: {  	v12 =	vtrunc.f32 v48;
	v53 =	vcvt.f32.s32 v15;
	[tilespmem:v9+s14+$0x0] =	vst.idx.add.f32.msk $0xffff, v2  }
0x822: {  	v52 =	vcvt.f32.s32 v12;
	v14 =	vmul.f32 $3.199999810e+01, v43;
	v54 =	vld [tilespmem:s0+$0x8C70]  }
0x823: {  	v11 =	vshll.u32 v50, $0x4;
	v12 =	vshll.u32 v53, $0x4;
	v13 =	vmul.f32 $3.199999810e+01, v49;
	[tilespmem:v10+s14+$0x0] =	vst.idx.add.f32.msk $0xffff, v2  }
0x824: {  	v55 =	vadd.s32 v8, v11;
	v16 =	vmul.f32 $3.199999810e+01, v46;
	v14 =	vtrunc.f32 v14;
	v57 =	vld [tilespmem:s19+$0x8C70]  }
0x825: {  	v9 =	vshll.u32 v52, $0x4;
	v13 =	vtrunc.f32 v13;
	v56 =	vcvt.f32.s32 v14  }
0x826: {  	v12 =	vadd.s32 v8, v12;
	v16 =	vtrunc.f32 v16;
	v13 =	vcvt.f32.s32 v13  }
0x827: {  	v9 =	vadd.s32 v8, v9;
	v16 =	vcvt.f32.s32 v16;
	v17 =	vmul.f32 $3.199999810e+01, v51  }
0x828: {  	v11 =	vshll.u32 v56, $0x4;
	v13 =	vshll.u32 v13, $0x4;
	v15 =	vmul.f32 $3.199999810e+01, v54  }
0x829: {  	v11 =	vadd.s32 v8, v11;
	v17 =	vtrunc.f32 v17;
	v14 =	vmul.f32 $3.199999810e+01, v57  }
0x82a: {  	v16 =	vshll.u32 v16, $0x4;
	v17 =	vcvt.f32.s32 v17;
	v15 =	vtrunc.f32 v15  }
0x82b: {  	v58 =	vadd.s32 v8, v13;
	v15 =	vcvt.f32.s32 v15;
	v14 =	vtrunc.f32 v14  }
0x82c: {  	[tilespmem:v55+s14+$0x0] =	vst.idx.add.f32.msk $0xffff, v2;
	v16 =	vadd.s32 v8, v16;
	v59 =	vshll.u32 v17, $0x4;
	v14 =	vcvt.f32.s32 v14  }
0x82d: {  	[tilespmem:v12+s14+$0x0] =	vst.idx.add.f32.msk $0xffff, v2;
	v60 =	vadd.s32 v8, v59;
	v61 =	vshll.u32 v15, $0x4  }
0x82e: {  	[tilespmem:v9+s14+$0x0] =	vst.idx.add.f32.msk $0xffff, v2;
	v62 =	vadd.s32 v8, v61;
	v63 =	vshll.u32 v14, $0x4  }
0x82f: {  	[tilespmem:v11+s14+$0x0] =	vst.idx.add.f32.msk $0xffff, v2;
	v8 =	vadd.s32 v8, v63  }
.Ltmp5:
0x830: {  	[tilespmem:v58+s14+$0x0] =	vst.idx.add.f32.msk $0xffff, v2;
	(pc) =	sbr.rel @p1 .LBB2_10-.Ltmp5, $4  }
0x831: {  	[tilespmem:v16+s14+$0x0] =	vst.idx.add.f32.msk $0xffff, v2  }
0x832: {  	[tilespmem:v60+s14+$0x0] =	vst.idx.add.f32.msk $0xffff, v2  }
0x833: {  	[tilespmem:v62+s14+$0x0] =	vst.idx.add.f32.msk $0xffff, v2  }
0x834: {  	[tilespmem:v8+s14+$0x0] =	vst.idx.add.f32.msk $0xffff, v2  }
0x835: {  	s0 =	sshll.u32 s24, $0xF  }
0x836: {  	s0 =	sadd.s32 $0x18000, s0  }
0x837: {  	s2 =	sand.u32 $0x1C0000, s0  }
.Ltmp6:
0x838: {  	s0 =	sand.u32 $0x38000, s0;
	s2 =	sadd.s32 s3, s2;
	(pc) =	sbr.rel .LBB2_4-.Ltmp6, $4  }
0x839: {  	s0 =	sor.u32 s0, s2  }
0x83a: {  	s0 =	sshrl.u32 s0, $0x3  }
0x83b: {  	s23 =	sadd.s32 $0x1, s23;
	s0 =	sadd.s32 s1, s0  }
0x83c: {  	[tilespmem:s12], [sflag:$0x2] =	stream.linear.gather [hbm4b:s0+s4], $0x8000, $0x38;
	[tilespmem:$0x11E00] =	vst v63  }
.LBB2_10:
0x83d: {  	[spmem:s8] =	stream.strided.scatter [tilespmem:s14], [sflag:$0x3], $0x800, s17, s16, $0x38;
	[tilespmem:$0x11E00] =	vst v63  }
.Ltmp7:
0x83e: {  	_ =	swait.ge [sflag:s18], $0x800;
	(pc) =	sbr.rel @p0 .LBB2_14-.Ltmp7, $3  }
0x83f: {  	[sflag:s18] =	ssyncset.done $0x0  }
0x840: {  	[sflag:s18] =	ssyncadd.s32 $0xFFFFF800  }
0x841: {  	[bflag:$0x0] =	sbarrier.arrive $0xFFFF;
	_ =	sdelay $0x1  }
0x842: {  	s0 =	rddreg [dreg:$0x4];
	s2 =	simm.s32 $0x10800  }
0x843: {  	[tilespmem:s2], [sflag:$0x3] =	stream.strided.gather [spmem:s0], $0x800, s17, s16, $0x38;
	[tilespmem:$0x11E00] =	vst v63  }
0x844: {  	_ =	swait.ge [sflag:s18], $0x800  }
0x845: {  	[sflag:s18] =	ssyncset.done $0x0  }
0x846: {  	s0 =	simm.s32 $0x0;
	[sflag:s18] =	ssyncadd.s32 $0xFFFFF800  }
0x847: {  	v8 =	vld [tilespmem:s0+$0x10400]  }
0x848: {  	v9 =	vld [tilespmem:s0+$0x10C00]  }
0x849: {  	v10 =	vld [tilespmem:s0+$0x10000]  }
0x84a: {  	v11 =	vld [tilespmem:s0+$0x10800]  }
0x84b: {  	v12 =	vld [tilespmem:s0+$0x10200]  }
0x84c: {  	v13 =	vld [tilespmem:s0+$0x10A00];
	_ =	sdelay $0x2  }
0x84d: {  	v8 =	vadd.f32 v9, v8;
	v9 =	vld [tilespmem:s0+$0x10600]  }
0x84e: {  	s2 =	simm.s32 $0x10;
	[tilespmem:s0+$0x11400] =	vst v0;
	v10 =	vadd.f32 v11, v10;
	v11 =	vld [tilespmem:s0+$0x10E00]  }
0x84f: {  	v12 =	vadd.f32 v13, v12;
	v13 =	vld [tilespmem:s2+$0x10800];
	(xrf2) =	vadd.scan.msk.f32 $0xffff, v8  }
0x850: {  	v8 =	vld [tilespmem:s2+$0x10400];
	(xrf2) =	vadd.scan.msk.f32 $0xffff, v10  }
0x851: {  	v10 =	vld [tilespmem:s2+$0x10C00];
	(xrf2) =	vadd.scan.msk.f32 $0xffff, v12  }
0x852: {  	v12 =	vld [tilespmem:s2+$0x10000];
	_ =	sdelay $0x1  }
0x853: {  	v14 =	vld [tilespmem:s2+$0x10A00];
	v9 =	vadd.f32 v11, v9  }
0x854: {  	v11 =	vld [tilespmem:s2+$0x10200]  }
0x855: {  	(xrf2) =	vadd.scan.msk.f32 $0xffff, v9;
	v9 =	vld [tilespmem:s2+$0x10600];
	v8 =	vadd.f32 v10, v8  }
0x856: {  	v10 =	vld [tilespmem:s2+$0x10E00];
	v12 =	vadd.f32 v13, v12;
	_ =	sdelay $0x1  }
0x857: {  	v15, _, _ =	vpop (xrf2)  }
0x858: {  	s9 =	simm.s32 $0x20;
	[tilespmem:s2+$0x11400] =	vst v0;
	(xrf2) =	vadd.scan.msk.f32 $0xffff, v8;
	v8, _, _ =	vpop (xrf2)  }
0x859: {  	v13 =	vld [tilespmem:s9+$0x10400];
	v11 =	vadd.f32 v14, v11;
	(xrf2) =	vadd.scan.msk.f32 $0xffff, v12;
	(v2sf) =	vpush v8, $0xF;
	v12, _, _ =	vpop (xrf2)  }
0x85a: {  	v14 =	vld [tilespmem:s9+$0x10C00];
	v9 =	vadd.f32 v10, v9;
	(v2sf) =	vpush v12, $0xF;
	_ =	sdelay $0x1  }
0x85b: {  	v8 =	vbroadcast v8, $0xF;
	(xrf2) =	vadd.scan.msk.f32 $0xffff, v11;
	v11 =	vbroadcast v12, $0xF  }
0x85c: {  	v10 =	vbroadcast v15, $0xF;
	v12 =	vld [tilespmem:s9+$0x10000];
	(v2sf) =	vpush v15, $0xF  }
0x85d: {  	(xrf2) =	vadd.scan.msk.f32 $0xffff, v9;
	v8 =	vmul.f32 v3, v8;
	v15 =	vld [tilespmem:s9+$0x10800];
	v11 =	vmul.f32 v4, v11;
	v9, _, _ =	vpop (xrf2)  }
0x85e: {  	v13 =	vadd.f32 v14, v13;
	v14 =	vbroadcast v9, $0xF;
	(v2sf) =	vpush v9, $0xF  }
0x85f: {  	v16 =	vld [tilespmem:s9+$0x10A00];
	v10 =	vmul.f32 v6, v10;
	v8 =	vadd.f32 v11, v8  }
0x860: {  	v11 =	vld [tilespmem:s9+$0x10200]  }
0x861: {  	(xrf2) =	vadd.scan.msk.f32 $0xffff, v13;
	v13 =	vmul.f32 v7, v14;
	v8 =	vadd.f32 v10, v8  }
0x862: {  	v17 =	vld [tilespmem:s9+$0x10E00];
	v12 =	vadd.f32 v15, v12;
	v14, _, _ =	vpop (xrf2)  }
0x863: {  	v10 =	vld [tilespmem:s9+$0x10600];
	v18, _, _ =	vpop (xrf2);
	v8 =	vadd.f32 v13, v8  }
0x864: {  	s19 =	simm.s32 $0x30;
	[tilespmem:s9+$0x11400] =	vst v0;
	(xrf2) =	vadd.scan.msk.f32 $0xffff, v12;
	v13 =	vbroadcast v18, $0xF  }
0x865: {  	v19 =	vld [tilespmem:s19+$0x10400];
	v20, _, _ =	vpop (xrf2);
	v11 =	vadd.f32 v16, v11;
	(v2sf) =	vpush v18, $0xF;
	v8 =	vmul.f32 $1.525878910e-05, v8  }
0x866: {  	v9 =	vld [tilespmem:s19+$0x10C00];
	[tilespmem:s19+$0x11400] =	vst v0;
	v15 =	vbroadcast v14, $0xF;
	v21 =	vbroadcast v20, $0xF;
	(v2sf) =	vpush v20, $0xF  }
0x867: {  	v63, _, _ =	vpop (xrf2);
	v13 =	vmul.f32 v3, v13;
	(xrf2) =	vadd.scan.msk.f32 $0xffff, v11;
	[tilespmem:s0+$0x11200] =	vst v8;
	s10 =	spop (v2sf);
	(v2sf) =	vpush v14, $0xF  }
0x868: {  	v10 =	vadd.f32 v17, v10;
	v16 =	vmul.f32 v4, v21;
	v12 =	vld [tilespmem:s19+$0x10000];
	s20 =	spop (v2sf);
	(v2sf) =	vpush v63, $0xF  }
0x869: {  	v17 =	vbroadcast v63, $0xF;
	v14 =	vld [tilespmem:s19+$0x10800]  }
0x86a: {  	v8 =	vmul.f32 v6, v15;
	(xrf2) =	vadd.scan.msk.f32 $0xffff, v10;
	v11 =	vadd.f32 v16, v13;
	s22 =	sadd.f32 s20, s10  }
0x86b: {  	v15 =	vadd.f32 v9, v19;
	v9, _, _ =	vpop (xrf2);
	v10 =	vmul.f32 v7, v17;
	v13 =	vld [tilespmem:s19+$0x10200];
	s20 =	simm.s32 $0x100;
	s23 =	spop (v2sf)  }
.LBB2_12:
0x86c: {  	p1 =	sne.s32 s20, $0x7C0;
	v16 =	vld [tilespmem:s19+$0x10A00];
	v17 =	vbroadcast v9, $0xF;
	v11 =	vadd.f32 v8, v11;
	s10 =	sadd.f32 s23, s22  }
0x86d: {  	(xrf2) =	vadd.scan.msk.f32 $0xffff, v15;
	s22 =	spop (v2sf)  }
0x86e: {  	v12 =	vadd.f32 v14, v12;
	v14 =	vld [tilespmem:s19+$0x10600];
	v8 =	vmul.f32 v6, v17;
	v15, _, _ =	vpop (xrf2);
	v10 =	vadd.f32 v10, v11;
	s10 =	sadd.f32 s22, s10  }
0x86f: {  	v11 =	vld [tilespmem:s19+$0x10E00];
	v17 =	vbroadcast v15, $0xF  }
0x870: {  	s22 =	sshra.s32 s20, $0x2;
	(xrf2) =	vadd.scan.msk.f32 $0xffff, v12;
	v10 =	vmul.f32 $1.525878910e-05, v10;
	s10 =	smul.f32 $3.814697270e-06, s10  }
0x871: {  	v18 =	vld [tilespmem:s22+$0x10400];
	[tilespmem:s22+$0x11400] =	vst v0;
	v12 =	vadd.f32 v16, v13;
	v13 =	vmul.f32 v3, v17;
	(v2sf) =	vpush v15, $0xF;
	v15, _, _ =	vpop (xrf2)  }
0x872: {  	v16 =	vld [tilespmem:s22+$0x10C00];
	v17 =	vbroadcast v15, $0xF;
	(v2sf) =	vpush v15, $0xF;
	[tilespmem:s2+$0x11200] =	vst v10;
	v10 =	vmov s10  }
.Ltmp8:
0x873: {  	(xrf2) =	vadd.scan.msk.f32 $0xffff, v12;
	[tilespmem:s0+$0x11000] =	vst v10;
	s0 =	smov.u32 s2;
	s2 =	smov.u32 s9;
	(pc) =	sbr.rel @p1 .LBB2_12-.Ltmp8, $4  }
0x874: {  	s9 =	smov.u32 s19;
	s19 =	smov.u32 s22;
	v12 =	vld [tilespmem:s22+$0x10000];
	v10 =	vadd.f32 v11, v14;
	v11 =	vmul.f32 v4, v17;
	(v2sf) =	vpush v9, $0xF;
	v9, _, _ =	vpop (xrf2);
	s10 =	spop (v2sf)  }
0x875: {  	v14 =	vld [tilespmem:s19+$0x10800];
	v17 =	vbroadcast v9, $0xF;
	s22 =	spop (v2sf)  }
0x876: {  	(xrf2) =	vadd.scan.msk.f32 $0xffff, v10;
	v11 =	vadd.f32 v11, v13;
	(v2sf) =	vpush v9, $0xF;
	s22 =	sadd.f32 s22, s10  }
0x877: {  	s20 =	sadd.s32 $0x40, s20;
	v13 =	vld [tilespmem:s19+$0x10200];
	v15 =	vadd.f32 v16, v18;
	v9, _, _ =	vpop (xrf2);
	v10 =	vmul.f32 v7, v17;
	s23 =	spop (v2sf)  }
0x878: {  	v16 =	vld [tilespmem:s19+$0x10A00];
	_ =	sdelay $0x2  }
0x879: {  	v17 =	vld [tilespmem:s19+$0x10600]  }
0x87a: {  	v46 =	vld [tilespmem:s19+$0x10E00];
	v12 =	vadd.f32 v14, v12  }
0x87b: {  	(xrf2) =	vadd.scan.msk.f32 $0xffff, v15;
	v13 =	vadd.f32 v16, v13  }
0x87c: {  	(xrf2) =	vadd.scan.msk.f32 $0xffff, v12  }
0x87d: {  	(xrf2) =	vadd.scan.msk.f32 $0xffff, v13;
	_ =	sdelay $0x1  }
0x87e: {  	v47 =	vadd.f32 v46, v17;
	_ =	sdelay $0x1  }
0x87f: {  	(xrf2) =	vadd.scan.msk.f32 $0xffff, v47  }
0x880: {  	v48, _, _ =	vpop (xrf2)  }
0x881: {  	(v2sf) =	vpush v48, $0xF;
	v49, _, _ =	vpop (xrf2)  }
0x882: {  	(v2sf) =	vpush v49, $0xF;
	v50, _, _ =	vpop (xrf2)  }
0x883: {  	(v2sf) =	vpush v9, $0xF;
	v15, _, _ =	vpop (xrf2)  }
0x884: {  	(v2sf) =	vpush v50, $0xF;
	v51, _, _ =	vpop (xrf2)  }
0x885: {  	(v2sf) =	vpush v51, $0xF;
	v52, _, _ =	vpop (xrf2)  }
0x886: {  	(v2sf) =	vpush v52, $0xF;
	_ =	sdelay $0x1  }
0x887: {  	(v2sf) =	vpush v15, $0xF  }
0x888: {  	v18, _, _ =	vpop (xrf2)  }
0x889: {  	(v2sf) =	vpush v18, $0xF  }
0x88a: {  	s10 =	spop (v2sf)  }
0x88b: {  	s20 =	spop (v2sf)  }
0x88c: {  	v12 =	vbroadcast v48, $0xF;
	s24 =	spop (v2sf)  }
0x88d: {  	v53 =	vbroadcast v9, $0xF;
	v13 =	vbroadcast v49, $0xF;
	s25 =	spop (v2sf)  }
0x88e: {  	v12 =	vmul.f32 v3, v12;
	s26 =	spop (v2sf)  }
0x88f: {  	v9 =	vmul.f32 v6, v53;
	v13 =	vmul.f32 v4, v13;
	s20 =	sadd.f32 s24, s20;
	s24 =	spop (v2sf)  }
0x890: {  	v8 =	vadd.f32 v8, v11;
	s22 =	sadd.f32 s23, s22;
	v54 =	vbroadcast v51, $0xF;
	v55 =	vbroadcast v52, $0xF;
	s30 =	spop (v2sf)  }
0x891: {  	v14 =	vbroadcast v50, $0xF;
	v12 =	vadd.f32 v13, v12;
	v56 =	vbroadcast v15, $0xF;
	s20 =	sadd.f32 s25, s20;
	s31 =	spop (v2sf)  }
0x892: {  	s10 =	sadd.f32 s10, s22;
	v11 =	vmul.f32 v3, v54;
	v57 =	vmul.f32 v4, v55;
	s28 =	spop (v2sf)  }
0x893: {  	v8 =	vadd.f32 v10, v8;
	v58 =	vmul.f32 v7, v14;
	v9 =	vadd.f32 v9, v12;
	s20 =	sadd.f32 s26, s20;
	s29 =	spop (v2sf)  }
0x894: {  	v59 =	vmul.f32 v6, v56;
	v60 =	vbroadcast v18, $0xF;
	v11 =	vadd.f32 v57, v11;
	s23 =	sadd.f32 s30, s24;
	s30 =	spop (v2sf)  }
0x895: {  	v8 =	vmul.f32 $1.525878910e-05, v8;
	s10 =	smul.f32 $3.814697270e-06, s10;
	s24 =	sadd.f32 s30, s29  }
0x896: {  	v9 =	vadd.f32 v58, v9;
	v61 =	vmul.f32 v7, v60;
	v11 =	vadd.f32 v59, v11;
	s23 =	sadd.f32 s31, s23;
	s31 =	spop (v2sf)  }
0x897: {  	s20 =	smul.f32 $3.814697270e-06, s20;
	s24 =	sadd.f32 s31, s24  }
0x898: {  	v62 =	vmov s10;
	[tilespmem:s2+$0x11200] =	vst v8;
	v8 =	vmul.f32 $1.525878910e-05, v9;
	v63 =	vadd.f32 v61, v11;
	s26 =	sadd.f32 s28, s23;
	s28 =	spop (v2sf)  }
0x899: {  	[tilespmem:s0+$0x11000] =	vst v62;
	s29 =	sadd.f32 s28, s24  }
0x89a: {  	[tilespmem:s9+$0x11200] =	vst v8;
	v8 =	vmov s20;
	v9 =	vmul.f32 $1.525878910e-05, v63;
	s10 =	smul.f32 $3.814697270e-06, s26  }
0x89b: {  	[tilespmem:s2+$0x11000] =	vst v8;
	s0 =	smul.f32 $3.814697270e-06, s29  }
0x89c: {  	[tilespmem:s19+$0x11200] =	vst v9;
	v8 =	vmov s10  }
0x89d: {  	[tilespmem:s9+$0x11000] =	vst v8;
	v8 =	vmov s0  }
.Ltmp9:
0x89e: {  	s30 =	rddreg [dreg:$0x5];
	s31 =	simm.s32 $0x11000;
	[tilespmem:s19+$0x11000] =	vst v8;
	(pc) =	sbr.rel .LBB2_14-.Ltmp9, $4  }
0x89f: {  	[hbm4b:s30+s16] =	stream.strided.scatter [tilespmem:s31], [sflag:$0x3], $0x600, s17, s16, $0x38;
	[tilespmem:$0x11E00] =	vst v63  }
0x8a0: {  	_ =	swait.ge [sflag:s18], $0x600  }
0x8a1: {  	[sflag:s18] =	ssyncset.done $0x0  }
0x8a2: {  	[sflag:s18] =	ssyncadd.s32 $0xFFFFFA00  }
.LBB2_15:
0x8a3: {  	_ =	sfence.sel $0x180000  }
0x8a4: {  	[bflag:$0x0] =	sbarrier.arrive $0xFFFF  }
0x8a5: {  	_ =	strace $0x90000047  }
0x8a6: {  	s0 =	stileid.u32;
	[bflag:$0x2] =	sbarrier.arrive $0xFFFF  }
0x8a7: {  	p0 =	sne.s32 s0, $0x0;
	s0 =	rddreg [dreg:$0x3]  }
0x8a8: {  	s0 =	sadd.s32 @!p0 $0x100000, s0  }
0x8a9: {  	[sflag:s0] =	ssyncadd.tile.s32 @!p0 $0x1;
	_ =	shalt  }
.Lfunc_end2:
_tile_overlayer_lowered:
.L_overlay_start_2:
0x8aa: {  	(tag) =	ssettag $0x2  }
0x8ab: {  	s0 =	rddreg [dreg:$0x0];
	s2 =	stileid.u32  }
0x8ac: {  	s1 =	rddreg [dreg:$0x1];
	p0 =	sne.s32 s2, $0x0  }
0x8ad: {  	s3 =	rddreg [dreg:$0x2];
	[bflag:$0x3] =	sbarrier.arrive $0xFFFF;
	s2 =	simm.s32 @!p0 $0x1C03  }
0x8ae: {  	[timem:s3], [sflag:s2] =	dma.local @!p0 [hbm:s0], s1  }
0x8af: {  	s0 =	simm.s32 @!p0 $0x3  }
0x8b0: {  	_ =	swait.ge @!p0 [sflag:s0], s1  }
0x8b1: {  	s1 =	ssub.s32 @!p0 $0x0, s1;
	[sflag:s0] =	ssyncset.done @!p0 $0x0  }
0x8b2: {  	[sflag:s0] =	ssyncadd.s32 @!p0 s1  }
0x8b3: {  	[bflag:$0x3] =	sbarrier.arrive $0xFFFF  }
0x8b4: {  	_ =	shalt  }

</sc_bundles>
